<compile_context>
chip_gen: v7x
topology: tpu7x:2x2x1
jax: 0.10.2.dev20260603
libtpu: 0.0.44.dev20260713+nightly
codegen_flags: <defaults>
</compile_context>

<pallas_src>
import jax
import jax.numpy as jnp
from jax import lax
from jax.experimental import pallas as pl
from jax.experimental.pallas import tpu as pltpu
from jax.experimental.pallas import tpu_sc as plsc

_B = 8
_N = 5000
_NP = 5120
_G = 64
_NCORE = 2
_NSUB = 16
_APS = _NP // _NSUB
_NV = _APS // 16
_BSC = 2
_BPC = _BSC // _NCORE
_CPC = _BPC * _G
_THR = 0.5


def _tc_match_body(a_ref, b_ref, c_ref, gt_ref, valid_ref, cls_out, crd_out):
    ax1 = a_ref[0:1, :]
    ay1 = a_ref[1:2, :]
    ax2 = a_ref[2:3, :]
    ay2 = a_ref[3:4, :]
    area_a = (ax2 - ax1) * (ay2 - ay1)
    idx = lax.broadcasted_iota(jnp.int32, (_G, _NP), 1)

    class_acc = jnp.float32(0.0)
    coord_acc = jnp.float32(0.0)
    for i in range(_B - _BSC):
        g = gt_ref[i]
        cx = g[:, 0:1]
        cy = g[:, 1:2]
        hw = g[:, 2:3] * 0.5
        hh = g[:, 3:4] * 0.5
        gx1 = cx - hw
        gy1 = cy - hh
        gx2 = cx + hw
        gy2 = cy + hh
        area_b = (gx2 - gx1) * (gy2 - gy1)

        iw = jnp.maximum(jnp.minimum(ax2, gx2) - jnp.maximum(ax1, gx1), 0.0)
        ih = jnp.maximum(jnp.minimum(ay2, gy2) - jnp.maximum(ay1, gy1), 0.0)
        inter = iw * ih
        iou = inter / (area_a + area_b - inter)

        colmax = jnp.max(iou, axis=1, keepdims=True)
        midx = jnp.where(iou == colmax, idx, _NP)
        minidx = jnp.min(midx, axis=1, keepdims=True)
        forced = idx == minidx

        vb = valid_ref[i] > 0.5
        mask = ((iou > _THR) | forced) & vb
        maskf = mask.astype(jnp.float32)

        bx = b_ref[i]
        d = (jnp.abs(bx[0:1, :] - gx1) + jnp.abs(bx[1:2, :] - gy1)
             + jnp.abs(bx[2:3, :] - gx2) + jnp.abs(bx[3:4, :] - gy2))
        ctot = jnp.sum(maskf * d)
        cnt = jnp.sum(maskf) * 4.0
        coord_acc = coord_acc + ctot / cnt

        pos = jnp.any(mask, axis=0, keepdims=True)
        p = jnp.where(pos, c_ref[i, 1:2, :], c_ref[i, 0:1, :])
        omp = 1.0 - p
        class_acc = class_acc + jnp.sum(-(omp * omp) * jnp.log(p))

    cls_out[0, 0] = class_acc
    crd_out[0, 0] = coord_acc


def _combine_body(sums_ref, pos_ref, c_ref, cls47_ref, crd47_ref,
                  tot_out, cls_out, crd_out):
    class_acc = jnp.float32(0.0)
    for b in range(_BSC):
        pos = pos_ref[b:b + 1, :] > 0.5
        p = jnp.where(pos, c_ref[b, 1:2, :], c_ref[b, 0:1, :])
        omp = 1.0 - p
        class_acc = class_acc + jnp.sum(-(omp * omp) * jnp.log(p))

    s0 = sums_ref[0]
    s1 = sums_ref[1]
    r0 = jnp.sum(s0, axis=0, keepdims=True)
    r1 = jnp.sum(s1, axis=0, keepdims=True)
    tots = jnp.concatenate([r0[:, 0:_BPC], r1[:, 0:_BPC]], axis=0)
    cnts = jnp.concatenate([r0[:, _BPC:2 * _BPC],
                            r1[:, _BPC:2 * _BPC]], axis=0) * 4.0
    coord03 = jnp.sum(tots / cnts)

    cls = (class_acc + cls47_ref[0, 0]) * (0.01 / _B)
    crd = (coord03 + crd47_ref[0, 0]) * (1.0 / _B)
    cls_out[0, 0] = cls
    crd_out[0, 0] = crd
    tot_out[0, 0] = cls + crd


def _sc_body(anc_hbm, box_hbm, gt_hbm, valid_hbm, out_hbm, pos_hbm,
             anc_v, area_v, box_v, gt_v, valid_v, pos_v,
             part_v, all_v, red_v, sums_v, corrv_v,
             sh_parts, sh_red):
    ci = lax.axis_index("c")
    s = lax.axis_index("s")

    pltpu.sync_copy(anc_hbm.at[s], anc_v)
    pltpu.sync_copy(box_hbm.at[ci, s], box_v)
    pltpu.sync_copy(gt_hbm.at[ci], gt_v)
    pltpu.sync_copy(valid_hbm.at[ci], valid_v)

    zeros16 = jnp.zeros((16,), jnp.float32)
    zeros16i = jnp.zeros((16,), jnp.int32)
    lane = lax.iota(jnp.int32, 16)
    for v in range(_NV):
        sl = pl.ds(v * 16, 16)
        ax1 = anc_v[0, sl]
        ay1 = anc_v[1, sl]
        ax2 = anc_v[2, sl]
        ay2 = anc_v[3, sl]
        area_v[sl] = (ax2 - ax1) * (ay2 - ay1)
        for bl in range(_BPC):
            pos_v[pl.ds(bl * _APS + v * 16, 16)] = zeros16

    corrv_v[...] = zeros16

    base_idx = s * _APS
    sums_vec = zeros16

    for bl in range(_BPC):
        def jbody(j, carry, bl=bl):
            ctot, cnt = carry
            c = bl * _G + j
            cidx = jnp.full((16,), c, jnp.int32)
            cx = plsc.load_gather(gt_v, [cidx])
            cy = plsc.load_gather(gt_v, [cidx + _CPC])
            w = plsc.load_gather(gt_v, [cidx + 2 * _CPC])
            h = plsc.load_gather(gt_v, [cidx + 3 * _CPC])
            vf = plsc.load_gather(valid_v, [cidx])
            gx1 = cx - w * 0.5
            gy1 = cy - h * 0.5
            gx2 = cx + w * 0.5
            gy2 = cy + h * 0.5
            ab = w * h
            m_vec = jnp.full((16,), -1.0, jnp.float32)
            i_vec = zeros16i
            d_vec = zeros16
            for v in range(_NV):
                sl = pl.ds(v * 16, 16)
                ax1 = anc_v[0, sl]
                ay1 = anc_v[1, sl]
                ax2 = anc_v[2, sl]
                ay2 = anc_v[3, sl]
                aa = area_v[sl]
                iw = jnp.maximum(jnp.minimum(ax2, gx2) - jnp.maximum(ax1, gx1), 0.0)
                ih = jnp.maximum(jnp.minimum(ay2, gy2) - jnp.maximum(ay1, gy1), 0.0)
                inter = iw * ih
                iou = inter / ((aa + ab) - inter)
                bx1 = box_v[bl, 0, sl]
                by1 = box_v[bl, 1, sl]
                bx2 = box_v[bl, 2, sl]
                by2 = box_v[bl, 3, sl]
                d = (jnp.abs(bx1 - gx1) + jnp.abs(by1 - gy1)
                     + jnp.abs(bx2 - gx2) + jnp.abs(by2 - gy2))
                mf = jnp.where(iou > _THR, vf, 0.0)
                ctot = ctot + mf * d
                cnt = cnt + mf
                slp = pl.ds(bl * _APS + v * 16, 16)
                pos_v[slp] = jnp.maximum(pos_v[slp], mf)
                better = iou > m_vec
                m_vec = jnp.where(better, iou, m_vec)
                i_vec = jnp.where(better, lane + (base_idx + v * 16), i_vec)
                d_vec = jnp.where(better, d, d_vec)
            m = jnp.max(m_vec)
            cand = jnp.where(m_vec == m, i_vec, _NP + 16)
            bi = jnp.min(cand)
            dw = jnp.max(jnp.where(i_vec == bi, d_vec, 0.0))
            vals = jnp.where(lane == 0, m,
                             jnp.where(lane == 1, bi.astype(jnp.float32), dw))
            plsc.store_scatter(part_v, [cidx + jnp.minimum(lane, 2) * _CPC],
                               vals, mask=lane < 3)
            return ctot, cnt
        ctot, cnt = lax.fori_loop(0, _G, jbody, (zeros16, zeros16))
        sums_vec = sums_vec + jnp.where(lane == bl, jnp.sum(ctot), 0.0)
        sums_vec = sums_vec + jnp.where(lane == _BPC + bl, jnp.sum(cnt), 0.0)

    pltpu.sync_copy(part_v, sh_parts.at[s])
    plsc.subcore_barrier()

    @pl.when(s == 0)
    def _():
        pltpu.sync_copy(sh_parts, all_v)
        corr_vec = zeros16
        for k in range(_CPC // 16):
            sl = pl.ds(k * 16, 16)
            slm = pl.ds(k * 16, 16)
            sli = pl.ds(_CPC + k * 16, 16)
            sld = pl.ds(2 * _CPC + k * 16, 16)
            m = all_v[0, slm]
            i = all_v[0, sli]
            d = all_v[0, sld]
            for wkr in range(1, _NSUB):
                mw = all_v[wkr, slm]
                iw_ = all_v[wkr, sli]
                dw_ = all_v[wkr, sld]
                better = (mw > m) | ((mw == m) & (iw_ < i))
                m = jnp.where(better, mw, m)
                i = jnp.where(better, iw_, i)
                d = jnp.where(better, dw_, d)
            red_v[sl] = i
            vv = valid_v[sl]
            newmask = (m <= _THR) & (vv > 0.5)
            bl = k >> 2
            tcor = jnp.sum(jnp.where(newmask, d, 0.0))
            ccor = jnp.sum(jnp.where(newmask, 1.0, 0.0))
            corr_vec = corr_vec + jnp.where(lane == bl, tcor, 0.0)
            corr_vec = corr_vec + jnp.where(lane == _BPC + bl, ccor, 0.0)
        corrv_v[...] = corr_vec
        pltpu.sync_copy(red_v, sh_red)
    plsc.subcore_barrier()

    pltpu.sync_copy(sh_red, red_v)
    ones16 = jnp.ones((16,), jnp.float32)
    for k in range(_CPC // 16):
        sl = pl.ds(k * 16, 16)
        iv = red_v[sl].astype(jnp.int32)
        vv = valid_v[sl]
        inr = (iv >= base_idx) & (iv < base_idx + _APS) & (vv > 0.5)
        local = jnp.clip(iv - base_idx, 0, _APS - 1)
        plsc.store_scatter(pos_v, [local + (k >> 2) * _APS], ones16,
                           mask=inr)

    sums_vec = sums_vec + corrv_v[...]
    sums_v[...] = sums_vec
    pltpu.sync_copy(sums_v, out_hbm.at[ci, s])
    pltpu.sync_copy(pos_v, pos_hbm.at[ci, s])


_sc_match = pl.kernel(
    _sc_body,
    out_type=[jax.ShapeDtypeStruct((_NCORE, _NSUB, 16), jnp.float32),
              jax.ShapeDtypeStruct((_NCORE, _NSUB, _BPC * _APS), jnp.float32)],
    mesh=plsc.VectorSubcoreMesh(core_axis_name="c", subcore_axis_name="s",
                                num_cores=_NCORE, num_subcores=_NSUB),
    compiler_params=pltpu.CompilerParams(needs_layout_passes=False),
    scratch_types=[
        pltpu.VMEM((4, _APS), jnp.float32),
        pltpu.VMEM((_APS,), jnp.float32),
        pltpu.VMEM((_BPC, 4, _APS), jnp.float32),
        pltpu.VMEM((4 * _CPC,), jnp.float32),
        pltpu.VMEM((_CPC,), jnp.float32),
        pltpu.VMEM((_BPC * _APS,), jnp.float32),
        pltpu.VMEM((3 * _CPC,), jnp.float32),
        pltpu.VMEM((_NSUB, 3 * _CPC), jnp.float32),
        pltpu.VMEM((_CPC,), jnp.float32),
        pltpu.VMEM((16,), jnp.float32),
        pltpu.VMEM((16,), jnp.float32),
        pltpu.VMEM_SHARED((_NSUB, 3 * _CPC), jnp.float32),
        pltpu.VMEM_SHARED((_CPC,), jnp.float32),
    ],
)


@jax.jit
def kernel(batch_boxes, batch_classes, anchors, batch_gt, batch_num_objects):
    pad = _NP - _N
    pad_anchor = jnp.tile(
        jnp.array([[-3.0, -3.0, -2.0, -2.0]], dtype=jnp.float32), (pad, 1))
    anchors_p = jnp.concatenate([anchors, pad_anchor], axis=0)
    anchors_t = anchors_p.T
    anc_sc = anchors_t.reshape(4, _NSUB, _APS).transpose(1, 0, 2)

    boxes_p = jnp.concatenate(
        [batch_boxes, jnp.zeros((_B, pad, 4), jnp.float32)], axis=1)
    box_t = boxes_p.transpose(0, 2, 1)
    box_sc = (box_t[:_BSC].reshape(_NCORE, _BPC, 4, _NSUB, _APS)
              .transpose(0, 3, 1, 2, 4))

    gt_t = batch_gt.transpose(0, 2, 1)
    gt_sc = (gt_t[:_BSC].reshape(_NCORE, _BPC, 4, _G)
             .transpose(0, 2, 1, 3).reshape(_NCORE, 4 * _CPC))

    valid = (jnp.arange(_G, dtype=jnp.int32)[None, :]
             < batch_num_objects.astype(jnp.int32)[:, None])
    validf = valid.astype(jnp.float32)
    valid_sc = validf[:_BSC].reshape(_NCORE, _CPC)

    classes_p = jnp.concatenate(
        [batch_classes, jnp.ones((_B, pad, 2), jnp.float32)], axis=1)
    classes_t = classes_p.transpose(0, 2, 1)

    sums, pos = _sc_match(anc_sc, box_sc, gt_sc, valid_sc)

    cls47, crd47 = pl.pallas_call(
        _tc_match_body,
        out_shape=[jax.ShapeDtypeStruct((1, 1), jnp.float32)] * 2,
        out_specs=[pl.BlockSpec(memory_space=pltpu.SMEM)] * 2,
    )(anchors_t, box_t[_BSC:], classes_t[_BSC:], batch_gt[_BSC:],
      validf[_BSC:, :, None])

    pos_b = (pos.reshape(_NCORE, _NSUB, _BPC, _APS)
             .transpose(0, 2, 1, 3).reshape(_BSC, _NP))

    tot, cls, crd = pl.pallas_call(
        _combine_body,
        out_shape=[jax.ShapeDtypeStruct((1, 1), jnp.float32)] * 3,
        in_specs=[pl.BlockSpec(memory_space=pltpu.VMEM)] * 3
        + [pl.BlockSpec(memory_space=pltpu.SMEM)] * 2,
        out_specs=[pl.BlockSpec(memory_space=pltpu.SMEM)] * 3,
    )(sums, pos_b, classes_t[:_BSC], cls47, crd47)
    return (tot.reshape(1), cls.reshape(1), crd.reshape(1))

# --- scband reference (transcript-rebuilt; emitter-appended) ---
"""Pipeline reference for scband-loss-8143257993489 (READ-ONLY COPY).

The authoritative reference and input builder live on the scoring server;
editing this copy changes nothing except your own understanding.
"""

import jax, jax.numpy as jnp
import numpy as np


def from_xywh_to_xyxy(b):
    return jnp.stack([
        b[:, 0] - b[:, 2] / 2.0,
        b[:, 1] - b[:, 3] / 2.0,
        b[:, 0] + b[:, 2] / 2.0,
        b[:, 1] + b[:, 3] / 2.0,
    ], axis=1)


def jaccard(a, b):
    lt = jnp.maximum(a[:, None, :2], b[None, :, :2])
    rb = jnp.minimum(a[:, None, 2:], b[None, :, 2:])
    wh = jnp.clip(rb - lt, 0.0, None)
    inter = wh[..., 0] * wh[..., 1]
    area_a = (a[:, 2] - a[:, 0]) * (a[:, 3] - a[:, 1])
    area_b = (b[:, 2] - b[:, 0]) * (b[:, 3] - b[:, 1])
    return inter / (area_a[:, None] + area_b[None, :] - inter)


def match(threshold, anchors, gt, valid):
    gt_boxes = from_xywh_to_xyxy(gt)
    ious = jaccard(anchors, gt_boxes)
    best_gt_idx = jnp.argmax(ious, axis=0)
    num_objects = gt.shape[0]
    mask = ious > threshold
    mask = mask.at[best_gt_idx, jnp.arange(num_objects)].set(True)
    return mask & valid[None, :]


def class_loss_fn(classes, positive_mask):
    gamma = 2
    gather_pos = jnp.any(positive_mask, axis=1)
    probs = jnp.where(gather_pos, classes[:, 1], classes[:, 0])
    focal = -(1.0 - probs) ** gamma * jnp.log(probs)
    return jnp.sum(focal)


def coord_loss_fn(boxes, gt, positive_mask):
    gt_xyxy = from_xywh_to_xyxy(gt)
    diff = jnp.abs(boxes[:, None, :] - gt_xyxy[None, :, :])
    total = jnp.sum(jnp.where(positive_mask[..., None], diff, 0.0))
    count = jnp.sum(positive_mask) * 4
    return total / count


def setup_inputs(seed: int = 0):
    key = jax.random.key(seed)
    k1, k2, k3, k4, k5, k6 = jax.random.split(key, 6)
    B, N, G = 8, 5000, 64
    batch_boxes = jax.random.uniform(k1, (B, N, 4), dtype=jnp.float32)
    batch_classes = jax.random.uniform(k2, (B, N, 2), dtype=jnp.float32, minval=1e-4, maxval=1.0)
    raw = jax.random.uniform(k3, (N, 4), dtype=jnp.float32)
    mins = raw[:, :2] * 0.8
    wh = raw[:, 2:] * 0.2 + 0.05
    anchors = jnp.concatenate([mins, mins + wh], axis=1)
    cxy = jax.random.uniform(k4, (B, G, 2), dtype=jnp.float32) * 0.8 + 0.1
    gwh = jax.random.uniform(k5, (B, G, 2), dtype=jnp.float32) * 0.2 + 0.05
    batch_gt = jnp.concatenate([cxy, gwh], axis=2)
    batch_num_objects = jax.random.randint(k6, (B,), 1, G + 1)
    return {
        "batch_boxes": batch_boxes,
        "batch_classes": batch_classes,
        "anchors": anchors,
        "batch_gt": batch_gt,
        "batch_num_objects": batch_num_objects,
    }


def reference(batch_boxes, batch_classes, anchors, batch_gt, batch_num_objects):
    threshold = 0.5
    ALPHA_CLASS = 0.01
    ALPHA_COORD = 1.0
    R = batch_classes.shape[0]
    G = batch_gt.shape[1]
    class_loss = jnp.zeros((1,), dtype=jnp.float32)
    coord_loss = jnp.zeros((1,), dtype=jnp.float32)
    for i in range(R):
        valid = jnp.arange(G) < batch_num_objects[i]
        gt = batch_gt[i]
        positive_mask = match(threshold, anchors, gt, valid)
        class_loss = class_loss + class_loss_fn(batch_classes[i], positive_mask)
        coord_loss = coord_loss + coord_loss_fn(batch_boxes[i], gt, positive_mask)
    class_loss = class_loss * ALPHA_CLASS / R
    coord_loss = coord_loss * ALPHA_COORD / R
    total_loss = class_loss + coord_loss
    return (total_loss, class_loss, coord_loss)

if __name__ == "__main__":
    import jax
    _d = setup_inputs()
    print(jax.jit(kernel)(*tuple(_d.values())))

</pallas_src>

<mosaic_0001>
#map = affine_map<(d0, d1) -> (0, 0, 0)>
#map1 = affine_map<(d0, d1) -> (0, 0, 0, 0, 0)>
#map2 = affine_map<(d0, d1) -> (0, 0)>
module attributes {stable_mosaic.version = 14 : i64} {
  func.func @_sc_body(%arg0: i32, %arg1: i32, %arg2: memref<16x4x320xf32, #tpu.memory_space<hbm>>, %arg3: memref<2x16x1x4x320xf32, #tpu.memory_space<hbm>>, %arg4: memref<2x256xf32, #tpu.memory_space<hbm>>, %arg5: memref<2x64xf32, #tpu.memory_space<hbm>>, %arg6: memref<2x16x16xf32, #tpu.memory_space<hbm>>, %arg7: memref<2x16x320xf32, #tpu.memory_space<hbm>>, %arg8: memref<4x320xf32, #tpu.memory_space<vmem>>, %arg9: memref<320xf32, #tpu.memory_space<vmem>>, %arg10: memref<1x4x320xf32, #tpu.memory_space<vmem>>, %arg11: memref<256xf32, #tpu.memory_space<vmem>>, %arg12: memref<64xf32, #tpu.memory_space<vmem>>, %arg13: memref<320xf32, #tpu.memory_space<vmem>>, %arg14: memref<192xf32, #tpu.memory_space<vmem>>, %arg15: memref<16x192xf32, #tpu.memory_space<vmem>>, %arg16: memref<64xf32, #tpu.memory_space<vmem>>, %arg17: memref<16xf32, #tpu.memory_space<vmem>>, %arg18: memref<16xf32, #tpu.memory_space<vmem>>, %arg19: memref<16x192xf32, #tpu.memory_space<vmem_shared>>, %arg20: memref<64xf32, #tpu.memory_space<vmem_shared>>) attributes {dimension_semantics = [#tpu.dimension_semantics<core_parallel>, #tpu.dimension_semantics<subcore_parallel>], iteration_bounds = array<i64: 2, 16>, scalar_prefetch = 0 : i64, scratch_operands = 13 : i64, tpu.core_type = #tpu.core_type<sc_vector_subcore>, window_params = [{transform_indices = #map}, {transform_indices = #map1}, {transform_indices = #map2}, {transform_indices = #map2}, {transform_indices = #map}, {transform_indices = #map}]} {
    "tpu.region"() ({
      %run_scoped3A = tpu.sem_alloc : memref<!tpu.dma_semaphore, #tpu.memory_space<semaphore_mem>>
      %dma_start3A = arith.constant 0 : i32
      %dma_start3A_600 = arith.constant 0 : i32
      %dma_start3A_601 = tpu.memref_slice %arg2[%arg1, %dma_start3A, %dma_start3A_600] : memref<16x4x320xf32, #tpu.memory_space<hbm>> -> memref<1x4x320xf32, #tpu.memory_space<hbm>>
      %dma_start3A_602 = tpu.memref_squeeze %dma_start3A_601 : memref<1x4x320xf32, #tpu.memory_space<hbm>> -> memref<4x320xf32, #tpu.memory_space<hbm>>
      %dma_start3A_603 = arith.constant 0 : i32
      %dma_start3A_604 = arith.constant 0 : i32
      %dma_start3A_605 = tpu.memref_slice %arg2[%arg1, %dma_start3A_603, %dma_start3A_604] : memref<16x4x320xf32, #tpu.memory_space<hbm>> -> memref<1x4x320xf32, #tpu.memory_space<hbm>>
      %dma_start3A_606 = tpu.memref_squeeze %dma_start3A_605 : memref<1x4x320xf32, #tpu.memory_space<hbm>> -> memref<4x320xf32, #tpu.memory_space<hbm>>
      tpu.enqueue_dma source(%dma_start3A_606 : memref<4x320xf32, #tpu.memory_space<hbm>>) target(%arg8 : memref<4x320xf32, #tpu.memory_space<vmem>>) target_semaphore(%run_scoped3A : memref<!tpu.dma_semaphore, #tpu.memory_space<semaphore_mem>>)
      %dma_wait3A = arith.constant 0 : i32
      %dma_wait3A_607 = arith.constant 0 : i32
      %dma_wait3A_608 = tpu.memref_slice %arg2[%arg1, %dma_wait3A, %dma_wait3A_607] : memref<16x4x320xf32, #tpu.memory_space<hbm>> -> memref<1x4x320xf32, #tpu.memory_space<hbm>>
      %dma_wait3A_609 = tpu.memref_squeeze %dma_wait3A_608 : memref<1x4x320xf32, #tpu.memory_space<hbm>> -> memref<4x320xf32, #tpu.memory_space<hbm>>
      %dma_wait3A_610 = arith.constant 0 : i32
      %dma_wait3A_611 = arith.constant 0 : i32
      %dma_wait3A_612 = tpu.memref_slice %arg2[%arg1, %dma_wait3A_610, %dma_wait3A_611] : memref<16x4x320xf32, #tpu.memory_space<hbm>> -> memref<1x4x320xf32, #tpu.memory_space<hbm>>
      %dma_wait3A_613 = tpu.memref_squeeze %dma_wait3A_612 : memref<1x4x320xf32, #tpu.memory_space<hbm>> -> memref<4x320xf32, #tpu.memory_space<hbm>>
      tpu.wait_dma2 semaphore(%run_scoped3A : memref<!tpu.dma_semaphore, #tpu.memory_space<semaphore_mem>>) src(%dma_wait3A_613 : memref<4x320xf32, #tpu.memory_space<hbm>>) dst(%arg8 : memref<4x320xf32, #tpu.memory_space<vmem>>)
      tpu.yield
    }) : () -> ()
    "tpu.region"() ({
      %run_scoped3A = tpu.sem_alloc : memref<!tpu.dma_semaphore, #tpu.memory_space<semaphore_mem>>
      %dma_start3A = arith.constant 0 : i32
      %dma_start3A_600 = arith.constant 0 : i32
      %dma_start3A_601 = arith.constant 0 : i32
      %dma_start3A_602 = tpu.memref_slice %arg3[%arg0, %arg1, %dma_start3A, %dma_start3A_600, %dma_start3A_601] : memref<2x16x1x4x320xf32, #tpu.memory_space<hbm>> -> memref<1x1x1x4x320xf32, #tpu.memory_space<hbm>>
      %dma_start3A_603 = tpu.memref_squeeze %dma_start3A_602 : memref<1x1x1x4x320xf32, #tpu.memory_space<hbm>> -> memref<1x4x320xf32, #tpu.memory_space<hbm>>
      %dma_start3A_604 = arith.constant 0 : i32
      %dma_start3A_605 = arith.constant 0 : i32
      %dma_start3A_606 = arith.constant 0 : i32
      %dma_start3A_607 = tpu.memref_slice %arg3[%arg0, %arg1, %dma_start3A_604, %dma_start3A_605, %dma_start3A_606] : memref<2x16x1x4x320xf32, #tpu.memory_space<hbm>> -> memref<1x1x1x4x320xf32, #tpu.memory_space<hbm>>
      %dma_start3A_608 = tpu.memref_squeeze %dma_start3A_607 : memref<1x1x1x4x320xf32, #tpu.memory_space<hbm>> -> memref<1x4x320xf32, #tpu.memory_space<hbm>>
      tpu.enqueue_dma source(%dma_start3A_608 : memref<1x4x320xf32, #tpu.memory_space<hbm>>) target(%arg10 : memref<1x4x320xf32, #tpu.memory_space<vmem>>) target_semaphore(%run_scoped3A : memref<!tpu.dma_semaphore, #tpu.memory_space<semaphore_mem>>)
      %dma_wait3A = arith.constant 0 : i32
      %dma_wait3A_609 = arith.constant 0 : i32
      %dma_wait3A_610 = arith.constant 0 : i32
      %dma_wait3A_611 = tpu.memref_slice %arg3[%arg0, %arg1, %dma_wait3A, %dma_wait3A_609, %dma_wait3A_610] : memref<2x16x1x4x320xf32, #tpu.memory_space<hbm>> -> memref<1x1x1x4x320xf32, #tpu.memory_space<hbm>>
      %dma_wait3A_612 = tpu.memref_squeeze %dma_wait3A_611 : memref<1x1x1x4x320xf32, #tpu.memory_space<hbm>> -> memref<1x4x320xf32, #tpu.memory_space<hbm>>
      %dma_wait3A_613 = arith.constant 0 : i32
      %dma_wait3A_614 = arith.constant 0 : i32
      %dma_wait3A_615 = arith.constant 0 : i32
      %dma_wait3A_616 = tpu.memref_slice %arg3[%arg0, %arg1, %dma_wait3A_613, %dma_wait3A_614, %dma_wait3A_615] : memref<2x16x1x4x320xf32, #tpu.memory_space<hbm>> -> memref<1x1x1x4x320xf32, #tpu.memory_space<hbm>>
      %dma_wait3A_617 = tpu.memref_squeeze %dma_wait3A_616 : memref<1x1x1x4x320xf32, #tpu.memory_space<hbm>> -> memref<1x4x320xf32, #tpu.memory_space<hbm>>
      tpu.wait_dma2 semaphore(%run_scoped3A : memref<!tpu.dma_semaphore, #tpu.memory_space<semaphore_mem>>) src(%dma_wait3A_617 : memref<1x4x320xf32, #tpu.memory_space<hbm>>) dst(%arg10 : memref<1x4x320xf32, #tpu.memory_space<vmem>>)
      tpu.yield
    }) : () -> ()
    "tpu.region"() ({
      %run_scoped3A = tpu.sem_alloc : memref<!tpu.dma_semaphore, #tpu.memory_space<semaphore_mem>>
      %dma_start3A = arith.constant 0 : i32
      %dma_start3A_600 = tpu.memref_slice %arg4[%arg0, %dma_start3A] : memref<2x256xf32, #tpu.memory_space<hbm>> -> memref<1x256xf32, #tpu.memory_space<hbm>>
      %dma_start3A_601 = tpu.memref_squeeze %dma_start3A_600 : memref<1x256xf32, #tpu.memory_space<hbm>> -> memref<256xf32, #tpu.memory_space<hbm>>
      %dma_start3A_602 = arith.constant 0 : i32
      %dma_start3A_603 = tpu.memref_slice %arg4[%arg0, %dma_start3A_602] : memref<2x256xf32, #tpu.memory_space<hbm>> -> memref<1x256xf32, #tpu.memory_space<hbm>>
      %dma_start3A_604 = tpu.memref_squeeze %dma_start3A_603 : memref<1x256xf32, #tpu.memory_space<hbm>> -> memref<256xf32, #tpu.memory_space<hbm>>
      tpu.enqueue_dma source(%dma_start3A_604 : memref<256xf32, #tpu.memory_space<hbm>>) target(%arg11 : memref<256xf32, #tpu.memory_space<vmem>>) target_semaphore(%run_scoped3A : memref<!tpu.dma_semaphore, #tpu.memory_space<semaphore_mem>>)
      %dma_wait3A = arith.constant 0 : i32
      %dma_wait3A_605 = tpu.memref_slice %arg4[%arg0, %dma_wait3A] : memref<2x256xf32, #tpu.memory_space<hbm>> -> memref<1x256xf32, #tpu.memory_space<hbm>>
      %dma_wait3A_606 = tpu.memref_squeeze %dma_wait3A_605 : memref<1x256xf32, #tpu.memory_space<hbm>> -> memref<256xf32, #tpu.memory_space<hbm>>
      %dma_wait3A_607 = arith.constant 0 : i32
      %dma_wait3A_608 = tpu.memref_slice %arg4[%arg0, %dma_wait3A_607] : memref<2x256xf32, #tpu.memory_space<hbm>> -> memref<1x256xf32, #tpu.memory_space<hbm>>
      %dma_wait3A_609 = tpu.memref_squeeze %dma_wait3A_608 : memref<1x256xf32, #tpu.memory_space<hbm>> -> memref<256xf32, #tpu.memory_space<hbm>>
      tpu.wait_dma2 semaphore(%run_scoped3A : memref<!tpu.dma_semaphore, #tpu.memory_space<semaphore_mem>>) src(%dma_wait3A_609 : memref<256xf32, #tpu.memory_space<hbm>>) dst(%arg11 : memref<256xf32, #tpu.memory_space<vmem>>)
      tpu.yield
    }) : () -> ()
    "tpu.region"() ({
      %run_scoped3A = tpu.sem_alloc : memref<!tpu.dma_semaphore, #tpu.memory_space<semaphore_mem>>
      %dma_start3A = arith.constant 0 : i32
      %dma_start3A_600 = tpu.memref_slice %arg5[%arg0, %dma_start3A] : memref<2x64xf32, #tpu.memory_space<hbm>> -> memref<1x64xf32, #tpu.memory_space<hbm>>
      %dma_start3A_601 = tpu.memref_squeeze %dma_start3A_600 : memref<1x64xf32, #tpu.memory_space<hbm>> -> memref<64xf32, #tpu.memory_space<hbm>>
      %dma_start3A_602 = arith.constant 0 : i32
      %dma_start3A_603 = tpu.memref_slice %arg5[%arg0, %dma_start3A_602] : memref<2x64xf32, #tpu.memory_space<hbm>> -> memref<1x64xf32, #tpu.memory_space<hbm>>
      %dma_start3A_604 = tpu.memref_squeeze %dma_start3A_603 : memref<1x64xf32, #tpu.memory_space<hbm>> -> memref<64xf32, #tpu.memory_space<hbm>>
      tpu.enqueue_dma source(%dma_start3A_604 : memref<64xf32, #tpu.memory_space<hbm>>) target(%arg12 : memref<64xf32, #tpu.memory_space<vmem>>) target_semaphore(%run_scoped3A : memref<!tpu.dma_semaphore, #tpu.memory_space<semaphore_mem>>)
      %dma_wait3A = arith.constant 0 : i32
      %dma_wait3A_605 = tpu.memref_slice %arg5[%arg0, %dma_wait3A] : memref<2x64xf32, #tpu.memory_space<hbm>> -> memref<1x64xf32, #tpu.memory_space<hbm>>
      %dma_wait3A_606 = tpu.memref_squeeze %dma_wait3A_605 : memref<1x64xf32, #tpu.memory_space<hbm>> -> memref<64xf32, #tpu.memory_space<hbm>>
      %dma_wait3A_607 = arith.constant 0 : i32
      %dma_wait3A_608 = tpu.memref_slice %arg5[%arg0, %dma_wait3A_607] : memref<2x64xf32, #tpu.memory_space<hbm>> -> memref<1x64xf32, #tpu.memory_space<hbm>>
      %dma_wait3A_609 = tpu.memref_squeeze %dma_wait3A_608 : memref<1x64xf32, #tpu.memory_space<hbm>> -> memref<64xf32, #tpu.memory_space<hbm>>
      tpu.wait_dma2 semaphore(%run_scoped3A : memref<!tpu.dma_semaphore, #tpu.memory_space<semaphore_mem>>) src(%dma_wait3A_609 : memref<64xf32, #tpu.memory_space<hbm>>) dst(%arg12 : memref<64xf32, #tpu.memory_space<vmem>>)
      tpu.yield
    }) : () -> ()
    %broadcast_in_dim3A = arith.constant 0.000000e+00 : f32
    %broadcast_in_dim3A_0 = vector.broadcast %broadcast_in_dim3A : f32 to vector<16xf32>
    %broadcast_in_dim3A_1 = arith.constant 0 : i32
    %broadcast_in_dim3A_2 = vector.broadcast %broadcast_in_dim3A_1 : i32 to vector<16xi32>
    %iota3A = tpu.iota {dimensions = array<i32: 0>} : vector<16xi32>
    %get3A = arith.constant 0 : i32
    %get3A_3 = arith.index_cast %get3A : i32 to index
    %get3A_4 = arith.constant 0 : index
    %get3A_5 = tpu.vector_load %arg8[%get3A_3, %get3A_4] {strides = array<i32>} : memref<4x320xf32, #tpu.memory_space<vmem>>, vector<16xf32>,
    %get3A_6 = arith.constant 1 : i32
    %get3A_7 = arith.index_cast %get3A_6 : i32 to index
    %get3A_8 = arith.constant 0 : index
    %get3A_9 = tpu.vector_load %arg8[%get3A_7, %get3A_8] {strides = array<i32>} : memref<4x320xf32, #tpu.memory_space<vmem>>, vector<16xf32>,
    %get3A_10 = arith.constant 2 : i32
    %get3A_11 = arith.index_cast %get3A_10 : i32 to index
    %get3A_12 = arith.constant 0 : index
    %get3A_13 = tpu.vector_load %arg8[%get3A_11, %get3A_12] {strides = array<i32>} : memref<4x320xf32, #tpu.memory_space<vmem>>, vector<16xf32>,
    %get3A_14 = arith.constant 3 : i32
    %get3A_15 = arith.index_cast %get3A_14 : i32 to index
    %get3A_16 = arith.constant 0 : index
    %get3A_17 = tpu.vector_load %arg8[%get3A_15, %get3A_16] {strides = array<i32>} : memref<4x320xf32, #tpu.memory_space<vmem>>, vector<16xf32>,
    %sub3A = arith.subf %get3A_13, %get3A_5 : vector<16xf32>
    %sub3A_18 = arith.subf %get3A_17, %get3A_9 : vector<16xf32>
    %mul3A = arith.mulf %sub3A, %sub3A_18 : vector<16xf32>
    %swap3A = arith.constant 0 : index
    %swap3A_19 = tpu.vector_load %arg9[%swap3A] {strides = array<i32>} : memref<320xf32, #tpu.memory_space<vmem>>, vector<16xf32>,
    tpu.vector_store %arg9[%swap3A], %mul3A {strides = array<i32>} : memref<320xf32, #tpu.memory_space<vmem>>, vector<16xf32>,
    %swap3A_20 = arith.constant 0 : index
    %swap3A_21 = tpu.vector_load %arg13[%swap3A_20] {strides = array<i32>} : memref<320xf32, #tpu.memory_space<vmem>>, vector<16xf32>,
    tpu.vector_store %arg13[%swap3A_20], %broadcast_in_dim3A_0 {strides = array<i32>} : memref<320xf32, #tpu.memory_space<vmem>>, vector<16xf32>,
    %get3A_22 = arith.constant 0 : i32
    %get3A_23 = arith.index_cast %get3A_22 : i32 to index
    %get3A_24 = arith.constant 16 : index
    %get3A_25 = tpu.vector_load %arg8[%get3A_23, %get3A_24] {strides = array<i32>} : memref<4x320xf32, #tpu.memory_space<vmem>>, vector<16xf32>,
    %get3A_26 = arith.constant 1 : i32
    %get3A_27 = arith.index_cast %get3A_26 : i32 to index
    %get3A_28 = arith.constant 16 : index
    %get3A_29 = tpu.vector_load %arg8[%get3A_27, %get3A_28] {strides = array<i32>} : memref<4x320xf32, #tpu.memory_space<vmem>>, vector<16xf32>,
    %get3A_30 = arith.constant 2 : i32
    %get3A_31 = arith.index_cast %get3A_30 : i32 to index
    %get3A_32 = arith.constant 16 : index
    %get3A_33 = tpu.vector_load %arg8[%get3A_31, %get3A_32] {strides = array<i32>} : memref<4x320xf32, #tpu.memory_space<vmem>>, vector<16xf32>,
    %get3A_34 = arith.constant 3 : i32
    %get3A_35 = arith.index_cast %get3A_34 : i32 to index
    %get3A_36 = arith.constant 16 : index
    %get3A_37 = tpu.vector_load %arg8[%get3A_35, %get3A_36] {strides = array<i32>} : memref<4x320xf32, #tpu.memory_space<vmem>>, vector<16xf32>,
    %sub3A_38 = arith.subf %get3A_33, %get3A_25 : vector<16xf32>
    %sub3A_39 = arith.subf %get3A_37, %get3A_29 : vector<16xf32>
    %mul3A_40 = arith.mulf %sub3A_38, %sub3A_39 : vector<16xf32>
    %swap3A_41 = arith.constant 16 : index
    %swap3A_42 = tpu.vector_load %arg9[%swap3A_41] {strides = array<i32>} : memref<320xf32, #tpu.memory_space<vmem>>, vector<16xf32>,
    tpu.vector_store %arg9[%swap3A_41], %mul3A_40 {strides = array<i32>} : memref<320xf32, #tpu.memory_space<vmem>>, vector<16xf32>,
    %swap3A_43 = arith.constant 16 : index
    %swap3A_44 = tpu.vector_load %arg13[%swap3A_43] {strides = array<i32>} : memref<320xf32, #tpu.memory_space<vmem>>, vector<16xf32>,
    tpu.vector_store %arg13[%swap3A_43], %broadcast_in_dim3A_0 {strides = array<i32>} : memref<320xf32, #tpu.memory_space<vmem>>, vector<16xf32>,
    %get3A_45 = arith.constant 0 : i32
    %get3A_46 = arith.index_cast %get3A_45 : i32 to index
    %get3A_47 = arith.constant 32 : index
    %get3A_48 = tpu.vector_load %arg8[%get3A_46, %get3A_47] {strides = array<i32>} : memref<4x320xf32, #tpu.memory_space<vmem>>, vector<16xf32>,
    %get3A_49 = arith.constant 1 : i32
    %get3A_50 = arith.index_cast %get3A_49 : i32 to index
    %get3A_51 = arith.constant 32 : index
    %get3A_52 = tpu.vector_load %arg8[%get3A_50, %get3A_51] {strides = array<i32>} : memref<4x320xf32, #tpu.memory_space<vmem>>, vector<16xf32>,
    %get3A_53 = arith.constant 2 : i32
    %get3A_54 = arith.index_cast %get3A_53 : i32 to index
    %get3A_55 = arith.constant 32 : index
    %get3A_56 = tpu.vector_load %arg8[%get3A_54, %get3A_55] {strides = array<i32>} : memref<4x320xf32, #tpu.memory_space<vmem>>, vector<16xf32>,
    %get3A_57 = arith.constant 3 : i32
    %get3A_58 = arith.index_cast %get3A_57 : i32 to index
    %get3A_59 = arith.constant 32 : index
    %get3A_60 = tpu.vector_load %arg8[%get3A_58, %get3A_59] {strides = array<i32>} : memref<4x320xf32, #tpu.memory_space<vmem>>, vector<16xf32>,
    %sub3A_61 = arith.subf %get3A_56, %get3A_48 : vector<16xf32>
    %sub3A_62 = arith.subf %get3A_60, %get3A_52 : vector<16xf32>
    %mul3A_63 = arith.mulf %sub3A_61, %sub3A_62 : vector<16xf32>
    %swap3A_64 = arith.constant 32 : index
    %swap3A_65 = tpu.vector_load %arg9[%swap3A_64] {strides = array<i32>} : memref<320xf32, #tpu.memory_space<vmem>>, vector<16xf32>,
    tpu.vector_store %arg9[%swap3A_64], %mul3A_63 {strides = array<i32>} : memref<320xf32, #tpu.memory_space<vmem>>, vector<16xf32>,
    %swap3A_66 = arith.constant 32 : index
    %swap3A_67 = tpu.vector_load %arg13[%swap3A_66] {strides = array<i32>} : memref<320xf32, #tpu.memory_space<vmem>>, vector<16xf32>,
    tpu.vector_store %arg13[%swap3A_66], %broadcast_in_dim3A_0 {strides = array<i32>} : memref<320xf32, #tpu.memory_space<vmem>>, vector<16xf32>,
    %get3A_68 = arith.constant 0 : i32
    %get3A_69 = arith.index_cast %get3A_68 : i32 to index
    %get3A_70 = arith.constant 48 : index
    %get3A_71 = tpu.vector_load %arg8[%get3A_69, %get3A_70] {strides = array<i32>} : memref<4x320xf32, #tpu.memory_space<vmem>>, vector<16xf32>,
    %get3A_72 = arith.constant 1 : i32
    %get3A_73 = arith.index_cast %get3A_72 : i32 to index
    %get3A_74 = arith.constant 48 : index
    %get3A_75 = tpu.vector_load %arg8[%get3A_73, %get3A_74] {strides = array<i32>} : memref<4x320xf32, #tpu.memory_space<vmem>>, vector<16xf32>,
    %get3A_76 = arith.constant 2 : i32
    %get3A_77 = arith.index_cast %get3A_76 : i32 to index
    %get3A_78 = arith.constant 48 : index
    %get3A_79 = tpu.vector_load %arg8[%get3A_77, %get3A_78] {strides = array<i32>} : memref<4x320xf32, #tpu.memory_space<vmem>>, vector<16xf32>,
    %get3A_80 = arith.constant 3 : i32
    %get3A_81 = arith.index_cast %get3A_80 : i32 to index
    %get3A_82 = arith.constant 48 : index
    %get3A_83 = tpu.vector_load %arg8[%get3A_81, %get3A_82] {strides = array<i32>} : memref<4x320xf32, #tpu.memory_space<vmem>>, vector<16xf32>,
    %sub3A_84 = arith.subf %get3A_79, %get3A_71 : vector<16xf32>
    %sub3A_85 = arith.subf %get3A_83, %get3A_75 : vector<16xf32>
    %mul3A_86 = arith.mulf %sub3A_84, %sub3A_85 : vector<16xf32>
    %swap3A_87 = arith.constant 48 : index
    %swap3A_88 = tpu.vector_load %arg9[%swap3A_87] {strides = array<i32>} : memref<320xf32, #tpu.memory_space<vmem>>, vector<16xf32>,
    tpu.vector_store %arg9[%swap3A_87], %mul3A_86 {strides = array<i32>} : memref<320xf32, #tpu.memory_space<vmem>>, vector<16xf32>,
    %swap3A_89 = arith.constant 48 : index
    %swap3A_90 = tpu.vector_load %arg13[%swap3A_89] {strides = array<i32>} : memref<320xf32, #tpu.memory_space<vmem>>, vector<16xf32>,
    tpu.vector_store %arg13[%swap3A_89], %broadcast_in_dim3A_0 {strides = array<i32>} : memref<320xf32, #tpu.memory_space<vmem>>, vector<16xf32>,
    %get3A_91 = arith.constant 0 : i32
    %get3A_92 = arith.index_cast %get3A_91 : i32 to index
    %get3A_93 = arith.constant 64 : index
    %get3A_94 = tpu.vector_load %arg8[%get3A_92, %get3A_93] {strides = array<i32>} : memref<4x320xf32, #tpu.memory_space<vmem>>, vector<16xf32>,
    %get3A_95 = arith.constant 1 : i32
    %get3A_96 = arith.index_cast %get3A_95 : i32 to index
    %get3A_97 = arith.constant 64 : index
    %get3A_98 = tpu.vector_load %arg8[%get3A_96, %get3A_97] {strides = array<i32>} : memref<4x320xf32, #tpu.memory_space<vmem>>, vector<16xf32>,
    %get3A_99 = arith.constant 2 : i32
    %get3A_100 = arith.index_cast %get3A_99 : i32 to index
    %get3A_101 = arith.constant 64 : index
    %get3A_102 = tpu.vector_load %arg8[%get3A_100, %get3A_101] {strides = array<i32>} : memref<4x320xf32, #tpu.memory_space<vmem>>, vector<16xf32>,
    %get3A_103 = arith.constant 3 : i32
    %get3A_104 = arith.index_cast %get3A_103 : i32 to index
    %get3A_105 = arith.constant 64 : index
    %get3A_106 = tpu.vector_load %arg8[%get3A_104, %get3A_105] {strides = array<i32>} : memref<4x320xf32, #tpu.memory_space<vmem>>, vector<16xf32>,
    %sub3A_107 = arith.subf %get3A_102, %get3A_94 : vector<16xf32>
    %sub3A_108 = arith.subf %get3A_106, %get3A_98 : vector<16xf32>
    %mul3A_109 = arith.mulf %sub3A_107, %sub3A_108 : vector<16xf32>
    %swap3A_110 = arith.constant 64 : index
    %swap3A_111 = tpu.vector_load %arg9[%swap3A_110] {strides = array<i32>} : memref<320xf32, #tpu.memory_space<vmem>>, vector<16xf32>,
    tpu.vector_store %arg9[%swap3A_110], %mul3A_109 {strides = array<i32>} : memref<320xf32, #tpu.memory_space<vmem>>, vector<16xf32>,
    %swap3A_112 = arith.constant 64 : index
    %swap3A_113 = tpu.vector_load %arg13[%swap3A_112] {strides = array<i32>} : memref<320xf32, #tpu.memory_space<vmem>>, vector<16xf32>,
    tpu.vector_store %arg13[%swap3A_112], %broadcast_in_dim3A_0 {strides = array<i32>} : memref<320xf32, #tpu.memory_space<vmem>>, vector<16xf32>,
    %get3A_114 = arith.constant 0 : i32
    %get3A_115 = arith.index_cast %get3A_114 : i32 to index
    %get3A_116 = arith.constant 80 : index
    %get3A_117 = tpu.vector_load %arg8[%get3A_115, %get3A_116] {strides = array<i32>} : memref<4x320xf32, #tpu.memory_space<vmem>>, vector<16xf32>,
    %get3A_118 = arith.constant 1 : i32
    %get3A_119 = arith.index_cast %get3A_118 : i32 to index
    %get3A_120 = arith.constant 80 : index
    %get3A_121 = tpu.vector_load %arg8[%get3A_119, %get3A_120] {strides = array<i32>} : memref<4x320xf32, #tpu.memory_space<vmem>>, vector<16xf32>,
    %get3A_122 = arith.constant 2 : i32
    %get3A_123 = arith.index_cast %get3A_122 : i32 to index
    %get3A_124 = arith.constant 80 : index
    %get3A_125 = tpu.vector_load %arg8[%get3A_123, %get3A_124] {strides = array<i32>} : memref<4x320xf32, #tpu.memory_space<vmem>>, vector<16xf32>,
    %get3A_126 = arith.constant 3 : i32
    %get3A_127 = arith.index_cast %get3A_126 : i32 to index
    %get3A_128 = arith.constant 80 : index
    %get3A_129 = tpu.vector_load %arg8[%get3A_127, %get3A_128] {strides = array<i32>} : memref<4x320xf32, #tpu.memory_space<vmem>>, vector<16xf32>,
    %sub3A_130 = arith.subf %get3A_125, %get3A_117 : vector<16xf32>
    %sub3A_131 = arith.subf %get3A_129, %get3A_121 : vector<16xf32>
    %mul3A_132 = arith.mulf %sub3A_130, %sub3A_131 : vector<16xf32>
    %swap3A_133 = arith.constant 80 : index
    %swap3A_134 = tpu.vector_load %arg9[%swap3A_133] {strides = array<i32>} : memref<320xf32, #tpu.memory_space<vmem>>, vector<16xf32>,
    tpu.vector_store %arg9[%swap3A_133], %mul3A_132 {strides = array<i32>} : memref<320xf32, #tpu.memory_space<vmem>>, vector<16xf32>,
    %swap3A_135 = arith.constant 80 : index
    %swap3A_136 = tpu.vector_load %arg13[%swap3A_135] {strides = array<i32>} : memref<320xf32, #tpu.memory_space<vmem>>, vector<16xf32>,
    tpu.vector_store %arg13[%swap3A_135], %broadcast_in_dim3A_0 {strides = array<i32>} : memref<320xf32, #tpu.memory_space<vmem>>, vector<16xf32>,
    %get3A_137 = arith.constant 0 : i32
    %get3A_138 = arith.index_cast %get3A_137 : i32 to index
    %get3A_139 = arith.constant 96 : index
    %get3A_140 = tpu.vector_load %arg8[%get3A_138, %get3A_139] {strides = array<i32>} : memref<4x320xf32, #tpu.memory_space<vmem>>, vector<16xf32>,
    %get3A_141 = arith.constant 1 : i32
    %get3A_142 = arith.index_cast %get3A_141 : i32 to index
    %get3A_143 = arith.constant 96 : index
    %get3A_144 = tpu.vector_load %arg8[%get3A_142, %get3A_143] {strides = array<i32>} : memref<4x320xf32, #tpu.memory_space<vmem>>, vector<16xf32>,
    %get3A_145 = arith.constant 2 : i32
    %get3A_146 = arith.index_cast %get3A_145 : i32 to index
    %get3A_147 = arith.constant 96 : index
    %get3A_148 = tpu.vector_load %arg8[%get3A_146, %get3A_147] {strides = array<i32>} : memref<4x320xf32, #tpu.memory_space<vmem>>, vector<16xf32>,
    %get3A_149 = arith.constant 3 : i32
    %get3A_150 = arith.index_cast %get3A_149 : i32 to index
    %get3A_151 = arith.constant 96 : index
    %get3A_152 = tpu.vector_load %arg8[%get3A_150, %get3A_151] {strides = array<i32>} : memref<4x320xf32, #tpu.memory_space<vmem>>, vector<16xf32>,
    %sub3A_153 = arith.subf %get3A_148, %get3A_140 : vector<16xf32>
    %sub3A_154 = arith.subf %get3A_152, %get3A_144 : vector<16xf32>
    %mul3A_155 = arith.mulf %sub3A_153, %sub3A_154 : vector<16xf32>
    %swap3A_156 = arith.constant 96 : index
    %swap3A_157 = tpu.vector_load %arg9[%swap3A_156] {strides = array<i32>} : memref<320xf32, #tpu.memory_space<vmem>>, vector<16xf32>,
    tpu.vector_store %arg9[%swap3A_156], %mul3A_155 {strides = array<i32>} : memref<320xf32, #tpu.memory_space<vmem>>, vector<16xf32>,
    %swap3A_158 = arith.constant 96 : index
    %swap3A_159 = tpu.vector_load %arg13[%swap3A_158] {strides = array<i32>} : memref<320xf32, #tpu.memory_space<vmem>>, vector<16xf32>,
    tpu.vector_store %arg13[%swap3A_158], %broadcast_in_dim3A_0 {strides = array<i32>} : memref<320xf32, #tpu.memory_space<vmem>>, vector<16xf32>,
    %get3A_160 = arith.constant 0 : i32
    %get3A_161 = arith.index_cast %get3A_160 : i32 to index
    %get3A_162 = arith.constant 112 : index
    %get3A_163 = tpu.vector_load %arg8[%get3A_161, %get3A_162] {strides = array<i32>} : memref<4x320xf32, #tpu.memory_space<vmem>>, vector<16xf32>,
    %get3A_164 = arith.constant 1 : i32
    %get3A_165 = arith.index_cast %get3A_164 : i32 to index
    %get3A_166 = arith.constant 112 : index
    %get3A_167 = tpu.vector_load %arg8[%get3A_165, %get3A_166] {strides = array<i32>} : memref<4x320xf32, #tpu.memory_space<vmem>>, vector<16xf32>,
    %get3A_168 = arith.constant 2 : i32
    %get3A_169 = arith.index_cast %get3A_168 : i32 to index
    %get3A_170 = arith.constant 112 : index
    %get3A_171 = tpu.vector_load %arg8[%get3A_169, %get3A_170] {strides = array<i32>} : memref<4x320xf32, #tpu.memory_space<vmem>>, vector<16xf32>,
    %get3A_172 = arith.constant 3 : i32
    %get3A_173 = arith.index_cast %get3A_172 : i32 to index
    %get3A_174 = arith.constant 112 : index
    %get3A_175 = tpu.vector_load %arg8[%get3A_173, %get3A_174] {strides = array<i32>} : memref<4x320xf32, #tpu.memory_space<vmem>>, vector<16xf32>,
    %sub3A_176 = arith.subf %get3A_171, %get3A_163 : vector<16xf32>
    %sub3A_177 = arith.subf %get3A_175, %get3A_167 : vector<16xf32>
    %mul3A_178 = arith.mulf %sub3A_176, %sub3A_177 : vector<16xf32>
    %swap3A_179 = arith.constant 112 : index
    %swap3A_180 = tpu.vector_load %arg9[%swap3A_179] {strides = array<i32>} : memref<320xf32, #tpu.memory_space<vmem>>, vector<16xf32>,
    tpu.vector_store %arg9[%swap3A_179], %mul3A_178 {strides = array<i32>} : memref<320xf32, #tpu.memory_space<vmem>>, vector<16xf32>,
    %swap3A_181 = arith.constant 112 : index
    %swap3A_182 = tpu.vector_load %arg13[%swap3A_181] {strides = array<i32>} : memref<320xf32, #tpu.memory_space<vmem>>, vector<16xf32>,
    tpu.vector_store %arg13[%swap3A_181], %broadcast_in_dim3A_0 {strides = array<i32>} : memref<320xf32, #tpu.memory_space<vmem>>, vector<16xf32>,
    %get3A_183 = arith.constant 0 : i32
    %get3A_184 = arith.index_cast %get3A_183 : i32 to index
    %get3A_185 = arith.constant 128 : index
    %get3A_186 = tpu.vector_load %arg8[%get3A_184, %get3A_185] {strides = array<i32>} : memref<4x320xf32, #tpu.memory_space<vmem>>, vector<16xf32>,
    %get3A_187 = arith.constant 1 : i32
    %get3A_188 = arith.index_cast %get3A_187 : i32 to index
    %get3A_189 = arith.constant 128 : index
    %get3A_190 = tpu.vector_load %arg8[%get3A_188, %get3A_189] {strides = array<i32>} : memref<4x320xf32, #tpu.memory_space<vmem>>, vector<16xf32>,
    %get3A_191 = arith.constant 2 : i32
    %get3A_192 = arith.index_cast %get3A_191 : i32 to index
    %get3A_193 = arith.constant 128 : index
    %get3A_194 = tpu.vector_load %arg8[%get3A_192, %get3A_193] {strides = array<i32>} : memref<4x320xf32, #tpu.memory_space<vmem>>, vector<16xf32>,
    %get3A_195 = arith.constant 3 : i32
    %get3A_196 = arith.index_cast %get3A_195 : i32 to index
    %get3A_197 = arith.constant 128 : index
    %get3A_198 = tpu.vector_load %arg8[%get3A_196, %get3A_197] {strides = array<i32>} : memref<4x320xf32, #tpu.memory_space<vmem>>, vector<16xf32>,
    %sub3A_199 = arith.subf %get3A_194, %get3A_186 : vector<16xf32>
    %sub3A_200 = arith.subf %get3A_198, %get3A_190 : vector<16xf32>
    %mul3A_201 = arith.mulf %sub3A_199, %sub3A_200 : vector<16xf32>
    %swap3A_202 = arith.constant 128 : index
    %swap3A_203 = tpu.vector_load %arg9[%swap3A_202] {strides = array<i32>} : memref<320xf32, #tpu.memory_space<vmem>>, vector<16xf32>,
    tpu.vector_store %arg9[%swap3A_202], %mul3A_201 {strides = array<i32>} : memref<320xf32, #tpu.memory_space<vmem>>, vector<16xf32>,
    %swap3A_204 = arith.constant 128 : index
    %swap3A_205 = tpu.vector_load %arg13[%swap3A_204] {strides = array<i32>} : memref<320xf32, #tpu.memory_space<vmem>>, vector<16xf32>,
    tpu.vector_store %arg13[%swap3A_204], %broadcast_in_dim3A_0 {strides = array<i32>} : memref<320xf32, #tpu.memory_space<vmem>>, vector<16xf32>,
    %get3A_206 = arith.constant 0 : i32
    %get3A_207 = arith.index_cast %get3A_206 : i32 to index
    %get3A_208 = arith.constant 144 : index
    %get3A_209 = tpu.vector_load %arg8[%get3A_207, %get3A_208] {strides = array<i32>} : memref<4x320xf32, #tpu.memory_space<vmem>>, vector<16xf32>,
    %get3A_210 = arith.constant 1 : i32
    %get3A_211 = arith.index_cast %get3A_210 : i32 to index
    %get3A_212 = arith.constant 144 : index
    %get3A_213 = tpu.vector_load %arg8[%get3A_211, %get3A_212] {strides = array<i32>} : memref<4x320xf32, #tpu.memory_space<vmem>>, vector<16xf32>,
    %get3A_214 = arith.constant 2 : i32
    %get3A_215 = arith.index_cast %get3A_214 : i32 to index
    %get3A_216 = arith.constant 144 : index
    %get3A_217 = tpu.vector_load %arg8[%get3A_215, %get3A_216] {strides = array<i32>} : memref<4x320xf32, #tpu.memory_space<vmem>>, vector<16xf32>,
    %get3A_218 = arith.constant 3 : i32
    %get3A_219 = arith.index_cast %get3A_218 : i32 to index
    %get3A_220 = arith.constant 144 : index
    %get3A_221 = tpu.vector_load %arg8[%get3A_219, %get3A_220] {strides = array<i32>} : memref<4x320xf32, #tpu.memory_space<vmem>>, vector<16xf32>,
    %sub3A_222 = arith.subf %get3A_217, %get3A_209 : vector<16xf32>
    %sub3A_223 = arith.subf %get3A_221, %get3A_213 : vector<16xf32>
    %mul3A_224 = arith.mulf %sub3A_222, %sub3A_223 : vector<16xf32>
    %swap3A_225 = arith.constant 144 : index
    %swap3A_226 = tpu.vector_load %arg9[%swap3A_225] {strides = array<i32>} : memref<320xf32, #tpu.memory_space<vmem>>, vector<16xf32>,
    tpu.vector_store %arg9[%swap3A_225], %mul3A_224 {strides = array<i32>} : memref<320xf32, #tpu.memory_space<vmem>>, vector<16xf32>,
    %swap3A_227 = arith.constant 144 : index
    %swap3A_228 = tpu.vector_load %arg13[%swap3A_227] {strides = array<i32>} : memref<320xf32, #tpu.memory_space<vmem>>, vector<16xf32>,
    tpu.vector_store %arg13[%swap3A_227], %broadcast_in_dim3A_0 {strides = array<i32>} : memref<320xf32, #tpu.memory_space<vmem>>, vector<16xf32>,
    %get3A_229 = arith.constant 0 : i32
    %get3A_230 = arith.index_cast %get3A_229 : i32 to index
    %get3A_231 = arith.constant 160 : index
    %get3A_232 = tpu.vector_load %arg8[%get3A_230, %get3A_231] {strides = array<i32>} : memref<4x320xf32, #tpu.memory_space<vmem>>, vector<16xf32>,
    %get3A_233 = arith.constant 1 : i32
    %get3A_234 = arith.index_cast %get3A_233 : i32 to index
    %get3A_235 = arith.constant 160 : index
    %get3A_236 = tpu.vector_load %arg8[%get3A_234, %get3A_235] {strides = array<i32>} : memref<4x320xf32, #tpu.memory_space<vmem>>, vector<16xf32>,
    %get3A_237 = arith.constant 2 : i32
    %get3A_238 = arith.index_cast %get3A_237 : i32 to index
    %get3A_239 = arith.constant 160 : index
    %get3A_240 = tpu.vector_load %arg8[%get3A_238, %get3A_239] {strides = array<i32>} : memref<4x320xf32, #tpu.memory_space<vmem>>, vector<16xf32>,
    %get3A_241 = arith.constant 3 : i32
    %get3A_242 = arith.index_cast %get3A_241 : i32 to index
    %get3A_243 = arith.constant 160 : index
    %get3A_244 = tpu.vector_load %arg8[%get3A_242, %get3A_243] {strides = array<i32>} : memref<4x320xf32, #tpu.memory_space<vmem>>, vector<16xf32>,
    %sub3A_245 = arith.subf %get3A_240, %get3A_232 : vector<16xf32>
    %sub3A_246 = arith.subf %get3A_244, %get3A_236 : vector<16xf32>
    %mul3A_247 = arith.mulf %sub3A_245, %sub3A_246 : vector<16xf32>
    %swap3A_248 = arith.constant 160 : index
    %swap3A_249 = tpu.vector_load %arg9[%swap3A_248] {strides = array<i32>} : memref<320xf32, #tpu.memory_space<vmem>>, vector<16xf32>,
    tpu.vector_store %arg9[%swap3A_248], %mul3A_247 {strides = array<i32>} : memref<320xf32, #tpu.memory_space<vmem>>, vector<16xf32>,
    %swap3A_250 = arith.constant 160 : index
    %swap3A_251 = tpu.vector_load %arg13[%swap3A_250] {strides = array<i32>} : memref<320xf32, #tpu.memory_space<vmem>>, vector<16xf32>,
    tpu.vector_store %arg13[%swap3A_250], %broadcast_in_dim3A_0 {strides = array<i32>} : memref<320xf32, #tpu.memory_space<vmem>>, vector<16xf32>,
    %get3A_252 = arith.constant 0 : i32
    %get3A_253 = arith.index_cast %get3A_252 : i32 to index
    %get3A_254 = arith.constant 176 : index
    %get3A_255 = tpu.vector_load %arg8[%get3A_253, %get3A_254] {strides = array<i32>} : memref<4x320xf32, #tpu.memory_space<vmem>>, vector<16xf32>,
    %get3A_256 = arith.constant 1 : i32
    %get3A_257 = arith.index_cast %get3A_256 : i32 to index
    %get3A_258 = arith.constant 176 : index
    %get3A_259 = tpu.vector_load %arg8[%get3A_257, %get3A_258] {strides = array<i32>} : memref<4x320xf32, #tpu.memory_space<vmem>>, vector<16xf32>,
    %get3A_260 = arith.constant 2 : i32
    %get3A_261 = arith.index_cast %get3A_260 : i32 to index
    %get3A_262 = arith.constant 176 : index
    %get3A_263 = tpu.vector_load %arg8[%get3A_261, %get3A_262] {strides = array<i32>} : memref<4x320xf32, #tpu.memory_space<vmem>>, vector<16xf32>,
    %get3A_264 = arith.constant 3 : i32
    %get3A_265 = arith.index_cast %get3A_264 : i32 to index
    %get3A_266 = arith.constant 176 : index
    %get3A_267 = tpu.vector_load %arg8[%get3A_265, %get3A_266] {strides = array<i32>} : memref<4x320xf32, #tpu.memory_space<vmem>>, vector<16xf32>,
    %sub3A_268 = arith.subf %get3A_263, %get3A_255 : vector<16xf32>
    %sub3A_269 = arith.subf %get3A_267, %get3A_259 : vector<16xf32>
    %mul3A_270 = arith.mulf %sub3A_268, %sub3A_269 : vector<16xf32>
    %swap3A_271 = arith.constant 176 : index
    %swap3A_272 = tpu.vector_load %arg9[%swap3A_271] {strides = array<i32>} : memref<320xf32, #tpu.memory_space<vmem>>, vector<16xf32>,
    tpu.vector_store %arg9[%swap3A_271], %mul3A_270 {strides = array<i32>} : memref<320xf32, #tpu.memory_space<vmem>>, vector<16xf32>,
    %swap3A_273 = arith.constant 176 : index
    %swap3A_274 = tpu.vector_load %arg13[%swap3A_273] {strides = array<i32>} : memref<320xf32, #tpu.memory_space<vmem>>, vector<16xf32>,
    tpu.vector_store %arg13[%swap3A_273], %broadcast_in_dim3A_0 {strides = array<i32>} : memref<320xf32, #tpu.memory_space<vmem>>, vector<16xf32>,
    %get3A_275 = arith.constant 0 : i32
    %get3A_276 = arith.index_cast %get3A_275 : i32 to index
    %get3A_277 = arith.constant 192 : index
    %get3A_278 = tpu.vector_load %arg8[%get3A_276, %get3A_277] {strides = array<i32>} : memref<4x320xf32, #tpu.memory_space<vmem>>, vector<16xf32>,
    %get3A_279 = arith.constant 1 : i32
    %get3A_280 = arith.index_cast %get3A_279 : i32 to index
    %get3A_281 = arith.constant 192 : index
    %get3A_282 = tpu.vector_load %arg8[%get3A_280, %get3A_281] {strides = array<i32>} : memref<4x320xf32, #tpu.memory_space<vmem>>, vector<16xf32>,
    %get3A_283 = arith.constant 2 : i32
    %get3A_284 = arith.index_cast %get3A_283 : i32 to index
    %get3A_285 = arith.constant 192 : index
    %get3A_286 = tpu.vector_load %arg8[%get3A_284, %get3A_285] {strides = array<i32>} : memref<4x320xf32, #tpu.memory_space<vmem>>, vector<16xf32>,
    %get3A_287 = arith.constant 3 : i32
    %get3A_288 = arith.index_cast %get3A_287 : i32 to index
    %get3A_289 = arith.constant 192 : index
    %get3A_290 = tpu.vector_load %arg8[%get3A_288, %get3A_289] {strides = array<i32>} : memref<4x320xf32, #tpu.memory_space<vmem>>, vector<16xf32>,
    %sub3A_291 = arith.subf %get3A_286, %get3A_278 : vector<16xf32>
    %sub3A_292 = arith.subf %get3A_290, %get3A_282 : vector<16xf32>
    %mul3A_293 = arith.mulf %sub3A_291, %sub3A_292 : vector<16xf32>
    %swap3A_294 = arith.constant 192 : index
    %swap3A_295 = tpu.vector_load %arg9[%swap3A_294] {strides = array<i32>} : memref<320xf32, #tpu.memory_space<vmem>>, vector<16xf32>,
    tpu.vector_store %arg9[%swap3A_294], %mul3A_293 {strides = array<i32>} : memref<320xf32, #tpu.memory_space<vmem>>, vector<16xf32>,
    %swap3A_296 = arith.constant 192 : index
    %swap3A_297 = tpu.vector_load %arg13[%swap3A_296] {strides = array<i32>} : memref<320xf32, #tpu.memory_space<vmem>>, vector<16xf32>,
    tpu.vector_store %arg13[%swap3A_296], %broadcast_in_dim3A_0 {strides = array<i32>} : memref<320xf32, #tpu.memory_space<vmem>>, vector<16xf32>,
    %get3A_298 = arith.constant 0 : i32
    %get3A_299 = arith.index_cast %get3A_298 : i32 to index
    %get3A_300 = arith.constant 208 : index
    %get3A_301 = tpu.vector_load %arg8[%get3A_299, %get3A_300] {strides = array<i32>} : memref<4x320xf32, #tpu.memory_space<vmem>>, vector<16xf32>,
    %get3A_302 = arith.constant 1 : i32
    %get3A_303 = arith.index_cast %get3A_302 : i32 to index
    %get3A_304 = arith.constant 208 : index
    %get3A_305 = tpu.vector_load %arg8[%get3A_303, %get3A_304] {strides = array<i32>} : memref<4x320xf32, #tpu.memory_space<vmem>>, vector<16xf32>,
    %get3A_306 = arith.constant 2 : i32
    %get3A_307 = arith.index_cast %get3A_306 : i32 to index
    %get3A_308 = arith.constant 208 : index
    %get3A_309 = tpu.vector_load %arg8[%get3A_307, %get3A_308] {strides = array<i32>} : memref<4x320xf32, #tpu.memory_space<vmem>>, vector<16xf32>,
    %get3A_310 = arith.constant 3 : i32
    %get3A_311 = arith.index_cast %get3A_310 : i32 to index
    %get3A_312 = arith.constant 208 : index
    %get3A_313 = tpu.vector_load %arg8[%get3A_311, %get3A_312] {strides = array<i32>} : memref<4x320xf32, #tpu.memory_space<vmem>>, vector<16xf32>,
    %sub3A_314 = arith.subf %get3A_309, %get3A_301 : vector<16xf32>
    %sub3A_315 = arith.subf %get3A_313, %get3A_305 : vector<16xf32>
    %mul3A_316 = arith.mulf %sub3A_314, %sub3A_315 : vector<16xf32>
    %swap3A_317 = arith.constant 208 : index
    %swap3A_318 = tpu.vector_load %arg9[%swap3A_317] {strides = array<i32>} : memref<320xf32, #tpu.memory_space<vmem>>, vector<16xf32>,
    tpu.vector_store %arg9[%swap3A_317], %mul3A_316 {strides = array<i32>} : memref<320xf32, #tpu.memory_space<vmem>>, vector<16xf32>,
    %swap3A_319 = arith.constant 208 : index
    %swap3A_320 = tpu.vector_load %arg13[%swap3A_319] {strides = array<i32>} : memref<320xf32, #tpu.memory_space<vmem>>, vector<16xf32>,
    tpu.vector_store %arg13[%swap3A_319], %broadcast_in_dim3A_0 {strides = array<i32>} : memref<320xf32, #tpu.memory_space<vmem>>, vector<16xf32>,
    %get3A_321 = arith.constant 0 : i32
    %get3A_322 = arith.index_cast %get3A_321 : i32 to index
    %get3A_323 = arith.constant 224 : index
    %get3A_324 = tpu.vector_load %arg8[%get3A_322, %get3A_323] {strides = array<i32>} : memref<4x320xf32, #tpu.memory_space<vmem>>, vector<16xf32>,
    %get3A_325 = arith.constant 1 : i32
    %get3A_326 = arith.index_cast %get3A_325 : i32 to index
    %get3A_327 = arith.constant 224 : index
    %get3A_328 = tpu.vector_load %arg8[%get3A_326, %get3A_327] {strides = array<i32>} : memref<4x320xf32, #tpu.memory_space<vmem>>, vector<16xf32>,
    %get3A_329 = arith.constant 2 : i32
    %get3A_330 = arith.index_cast %get3A_329 : i32 to index
    %get3A_331 = arith.constant 224 : index
    %get3A_332 = tpu.vector_load %arg8[%get3A_330, %get3A_331] {strides = array<i32>} : memref<4x320xf32, #tpu.memory_space<vmem>>, vector<16xf32>,
    %get3A_333 = arith.constant 3 : i32
    %get3A_334 = arith.index_cast %get3A_333 : i32 to index
    %get3A_335 = arith.constant 224 : index
    %get3A_336 = tpu.vector_load %arg8[%get3A_334, %get3A_335] {strides = array<i32>} : memref<4x320xf32, #tpu.memory_space<vmem>>, vector<16xf32>,
    %sub3A_337 = arith.subf %get3A_332, %get3A_324 : vector<16xf32>
    %sub3A_338 = arith.subf %get3A_336, %get3A_328 : vector<16xf32>
    %mul3A_339 = arith.mulf %sub3A_337, %sub3A_338 : vector<16xf32>
    %swap3A_340 = arith.constant 224 : index
    %swap3A_341 = tpu.vector_load %arg9[%swap3A_340] {strides = array<i32>} : memref<320xf32, #tpu.memory_space<vmem>>, vector<16xf32>,
    tpu.vector_store %arg9[%swap3A_340], %mul3A_339 {strides = array<i32>} : memref<320xf32, #tpu.memory_space<vmem>>, vector<16xf32>,
    %swap3A_342 = arith.constant 224 : index
    %swap3A_343 = tpu.vector_load %arg13[%swap3A_342] {strides = array<i32>} : memref<320xf32, #tpu.memory_space<vmem>>, vector<16xf32>,
    tpu.vector_store %arg13[%swap3A_342], %broadcast_in_dim3A_0 {strides = array<i32>} : memref<320xf32, #tpu.memory_space<vmem>>, vector<16xf32>,
    %get3A_344 = arith.constant 0 : i32
    %get3A_345 = arith.index_cast %get3A_344 : i32 to index
    %get3A_346 = arith.constant 240 : index
    %get3A_347 = tpu.vector_load %arg8[%get3A_345, %get3A_346] {strides = array<i32>} : memref<4x320xf32, #tpu.memory_space<vmem>>, vector<16xf32>,
    %get3A_348 = arith.constant 1 : i32
    %get3A_349 = arith.index_cast %get3A_348 : i32 to index
    %get3A_350 = arith.constant 240 : index
    %get3A_351 = tpu.vector_load %arg8[%get3A_349, %get3A_350] {strides = array<i32>} : memref<4x320xf32, #tpu.memory_space<vmem>>, vector<16xf32>,
    %get3A_352 = arith.constant 2 : i32
    %get3A_353 = arith.index_cast %get3A_352 : i32 to index
    %get3A_354 = arith.constant 240 : index
    %get3A_355 = tpu.vector_load %arg8[%get3A_353, %get3A_354] {strides = array<i32>} : memref<4x320xf32, #tpu.memory_space<vmem>>, vector<16xf32>,
    %get3A_356 = arith.constant 3 : i32
    %get3A_357 = arith.index_cast %get3A_356 : i32 to index
    %get3A_358 = arith.constant 240 : index
    %get3A_359 = tpu.vector_load %arg8[%get3A_357, %get3A_358] {strides = array<i32>} : memref<4x320xf32, #tpu.memory_space<vmem>>, vector<16xf32>,
    %sub3A_360 = arith.subf %get3A_355, %get3A_347 : vector<16xf32>
    %sub3A_361 = arith.subf %get3A_359, %get3A_351 : vector<16xf32>
    %mul3A_362 = arith.mulf %sub3A_360, %sub3A_361 : vector<16xf32>
    %swap3A_363 = arith.constant 240 : index
    %swap3A_364 = tpu.vector_load %arg9[%swap3A_363] {strides = array<i32>} : memref<320xf32, #tpu.memory_space<vmem>>, vector<16xf32>,
    tpu.vector_store %arg9[%swap3A_363], %mul3A_362 {strides = array<i32>} : memref<320xf32, #tpu.memory_space<vmem>>, vector<16xf32>,
    %swap3A_365 = arith.constant 240 : index
    %swap3A_366 = tpu.vector_load %arg13[%swap3A_365] {strides = array<i32>} : memref<320xf32, #tpu.memory_space<vmem>>, vector<16xf32>,
    tpu.vector_store %arg13[%swap3A_365], %broadcast_in_dim3A_0 {strides = array<i32>} : memref<320xf32, #tpu.memory_space<vmem>>, vector<16xf32>,
    %get3A_367 = arith.constant 0 : i32
    %get3A_368 = arith.index_cast %get3A_367 : i32 to index
    %get3A_369 = arith.constant 256 : index
    %get3A_370 = tpu.vector_load %arg8[%get3A_368, %get3A_369] {strides = array<i32>} : memref<4x320xf32, #tpu.memory_space<vmem>>, vector<16xf32>,
    %get3A_371 = arith.constant 1 : i32
    %get3A_372 = arith.index_cast %get3A_371 : i32 to index
    %get3A_373 = arith.constant 256 : index
    %get3A_374 = tpu.vector_load %arg8[%get3A_372, %get3A_373] {strides = array<i32>} : memref<4x320xf32, #tpu.memory_space<vmem>>, vector<16xf32>,
    %get3A_375 = arith.constant 2 : i32
    %get3A_376 = arith.index_cast %get3A_375 : i32 to index
    %get3A_377 = arith.constant 256 : index
    %get3A_378 = tpu.vector_load %arg8[%get3A_376, %get3A_377] {strides = array<i32>} : memref<4x320xf32, #tpu.memory_space<vmem>>, vector<16xf32>,
    %get3A_379 = arith.constant 3 : i32
    %get3A_380 = arith.index_cast %get3A_379 : i32 to index
    %get3A_381 = arith.constant 256 : index
    %get3A_382 = tpu.vector_load %arg8[%get3A_380, %get3A_381] {strides = array<i32>} : memref<4x320xf32, #tpu.memory_space<vmem>>, vector<16xf32>,
    %sub3A_383 = arith.subf %get3A_378, %get3A_370 : vector<16xf32>
    %sub3A_384 = arith.subf %get3A_382, %get3A_374 : vector<16xf32>
    %mul3A_385 = arith.mulf %sub3A_383, %sub3A_384 : vector<16xf32>
    %swap3A_386 = arith.constant 256 : index
    %swap3A_387 = tpu.vector_load %arg9[%swap3A_386] {strides = array<i32>} : memref<320xf32, #tpu.memory_space<vmem>>, vector<16xf32>,
    tpu.vector_store %arg9[%swap3A_386], %mul3A_385 {strides = array<i32>} : memref<320xf32, #tpu.memory_space<vmem>>, vector<16xf32>,
    %swap3A_388 = arith.constant 256 : index
    %swap3A_389 = tpu.vector_load %arg13[%swap3A_388] {strides = array<i32>} : memref<320xf32, #tpu.memory_space<vmem>>, vector<16xf32>,
    tpu.vector_store %arg13[%swap3A_388], %broadcast_in_dim3A_0 {strides = array<i32>} : memref<320xf32, #tpu.memory_space<vmem>>, vector<16xf32>,
    %get3A_390 = arith.constant 0 : i32
    %get3A_391 = arith.index_cast %get3A_390 : i32 to index
    %get3A_392 = arith.constant 272 : index
    %get3A_393 = tpu.vector_load %arg8[%get3A_391, %get3A_392] {strides = array<i32>} : memref<4x320xf32, #tpu.memory_space<vmem>>, vector<16xf32>,
    %get3A_394 = arith.constant 1 : i32
    %get3A_395 = arith.index_cast %get3A_394 : i32 to index
    %get3A_396 = arith.constant 272 : index
    %get3A_397 = tpu.vector_load %arg8[%get3A_395, %get3A_396] {strides = array<i32>} : memref<4x320xf32, #tpu.memory_space<vmem>>, vector<16xf32>,
    %get3A_398 = arith.constant 2 : i32
    %get3A_399 = arith.index_cast %get3A_398 : i32 to index
    %get3A_400 = arith.constant 272 : index
    %get3A_401 = tpu.vector_load %arg8[%get3A_399, %get3A_400] {strides = array<i32>} : memref<4x320xf32, #tpu.memory_space<vmem>>, vector<16xf32>,
    %get3A_402 = arith.constant 3 : i32
    %get3A_403 = arith.index_cast %get3A_402 : i32 to index
    %get3A_404 = arith.constant 272 : index
    %get3A_405 = tpu.vector_load %arg8[%get3A_403, %get3A_404] {strides = array<i32>} : memref<4x320xf32, #tpu.memory_space<vmem>>, vector<16xf32>,
    %sub3A_406 = arith.subf %get3A_401, %get3A_393 : vector<16xf32>
    %sub3A_407 = arith.subf %get3A_405, %get3A_397 : vector<16xf32>
    %mul3A_408 = arith.mulf %sub3A_406, %sub3A_407 : vector<16xf32>
    %swap3A_409 = arith.constant 272 : index
    %swap3A_410 = tpu.vector_load %arg9[%swap3A_409] {strides = array<i32>} : memref<320xf32, #tpu.memory_space<vmem>>, vector<16xf32>,
    tpu.vector_store %arg9[%swap3A_409], %mul3A_408 {strides = array<i32>} : memref<320xf32, #tpu.memory_space<vmem>>, vector<16xf32>,
    %swap3A_411 = arith.constant 272 : index
    %swap3A_412 = tpu.vector_load %arg13[%swap3A_411] {strides = array<i32>} : memref<320xf32, #tpu.memory_space<vmem>>, vector<16xf32>,
    tpu.vector_store %arg13[%swap3A_411], %broadcast_in_dim3A_0 {strides = array<i32>} : memref<320xf32, #tpu.memory_space<vmem>>, vector<16xf32>,
    %get3A_413 = arith.constant 0 : i32
    %get3A_414 = arith.index_cast %get3A_413 : i32 to index
    %get3A_415 = arith.constant 288 : index
    %get3A_416 = tpu.vector_load %arg8[%get3A_414, %get3A_415] {strides = array<i32>} : memref<4x320xf32, #tpu.memory_space<vmem>>, vector<16xf32>,
    %get3A_417 = arith.constant 1 : i32
    %get3A_418 = arith.index_cast %get3A_417 : i32 to index
    %get3A_419 = arith.constant 288 : index
    %get3A_420 = tpu.vector_load %arg8[%get3A_418, %get3A_419] {strides = array<i32>} : memref<4x320xf32, #tpu.memory_space<vmem>>, vector<16xf32>,
    %get3A_421 = arith.constant 2 : i32
    %get3A_422 = arith.index_cast %get3A_421 : i32 to index
    %get3A_423 = arith.constant 288 : index
    %get3A_424 = tpu.vector_load %arg8[%get3A_422, %get3A_423] {strides = array<i32>} : memref<4x320xf32, #tpu.memory_space<vmem>>, vector<16xf32>,
    %get3A_425 = arith.constant 3 : i32
    %get3A_426 = arith.index_cast %get3A_425 : i32 to index
    %get3A_427 = arith.constant 288 : index
    %get3A_428 = tpu.vector_load %arg8[%get3A_426, %get3A_427] {strides = array<i32>} : memref<4x320xf32, #tpu.memory_space<vmem>>, vector<16xf32>,
    %sub3A_429 = arith.subf %get3A_424, %get3A_416 : vector<16xf32>
    %sub3A_430 = arith.subf %get3A_428, %get3A_420 : vector<16xf32>
    %mul3A_431 = arith.mulf %sub3A_429, %sub3A_430 : vector<16xf32>
    %swap3A_432 = arith.constant 288 : index
    %swap3A_433 = tpu.vector_load %arg9[%swap3A_432] {strides = array<i32>} : memref<320xf32, #tpu.memory_space<vmem>>, vector<16xf32>,
    tpu.vector_store %arg9[%swap3A_432], %mul3A_431 {strides = array<i32>} : memref<320xf32, #tpu.memory_space<vmem>>, vector<16xf32>,
    %swap3A_434 = arith.constant 288 : index
    %swap3A_435 = tpu.vector_load %arg13[%swap3A_434] {strides = array<i32>} : memref<320xf32, #tpu.memory_space<vmem>>, vector<16xf32>,
    tpu.vector_store %arg13[%swap3A_434], %broadcast_in_dim3A_0 {strides = array<i32>} : memref<320xf32, #tpu.memory_space<vmem>>, vector<16xf32>,
    %get3A_436 = arith.constant 0 : i32
    %get3A_437 = arith.index_cast %get3A_436 : i32 to index
    %get3A_438 = arith.constant 304 : index
    %get3A_439 = tpu.vector_load %arg8[%get3A_437, %get3A_438] {strides = array<i32>} : memref<4x320xf32, #tpu.memory_space<vmem>>, vector<16xf32>,
    %get3A_440 = arith.constant 1 : i32
    %get3A_441 = arith.index_cast %get3A_440 : i32 to index
    %get3A_442 = arith.constant 304 : index
    %get3A_443 = tpu.vector_load %arg8[%get3A_441, %get3A_442] {strides = array<i32>} : memref<4x320xf32, #tpu.memory_space<vmem>>, vector<16xf32>,
    %get3A_444 = arith.constant 2 : i32
    %get3A_445 = arith.index_cast %get3A_444 : i32 to index
    %get3A_446 = arith.constant 304 : index
    %get3A_447 = tpu.vector_load %arg8[%get3A_445, %get3A_446] {strides = array<i32>} : memref<4x320xf32, #tpu.memory_space<vmem>>, vector<16xf32>,
    %get3A_448 = arith.constant 3 : i32
    %get3A_449 = arith.index_cast %get3A_448 : i32 to index
    %get3A_450 = arith.constant 304 : index
    %get3A_451 = tpu.vector_load %arg8[%get3A_449, %get3A_450] {strides = array<i32>} : memref<4x320xf32, #tpu.memory_space<vmem>>, vector<16xf32>,
    %sub3A_452 = arith.subf %get3A_447, %get3A_439 : vector<16xf32>
    %sub3A_453 = arith.subf %get3A_451, %get3A_443 : vector<16xf32>
    %mul3A_454 = arith.mulf %sub3A_452, %sub3A_453 : vector<16xf32>
    %swap3A_455 = arith.constant 304 : index
    %swap3A_456 = tpu.vector_load %arg9[%swap3A_455] {strides = array<i32>} : memref<320xf32, #tpu.memory_space<vmem>>, vector<16xf32>,
    tpu.vector_store %arg9[%swap3A_455], %mul3A_454 {strides = array<i32>} : memref<320xf32, #tpu.memory_space<vmem>>, vector<16xf32>,
    %swap3A_457 = arith.constant 304 : index
    %swap3A_458 = tpu.vector_load %arg13[%swap3A_457] {strides = array<i32>} : memref<320xf32, #tpu.memory_space<vmem>>, vector<16xf32>,
    tpu.vector_store %arg13[%swap3A_457], %broadcast_in_dim3A_0 {strides = array<i32>} : memref<320xf32, #tpu.memory_space<vmem>>, vector<16xf32>,
    %swap3A_459 = arith.constant 0 : index
    %swap3A_460 = tpu.vector_load %arg18[%swap3A_459] {strides = array<i32>} : memref<16xf32, #tpu.memory_space<vmem>>, vector<16xf32>,
    tpu.vector_store %arg18[%swap3A_459], %broadcast_in_dim3A_0 {strides = array<i32>} : memref<16xf32, #tpu.memory_space<vmem>>, vector<16xf32>,
    %mul3A_461 = arith.constant 320 : i32
    %mul3A_462 = arith.muli %arg1, %mul3A_461 : i32
    %scan3A = arith.constant 0 : i32
    %scan3A_463 = arith.constant 64 : i32
    %scan3A_464 = arith.addi %scan3A, %scan3A_463 : i32
    %scan3A_465 = arith.constant 1 : i32
    %scan3A_466:2 = scf.for %scan3A_600 = %scan3A to %scan3A_464 step %scan3A_465 iter_args(%scan3A_601 = %broadcast_in_dim3A_0, %scan3A_602 = %broadcast_in_dim3A_0) -> (vector<16xf32>, vector<16xf32>)  : i32 {
      %add3A_603 = arith.constant 0 : i32
      %add3A_604 = arith.addi %add3A_603, %scan3A_600 : i32
      %broadcast_in_dim3A_605 = vector.broadcast %add3A_604 : i32 to vector<16xi32>
      %gather3A = tpu.vector_load_idx %arg11[%broadcast_in_dim3A_605] : memref<256xf32, #tpu.memory_space<vmem>>[vector<16xi32>], vector<16xf32>,
      %add3A_606 = arith.constant 64 : i32
      %add3A_607 = vector.broadcast %add3A_606 : i32 to vector<16xi32>
      %add3A_608 = arith.addi %broadcast_in_dim3A_605, %add3A_607 : vector<16xi32>
      %gather3A_609 = tpu.vector_load_idx %arg11[%add3A_608] : memref<256xf32, #tpu.memory_space<vmem>>[vector<16xi32>], vector<16xf32>,
      %add3A_610 = arith.constant 128 : i32
      %add3A_611 = vector.broadcast %add3A_610 : i32 to vector<16xi32>
      %add3A_612 = arith.addi %broadcast_in_dim3A_605, %add3A_611 : vector<16xi32>
      %gather3A_613 = tpu.vector_load_idx %arg11[%add3A_612] : memref<256xf32, #tpu.memory_space<vmem>>[vector<16xi32>], vector<16xf32>,
      %add3A_614 = arith.constant 192 : i32
      %add3A_615 = vector.broadcast %add3A_614 : i32 to vector<16xi32>
      %add3A_616 = arith.addi %broadcast_in_dim3A_605, %add3A_615 : vector<16xi32>
      %gather3A_617 = tpu.vector_load_idx %arg11[%add3A_616] : memref<256xf32, #tpu.memory_space<vmem>>[vector<16xi32>], vector<16xf32>,
      %gather3A_618 = tpu.vector_load_idx %arg12[%broadcast_in_dim3A_605] : memref<64xf32, #tpu.memory_space<vmem>>[vector<16xi32>], vector<16xf32>,
      %mul3A_619 = arith.constant 5.000000e-01 : f32
      %mul3A_620 = vector.broadcast %mul3A_619 : f32 to vector<16xf32>
      %mul3A_621 = arith.mulf %gather3A_613, %mul3A_620 : vector<16xf32>
      %sub3A_622 = arith.subf %gather3A, %mul3A_621 : vector<16xf32>
      %mul3A_623 = arith.constant 5.000000e-01 : f32
      %mul3A_624 = vector.broadcast %mul3A_623 : f32 to vector<16xf32>
      %mul3A_625 = arith.mulf %gather3A_617, %mul3A_624 : vector<16xf32>
      %sub3A_626 = arith.subf %gather3A_609, %mul3A_625 : vector<16xf32>
      %mul3A_627 = arith.constant 5.000000e-01 : f32
      %mul3A_628 = vector.broadcast %mul3A_627 : f32 to vector<16xf32>
      %mul3A_629 = arith.mulf %gather3A_613, %mul3A_628 : vector<16xf32>
      %add3A_630 = arith.addf %gather3A, %mul3A_629 : vector<16xf32>
      %mul3A_631 = arith.constant 5.000000e-01 : f32
      %mul3A_632 = vector.broadcast %mul3A_631 : f32 to vector<16xf32>
      %mul3A_633 = arith.mulf %gather3A_617, %mul3A_632 : vector<16xf32>
      %add3A_634 = arith.addf %gather3A_609, %mul3A_633 : vector<16xf32>
      %mul3A_635 = arith.mulf %gather3A_613, %gather3A_617 : vector<16xf32>
      %broadcast_in_dim3A_636 = arith.constant -1.000000e+00 : f32
      %broadcast_in_dim3A_637 = vector.broadcast %broadcast_in_dim3A_636 : f32 to vector<16xf32>
      %get3A_638 = arith.constant 0 : i32
      %get3A_639 = arith.index_cast %get3A_638 : i32 to index
      %get3A_640 = arith.constant 0 : index
      %get3A_641 = tpu.vector_load %arg8[%get3A_639, %get3A_640] {strides = array<i32>} : memref<4x320xf32, #tpu.memory_space<vmem>>, vector<16xf32>,
      %get3A_642 = arith.constant 1 : i32
      %get3A_643 = arith.index_cast %get3A_642 : i32 to index
      %get3A_644 = arith.constant 0 : index
      %get3A_645 = tpu.vector_load %arg8[%get3A_643, %get3A_644] {strides = array<i32>} : memref<4x320xf32, #tpu.memory_space<vmem>>, vector<16xf32>,
      %get3A_646 = arith.constant 2 : i32
      %get3A_647 = arith.index_cast %get3A_646 : i32 to index
      %get3A_648 = arith.constant 0 : index
      %get3A_649 = tpu.vector_load %arg8[%get3A_647, %get3A_648] {strides = array<i32>} : memref<4x320xf32, #tpu.memory_space<vmem>>, vector<16xf32>,
      %get3A_650 = arith.constant 3 : i32
      %get3A_651 = arith.index_cast %get3A_650 : i32 to index
      %get3A_652 = arith.constant 0 : index
      %get3A_653 = tpu.vector_load %arg8[%get3A_651, %get3A_652] {strides = array<i32>} : memref<4x320xf32, #tpu.memory_space<vmem>>, vector<16xf32>,
      %get3A_654 = arith.constant 0 : index
      %get3A_655 = tpu.vector_load %arg9[%get3A_654] {strides = array<i32>} : memref<320xf32, #tpu.memory_space<vmem>>, vector<16xf32>,
      %min3A_656 = arith.minimumf %get3A_649, %add3A_630 : vector<16xf32>
      %max3A_657 = arith.maximumf %get3A_641, %sub3A_622 : vector<16xf32>
      %sub3A_658 = arith.subf %min3A_656, %max3A_657 : vector<16xf32>
      %max3A_659 = arith.constant 0.000000e+00 : f32
      %max3A_660 = vector.broadcast %max3A_659 : f32 to vector<16xf32>
      %max3A_661 = arith.maximumf %sub3A_658, %max3A_660 : vector<16xf32>
      %min3A_662 = arith.minimumf %get3A_653, %add3A_634 : vector<16xf32>
      %max3A_663 = arith.maximumf %get3A_645, %sub3A_626 : vector<16xf32>
      %sub3A_664 = arith.subf %min3A_662, %max3A_663 : vector<16xf32>
      %max3A_665 = arith.constant 0.000000e+00 : f32
      %max3A_666 = vector.broadcast %max3A_665 : f32 to vector<16xf32>
      %max3A_667 = arith.maximumf %sub3A_664, %max3A_666 : vector<16xf32>
      %mul3A_668 = arith.mulf %max3A_661, %max3A_667 : vector<16xf32>
      %add3A_669 = arith.addf %get3A_655, %mul3A_635 : vector<16xf32>
      %sub3A_670 = arith.subf %add3A_669, %mul3A_668 : vector<16xf32>
      %div3A = arith.divf %mul3A_668, %sub3A_670 : vector<16xf32>
      %get3A_671 = arith.constant 0 : i32
      %get3A_672 = arith.constant 0 : i32
      %get3A_673 = arith.index_cast %get3A_671 : i32 to index
      %get3A_674 = arith.index_cast %get3A_672 : i32 to index
      %get3A_675 = arith.constant 0 : index
      %get3A_676 = tpu.vector_load %arg10[%get3A_673, %get3A_674, %get3A_675] {strides = array<i32>} : memref<1x4x320xf32, #tpu.memory_space<vmem>>, vector<16xf32>,
      %get3A_677 = arith.constant 0 : i32
      %get3A_678 = arith.constant 1 : i32
      %get3A_679 = arith.index_cast %get3A_677 : i32 to index
      %get3A_680 = arith.index_cast %get3A_678 : i32 to index
      %get3A_681 = arith.constant 0 : index
      %get3A_682 = tpu.vector_load %arg10[%get3A_679, %get3A_680, %get3A_681] {strides = array<i32>} : memref<1x4x320xf32, #tpu.memory_space<vmem>>, vector<16xf32>,
      %get3A_683 = arith.constant 0 : i32
      %get3A_684 = arith.constant 2 : i32
      %get3A_685 = arith.index_cast %get3A_683 : i32 to index
      %get3A_686 = arith.index_cast %get3A_684 : i32 to index
      %get3A_687 = arith.constant 0 : index
      %get3A_688 = tpu.vector_load %arg10[%get3A_685, %get3A_686, %get3A_687] {strides = array<i32>} : memref<1x4x320xf32, #tpu.memory_space<vmem>>, vector<16xf32>,
      %get3A_689 = arith.constant 0 : i32
      %get3A_690 = arith.constant 3 : i32
      %get3A_691 = arith.index_cast %get3A_689 : i32 to index
      %get3A_692 = arith.index_cast %get3A_690 : i32 to index
      %get3A_693 = arith.constant 0 : index
      %get3A_694 = tpu.vector_load %arg10[%get3A_691, %get3A_692, %get3A_693] {strides = array<i32>} : memref<1x4x320xf32, #tpu.memory_space<vmem>>, vector<16xf32>,
      %sub3A_695 = arith.subf %get3A_676, %sub3A_622 : vector<16xf32>
      %abs3A = math.absf %sub3A_695 : vector<16xf32>
      %sub3A_696 = arith.subf %get3A_682, %sub3A_626 : vector<16xf32>
      %abs3A_697 = math.absf %sub3A_696 : vector<16xf32>
      %add3A_698 = arith.addf %abs3A, %abs3A_697 : vector<16xf32>
      %sub3A_699 = arith.subf %get3A_688, %add3A_630 : vector<16xf32>
      %abs3A_700 = math.absf %sub3A_699 : vector<16xf32>
      %add3A_701 = arith.addf %add3A_698, %abs3A_700 : vector<16xf32>
      %sub3A_702 = arith.subf %get3A_694, %add3A_634 : vector<16xf32>
      %abs3A_703 = math.absf %sub3A_702 : vector<16xf32>
      %add3A_704 = arith.addf %add3A_701, %abs3A_703 : vector<16xf32>
      %gt3A_705 = arith.constant 5.000000e-01 : f32
      %gt3A_706 = vector.broadcast %gt3A_705 : f32 to vector<16xf32>
      %gt3A_707 = arith.cmpf ogt, %div3A, %gt3A_706 : vector<16xf32>
      %jit3A_708 = arith.constant 0.000000e+00 : f32
      %broadcast_in_dim3A_709 = vector.broadcast %jit3A_708 : f32 to vector<16xf32>
      %select_n3A_710 = arith.select %gt3A_707, %gather3A_618, %broadcast_in_dim3A_709 : vector<16xi1>, vector<16xf32>
      %mul3A_711 = arith.mulf %select_n3A_710, %add3A_704 : vector<16xf32>
      %add3A_712 = arith.addf %scan3A_601, %mul3A_711 : vector<16xf32>
      %add3A_713 = arith.addf %scan3A_602, %select_n3A_710 : vector<16xf32>
      %get3A_714 = arith.constant 0 : index
      %get3A_715 = tpu.vector_load %arg13[%get3A_714] {strides = array<i32>} : memref<320xf32, #tpu.memory_space<vmem>>, vector<16xf32>,
      %max3A_716 = arith.maximumf %get3A_715, %select_n3A_710 : vector<16xf32>
      %swap3A_717 = arith.constant 0 : index
      %swap3A_718 = tpu.vector_load %arg13[%swap3A_717] {strides = array<i32>} : memref<320xf32, #tpu.memory_space<vmem>>, vector<16xf32>,
      tpu.vector_store %arg13[%swap3A_717], %max3A_716 {strides = array<i32>} : memref<320xf32, #tpu.memory_space<vmem>>, vector<16xf32>,
      %gt3A_719 = arith.cmpf ogt, %div3A, %broadcast_in_dim3A_637 : vector<16xf32>
      %select_n3A_720 = arith.select %gt3A_719, %div3A, %broadcast_in_dim3A_637 : vector<16xi1>, vector<16xf32>
      %add3A_721 = arith.constant 0 : i32
      %add3A_722 = arith.addi %mul3A_462, %add3A_721 : i32
      %add3A_723 = vector.broadcast %add3A_722 : i32 to vector<16xi32>
      %add3A_724 = arith.addi %iota3A, %add3A_723 : vector<16xi32>
      %select_n3A_725 = arith.select %gt3A_719, %add3A_724, %broadcast_in_dim3A_2 : vector<16xi1>, vector<16xi32>
      %select_n3A_726 = arith.select %gt3A_719, %add3A_704, %broadcast_in_dim3A_0 : vector<16xi1>, vector<16xf32>
      %get3A_727 = arith.constant 0 : i32
      %get3A_728 = arith.index_cast %get3A_727 : i32 to index
      %get3A_729 = arith.constant 16 : index
      %get3A_730 = tpu.vector_load %arg8[%get3A_728, %get3A_729] {strides = array<i32>} : memref<4x320xf32, #tpu.memory_space<vmem>>, vector<16xf32>,
      %get3A_731 = arith.constant 1 : i32
      %get3A_732 = arith.index_cast %get3A_731 : i32 to index
      %get3A_733 = arith.constant 16 : index
      %get3A_734 = tpu.vector_load %arg8[%get3A_732, %get3A_733] {strides = array<i32>} : memref<4x320xf32, #tpu.memory_space<vmem>>, vector<16xf32>,
      %get3A_735 = arith.constant 2 : i32
      %get3A_736 = arith.index_cast %get3A_735 : i32 to index
      %get3A_737 = arith.constant 16 : index
      %get3A_738 = tpu.vector_load %arg8[%get3A_736, %get3A_737] {strides = array<i32>} : memref<4x320xf32, #tpu.memory_space<vmem>>, vector<16xf32>,
      %get3A_739 = arith.constant 3 : i32
      %get3A_740 = arith.index_cast %get3A_739 : i32 to index
      %get3A_741 = arith.constant 16 : index
      %get3A_742 = tpu.vector_load %arg8[%get3A_740, %get3A_741] {strides = array<i32>} : memref<4x320xf32, #tpu.memory_space<vmem>>, vector<16xf32>,
      %get3A_743 = arith.constant 16 : index
      %get3A_744 = tpu.vector_load %arg9[%get3A_743] {strides = array<i32>} : memref<320xf32, #tpu.memory_space<vmem>>, vector<16xf32>,
      %min3A_745 = arith.minimumf %get3A_738, %add3A_630 : vector<16xf32>
      %max3A_746 = arith.maximumf %get3A_730, %sub3A_622 : vector<16xf32>
      %sub3A_747 = arith.subf %min3A_745, %max3A_746 : vector<16xf32>
      %max3A_748 = arith.constant 0.000000e+00 : f32
      %max3A_749 = vector.broadcast %max3A_748 : f32 to vector<16xf32>
      %max3A_750 = arith.maximumf %sub3A_747, %max3A_749 : vector<16xf32>
      %min3A_751 = arith.minimumf %get3A_742, %add3A_634 : vector<16xf32>
      %max3A_752 = arith.maximumf %get3A_734, %sub3A_626 : vector<16xf32>
      %sub3A_753 = arith.subf %min3A_751, %max3A_752 : vector<16xf32>
      %max3A_754 = arith.constant 0.000000e+00 : f32
      %max3A_755 = vector.broadcast %max3A_754 : f32 to vector<16xf32>
      %max3A_756 = arith.maximumf %sub3A_753, %max3A_755 : vector<16xf32>
      %mul3A_757 = arith.mulf %max3A_750, %max3A_756 : vector<16xf32>
      %add3A_758 = arith.addf %get3A_744, %mul3A_635 : vector<16xf32>
      %sub3A_759 = arith.subf %add3A_758, %mul3A_757 : vector<16xf32>
      %div3A_760 = arith.divf %mul3A_757, %sub3A_759 : vector<16xf32>
      %get3A_761 = arith.constant 0 : i32
      %get3A_762 = arith.constant 0 : i32
      %get3A_763 = arith.index_cast %get3A_761 : i32 to index
      %get3A_764 = arith.index_cast %get3A_762 : i32 to index
      %get3A_765 = arith.constant 16 : index
      %get3A_766 = tpu.vector_load %arg10[%get3A_763, %get3A_764, %get3A_765] {strides = array<i32>} : memref<1x4x320xf32, #tpu.memory_space<vmem>>, vector<16xf32>,
      %get3A_767 = arith.constant 0 : i32
      %get3A_768 = arith.constant 1 : i32
      %get3A_769 = arith.index_cast %get3A_767 : i32 to index
      %get3A_770 = arith.index_cast %get3A_768 : i32 to index
      %get3A_771 = arith.constant 16 : index
      %get3A_772 = tpu.vector_load %arg10[%get3A_769, %get3A_770, %get3A_771] {strides = array<i32>} : memref<1x4x320xf32, #tpu.memory_space<vmem>>, vector<16xf32>,
      %get3A_773 = arith.constant 0 : i32
      %get3A_774 = arith.constant 2 : i32
      %get3A_775 = arith.index_cast %get3A_773 : i32 to index
      %get3A_776 = arith.index_cast %get3A_774 : i32 to index
      %get3A_777 = arith.constant 16 : index
      %get3A_778 = tpu.vector_load %arg10[%get3A_775, %get3A_776, %get3A_777] {strides = array<i32>} : memref<1x4x320xf32, #tpu.memory_space<vmem>>, vector<16xf32>,
      %get3A_779 = arith.constant 0 : i32
      %get3A_780 = arith.constant 3 : i32
      %get3A_781 = arith.index_cast %get3A_779 : i32 to index
      %get3A_782 = arith.index_cast %get3A_780 : i32 to index
      %get3A_783 = arith.constant 16 : index
      %get3A_784 = tpu.vector_load %arg10[%get3A_781, %get3A_782, %get3A_783] {strides = array<i32>} : memref<1x4x320xf32, #tpu.memory_space<vmem>>, vector<16xf32>,
      %sub3A_785 = arith.subf %get3A_766, %sub3A_622 : vector<16xf32>
      %abs3A_786 = math.absf %sub3A_785 : vector<16xf32>
      %sub3A_787 = arith.subf %get3A_772, %sub3A_626 : vector<16xf32>
      %abs3A_788 = math.absf %sub3A_787 : vector<16xf32>
      %add3A_789 = arith.addf %abs3A_786, %abs3A_788 : vector<16xf32>
      %sub3A_790 = arith.subf %get3A_778, %add3A_630 : vector<16xf32>
      %abs3A_791 = math.absf %sub3A_790 : vector<16xf32>
      %add3A_792 = arith.addf %add3A_789, %abs3A_791 : vector<16xf32>
      %sub3A_793 = arith.subf %get3A_784, %add3A_634 : vector<16xf32>
      %abs3A_794 = math.absf %sub3A_793 : vector<16xf32>
      %add3A_795 = arith.addf %add3A_792, %abs3A_794 : vector<16xf32>
      %gt3A_796 = arith.constant 5.000000e-01 : f32
      %gt3A_797 = vector.broadcast %gt3A_796 : f32 to vector<16xf32>
      %gt3A_798 = arith.cmpf ogt, %div3A_760, %gt3A_797 : vector<16xf32>
      %jit3A_799 = arith.constant 0.000000e+00 : f32
      %broadcast_in_dim3A_800 = vector.broadcast %jit3A_799 : f32 to vector<16xf32>
      %select_n3A_801 = arith.select %gt3A_798, %gather3A_618, %broadcast_in_dim3A_800 : vector<16xi1>, vector<16xf32>
      %mul3A_802 = arith.mulf %select_n3A_801, %add3A_795 : vector<16xf32>
      %add3A_803 = arith.addf %add3A_712, %mul3A_802 : vector<16xf32>
      %add3A_804 = arith.addf %add3A_713, %select_n3A_801 : vector<16xf32>
      %get3A_805 = arith.constant 16 : index
      %get3A_806 = tpu.vector_load %arg13[%get3A_805] {strides = array<i32>} : memref<320xf32, #tpu.memory_space<vmem>>, vector<16xf32>,
      %max3A_807 = arith.maximumf %get3A_806, %select_n3A_801 : vector<16xf32>
      %swap3A_808 = arith.constant 16 : index
      %swap3A_809 = tpu.vector_load %arg13[%swap3A_808] {strides = array<i32>} : memref<320xf32, #tpu.memory_space<vmem>>, vector<16xf32>,
      tpu.vector_store %arg13[%swap3A_808], %max3A_807 {strides = array<i32>} : memref<320xf32, #tpu.memory_space<vmem>>, vector<16xf32>,
      %gt3A_810 = arith.cmpf ogt, %div3A_760, %select_n3A_720 : vector<16xf32>
      %select_n3A_811 = arith.select %gt3A_810, %div3A_760, %select_n3A_720 : vector<16xi1>, vector<16xf32>
      %add3A_812 = arith.constant 16 : i32
      %add3A_813 = arith.addi %mul3A_462, %add3A_812 : i32
      %add3A_814 = vector.broadcast %add3A_813 : i32 to vector<16xi32>
      %add3A_815 = arith.addi %iota3A, %add3A_814 : vector<16xi32>
      %select_n3A_816 = arith.select %gt3A_810, %add3A_815, %select_n3A_725 : vector<16xi1>, vector<16xi32>
      %select_n3A_817 = arith.select %gt3A_810, %add3A_795, %select_n3A_726 : vector<16xi1>, vector<16xf32>
      %get3A_818 = arith.constant 0 : i32
      %get3A_819 = arith.index_cast %get3A_818 : i32 to index
      %get3A_820 = arith.constant 32 : index
      %get3A_821 = tpu.vector_load %arg8[%get3A_819, %get3A_820] {strides = array<i32>} : memref<4x320xf32, #tpu.memory_space<vmem>>, vector<16xf32>,
      %get3A_822 = arith.constant 1 : i32
      %get3A_823 = arith.index_cast %get3A_822 : i32 to index
      %get3A_824 = arith.constant 32 : index
      %get3A_825 = tpu.vector_load %arg8[%get3A_823, %get3A_824] {strides = array<i32>} : memref<4x320xf32, #tpu.memory_space<vmem>>, vector<16xf32>,
      %get3A_826 = arith.constant 2 : i32
      %get3A_827 = arith.index_cast %get3A_826 : i32 to index
      %get3A_828 = arith.constant 32 : index
      %get3A_829 = tpu.vector_load %arg8[%get3A_827, %get3A_828] {strides = array<i32>} : memref<4x320xf32, #tpu.memory_space<vmem>>, vector<16xf32>,
      %get3A_830 = arith.constant 3 : i32
      %get3A_831 = arith.index_cast %get3A_830 : i32 to index
      %get3A_832 = arith.constant 32 : index
      %get3A_833 = tpu.vector_load %arg8[%get3A_831, %get3A_832] {strides = array<i32>} : memref<4x320xf32, #tpu.memory_space<vmem>>, vector<16xf32>,
      %get3A_834 = arith.constant 32 : index
      %get3A_835 = tpu.vector_load %arg9[%get3A_834] {strides = array<i32>} : memref<320xf32, #tpu.memory_space<vmem>>, vector<16xf32>,
      %min3A_836 = arith.minimumf %get3A_829, %add3A_630 : vector<16xf32>
      %max3A_837 = arith.maximumf %get3A_821, %sub3A_622 : vector<16xf32>
      %sub3A_838 = arith.subf %min3A_836, %max3A_837 : vector<16xf32>
      %max3A_839 = arith.constant 0.000000e+00 : f32
      %max3A_840 = vector.broadcast %max3A_839 : f32 to vector<16xf32>
      %max3A_841 = arith.maximumf %sub3A_838, %max3A_840 : vector<16xf32>
      %min3A_842 = arith.minimumf %get3A_833, %add3A_634 : vector<16xf32>
      %max3A_843 = arith.maximumf %get3A_825, %sub3A_626 : vector<16xf32>
      %sub3A_844 = arith.subf %min3A_842, %max3A_843 : vector<16xf32>
      %max3A_845 = arith.constant 0.000000e+00 : f32
      %max3A_846 = vector.broadcast %max3A_845 : f32 to vector<16xf32>
      %max3A_847 = arith.maximumf %sub3A_844, %max3A_846 : vector<16xf32>
      %mul3A_848 = arith.mulf %max3A_841, %max3A_847 : vector<16xf32>
      %add3A_849 = arith.addf %get3A_835, %mul3A_635 : vector<16xf32>
      %sub3A_850 = arith.subf %add3A_849, %mul3A_848 : vector<16xf32>
      %div3A_851 = arith.divf %mul3A_848, %sub3A_850 : vector<16xf32>
      %get3A_852 = arith.constant 0 : i32
      %get3A_853 = arith.constant 0 : i32
      %get3A_854 = arith.index_cast %get3A_852 : i32 to index
      %get3A_855 = arith.index_cast %get3A_853 : i32 to index
      %get3A_856 = arith.constant 32 : index
      %get3A_857 = tpu.vector_load %arg10[%get3A_854, %get3A_855, %get3A_856] {strides = array<i32>} : memref<1x4x320xf32, #tpu.memory_space<vmem>>, vector<16xf32>,
      %get3A_858 = arith.constant 0 : i32
      %get3A_859 = arith.constant 1 : i32
      %get3A_860 = arith.index_cast %get3A_858 : i32 to index
      %get3A_861 = arith.index_cast %get3A_859 : i32 to index
      %get3A_862 = arith.constant 32 : index
      %get3A_863 = tpu.vector_load %arg10[%get3A_860, %get3A_861, %get3A_862] {strides = array<i32>} : memref<1x4x320xf32, #tpu.memory_space<vmem>>, vector<16xf32>,
      %get3A_864 = arith.constant 0 : i32
      %get3A_865 = arith.constant 2 : i32
      %get3A_866 = arith.index_cast %get3A_864 : i32 to index
      %get3A_867 = arith.index_cast %get3A_865 : i32 to index
      %get3A_868 = arith.constant 32 : index
      %get3A_869 = tpu.vector_load %arg10[%get3A_866, %get3A_867, %get3A_868] {strides = array<i32>} : memref<1x4x320xf32, #tpu.memory_space<vmem>>, vector<16xf32>,
      %get3A_870 = arith.constant 0 : i32
      %get3A_871 = arith.constant 3 : i32
      %get3A_872 = arith.index_cast %get3A_870 : i32 to index
      %get3A_873 = arith.index_cast %get3A_871 : i32 to index
      %get3A_874 = arith.constant 32 : index
      %get3A_875 = tpu.vector_load %arg10[%get3A_872, %get3A_873, %get3A_874] {strides = array<i32>} : memref<1x4x320xf32, #tpu.memory_space<vmem>>, vector<16xf32>,
      %sub3A_876 = arith.subf %get3A_857, %sub3A_622 : vector<16xf32>
      %abs3A_877 = math.absf %sub3A_876 : vector<16xf32>
      %sub3A_878 = arith.subf %get3A_863, %sub3A_626 : vector<16xf32>
      %abs3A_879 = math.absf %sub3A_878 : vector<16xf32>
      %add3A_880 = arith.addf %abs3A_877, %abs3A_879 : vector<16xf32>
      %sub3A_881 = arith.subf %get3A_869, %add3A_630 : vector<16xf32>
      %abs3A_882 = math.absf %sub3A_881 : vector<16xf32>
      %add3A_883 = arith.addf %add3A_880, %abs3A_882 : vector<16xf32>
      %sub3A_884 = arith.subf %get3A_875, %add3A_634 : vector<16xf32>
      %abs3A_885 = math.absf %sub3A_884 : vector<16xf32>
      %add3A_886 = arith.addf %add3A_883, %abs3A_885 : vector<16xf32>
      %gt3A_887 = arith.constant 5.000000e-01 : f32
      %gt3A_888 = vector.broadcast %gt3A_887 : f32 to vector<16xf32>
      %gt3A_889 = arith.cmpf ogt, %div3A_851, %gt3A_888 : vector<16xf32>
      %jit3A_890 = arith.constant 0.000000e+00 : f32
      %broadcast_in_dim3A_891 = vector.broadcast %jit3A_890 : f32 to vector<16xf32>
      %select_n3A_892 = arith.select %gt3A_889, %gather3A_618, %broadcast_in_dim3A_891 : vector<16xi1>, vector<16xf32>
      %mul3A_893 = arith.mulf %select_n3A_892, %add3A_886 : vector<16xf32>
      %add3A_894 = arith.addf %add3A_803, %mul3A_893 : vector<16xf32>
      %add3A_895 = arith.addf %add3A_804, %select_n3A_892 : vector<16xf32>
      %get3A_896 = arith.constant 32 : index
      %get3A_897 = tpu.vector_load %arg13[%get3A_896] {strides = array<i32>} : memref<320xf32, #tpu.memory_space<vmem>>, vector<16xf32>,
      %max3A_898 = arith.maximumf %get3A_897, %select_n3A_892 : vector<16xf32>
      %swap3A_899 = arith.constant 32 : index
      %swap3A_900 = tpu.vector_load %arg13[%swap3A_899] {strides = array<i32>} : memref<320xf32, #tpu.memory_space<vmem>>, vector<16xf32>,
      tpu.vector_store %arg13[%swap3A_899], %max3A_898 {strides = array<i32>} : memref<320xf32, #tpu.memory_space<vmem>>, vector<16xf32>,
      %gt3A_901 = arith.cmpf ogt, %div3A_851, %select_n3A_811 : vector<16xf32>
      %select_n3A_902 = arith.select %gt3A_901, %div3A_851, %select_n3A_811 : vector<16xi1>, vector<16xf32>
      %add3A_903 = arith.constant 32 : i32
      %add3A_904 = arith.addi %mul3A_462, %add3A_903 : i32
      %add3A_905 = vector.broadcast %add3A_904 : i32 to vector<16xi32>
      %add3A_906 = arith.addi %iota3A, %add3A_905 : vector<16xi32>
      %select_n3A_907 = arith.select %gt3A_901, %add3A_906, %select_n3A_816 : vector<16xi1>, vector<16xi32>
      %select_n3A_908 = arith.select %gt3A_901, %add3A_886, %select_n3A_817 : vector<16xi1>, vector<16xf32>
      %get3A_909 = arith.constant 0 : i32
      %get3A_910 = arith.index_cast %get3A_909 : i32 to index
      %get3A_911 = arith.constant 48 : index
      %get3A_912 = tpu.vector_load %arg8[%get3A_910, %get3A_911] {strides = array<i32>} : memref<4x320xf32, #tpu.memory_space<vmem>>, vector<16xf32>,
      %get3A_913 = arith.constant 1 : i32
      %get3A_914 = arith.index_cast %get3A_913 : i32 to index
      %get3A_915 = arith.constant 48 : index
      %get3A_916 = tpu.vector_load %arg8[%get3A_914, %get3A_915] {strides = array<i32>} : memref<4x320xf32, #tpu.memory_space<vmem>>, vector<16xf32>,
      %get3A_917 = arith.constant 2 : i32
      %get3A_918 = arith.index_cast %get3A_917 : i32 to index
      %get3A_919 = arith.constant 48 : index
      %get3A_920 = tpu.vector_load %arg8[%get3A_918, %get3A_919] {strides = array<i32>} : memref<4x320xf32, #tpu.memory_space<vmem>>, vector<16xf32>,
      %get3A_921 = arith.constant 3 : i32
      %get3A_922 = arith.index_cast %get3A_921 : i32 to index
      %get3A_923 = arith.constant 48 : index
      %get3A_924 = tpu.vector_load %arg8[%get3A_922, %get3A_923] {strides = array<i32>} : memref<4x320xf32, #tpu.memory_space<vmem>>, vector<16xf32>,
      %get3A_925 = arith.constant 48 : index
      %get3A_926 = tpu.vector_load %arg9[%get3A_925] {strides = array<i32>} : memref<320xf32, #tpu.memory_space<vmem>>, vector<16xf32>,
      %min3A_927 = arith.minimumf %get3A_920, %add3A_630 : vector<16xf32>
      %max3A_928 = arith.maximumf %get3A_912, %sub3A_622 : vector<16xf32>
      %sub3A_929 = arith.subf %min3A_927, %max3A_928 : vector<16xf32>
      %max3A_930 = arith.constant 0.000000e+00 : f32
      %max3A_931 = vector.broadcast %max3A_930 : f32 to vector<16xf32>
      %max3A_932 = arith.maximumf %sub3A_929, %max3A_931 : vector<16xf32>
      %min3A_933 = arith.minimumf %get3A_924, %add3A_634 : vector<16xf32>
      %max3A_934 = arith.maximumf %get3A_916, %sub3A_626 : vector<16xf32>
      %sub3A_935 = arith.subf %min3A_933, %max3A_934 : vector<16xf32>
      %max3A_936 = arith.constant 0.000000e+00 : f32
      %max3A_937 = vector.broadcast %max3A_936 : f32 to vector<16xf32>
      %max3A_938 = arith.maximumf %sub3A_935, %max3A_937 : vector<16xf32>
      %mul3A_939 = arith.mulf %max3A_932, %max3A_938 : vector<16xf32>
      %add3A_940 = arith.addf %get3A_926, %mul3A_635 : vector<16xf32>
      %sub3A_941 = arith.subf %add3A_940, %mul3A_939 : vector<16xf32>
      %div3A_942 = arith.divf %mul3A_939, %sub3A_941 : vector<16xf32>
      %get3A_943 = arith.constant 0 : i32
      %get3A_944 = arith.constant 0 : i32
      %get3A_945 = arith.index_cast %get3A_943 : i32 to index
      %get3A_946 = arith.index_cast %get3A_944 : i32 to index
      %get3A_947 = arith.constant 48 : index
      %get3A_948 = tpu.vector_load %arg10[%get3A_945, %get3A_946, %get3A_947] {strides = array<i32>} : memref<1x4x320xf32, #tpu.memory_space<vmem>>, vector<16xf32>,
      %get3A_949 = arith.constant 0 : i32
      %get3A_950 = arith.constant 1 : i32
      %get3A_951 = arith.index_cast %get3A_949 : i32 to index
      %get3A_952 = arith.index_cast %get3A_950 : i32 to index
      %get3A_953 = arith.constant 48 : index
      %get3A_954 = tpu.vector_load %arg10[%get3A_951, %get3A_952, %get3A_953] {strides = array<i32>} : memref<1x4x320xf32, #tpu.memory_space<vmem>>, vector<16xf32>,
      %get3A_955 = arith.constant 0 : i32
      %get3A_956 = arith.constant 2 : i32
      %get3A_957 = arith.index_cast %get3A_955 : i32 to index
      %get3A_958 = arith.index_cast %get3A_956 : i32 to index
      %get3A_959 = arith.constant 48 : index
      %get3A_960 = tpu.vector_load %arg10[%get3A_957, %get3A_958, %get3A_959] {strides = array<i32>} : memref<1x4x320xf32, #tpu.memory_space<vmem>>, vector<16xf32>,
      %get3A_961 = arith.constant 0 : i32
      %get3A_962 = arith.constant 3 : i32
      %get3A_963 = arith.index_cast %get3A_961 : i32 to index
      %get3A_964 = arith.index_cast %get3A_962 : i32 to index
      %get3A_965 = arith.constant 48 : index
      %get3A_966 = tpu.vector_load %arg10[%get3A_963, %get3A_964, %get3A_965] {strides = array<i32>} : memref<1x4x320xf32, #tpu.memory_space<vmem>>, vector<16xf32>,
      %sub3A_967 = arith.subf %get3A_948, %sub3A_622 : vector<16xf32>
      %abs3A_968 = math.absf %sub3A_967 : vector<16xf32>
      %sub3A_969 = arith.subf %get3A_954, %sub3A_626 : vector<16xf32>
      %abs3A_970 = math.absf %sub3A_969 : vector<16xf32>
      %add3A_971 = arith.addf %abs3A_968, %abs3A_970 : vector<16xf32>
      %sub3A_972 = arith.subf %get3A_960, %add3A_630 : vector<16xf32>
      %abs3A_973 = math.absf %sub3A_972 : vector<16xf32>
      %add3A_974 = arith.addf %add3A_971, %abs3A_973 : vector<16xf32>
      %sub3A_975 = arith.subf %get3A_966, %add3A_634 : vector<16xf32>
      %abs3A_976 = math.absf %sub3A_975 : vector<16xf32>
      %add3A_977 = arith.addf %add3A_974, %abs3A_976 : vector<16xf32>
      %gt3A_978 = arith.constant 5.000000e-01 : f32
      %gt3A_979 = vector.broadcast %gt3A_978 : f32 to vector<16xf32>
      %gt3A_980 = arith.cmpf ogt, %div3A_942, %gt3A_979 : vector<16xf32>
      %jit3A_981 = arith.constant 0.000000e+00 : f32
      %broadcast_in_dim3A_982 = vector.broadcast %jit3A_981 : f32 to vector<16xf32>
      %select_n3A_983 = arith.select %gt3A_980, %gather3A_618, %broadcast_in_dim3A_982 : vector<16xi1>, vector<16xf32>
      %mul3A_984 = arith.mulf %select_n3A_983, %add3A_977 : vector<16xf32>
      %add3A_985 = arith.addf %add3A_894, %mul3A_984 : vector<16xf32>
      %add3A_986 = arith.addf %add3A_895, %select_n3A_983 : vector<16xf32>
      %get3A_987 = arith.constant 48 : index
      %get3A_988 = tpu.vector_load %arg13[%get3A_987] {strides = array<i32>} : memref<320xf32, #tpu.memory_space<vmem>>, vector<16xf32>,
      %max3A_989 = arith.maximumf %get3A_988, %select_n3A_983 : vector<16xf32>
      %swap3A_990 = arith.constant 48 : index
      %swap3A_991 = tpu.vector_load %arg13[%swap3A_990] {strides = array<i32>} : memref<320xf32, #tpu.memory_space<vmem>>, vector<16xf32>,
      tpu.vector_store %arg13[%swap3A_990], %max3A_989 {strides = array<i32>} : memref<320xf32, #tpu.memory_space<vmem>>, vector<16xf32>,
      %gt3A_992 = arith.cmpf ogt, %div3A_942, %select_n3A_902 : vector<16xf32>
      %select_n3A_993 = arith.select %gt3A_992, %div3A_942, %select_n3A_902 : vector<16xi1>, vector<16xf32>
      %add3A_994 = arith.constant 48 : i32
      %add3A_995 = arith.addi %mul3A_462, %add3A_994 : i32
      %add3A_996 = vector.broadcast %add3A_995 : i32 to vector<16xi32>
      %add3A_997 = arith.addi %iota3A, %add3A_996 : vector<16xi32>
      %select_n3A_998 = arith.select %gt3A_992, %add3A_997, %select_n3A_907 : vector<16xi1>, vector<16xi32>
      %select_n3A_999 = arith.select %gt3A_992, %add3A_977, %select_n3A_908 : vector<16xi1>, vector<16xf32>
      %get3A_1000 = arith.constant 0 : i32
      %get3A_1001 = arith.index_cast %get3A_1000 : i32 to index
      %get3A_1002 = arith.constant 64 : index
      %get3A_1003 = tpu.vector_load %arg8[%get3A_1001, %get3A_1002] {strides = array<i32>} : memref<4x320xf32, #tpu.memory_space<vmem>>, vector<16xf32>,
      %get3A_1004 = arith.constant 1 : i32
      %get3A_1005 = arith.index_cast %get3A_1004 : i32 to index
      %get3A_1006 = arith.constant 64 : index
      %get3A_1007 = tpu.vector_load %arg8[%get3A_1005, %get3A_1006] {strides = array<i32>} : memref<4x320xf32, #tpu.memory_space<vmem>>, vector<16xf32>,
      %get3A_1008 = arith.constant 2 : i32
      %get3A_1009 = arith.index_cast %get3A_1008 : i32 to index
      %get3A_1010 = arith.constant 64 : index
      %get3A_1011 = tpu.vector_load %arg8[%get3A_1009, %get3A_1010] {strides = array<i32>} : memref<4x320xf32, #tpu.memory_space<vmem>>, vector<16xf32>,
      %get3A_1012 = arith.constant 3 : i32
      %get3A_1013 = arith.index_cast %get3A_1012 : i32 to index
      %get3A_1014 = arith.constant 64 : index
      %get3A_1015 = tpu.vector_load %arg8[%get3A_1013, %get3A_1014] {strides = array<i32>} : memref<4x320xf32, #tpu.memory_space<vmem>>, vector<16xf32>,
      %get3A_1016 = arith.constant 64 : index
      %get3A_1017 = tpu.vector_load %arg9[%get3A_1016] {strides = array<i32>} : memref<320xf32, #tpu.memory_space<vmem>>, vector<16xf32>,
      %min3A_1018 = arith.minimumf %get3A_1011, %add3A_630 : vector<16xf32>
      %max3A_1019 = arith.maximumf %get3A_1003, %sub3A_622 : vector<16xf32>
      %sub3A_1020 = arith.subf %min3A_1018, %max3A_1019 : vector<16xf32>
      %max3A_1021 = arith.constant 0.000000e+00 : f32
      %max3A_1022 = vector.broadcast %max3A_1021 : f32 to vector<16xf32>
      %max3A_1023 = arith.maximumf %sub3A_1020, %max3A_1022 : vector<16xf32>
      %min3A_1024 = arith.minimumf %get3A_1015, %add3A_634 : vector<16xf32>
      %max3A_1025 = arith.maximumf %get3A_1007, %sub3A_626 : vector<16xf32>
      %sub3A_1026 = arith.subf %min3A_1024, %max3A_1025 : vector<16xf32>
      %max3A_1027 = arith.constant 0.000000e+00 : f32
      %max3A_1028 = vector.broadcast %max3A_1027 : f32 to vector<16xf32>
      %max3A_1029 = arith.maximumf %sub3A_1026, %max3A_1028 : vector<16xf32>
      %mul3A_1030 = arith.mulf %max3A_1023, %max3A_1029 : vector<16xf32>
      %add3A_1031 = arith.addf %get3A_1017, %mul3A_635 : vector<16xf32>
      %sub3A_1032 = arith.subf %add3A_1031, %mul3A_1030 : vector<16xf32>
      %div3A_1033 = arith.divf %mul3A_1030, %sub3A_1032 : vector<16xf32>
      %get3A_1034 = arith.constant 0 : i32
      %get3A_1035 = arith.constant 0 : i32
      %get3A_1036 = arith.index_cast %get3A_1034 : i32 to index
      %get3A_1037 = arith.index_cast %get3A_1035 : i32 to index
      %get3A_1038 = arith.constant 64 : index
      %get3A_1039 = tpu.vector_load %arg10[%get3A_1036, %get3A_1037, %get3A_1038] {strides = array<i32>} : memref<1x4x320xf32, #tpu.memory_space<vmem>>, vector<16xf32>,
      %get3A_1040 = arith.constant 0 : i32
      %get3A_1041 = arith.constant 1 : i32
      %get3A_1042 = arith.index_cast %get3A_1040 : i32 to index
      %get3A_1043 = arith.index_cast %get3A_1041 : i32 to index
      %get3A_1044 = arith.constant 64 : index
      %get3A_1045 = tpu.vector_load %arg10[%get3A_1042, %get3A_1043, %get3A_1044] {strides = array<i32>} : memref<1x4x320xf32, #tpu.memory_space<vmem>>, vector<16xf32>,
      %get3A_1046 = arith.constant 0 : i32
      %get3A_1047 = arith.constant 2 : i32
      %get3A_1048 = arith.index_cast %get3A_1046 : i32 to index
      %get3A_1049 = arith.index_cast %get3A_1047 : i32 to index
      %get3A_1050 = arith.constant 64 : index
      %get3A_1051 = tpu.vector_load %arg10[%get3A_1048, %get3A_1049, %get3A_1050] {strides = array<i32>} : memref<1x4x320xf32, #tpu.memory_space<vmem>>, vector<16xf32>,
      %get3A_1052 = arith.constant 0 : i32
      %get3A_1053 = arith.constant 3 : i32
      %get3A_1054 = arith.index_cast %get3A_1052 : i32 to index
      %get3A_1055 = arith.index_cast %get3A_1053 : i32 to index
      %get3A_1056 = arith.constant 64 : index
      %get3A_1057 = tpu.vector_load %arg10[%get3A_1054, %get3A_1055, %get3A_1056] {strides = array<i32>} : memref<1x4x320xf32, #tpu.memory_space<vmem>>, vector<16xf32>,
      %sub3A_1058 = arith.subf %get3A_1039, %sub3A_622 : vector<16xf32>
      %abs3A_1059 = math.absf %sub3A_1058 : vector<16xf32>
      %sub3A_1060 = arith.subf %get3A_1045, %sub3A_626 : vector<16xf32>
      %abs3A_1061 = math.absf %sub3A_1060 : vector<16xf32>
      %add3A_1062 = arith.addf %abs3A_1059, %abs3A_1061 : vector<16xf32>
      %sub3A_1063 = arith.subf %get3A_1051, %add3A_630 : vector<16xf32>
      %abs3A_1064 = math.absf %sub3A_1063 : vector<16xf32>
      %add3A_1065 = arith.addf %add3A_1062, %abs3A_1064 : vector<16xf32>
      %sub3A_1066 = arith.subf %get3A_1057, %add3A_634 : vector<16xf32>
      %abs3A_1067 = math.absf %sub3A_1066 : vector<16xf32>
      %add3A_1068 = arith.addf %add3A_1065, %abs3A_1067 : vector<16xf32>
      %gt3A_1069 = arith.constant 5.000000e-01 : f32
      %gt3A_1070 = vector.broadcast %gt3A_1069 : f32 to vector<16xf32>
      %gt3A_1071 = arith.cmpf ogt, %div3A_1033, %gt3A_1070 : vector<16xf32>
      %jit3A_1072 = arith.constant 0.000000e+00 : f32
      %broadcast_in_dim3A_1073 = vector.broadcast %jit3A_1072 : f32 to vector<16xf32>
      %select_n3A_1074 = arith.select %gt3A_1071, %gather3A_618, %broadcast_in_dim3A_1073 : vector<16xi1>, vector<16xf32>
      %mul3A_1075 = arith.mulf %select_n3A_1074, %add3A_1068 : vector<16xf32>
      %add3A_1076 = arith.addf %add3A_985, %mul3A_1075 : vector<16xf32>
      %add3A_1077 = arith.addf %add3A_986, %select_n3A_1074 : vector<16xf32>
      %get3A_1078 = arith.constant 64 : index
      %get3A_1079 = tpu.vector_load %arg13[%get3A_1078] {strides = array<i32>} : memref<320xf32, #tpu.memory_space<vmem>>, vector<16xf32>,
      %max3A_1080 = arith.maximumf %get3A_1079, %select_n3A_1074 : vector<16xf32>
      %swap3A_1081 = arith.constant 64 : index
      %swap3A_1082 = tpu.vector_load %arg13[%swap3A_1081] {strides = array<i32>} : memref<320xf32, #tpu.memory_space<vmem>>, vector<16xf32>,
      tpu.vector_store %arg13[%swap3A_1081], %max3A_1080 {strides = array<i32>} : memref<320xf32, #tpu.memory_space<vmem>>, vector<16xf32>,
      %gt3A_1083 = arith.cmpf ogt, %div3A_1033, %select_n3A_993 : vector<16xf32>
      %select_n3A_1084 = arith.select %gt3A_1083, %div3A_1033, %select_n3A_993 : vector<16xi1>, vector<16xf32>
      %add3A_1085 = arith.constant 64 : i32
      %add3A_1086 = arith.addi %mul3A_462, %add3A_1085 : i32
      %add3A_1087 = vector.broadcast %add3A_1086 : i32 to vector<16xi32>
      %add3A_1088 = arith.addi %iota3A, %add3A_1087 : vector<16xi32>
      %select_n3A_1089 = arith.select %gt3A_1083, %add3A_1088, %select_n3A_998 : vector<16xi1>, vector<16xi32>
      %select_n3A_1090 = arith.select %gt3A_1083, %add3A_1068, %select_n3A_999 : vector<16xi1>, vector<16xf32>
      %get3A_1091 = arith.constant 0 : i32
      %get3A_1092 = arith.index_cast %get3A_1091 : i32 to index
      %get3A_1093 = arith.constant 80 : index
      %get3A_1094 = tpu.vector_load %arg8[%get3A_1092, %get3A_1093] {strides = array<i32>} : memref<4x320xf32, #tpu.memory_space<vmem>>, vector<16xf32>,
      %get3A_1095 = arith.constant 1 : i32
      %get3A_1096 = arith.index_cast %get3A_1095 : i32 to index
      %get3A_1097 = arith.constant 80 : index
      %get3A_1098 = tpu.vector_load %arg8[%get3A_1096, %get3A_1097] {strides = array<i32>} : memref<4x320xf32, #tpu.memory_space<vmem>>, vector<16xf32>,
      %get3A_1099 = arith.constant 2 : i32
      %get3A_1100 = arith.index_cast %get3A_1099 : i32 to index
      %get3A_1101 = arith.constant 80 : index
      %get3A_1102 = tpu.vector_load %arg8[%get3A_1100, %get3A_1101] {strides = array<i32>} : memref<4x320xf32, #tpu.memory_space<vmem>>, vector<16xf32>,
      %get3A_1103 = arith.constant 3 : i32
      %get3A_1104 = arith.index_cast %get3A_1103 : i32 to index
      %get3A_1105 = arith.constant 80 : index
      %get3A_1106 = tpu.vector_load %arg8[%get3A_1104, %get3A_1105] {strides = array<i32>} : memref<4x320xf32, #tpu.memory_space<vmem>>, vector<16xf32>,
      %get3A_1107 = arith.constant 80 : index
      %get3A_1108 = tpu.vector_load %arg9[%get3A_1107] {strides = array<i32>} : memref<320xf32, #tpu.memory_space<vmem>>, vector<16xf32>,
      %min3A_1109 = arith.minimumf %get3A_1102, %add3A_630 : vector<16xf32>
      %max3A_1110 = arith.maximumf %get3A_1094, %sub3A_622 : vector<16xf32>
      %sub3A_1111 = arith.subf %min3A_1109, %max3A_1110 : vector<16xf32>
      %max3A_1112 = arith.constant 0.000000e+00 : f32
      %max3A_1113 = vector.broadcast %max3A_1112 : f32 to vector<16xf32>
      %max3A_1114 = arith.maximumf %sub3A_1111, %max3A_1113 : vector<16xf32>
      %min3A_1115 = arith.minimumf %get3A_1106, %add3A_634 : vector<16xf32>
      %max3A_1116 = arith.maximumf %get3A_1098, %sub3A_626 : vector<16xf32>
      %sub3A_1117 = arith.subf %min3A_1115, %max3A_1116 : vector<16xf32>
      %max3A_1118 = arith.constant 0.000000e+00 : f32
      %max3A_1119 = vector.broadcast %max3A_1118 : f32 to vector<16xf32>
      %max3A_1120 = arith.maximumf %sub3A_1117, %max3A_1119 : vector<16xf32>
      %mul3A_1121 = arith.mulf %max3A_1114, %max3A_1120 : vector<16xf32>
      %add3A_1122 = arith.addf %get3A_1108, %mul3A_635 : vector<16xf32>
      %sub3A_1123 = arith.subf %add3A_1122, %mul3A_1121 : vector<16xf32>
      %div3A_1124 = arith.divf %mul3A_1121, %sub3A_1123 : vector<16xf32>
      %get3A_1125 = arith.constant 0 : i32
      %get3A_1126 = arith.constant 0 : i32
      %get3A_1127 = arith.index_cast %get3A_1125 : i32 to index
      %get3A_1128 = arith.index_cast %get3A_1126 : i32 to index
      %get3A_1129 = arith.constant 80 : index
      %get3A_1130 = tpu.vector_load %arg10[%get3A_1127, %get3A_1128, %get3A_1129] {strides = array<i32>} : memref<1x4x320xf32, #tpu.memory_space<vmem>>, vector<16xf32>,
      %get3A_1131 = arith.constant 0 : i32
      %get3A_1132 = arith.constant 1 : i32
      %get3A_1133 = arith.index_cast %get3A_1131 : i32 to index
      %get3A_1134 = arith.index_cast %get3A_1132 : i32 to index
      %get3A_1135 = arith.constant 80 : index
      %get3A_1136 = tpu.vector_load %arg10[%get3A_1133, %get3A_1134, %get3A_1135] {strides = array<i32>} : memref<1x4x320xf32, #tpu.memory_space<vmem>>, vector<16xf32>,
      %get3A_1137 = arith.constant 0 : i32
      %get3A_1138 = arith.constant 2 : i32
      %get3A_1139 = arith.index_cast %get3A_1137 : i32 to index
      %get3A_1140 = arith.index_cast %get3A_1138 : i32 to index
      %get3A_1141 = arith.constant 80 : index
      %get3A_1142 = tpu.vector_load %arg10[%get3A_1139, %get3A_1140, %get3A_1141] {strides = array<i32>} : memref<1x4x320xf32, #tpu.memory_space<vmem>>, vector<16xf32>,
      %get3A_1143 = arith.constant 0 : i32
      %get3A_1144 = arith.constant 3 : i32
      %get3A_1145 = arith.index_cast %get3A_1143 : i32 to index
      %get3A_1146 = arith.index_cast %get3A_1144 : i32 to index
      %get3A_1147 = arith.constant 80 : index
      %get3A_1148 = tpu.vector_load %arg10[%get3A_1145, %get3A_1146, %get3A_1147] {strides = array<i32>} : memref<1x4x320xf32, #tpu.memory_space<vmem>>, vector<16xf32>,
      %sub3A_1149 = arith.subf %get3A_1130, %sub3A_622 : vector<16xf32>
      %abs3A_1150 = math.absf %sub3A_1149 : vector<16xf32>
      %sub3A_1151 = arith.subf %get3A_1136, %sub3A_626 : vector<16xf32>
      %abs3A_1152 = math.absf %sub3A_1151 : vector<16xf32>
      %add3A_1153 = arith.addf %abs3A_1150, %abs3A_1152 : vector<16xf32>
      %sub3A_1154 = arith.subf %get3A_1142, %add3A_630 : vector<16xf32>
      %abs3A_1155 = math.absf %sub3A_1154 : vector<16xf32>
      %add3A_1156 = arith.addf %add3A_1153, %abs3A_1155 : vector<16xf32>
      %sub3A_1157 = arith.subf %get3A_1148, %add3A_634 : vector<16xf32>
      %abs3A_1158 = math.absf %sub3A_1157 : vector<16xf32>
      %add3A_1159 = arith.addf %add3A_1156, %abs3A_1158 : vector<16xf32>
      %gt3A_1160 = arith.constant 5.000000e-01 : f32
      %gt3A_1161 = vector.broadcast %gt3A_1160 : f32 to vector<16xf32>
      %gt3A_1162 = arith.cmpf ogt, %div3A_1124, %gt3A_1161 : vector<16xf32>
      %jit3A_1163 = arith.constant 0.000000e+00 : f32
      %broadcast_in_dim3A_1164 = vector.broadcast %jit3A_1163 : f32 to vector<16xf32>
      %select_n3A_1165 = arith.select %gt3A_1162, %gather3A_618, %broadcast_in_dim3A_1164 : vector<16xi1>, vector<16xf32>
      %mul3A_1166 = arith.mulf %select_n3A_1165, %add3A_1159 : vector<16xf32>
      %add3A_1167 = arith.addf %add3A_1076, %mul3A_1166 : vector<16xf32>
      %add3A_1168 = arith.addf %add3A_1077, %select_n3A_1165 : vector<16xf32>
      %get3A_1169 = arith.constant 80 : index
      %get3A_1170 = tpu.vector_load %arg13[%get3A_1169] {strides = array<i32>} : memref<320xf32, #tpu.memory_space<vmem>>, vector<16xf32>,
      %max3A_1171 = arith.maximumf %get3A_1170, %select_n3A_1165 : vector<16xf32>
      %swap3A_1172 = arith.constant 80 : index
      %swap3A_1173 = tpu.vector_load %arg13[%swap3A_1172] {strides = array<i32>} : memref<320xf32, #tpu.memory_space<vmem>>, vector<16xf32>,
      tpu.vector_store %arg13[%swap3A_1172], %max3A_1171 {strides = array<i32>} : memref<320xf32, #tpu.memory_space<vmem>>, vector<16xf32>,
      %gt3A_1174 = arith.cmpf ogt, %div3A_1124, %select_n3A_1084 : vector<16xf32>
      %select_n3A_1175 = arith.select %gt3A_1174, %div3A_1124, %select_n3A_1084 : vector<16xi1>, vector<16xf32>
      %add3A_1176 = arith.constant 80 : i32
      %add3A_1177 = arith.addi %mul3A_462, %add3A_1176 : i32
      %add3A_1178 = vector.broadcast %add3A_1177 : i32 to vector<16xi32>
      %add3A_1179 = arith.addi %iota3A, %add3A_1178 : vector<16xi32>
      %select_n3A_1180 = arith.select %gt3A_1174, %add3A_1179, %select_n3A_1089 : vector<16xi1>, vector<16xi32>
      %select_n3A_1181 = arith.select %gt3A_1174, %add3A_1159, %select_n3A_1090 : vector<16xi1>, vector<16xf32>
      %get3A_1182 = arith.constant 0 : i32
      %get3A_1183 = arith.index_cast %get3A_1182 : i32 to index
      %get3A_1184 = arith.constant 96 : index
      %get3A_1185 = tpu.vector_load %arg8[%get3A_1183, %get3A_1184] {strides = array<i32>} : memref<4x320xf32, #tpu.memory_space<vmem>>, vector<16xf32>,
      %get3A_1186 = arith.constant 1 : i32
      %get3A_1187 = arith.index_cast %get3A_1186 : i32 to index
      %get3A_1188 = arith.constant 96 : index
      %get3A_1189 = tpu.vector_load %arg8[%get3A_1187, %get3A_1188] {strides = array<i32>} : memref<4x320xf32, #tpu.memory_space<vmem>>, vector<16xf32>,
      %get3A_1190 = arith.constant 2 : i32
      %get3A_1191 = arith.index_cast %get3A_1190 : i32 to index
      %get3A_1192 = arith.constant 96 : index
      %get3A_1193 = tpu.vector_load %arg8[%get3A_1191, %get3A_1192] {strides = array<i32>} : memref<4x320xf32, #tpu.memory_space<vmem>>, vector<16xf32>,
      %get3A_1194 = arith.constant 3 : i32
      %get3A_1195 = arith.index_cast %get3A_1194 : i32 to index
      %get3A_1196 = arith.constant 96 : index
      %get3A_1197 = tpu.vector_load %arg8[%get3A_1195, %get3A_1196] {strides = array<i32>} : memref<4x320xf32, #tpu.memory_space<vmem>>, vector<16xf32>,
      %get3A_1198 = arith.constant 96 : index
      %get3A_1199 = tpu.vector_load %arg9[%get3A_1198] {strides = array<i32>} : memref<320xf32, #tpu.memory_space<vmem>>, vector<16xf32>,
      %min3A_1200 = arith.minimumf %get3A_1193, %add3A_630 : vector<16xf32>
      %max3A_1201 = arith.maximumf %get3A_1185, %sub3A_622 : vector<16xf32>
      %sub3A_1202 = arith.subf %min3A_1200, %max3A_1201 : vector<16xf32>
      %max3A_1203 = arith.constant 0.000000e+00 : f32
      %max3A_1204 = vector.broadcast %max3A_1203 : f32 to vector<16xf32>
      %max3A_1205 = arith.maximumf %sub3A_1202, %max3A_1204 : vector<16xf32>
      %min3A_1206 = arith.minimumf %get3A_1197, %add3A_634 : vector<16xf32>
      %max3A_1207 = arith.maximumf %get3A_1189, %sub3A_626 : vector<16xf32>
      %sub3A_1208 = arith.subf %min3A_1206, %max3A_1207 : vector<16xf32>
      %max3A_1209 = arith.constant 0.000000e+00 : f32
      %max3A_1210 = vector.broadcast %max3A_1209 : f32 to vector<16xf32>
      %max3A_1211 = arith.maximumf %sub3A_1208, %max3A_1210 : vector<16xf32>
      %mul3A_1212 = arith.mulf %max3A_1205, %max3A_1211 : vector<16xf32>
      %add3A_1213 = arith.addf %get3A_1199, %mul3A_635 : vector<16xf32>
      %sub3A_1214 = arith.subf %add3A_1213, %mul3A_1212 : vector<16xf32>
      %div3A_1215 = arith.divf %mul3A_1212, %sub3A_1214 : vector<16xf32>
      %get3A_1216 = arith.constant 0 : i32
      %get3A_1217 = arith.constant 0 : i32
      %get3A_1218 = arith.index_cast %get3A_1216 : i32 to index
      %get3A_1219 = arith.index_cast %get3A_1217 : i32 to index
      %get3A_1220 = arith.constant 96 : index
      %get3A_1221 = tpu.vector_load %arg10[%get3A_1218, %get3A_1219, %get3A_1220] {strides = array<i32>} : memref<1x4x320xf32, #tpu.memory_space<vmem>>, vector<16xf32>,
      %get3A_1222 = arith.constant 0 : i32
      %get3A_1223 = arith.constant 1 : i32
      %get3A_1224 = arith.index_cast %get3A_1222 : i32 to index
      %get3A_1225 = arith.index_cast %get3A_1223 : i32 to index
      %get3A_1226 = arith.constant 96 : index
      %get3A_1227 = tpu.vector_load %arg10[%get3A_1224, %get3A_1225, %get3A_1226] {strides = array<i32>} : memref<1x4x320xf32, #tpu.memory_space<vmem>>, vector<16xf32>,
      %get3A_1228 = arith.constant 0 : i32
      %get3A_1229 = arith.constant 2 : i32
      %get3A_1230 = arith.index_cast %get3A_1228 : i32 to index
      %get3A_1231 = arith.index_cast %get3A_1229 : i32 to index
      %get3A_1232 = arith.constant 96 : index
      %get3A_1233 = tpu.vector_load %arg10[%get3A_1230, %get3A_1231, %get3A_1232] {strides = array<i32>} : memref<1x4x320xf32, #tpu.memory_space<vmem>>, vector<16xf32>,
      %get3A_1234 = arith.constant 0 : i32
      %get3A_1235 = arith.constant 3 : i32
      %get3A_1236 = arith.index_cast %get3A_1234 : i32 to index
      %get3A_1237 = arith.index_cast %get3A_1235 : i32 to index
      %get3A_1238 = arith.constant 96 : index
      %get3A_1239 = tpu.vector_load %arg10[%get3A_1236, %get3A_1237, %get3A_1238] {strides = array<i32>} : memref<1x4x320xf32, #tpu.memory_space<vmem>>, vector<16xf32>,
      %sub3A_1240 = arith.subf %get3A_1221, %sub3A_622 : vector<16xf32>
      %abs3A_1241 = math.absf %sub3A_1240 : vector<16xf32>
      %sub3A_1242 = arith.subf %get3A_1227, %sub3A_626 : vector<16xf32>
      %abs3A_1243 = math.absf %sub3A_1242 : vector<16xf32>
      %add3A_1244 = arith.addf %abs3A_1241, %abs3A_1243 : vector<16xf32>
      %sub3A_1245 = arith.subf %get3A_1233, %add3A_630 : vector<16xf32>
      %abs3A_1246 = math.absf %sub3A_1245 : vector<16xf32>
      %add3A_1247 = arith.addf %add3A_1244, %abs3A_1246 : vector<16xf32>
      %sub3A_1248 = arith.subf %get3A_1239, %add3A_634 : vector<16xf32>
      %abs3A_1249 = math.absf %sub3A_1248 : vector<16xf32>
      %add3A_1250 = arith.addf %add3A_1247, %abs3A_1249 : vector<16xf32>
      %gt3A_1251 = arith.constant 5.000000e-01 : f32
      %gt3A_1252 = vector.broadcast %gt3A_1251 : f32 to vector<16xf32>
      %gt3A_1253 = arith.cmpf ogt, %div3A_1215, %gt3A_1252 : vector<16xf32>
      %jit3A_1254 = arith.constant 0.000000e+00 : f32
      %broadcast_in_dim3A_1255 = vector.broadcast %jit3A_1254 : f32 to vector<16xf32>
      %select_n3A_1256 = arith.select %gt3A_1253, %gather3A_618, %broadcast_in_dim3A_1255 : vector<16xi1>, vector<16xf32>
      %mul3A_1257 = arith.mulf %select_n3A_1256, %add3A_1250 : vector<16xf32>
      %add3A_1258 = arith.addf %add3A_1167, %mul3A_1257 : vector<16xf32>
      %add3A_1259 = arith.addf %add3A_1168, %select_n3A_1256 : vector<16xf32>
      %get3A_1260 = arith.constant 96 : index
      %get3A_1261 = tpu.vector_load %arg13[%get3A_1260] {strides = array<i32>} : memref<320xf32, #tpu.memory_space<vmem>>, vector<16xf32>,
      %max3A_1262 = arith.maximumf %get3A_1261, %select_n3A_1256 : vector<16xf32>
      %swap3A_1263 = arith.constant 96 : index
      %swap3A_1264 = tpu.vector_load %arg13[%swap3A_1263] {strides = array<i32>} : memref<320xf32, #tpu.memory_space<vmem>>, vector<16xf32>,
      tpu.vector_store %arg13[%swap3A_1263], %max3A_1262 {strides = array<i32>} : memref<320xf32, #tpu.memory_space<vmem>>, vector<16xf32>,
      %gt3A_1265 = arith.cmpf ogt, %div3A_1215, %select_n3A_1175 : vector<16xf32>
      %select_n3A_1266 = arith.select %gt3A_1265, %div3A_1215, %select_n3A_1175 : vector<16xi1>, vector<16xf32>
      %add3A_1267 = arith.constant 96 : i32
      %add3A_1268 = arith.addi %mul3A_462, %add3A_1267 : i32
      %add3A_1269 = vector.broadcast %add3A_1268 : i32 to vector<16xi32>
      %add3A_1270 = arith.addi %iota3A, %add3A_1269 : vector<16xi32>
      %select_n3A_1271 = arith.select %gt3A_1265, %add3A_1270, %select_n3A_1180 : vector<16xi1>, vector<16xi32>
      %select_n3A_1272 = arith.select %gt3A_1265, %add3A_1250, %select_n3A_1181 : vector<16xi1>, vector<16xf32>
      %get3A_1273 = arith.constant 0 : i32
      %get3A_1274 = arith.index_cast %get3A_1273 : i32 to index
      %get3A_1275 = arith.constant 112 : index
      %get3A_1276 = tpu.vector_load %arg8[%get3A_1274, %get3A_1275] {strides = array<i32>} : memref<4x320xf32, #tpu.memory_space<vmem>>, vector<16xf32>,
      %get3A_1277 = arith.constant 1 : i32
      %get3A_1278 = arith.index_cast %get3A_1277 : i32 to index
      %get3A_1279 = arith.constant 112 : index
      %get3A_1280 = tpu.vector_load %arg8[%get3A_1278, %get3A_1279] {strides = array<i32>} : memref<4x320xf32, #tpu.memory_space<vmem>>, vector<16xf32>,
      %get3A_1281 = arith.constant 2 : i32
      %get3A_1282 = arith.index_cast %get3A_1281 : i32 to index
      %get3A_1283 = arith.constant 112 : index
      %get3A_1284 = tpu.vector_load %arg8[%get3A_1282, %get3A_1283] {strides = array<i32>} : memref<4x320xf32, #tpu.memory_space<vmem>>, vector<16xf32>,
      %get3A_1285 = arith.constant 3 : i32
      %get3A_1286 = arith.index_cast %get3A_1285 : i32 to index
      %get3A_1287 = arith.constant 112 : index
      %get3A_1288 = tpu.vector_load %arg8[%get3A_1286, %get3A_1287] {strides = array<i32>} : memref<4x320xf32, #tpu.memory_space<vmem>>, vector<16xf32>,
      %get3A_1289 = arith.constant 112 : index
      %get3A_1290 = tpu.vector_load %arg9[%get3A_1289] {strides = array<i32>} : memref<320xf32, #tpu.memory_space<vmem>>, vector<16xf32>,
      %min3A_1291 = arith.minimumf %get3A_1284, %add3A_630 : vector<16xf32>
      %max3A_1292 = arith.maximumf %get3A_1276, %sub3A_622 : vector<16xf32>
      %sub3A_1293 = arith.subf %min3A_1291, %max3A_1292 : vector<16xf32>
      %max3A_1294 = arith.constant 0.000000e+00 : f32
      %max3A_1295 = vector.broadcast %max3A_1294 : f32 to vector<16xf32>
      %max3A_1296 = arith.maximumf %sub3A_1293, %max3A_1295 : vector<16xf32>
      %min3A_1297 = arith.minimumf %get3A_1288, %add3A_634 : vector<16xf32>
      %max3A_1298 = arith.maximumf %get3A_1280, %sub3A_626 : vector<16xf32>
      %sub3A_1299 = arith.subf %min3A_1297, %max3A_1298 : vector<16xf32>
      %max3A_1300 = arith.constant 0.000000e+00 : f32
      %max3A_1301 = vector.broadcast %max3A_1300 : f32 to vector<16xf32>
      %max3A_1302 = arith.maximumf %sub3A_1299, %max3A_1301 : vector<16xf32>
      %mul3A_1303 = arith.mulf %max3A_1296, %max3A_1302 : vector<16xf32>
      %add3A_1304 = arith.addf %get3A_1290, %mul3A_635 : vector<16xf32>
      %sub3A_1305 = arith.subf %add3A_1304, %mul3A_1303 : vector<16xf32>
      %div3A_1306 = arith.divf %mul3A_1303, %sub3A_1305 : vector<16xf32>
      %get3A_1307 = arith.constant 0 : i32
      %get3A_1308 = arith.constant 0 : i32
      %get3A_1309 = arith.index_cast %get3A_1307 : i32 to index
      %get3A_1310 = arith.index_cast %get3A_1308 : i32 to index
      %get3A_1311 = arith.constant 112 : index
      %get3A_1312 = tpu.vector_load %arg10[%get3A_1309, %get3A_1310, %get3A_1311] {strides = array<i32>} : memref<1x4x320xf32, #tpu.memory_space<vmem>>, vector<16xf32>,
      %get3A_1313 = arith.constant 0 : i32
      %get3A_1314 = arith.constant 1 : i32
      %get3A_1315 = arith.index_cast %get3A_1313 : i32 to index
      %get3A_1316 = arith.index_cast %get3A_1314 : i32 to index
      %get3A_1317 = arith.constant 112 : index
      %get3A_1318 = tpu.vector_load %arg10[%get3A_1315, %get3A_1316, %get3A_1317] {strides = array<i32>} : memref<1x4x320xf32, #tpu.memory_space<vmem>>, vector<16xf32>,
      %get3A_1319 = arith.constant 0 : i32
      %get3A_1320 = arith.constant 2 : i32
      %get3A_1321 = arith.index_cast %get3A_1319 : i32 to index
      %get3A_1322 = arith.index_cast %get3A_1320 : i32 to index
      %get3A_1323 = arith.constant 112 : index
      %get3A_1324 = tpu.vector_load %arg10[%get3A_1321, %get3A_1322, %get3A_1323] {strides = array<i32>} : memref<1x4x320xf32, #tpu.memory_space<vmem>>, vector<16xf32>,
      %get3A_1325 = arith.constant 0 : i32
      %get3A_1326 = arith.constant 3 : i32
      %get3A_1327 = arith.index_cast %get3A_1325 : i32 to index
      %get3A_1328 = arith.index_cast %get3A_1326 : i32 to index
      %get3A_1329 = arith.constant 112 : index
      %get3A_1330 = tpu.vector_load %arg10[%get3A_1327, %get3A_1328, %get3A_1329] {strides = array<i32>} : memref<1x4x320xf32, #tpu.memory_space<vmem>>, vector<16xf32>,
      %sub3A_1331 = arith.subf %get3A_1312, %sub3A_622 : vector<16xf32>
      %abs3A_1332 = math.absf %sub3A_1331 : vector<16xf32>
      %sub3A_1333 = arith.subf %get3A_1318, %sub3A_626 : vector<16xf32>
      %abs3A_1334 = math.absf %sub3A_1333 : vector<16xf32>
      %add3A_1335 = arith.addf %abs3A_1332, %abs3A_1334 : vector<16xf32>
      %sub3A_1336 = arith.subf %get3A_1324, %add3A_630 : vector<16xf32>
      %abs3A_1337 = math.absf %sub3A_1336 : vector<16xf32>
      %add3A_1338 = arith.addf %add3A_1335, %abs3A_1337 : vector<16xf32>
      %sub3A_1339 = arith.subf %get3A_1330, %add3A_634 : vector<16xf32>
      %abs3A_1340 = math.absf %sub3A_1339 : vector<16xf32>
      %add3A_1341 = arith.addf %add3A_1338, %abs3A_1340 : vector<16xf32>
      %gt3A_1342 = arith.constant 5.000000e-01 : f32
      %gt3A_1343 = vector.broadcast %gt3A_1342 : f32 to vector<16xf32>
      %gt3A_1344 = arith.cmpf ogt, %div3A_1306, %gt3A_1343 : vector<16xf32>
      %jit3A_1345 = arith.constant 0.000000e+00 : f32
      %broadcast_in_dim3A_1346 = vector.broadcast %jit3A_1345 : f32 to vector<16xf32>
      %select_n3A_1347 = arith.select %gt3A_1344, %gather3A_618, %broadcast_in_dim3A_1346 : vector<16xi1>, vector<16xf32>
      %mul3A_1348 = arith.mulf %select_n3A_1347, %add3A_1341 : vector<16xf32>
      %add3A_1349 = arith.addf %add3A_1258, %mul3A_1348 : vector<16xf32>
      %add3A_1350 = arith.addf %add3A_1259, %select_n3A_1347 : vector<16xf32>
      %get3A_1351 = arith.constant 112 : index
      %get3A_1352 = tpu.vector_load %arg13[%get3A_1351] {strides = array<i32>} : memref<320xf32, #tpu.memory_space<vmem>>, vector<16xf32>,
      %max3A_1353 = arith.maximumf %get3A_1352, %select_n3A_1347 : vector<16xf32>
      %swap3A_1354 = arith.constant 112 : index
      %swap3A_1355 = tpu.vector_load %arg13[%swap3A_1354] {strides = array<i32>} : memref<320xf32, #tpu.memory_space<vmem>>, vector<16xf32>,
      tpu.vector_store %arg13[%swap3A_1354], %max3A_1353 {strides = array<i32>} : memref<320xf32, #tpu.memory_space<vmem>>, vector<16xf32>,
      %gt3A_1356 = arith.cmpf ogt, %div3A_1306, %select_n3A_1266 : vector<16xf32>
      %select_n3A_1357 = arith.select %gt3A_1356, %div3A_1306, %select_n3A_1266 : vector<16xi1>, vector<16xf32>
      %add3A_1358 = arith.constant 112 : i32
      %add3A_1359 = arith.addi %mul3A_462, %add3A_1358 : i32
      %add3A_1360 = vector.broadcast %add3A_1359 : i32 to vector<16xi32>
      %add3A_1361 = arith.addi %iota3A, %add3A_1360 : vector<16xi32>
      %select_n3A_1362 = arith.select %gt3A_1356, %add3A_1361, %select_n3A_1271 : vector<16xi1>, vector<16xi32>
      %select_n3A_1363 = arith.select %gt3A_1356, %add3A_1341, %select_n3A_1272 : vector<16xi1>, vector<16xf32>
      %get3A_1364 = arith.constant 0 : i32
      %get3A_1365 = arith.index_cast %get3A_1364 : i32 to index
      %get3A_1366 = arith.constant 128 : index
      %get3A_1367 = tpu.vector_load %arg8[%get3A_1365, %get3A_1366] {strides = array<i32>} : memref<4x320xf32, #tpu.memory_space<vmem>>, vector<16xf32>,
      %get3A_1368 = arith.constant 1 : i32
      %get3A_1369 = arith.index_cast %get3A_1368 : i32 to index
      %get3A_1370 = arith.constant 128 : index
      %get3A_1371 = tpu.vector_load %arg8[%get3A_1369, %get3A_1370] {strides = array<i32>} : memref<4x320xf32, #tpu.memory_space<vmem>>, vector<16xf32>,
      %get3A_1372 = arith.constant 2 : i32
      %get3A_1373 = arith.index_cast %get3A_1372 : i32 to index
      %get3A_1374 = arith.constant 128 : index
      %get3A_1375 = tpu.vector_load %arg8[%get3A_1373, %get3A_1374] {strides = array<i32>} : memref<4x320xf32, #tpu.memory_space<vmem>>, vector<16xf32>,
      %get3A_1376 = arith.constant 3 : i32
      %get3A_1377 = arith.index_cast %get3A_1376 : i32 to index
      %get3A_1378 = arith.constant 128 : index
      %get3A_1379 = tpu.vector_load %arg8[%get3A_1377, %get3A_1378] {strides = array<i32>} : memref<4x320xf32, #tpu.memory_space<vmem>>, vector<16xf32>,
      %get3A_1380 = arith.constant 128 : index
      %get3A_1381 = tpu.vector_load %arg9[%get3A_1380] {strides = array<i32>} : memref<320xf32, #tpu.memory_space<vmem>>, vector<16xf32>,
      %min3A_1382 = arith.minimumf %get3A_1375, %add3A_630 : vector<16xf32>
      %max3A_1383 = arith.maximumf %get3A_1367, %sub3A_622 : vector<16xf32>
      %sub3A_1384 = arith.subf %min3A_1382, %max3A_1383 : vector<16xf32>
      %max3A_1385 = arith.constant 0.000000e+00 : f32
      %max3A_1386 = vector.broadcast %max3A_1385 : f32 to vector<16xf32>
      %max3A_1387 = arith.maximumf %sub3A_1384, %max3A_1386 : vector<16xf32>
      %min3A_1388 = arith.minimumf %get3A_1379, %add3A_634 : vector<16xf32>
      %max3A_1389 = arith.maximumf %get3A_1371, %sub3A_626 : vector<16xf32>
      %sub3A_1390 = arith.subf %min3A_1388, %max3A_1389 : vector<16xf32>
      %max3A_1391 = arith.constant 0.000000e+00 : f32
      %max3A_1392 = vector.broadcast %max3A_1391 : f32 to vector<16xf32>
      %max3A_1393 = arith.maximumf %sub3A_1390, %max3A_1392 : vector<16xf32>
      %mul3A_1394 = arith.mulf %max3A_1387, %max3A_1393 : vector<16xf32>
      %add3A_1395 = arith.addf %get3A_1381, %mul3A_635 : vector<16xf32>
      %sub3A_1396 = arith.subf %add3A_1395, %mul3A_1394 : vector<16xf32>
      %div3A_1397 = arith.divf %mul3A_1394, %sub3A_1396 : vector<16xf32>
      %get3A_1398 = arith.constant 0 : i32
      %get3A_1399 = arith.constant 0 : i32
      %get3A_1400 = arith.index_cast %get3A_1398 : i32 to index
      %get3A_1401 = arith.index_cast %get3A_1399 : i32 to index
      %get3A_1402 = arith.constant 128 : index
      %get3A_1403 = tpu.vector_load %arg10[%get3A_1400, %get3A_1401, %get3A_1402] {strides = array<i32>} : memref<1x4x320xf32, #tpu.memory_space<vmem>>, vector<16xf32>,
      %get3A_1404 = arith.constant 0 : i32
      %get3A_1405 = arith.constant 1 : i32
      %get3A_1406 = arith.index_cast %get3A_1404 : i32 to index
      %get3A_1407 = arith.index_cast %get3A_1405 : i32 to index
      %get3A_1408 = arith.constant 128 : index
      %get3A_1409 = tpu.vector_load %arg10[%get3A_1406, %get3A_1407, %get3A_1408] {strides = array<i32>} : memref<1x4x320xf32, #tpu.memory_space<vmem>>, vector<16xf32>,
      %get3A_1410 = arith.constant 0 : i32
      %get3A_1411 = arith.constant 2 : i32
      %get3A_1412 = arith.index_cast %get3A_1410 : i32 to index
      %get3A_1413 = arith.index_cast %get3A_1411 : i32 to index
      %get3A_1414 = arith.constant 128 : index
      %get3A_1415 = tpu.vector_load %arg10[%get3A_1412, %get3A_1413, %get3A_1414] {strides = array<i32>} : memref<1x4x320xf32, #tpu.memory_space<vmem>>, vector<16xf32>,
      %get3A_1416 = arith.constant 0 : i32
      %get3A_1417 = arith.constant 3 : i32
      %get3A_1418 = arith.index_cast %get3A_1416 : i32 to index
      %get3A_1419 = arith.index_cast %get3A_1417 : i32 to index
      %get3A_1420 = arith.constant 128 : index
      %get3A_1421 = tpu.vector_load %arg10[%get3A_1418, %get3A_1419, %get3A_1420] {strides = array<i32>} : memref<1x4x320xf32, #tpu.memory_space<vmem>>, vector<16xf32>,
      %sub3A_1422 = arith.subf %get3A_1403, %sub3A_622 : vector<16xf32>
      %abs3A_1423 = math.absf %sub3A_1422 : vector<16xf32>
      %sub3A_1424 = arith.subf %get3A_1409, %sub3A_626 : vector<16xf32>
      %abs3A_1425 = math.absf %sub3A_1424 : vector<16xf32>
      %add3A_1426 = arith.addf %abs3A_1423, %abs3A_1425 : vector<16xf32>
      %sub3A_1427 = arith.subf %get3A_1415, %add3A_630 : vector<16xf32>
      %abs3A_1428 = math.absf %sub3A_1427 : vector<16xf32>
      %add3A_1429 = arith.addf %add3A_1426, %abs3A_1428 : vector<16xf32>
      %sub3A_1430 = arith.subf %get3A_1421, %add3A_634 : vector<16xf32>
      %abs3A_1431 = math.absf %sub3A_1430 : vector<16xf32>
      %add3A_1432 = arith.addf %add3A_1429, %abs3A_1431 : vector<16xf32>
      %gt3A_1433 = arith.constant 5.000000e-01 : f32
      %gt3A_1434 = vector.broadcast %gt3A_1433 : f32 to vector<16xf32>
      %gt3A_1435 = arith.cmpf ogt, %div3A_1397, %gt3A_1434 : vector<16xf32>
      %jit3A_1436 = arith.constant 0.000000e+00 : f32
      %broadcast_in_dim3A_1437 = vector.broadcast %jit3A_1436 : f32 to vector<16xf32>
      %select_n3A_1438 = arith.select %gt3A_1435, %gather3A_618, %broadcast_in_dim3A_1437 : vector<16xi1>, vector<16xf32>
      %mul3A_1439 = arith.mulf %select_n3A_1438, %add3A_1432 : vector<16xf32>
      %add3A_1440 = arith.addf %add3A_1349, %mul3A_1439 : vector<16xf32>
      %add3A_1441 = arith.addf %add3A_1350, %select_n3A_1438 : vector<16xf32>
      %get3A_1442 = arith.constant 128 : index
      %get3A_1443 = tpu.vector_load %arg13[%get3A_1442] {strides = array<i32>} : memref<320xf32, #tpu.memory_space<vmem>>, vector<16xf32>,
      %max3A_1444 = arith.maximumf %get3A_1443, %select_n3A_1438 : vector<16xf32>
      %swap3A_1445 = arith.constant 128 : index
      %swap3A_1446 = tpu.vector_load %arg13[%swap3A_1445] {strides = array<i32>} : memref<320xf32, #tpu.memory_space<vmem>>, vector<16xf32>,
      tpu.vector_store %arg13[%swap3A_1445], %max3A_1444 {strides = array<i32>} : memref<320xf32, #tpu.memory_space<vmem>>, vector<16xf32>,
      %gt3A_1447 = arith.cmpf ogt, %div3A_1397, %select_n3A_1357 : vector<16xf32>
      %select_n3A_1448 = arith.select %gt3A_1447, %div3A_1397, %select_n3A_1357 : vector<16xi1>, vector<16xf32>
      %add3A_1449 = arith.constant 128 : i32
      %add3A_1450 = arith.addi %mul3A_462, %add3A_1449 : i32
      %add3A_1451 = vector.broadcast %add3A_1450 : i32 to vector<16xi32>
      %add3A_1452 = arith.addi %iota3A, %add3A_1451 : vector<16xi32>
      %select_n3A_1453 = arith.select %gt3A_1447, %add3A_1452, %select_n3A_1362 : vector<16xi1>, vector<16xi32>
      %select_n3A_1454 = arith.select %gt3A_1447, %add3A_1432, %select_n3A_1363 : vector<16xi1>, vector<16xf32>
      %get3A_1455 = arith.constant 0 : i32
      %get3A_1456 = arith.index_cast %get3A_1455 : i32 to index
      %get3A_1457 = arith.constant 144 : index
      %get3A_1458 = tpu.vector_load %arg8[%get3A_1456, %get3A_1457] {strides = array<i32>} : memref<4x320xf32, #tpu.memory_space<vmem>>, vector<16xf32>,
      %get3A_1459 = arith.constant 1 : i32
      %get3A_1460 = arith.index_cast %get3A_1459 : i32 to index
      %get3A_1461 = arith.constant 144 : index
      %get3A_1462 = tpu.vector_load %arg8[%get3A_1460, %get3A_1461] {strides = array<i32>} : memref<4x320xf32, #tpu.memory_space<vmem>>, vector<16xf32>,
      %get3A_1463 = arith.constant 2 : i32
      %get3A_1464 = arith.index_cast %get3A_1463 : i32 to index
      %get3A_1465 = arith.constant 144 : index
      %get3A_1466 = tpu.vector_load %arg8[%get3A_1464, %get3A_1465] {strides = array<i32>} : memref<4x320xf32, #tpu.memory_space<vmem>>, vector<16xf32>,
      %get3A_1467 = arith.constant 3 : i32
      %get3A_1468 = arith.index_cast %get3A_1467 : i32 to index
      %get3A_1469 = arith.constant 144 : index
      %get3A_1470 = tpu.vector_load %arg8[%get3A_1468, %get3A_1469] {strides = array<i32>} : memref<4x320xf32, #tpu.memory_space<vmem>>, vector<16xf32>,
      %get3A_1471 = arith.constant 144 : index
      %get3A_1472 = tpu.vector_load %arg9[%get3A_1471] {strides = array<i32>} : memref<320xf32, #tpu.memory_space<vmem>>, vector<16xf32>,
      %min3A_1473 = arith.minimumf %get3A_1466, %add3A_630 : vector<16xf32>
      %max3A_1474 = arith.maximumf %get3A_1458, %sub3A_622 : vector<16xf32>
      %sub3A_1475 = arith.subf %min3A_1473, %max3A_1474 : vector<16xf32>
      %max3A_1476 = arith.constant 0.000000e+00 : f32
      %max3A_1477 = vector.broadcast %max3A_1476 : f32 to vector<16xf32>
      %max3A_1478 = arith.maximumf %sub3A_1475, %max3A_1477 : vector<16xf32>
      %min3A_1479 = arith.minimumf %get3A_1470, %add3A_634 : vector<16xf32>
      %max3A_1480 = arith.maximumf %get3A_1462, %sub3A_626 : vector<16xf32>
      %sub3A_1481 = arith.subf %min3A_1479, %max3A_1480 : vector<16xf32>
      %max3A_1482 = arith.constant 0.000000e+00 : f32
      %max3A_1483 = vector.broadcast %max3A_1482 : f32 to vector<16xf32>
      %max3A_1484 = arith.maximumf %sub3A_1481, %max3A_1483 : vector<16xf32>
      %mul3A_1485 = arith.mulf %max3A_1478, %max3A_1484 : vector<16xf32>
      %add3A_1486 = arith.addf %get3A_1472, %mul3A_635 : vector<16xf32>
      %sub3A_1487 = arith.subf %add3A_1486, %mul3A_1485 : vector<16xf32>
      %div3A_1488 = arith.divf %mul3A_1485, %sub3A_1487 : vector<16xf32>
      %get3A_1489 = arith.constant 0 : i32
      %get3A_1490 = arith.constant 0 : i32
      %get3A_1491 = arith.index_cast %get3A_1489 : i32 to index
      %get3A_1492 = arith.index_cast %get3A_1490 : i32 to index
      %get3A_1493 = arith.constant 144 : index
      %get3A_1494 = tpu.vector_load %arg10[%get3A_1491, %get3A_1492, %get3A_1493] {strides = array<i32>} : memref<1x4x320xf32, #tpu.memory_space<vmem>>, vector<16xf32>,
      %get3A_1495 = arith.constant 0 : i32
      %get3A_1496 = arith.constant 1 : i32
      %get3A_1497 = arith.index_cast %get3A_1495 : i32 to index
      %get3A_1498 = arith.index_cast %get3A_1496 : i32 to index
      %get3A_1499 = arith.constant 144 : index
      %get3A_1500 = tpu.vector_load %arg10[%get3A_1497, %get3A_1498, %get3A_1499] {strides = array<i32>} : memref<1x4x320xf32, #tpu.memory_space<vmem>>, vector<16xf32>,
      %get3A_1501 = arith.constant 0 : i32
      %get3A_1502 = arith.constant 2 : i32
      %get3A_1503 = arith.index_cast %get3A_1501 : i32 to index
      %get3A_1504 = arith.index_cast %get3A_1502 : i32 to index
      %get3A_1505 = arith.constant 144 : index
      %get3A_1506 = tpu.vector_load %arg10[%get3A_1503, %get3A_1504, %get3A_1505] {strides = array<i32>} : memref<1x4x320xf32, #tpu.memory_space<vmem>>, vector<16xf32>,
      %get3A_1507 = arith.constant 0 : i32
      %get3A_1508 = arith.constant 3 : i32
      %get3A_1509 = arith.index_cast %get3A_1507 : i32 to index
      %get3A_1510 = arith.index_cast %get3A_1508 : i32 to index
      %get3A_1511 = arith.constant 144 : index
      %get3A_1512 = tpu.vector_load %arg10[%get3A_1509, %get3A_1510, %get3A_1511] {strides = array<i32>} : memref<1x4x320xf32, #tpu.memory_space<vmem>>, vector<16xf32>,
      %sub3A_1513 = arith.subf %get3A_1494, %sub3A_622 : vector<16xf32>
      %abs3A_1514 = math.absf %sub3A_1513 : vector<16xf32>
      %sub3A_1515 = arith.subf %get3A_1500, %sub3A_626 : vector<16xf32>
      %abs3A_1516 = math.absf %sub3A_1515 : vector<16xf32>
      %add3A_1517 = arith.addf %abs3A_1514, %abs3A_1516 : vector<16xf32>
      %sub3A_1518 = arith.subf %get3A_1506, %add3A_630 : vector<16xf32>
      %abs3A_1519 = math.absf %sub3A_1518 : vector<16xf32>
      %add3A_1520 = arith.addf %add3A_1517, %abs3A_1519 : vector<16xf32>
      %sub3A_1521 = arith.subf %get3A_1512, %add3A_634 : vector<16xf32>
      %abs3A_1522 = math.absf %sub3A_1521 : vector<16xf32>
      %add3A_1523 = arith.addf %add3A_1520, %abs3A_1522 : vector<16xf32>
      %gt3A_1524 = arith.constant 5.000000e-01 : f32
      %gt3A_1525 = vector.broadcast %gt3A_1524 : f32 to vector<16xf32>
      %gt3A_1526 = arith.cmpf ogt, %div3A_1488, %gt3A_1525 : vector<16xf32>
      %jit3A_1527 = arith.constant 0.000000e+00 : f32
      %broadcast_in_dim3A_1528 = vector.broadcast %jit3A_1527 : f32 to vector<16xf32>
      %select_n3A_1529 = arith.select %gt3A_1526, %gather3A_618, %broadcast_in_dim3A_1528 : vector<16xi1>, vector<16xf32>
      %mul3A_1530 = arith.mulf %select_n3A_1529, %add3A_1523 : vector<16xf32>
      %add3A_1531 = arith.addf %add3A_1440, %mul3A_1530 : vector<16xf32>
      %add3A_1532 = arith.addf %add3A_1441, %select_n3A_1529 : vector<16xf32>
      %get3A_1533 = arith.constant 144 : index
      %get3A_1534 = tpu.vector_load %arg13[%get3A_1533] {strides = array<i32>} : memref<320xf32, #tpu.memory_space<vmem>>, vector<16xf32>,
      %max3A_1535 = arith.maximumf %get3A_1534, %select_n3A_1529 : vector<16xf32>
      %swap3A_1536 = arith.constant 144 : index
      %swap3A_1537 = tpu.vector_load %arg13[%swap3A_1536] {strides = array<i32>} : memref<320xf32, #tpu.memory_space<vmem>>, vector<16xf32>,
      tpu.vector_store %arg13[%swap3A_1536], %max3A_1535 {strides = array<i32>} : memref<320xf32, #tpu.memory_space<vmem>>, vector<16xf32>,
      %gt3A_1538 = arith.cmpf ogt, %div3A_1488, %select_n3A_1448 : vector<16xf32>
      %select_n3A_1539 = arith.select %gt3A_1538, %div3A_1488, %select_n3A_1448 : vector<16xi1>, vector<16xf32>
      %add3A_1540 = arith.constant 144 : i32
      %add3A_1541 = arith.addi %mul3A_462, %add3A_1540 : i32
      %add3A_1542 = vector.broadcast %add3A_1541 : i32 to vector<16xi32>
      %add3A_1543 = arith.addi %iota3A, %add3A_1542 : vector<16xi32>
      %select_n3A_1544 = arith.select %gt3A_1538, %add3A_1543, %select_n3A_1453 : vector<16xi1>, vector<16xi32>
      %select_n3A_1545 = arith.select %gt3A_1538, %add3A_1523, %select_n3A_1454 : vector<16xi1>, vector<16xf32>
      %get3A_1546 = arith.constant 0 : i32
      %get3A_1547 = arith.index_cast %get3A_1546 : i32 to index
      %get3A_1548 = arith.constant 160 : index
      %get3A_1549 = tpu.vector_load %arg8[%get3A_1547, %get3A_1548] {strides = array<i32>} : memref<4x320xf32, #tpu.memory_space<vmem>>, vector<16xf32>,
      %get3A_1550 = arith.constant 1 : i32
      %get3A_1551 = arith.index_cast %get3A_1550 : i32 to index
      %get3A_1552 = arith.constant 160 : index
      %get3A_1553 = tpu.vector_load %arg8[%get3A_1551, %get3A_1552] {strides = array<i32>} : memref<4x320xf32, #tpu.memory_space<vmem>>, vector<16xf32>,
      %get3A_1554 = arith.constant 2 : i32
      %get3A_1555 = arith.index_cast %get3A_1554 : i32 to index
      %get3A_1556 = arith.constant 160 : index
      %get3A_1557 = tpu.vector_load %arg8[%get3A_1555, %get3A_1556] {strides = array<i32>} : memref<4x320xf32, #tpu.memory_space<vmem>>, vector<16xf32>,
      %get3A_1558 = arith.constant 3 : i32
      %get3A_1559 = arith.index_cast %get3A_1558 : i32 to index
      %get3A_1560 = arith.constant 160 : index
      %get3A_1561 = tpu.vector_load %arg8[%get3A_1559, %get3A_1560] {strides = array<i32>} : memref<4x320xf32, #tpu.memory_space<vmem>>, vector<16xf32>,
      %get3A_1562 = arith.constant 160 : index
      %get3A_1563 = tpu.vector_load %arg9[%get3A_1562] {strides = array<i32>} : memref<320xf32, #tpu.memory_space<vmem>>, vector<16xf32>,
      %min3A_1564 = arith.minimumf %get3A_1557, %add3A_630 : vector<16xf32>
      %max3A_1565 = arith.maximumf %get3A_1549, %sub3A_622 : vector<16xf32>
      %sub3A_1566 = arith.subf %min3A_1564, %max3A_1565 : vector<16xf32>
      %max3A_1567 = arith.constant 0.000000e+00 : f32
      %max3A_1568 = vector.broadcast %max3A_1567 : f32 to vector<16xf32>
      %max3A_1569 = arith.maximumf %sub3A_1566, %max3A_1568 : vector<16xf32>
      %min3A_1570 = arith.minimumf %get3A_1561, %add3A_634 : vector<16xf32>
      %max3A_1571 = arith.maximumf %get3A_1553, %sub3A_626 : vector<16xf32>
      %sub3A_1572 = arith.subf %min3A_1570, %max3A_1571 : vector<16xf32>
      %max3A_1573 = arith.constant 0.000000e+00 : f32
      %max3A_1574 = vector.broadcast %max3A_1573 : f32 to vector<16xf32>
      %max3A_1575 = arith.maximumf %sub3A_1572, %max3A_1574 : vector<16xf32>
      %mul3A_1576 = arith.mulf %max3A_1569, %max3A_1575 : vector<16xf32>
      %add3A_1577 = arith.addf %get3A_1563, %mul3A_635 : vector<16xf32>
      %sub3A_1578 = arith.subf %add3A_1577, %mul3A_1576 : vector<16xf32>
      %div3A_1579 = arith.divf %mul3A_1576, %sub3A_1578 : vector<16xf32>
      %get3A_1580 = arith.constant 0 : i32
      %get3A_1581 = arith.constant 0 : i32
      %get3A_1582 = arith.index_cast %get3A_1580 : i32 to index
      %get3A_1583 = arith.index_cast %get3A_1581 : i32 to index
      %get3A_1584 = arith.constant 160 : index
      %get3A_1585 = tpu.vector_load %arg10[%get3A_1582, %get3A_1583, %get3A_1584] {strides = array<i32>} : memref<1x4x320xf32, #tpu.memory_space<vmem>>, vector<16xf32>,
      %get3A_1586 = arith.constant 0 : i32
      %get3A_1587 = arith.constant 1 : i32
      %get3A_1588 = arith.index_cast %get3A_1586 : i32 to index
      %get3A_1589 = arith.index_cast %get3A_1587 : i32 to index
      %get3A_1590 = arith.constant 160 : index
      %get3A_1591 = tpu.vector_load %arg10[%get3A_1588, %get3A_1589, %get3A_1590] {strides = array<i32>} : memref<1x4x320xf32, #tpu.memory_space<vmem>>, vector<16xf32>,
      %get3A_1592 = arith.constant 0 : i32
      %get3A_1593 = arith.constant 2 : i32
      %get3A_1594 = arith.index_cast %get3A_1592 : i32 to index
      %get3A_1595 = arith.index_cast %get3A_1593 : i32 to index
      %get3A_1596 = arith.constant 160 : index
      %get3A_1597 = tpu.vector_load %arg10[%get3A_1594, %get3A_1595, %get3A_1596] {strides = array<i32>} : memref<1x4x320xf32, #tpu.memory_space<vmem>>, vector<16xf32>,
      %get3A_1598 = arith.constant 0 : i32
      %get3A_1599 = arith.constant 3 : i32
      %get3A_1600 = arith.index_cast %get3A_1598 : i32 to index
      %get3A_1601 = arith.index_cast %get3A_1599 : i32 to index
      %get3A_1602 = arith.constant 160 : index
      %get3A_1603 = tpu.vector_load %arg10[%get3A_1600, %get3A_1601, %get3A_1602] {strides = array<i32>} : memref<1x4x320xf32, #tpu.memory_space<vmem>>, vector<16xf32>,
      %sub3A_1604 = arith.subf %get3A_1585, %sub3A_622 : vector<16xf32>
      %abs3A_1605 = math.absf %sub3A_1604 : vector<16xf32>
      %sub3A_1606 = arith.subf %get3A_1591, %sub3A_626 : vector<16xf32>
      %abs3A_1607 = math.absf %sub3A_1606 : vector<16xf32>
      %add3A_1608 = arith.addf %abs3A_1605, %abs3A_1607 : vector<16xf32>
      %sub3A_1609 = arith.subf %get3A_1597, %add3A_630 : vector<16xf32>
      %abs3A_1610 = math.absf %sub3A_1609 : vector<16xf32>
      %add3A_1611 = arith.addf %add3A_1608, %abs3A_1610 : vector<16xf32>
      %sub3A_1612 = arith.subf %get3A_1603, %add3A_634 : vector<16xf32>
      %abs3A_1613 = math.absf %sub3A_1612 : vector<16xf32>
      %add3A_1614 = arith.addf %add3A_1611, %abs3A_1613 : vector<16xf32>
      %gt3A_1615 = arith.constant 5.000000e-01 : f32
      %gt3A_1616 = vector.broadcast %gt3A_1615 : f32 to vector<16xf32>
      %gt3A_1617 = arith.cmpf ogt, %div3A_1579, %gt3A_1616 : vector<16xf32>
      %jit3A_1618 = arith.constant 0.000000e+00 : f32
      %broadcast_in_dim3A_1619 = vector.broadcast %jit3A_1618 : f32 to vector<16xf32>
      %select_n3A_1620 = arith.select %gt3A_1617, %gather3A_618, %broadcast_in_dim3A_1619 : vector<16xi1>, vector<16xf32>
      %mul3A_1621 = arith.mulf %select_n3A_1620, %add3A_1614 : vector<16xf32>
      %add3A_1622 = arith.addf %add3A_1531, %mul3A_1621 : vector<16xf32>
      %add3A_1623 = arith.addf %add3A_1532, %select_n3A_1620 : vector<16xf32>
      %get3A_1624 = arith.constant 160 : index
      %get3A_1625 = tpu.vector_load %arg13[%get3A_1624] {strides = array<i32>} : memref<320xf32, #tpu.memory_space<vmem>>, vector<16xf32>,
      %max3A_1626 = arith.maximumf %get3A_1625, %select_n3A_1620 : vector<16xf32>
      %swap3A_1627 = arith.constant 160 : index
      %swap3A_1628 = tpu.vector_load %arg13[%swap3A_1627] {strides = array<i32>} : memref<320xf32, #tpu.memory_space<vmem>>, vector<16xf32>,
      tpu.vector_store %arg13[%swap3A_1627], %max3A_1626 {strides = array<i32>} : memref<320xf32, #tpu.memory_space<vmem>>, vector<16xf32>,
      %gt3A_1629 = arith.cmpf ogt, %div3A_1579, %select_n3A_1539 : vector<16xf32>
      %select_n3A_1630 = arith.select %gt3A_1629, %div3A_1579, %select_n3A_1539 : vector<16xi1>, vector<16xf32>
      %add3A_1631 = arith.constant 160 : i32
      %add3A_1632 = arith.addi %mul3A_462, %add3A_1631 : i32
      %add3A_1633 = vector.broadcast %add3A_1632 : i32 to vector<16xi32>
      %add3A_1634 = arith.addi %iota3A, %add3A_1633 : vector<16xi32>
      %select_n3A_1635 = arith.select %gt3A_1629, %add3A_1634, %select_n3A_1544 : vector<16xi1>, vector<16xi32>
      %select_n3A_1636 = arith.select %gt3A_1629, %add3A_1614, %select_n3A_1545 : vector<16xi1>, vector<16xf32>
      %get3A_1637 = arith.constant 0 : i32
      %get3A_1638 = arith.index_cast %get3A_1637 : i32 to index
      %get3A_1639 = arith.constant 176 : index
      %get3A_1640 = tpu.vector_load %arg8[%get3A_1638, %get3A_1639] {strides = array<i32>} : memref<4x320xf32, #tpu.memory_space<vmem>>, vector<16xf32>,
      %get3A_1641 = arith.constant 1 : i32
      %get3A_1642 = arith.index_cast %get3A_1641 : i32 to index
      %get3A_1643 = arith.constant 176 : index
      %get3A_1644 = tpu.vector_load %arg8[%get3A_1642, %get3A_1643] {strides = array<i32>} : memref<4x320xf32, #tpu.memory_space<vmem>>, vector<16xf32>,
      %get3A_1645 = arith.constant 2 : i32
      %get3A_1646 = arith.index_cast %get3A_1645 : i32 to index
      %get3A_1647 = arith.constant 176 : index
      %get3A_1648 = tpu.vector_load %arg8[%get3A_1646, %get3A_1647] {strides = array<i32>} : memref<4x320xf32, #tpu.memory_space<vmem>>, vector<16xf32>,
      %get3A_1649 = arith.constant 3 : i32
      %get3A_1650 = arith.index_cast %get3A_1649 : i32 to index
      %get3A_1651 = arith.constant 176 : index
      %get3A_1652 = tpu.vector_load %arg8[%get3A_1650, %get3A_1651] {strides = array<i32>} : memref<4x320xf32, #tpu.memory_space<vmem>>, vector<16xf32>,
      %get3A_1653 = arith.constant 176 : index
      %get3A_1654 = tpu.vector_load %arg9[%get3A_1653] {strides = array<i32>} : memref<320xf32, #tpu.memory_space<vmem>>, vector<16xf32>,
      %min3A_1655 = arith.minimumf %get3A_1648, %add3A_630 : vector<16xf32>
      %max3A_1656 = arith.maximumf %get3A_1640, %sub3A_622 : vector<16xf32>
      %sub3A_1657 = arith.subf %min3A_1655, %max3A_1656 : vector<16xf32>
      %max3A_1658 = arith.constant 0.000000e+00 : f32
      %max3A_1659 = vector.broadcast %max3A_1658 : f32 to vector<16xf32>
      %max3A_1660 = arith.maximumf %sub3A_1657, %max3A_1659 : vector<16xf32>
      %min3A_1661 = arith.minimumf %get3A_1652, %add3A_634 : vector<16xf32>
      %max3A_1662 = arith.maximumf %get3A_1644, %sub3A_626 : vector<16xf32>
      %sub3A_1663 = arith.subf %min3A_1661, %max3A_1662 : vector<16xf32>
      %max3A_1664 = arith.constant 0.000000e+00 : f32
      %max3A_1665 = vector.broadcast %max3A_1664 : f32 to vector<16xf32>
      %max3A_1666 = arith.maximumf %sub3A_1663, %max3A_1665 : vector<16xf32>
      %mul3A_1667 = arith.mulf %max3A_1660, %max3A_1666 : vector<16xf32>
      %add3A_1668 = arith.addf %get3A_1654, %mul3A_635 : vector<16xf32>
      %sub3A_1669 = arith.subf %add3A_1668, %mul3A_1667 : vector<16xf32>
      %div3A_1670 = arith.divf %mul3A_1667, %sub3A_1669 : vector<16xf32>
      %get3A_1671 = arith.constant 0 : i32
      %get3A_1672 = arith.constant 0 : i32
      %get3A_1673 = arith.index_cast %get3A_1671 : i32 to index
      %get3A_1674 = arith.index_cast %get3A_1672 : i32 to index
      %get3A_1675 = arith.constant 176 : index
      %get3A_1676 = tpu.vector_load %arg10[%get3A_1673, %get3A_1674, %get3A_1675] {strides = array<i32>} : memref<1x4x320xf32, #tpu.memory_space<vmem>>, vector<16xf32>,
      %get3A_1677 = arith.constant 0 : i32
      %get3A_1678 = arith.constant 1 : i32
      %get3A_1679 = arith.index_cast %get3A_1677 : i32 to index
      %get3A_1680 = arith.index_cast %get3A_1678 : i32 to index
      %get3A_1681 = arith.constant 176 : index
      %get3A_1682 = tpu.vector_load %arg10[%get3A_1679, %get3A_1680, %get3A_1681] {strides = array<i32>} : memref<1x4x320xf32, #tpu.memory_space<vmem>>, vector<16xf32>,
      %get3A_1683 = arith.constant 0 : i32
      %get3A_1684 = arith.constant 2 : i32
      %get3A_1685 = arith.index_cast %get3A_1683 : i32 to index
      %get3A_1686 = arith.index_cast %get3A_1684 : i32 to index
      %get3A_1687 = arith.constant 176 : index
      %get3A_1688 = tpu.vector_load %arg10[%get3A_1685, %get3A_1686, %get3A_1687] {strides = array<i32>} : memref<1x4x320xf32, #tpu.memory_space<vmem>>, vector<16xf32>,
      %get3A_1689 = arith.constant 0 : i32
      %get3A_1690 = arith.constant 3 : i32
      %get3A_1691 = arith.index_cast %get3A_1689 : i32 to index
      %get3A_1692 = arith.index_cast %get3A_1690 : i32 to index
      %get3A_1693 = arith.constant 176 : index
      %get3A_1694 = tpu.vector_load %arg10[%get3A_1691, %get3A_1692, %get3A_1693] {strides = array<i32>} : memref<1x4x320xf32, #tpu.memory_space<vmem>>, vector<16xf32>,
      %sub3A_1695 = arith.subf %get3A_1676, %sub3A_622 : vector<16xf32>
      %abs3A_1696 = math.absf %sub3A_1695 : vector<16xf32>
      %sub3A_1697 = arith.subf %get3A_1682, %sub3A_626 : vector<16xf32>
      %abs3A_1698 = math.absf %sub3A_1697 : vector<16xf32>
      %add3A_1699 = arith.addf %abs3A_1696, %abs3A_1698 : vector<16xf32>
      %sub3A_1700 = arith.subf %get3A_1688, %add3A_630 : vector<16xf32>
      %abs3A_1701 = math.absf %sub3A_1700 : vector<16xf32>
      %add3A_1702 = arith.addf %add3A_1699, %abs3A_1701 : vector<16xf32>
      %sub3A_1703 = arith.subf %get3A_1694, %add3A_634 : vector<16xf32>
      %abs3A_1704 = math.absf %sub3A_1703 : vector<16xf32>
      %add3A_1705 = arith.addf %add3A_1702, %abs3A_1704 : vector<16xf32>
      %gt3A_1706 = arith.constant 5.000000e-01 : f32
      %gt3A_1707 = vector.broadcast %gt3A_1706 : f32 to vector<16xf32>
      %gt3A_1708 = arith.cmpf ogt, %div3A_1670, %gt3A_1707 : vector<16xf32>
      %jit3A_1709 = arith.constant 0.000000e+00 : f32
      %broadcast_in_dim3A_1710 = vector.broadcast %jit3A_1709 : f32 to vector<16xf32>
      %select_n3A_1711 = arith.select %gt3A_1708, %gather3A_618, %broadcast_in_dim3A_1710 : vector<16xi1>, vector<16xf32>
      %mul3A_1712 = arith.mulf %select_n3A_1711, %add3A_1705 : vector<16xf32>
      %add3A_1713 = arith.addf %add3A_1622, %mul3A_1712 : vector<16xf32>
      %add3A_1714 = arith.addf %add3A_1623, %select_n3A_1711 : vector<16xf32>
      %get3A_1715 = arith.constant 176 : index
      %get3A_1716 = tpu.vector_load %arg13[%get3A_1715] {strides = array<i32>} : memref<320xf32, #tpu.memory_space<vmem>>, vector<16xf32>,
      %max3A_1717 = arith.maximumf %get3A_1716, %select_n3A_1711 : vector<16xf32>
      %swap3A_1718 = arith.constant 176 : index
      %swap3A_1719 = tpu.vector_load %arg13[%swap3A_1718] {strides = array<i32>} : memref<320xf32, #tpu.memory_space<vmem>>, vector<16xf32>,
      tpu.vector_store %arg13[%swap3A_1718], %max3A_1717 {strides = array<i32>} : memref<320xf32, #tpu.memory_space<vmem>>, vector<16xf32>,
      %gt3A_1720 = arith.cmpf ogt, %div3A_1670, %select_n3A_1630 : vector<16xf32>
      %select_n3A_1721 = arith.select %gt3A_1720, %div3A_1670, %select_n3A_1630 : vector<16xi1>, vector<16xf32>
      %add3A_1722 = arith.constant 176 : i32
      %add3A_1723 = arith.addi %mul3A_462, %add3A_1722 : i32
      %add3A_1724 = vector.broadcast %add3A_1723 : i32 to vector<16xi32>
      %add3A_1725 = arith.addi %iota3A, %add3A_1724 : vector<16xi32>
      %select_n3A_1726 = arith.select %gt3A_1720, %add3A_1725, %select_n3A_1635 : vector<16xi1>, vector<16xi32>
      %select_n3A_1727 = arith.select %gt3A_1720, %add3A_1705, %select_n3A_1636 : vector<16xi1>, vector<16xf32>
      %get3A_1728 = arith.constant 0 : i32
      %get3A_1729 = arith.index_cast %get3A_1728 : i32 to index
      %get3A_1730 = arith.constant 192 : index
      %get3A_1731 = tpu.vector_load %arg8[%get3A_1729, %get3A_1730] {strides = array<i32>} : memref<4x320xf32, #tpu.memory_space<vmem>>, vector<16xf32>,
      %get3A_1732 = arith.constant 1 : i32
      %get3A_1733 = arith.index_cast %get3A_1732 : i32 to index
      %get3A_1734 = arith.constant 192 : index
      %get3A_1735 = tpu.vector_load %arg8[%get3A_1733, %get3A_1734] {strides = array<i32>} : memref<4x320xf32, #tpu.memory_space<vmem>>, vector<16xf32>,
      %get3A_1736 = arith.constant 2 : i32
      %get3A_1737 = arith.index_cast %get3A_1736 : i32 to index
      %get3A_1738 = arith.constant 192 : index
      %get3A_1739 = tpu.vector_load %arg8[%get3A_1737, %get3A_1738] {strides = array<i32>} : memref<4x320xf32, #tpu.memory_space<vmem>>, vector<16xf32>,
      %get3A_1740 = arith.constant 3 : i32
      %get3A_1741 = arith.index_cast %get3A_1740 : i32 to index
      %get3A_1742 = arith.constant 192 : index
      %get3A_1743 = tpu.vector_load %arg8[%get3A_1741, %get3A_1742] {strides = array<i32>} : memref<4x320xf32, #tpu.memory_space<vmem>>, vector<16xf32>,
      %get3A_1744 = arith.constant 192 : index
      %get3A_1745 = tpu.vector_load %arg9[%get3A_1744] {strides = array<i32>} : memref<320xf32, #tpu.memory_space<vmem>>, vector<16xf32>,
      %min3A_1746 = arith.minimumf %get3A_1739, %add3A_630 : vector<16xf32>
      %max3A_1747 = arith.maximumf %get3A_1731, %sub3A_622 : vector<16xf32>
      %sub3A_1748 = arith.subf %min3A_1746, %max3A_1747 : vector<16xf32>
      %max3A_1749 = arith.constant 0.000000e+00 : f32
      %max3A_1750 = vector.broadcast %max3A_1749 : f32 to vector<16xf32>
      %max3A_1751 = arith.maximumf %sub3A_1748, %max3A_1750 : vector<16xf32>
      %min3A_1752 = arith.minimumf %get3A_1743, %add3A_634 : vector<16xf32>
      %max3A_1753 = arith.maximumf %get3A_1735, %sub3A_626 : vector<16xf32>
      %sub3A_1754 = arith.subf %min3A_1752, %max3A_1753 : vector<16xf32>
      %max3A_1755 = arith.constant 0.000000e+00 : f32
      %max3A_1756 = vector.broadcast %max3A_1755 : f32 to vector<16xf32>
      %max3A_1757 = arith.maximumf %sub3A_1754, %max3A_1756 : vector<16xf32>
      %mul3A_1758 = arith.mulf %max3A_1751, %max3A_1757 : vector<16xf32>
      %add3A_1759 = arith.addf %get3A_1745, %mul3A_635 : vector<16xf32>
      %sub3A_1760 = arith.subf %add3A_1759, %mul3A_1758 : vector<16xf32>
      %div3A_1761 = arith.divf %mul3A_1758, %sub3A_1760 : vector<16xf32>
      %get3A_1762 = arith.constant 0 : i32
      %get3A_1763 = arith.constant 0 : i32
      %get3A_1764 = arith.index_cast %get3A_1762 : i32 to index
      %get3A_1765 = arith.index_cast %get3A_1763 : i32 to index
      %get3A_1766 = arith.constant 192 : index
      %get3A_1767 = tpu.vector_load %arg10[%get3A_1764, %get3A_1765, %get3A_1766] {strides = array<i32>} : memref<1x4x320xf32, #tpu.memory_space<vmem>>, vector<16xf32>,
      %get3A_1768 = arith.constant 0 : i32
      %get3A_1769 = arith.constant 1 : i32
      %get3A_1770 = arith.index_cast %get3A_1768 : i32 to index
      %get3A_1771 = arith.index_cast %get3A_1769 : i32 to index
      %get3A_1772 = arith.constant 192 : index
      %get3A_1773 = tpu.vector_load %arg10[%get3A_1770, %get3A_1771, %get3A_1772] {strides = array<i32>} : memref<1x4x320xf32, #tpu.memory_space<vmem>>, vector<16xf32>,
      %get3A_1774 = arith.constant 0 : i32
      %get3A_1775 = arith.constant 2 : i32
      %get3A_1776 = arith.index_cast %get3A_1774 : i32 to index
      %get3A_1777 = arith.index_cast %get3A_1775 : i32 to index
      %get3A_1778 = arith.constant 192 : index
      %get3A_1779 = tpu.vector_load %arg10[%get3A_1776, %get3A_1777, %get3A_1778] {strides = array<i32>} : memref<1x4x320xf32, #tpu.memory_space<vmem>>, vector<16xf32>,
      %get3A_1780 = arith.constant 0 : i32
      %get3A_1781 = arith.constant 3 : i32
      %get3A_1782 = arith.index_cast %get3A_1780 : i32 to index
      %get3A_1783 = arith.index_cast %get3A_1781 : i32 to index
      %get3A_1784 = arith.constant 192 : index
      %get3A_1785 = tpu.vector_load %arg10[%get3A_1782, %get3A_1783, %get3A_1784] {strides = array<i32>} : memref<1x4x320xf32, #tpu.memory_space<vmem>>, vector<16xf32>,
      %sub3A_1786 = arith.subf %get3A_1767, %sub3A_622 : vector<16xf32>
      %abs3A_1787 = math.absf %sub3A_1786 : vector<16xf32>
      %sub3A_1788 = arith.subf %get3A_1773, %sub3A_626 : vector<16xf32>
      %abs3A_1789 = math.absf %sub3A_1788 : vector<16xf32>
      %add3A_1790 = arith.addf %abs3A_1787, %abs3A_1789 : vector<16xf32>
      %sub3A_1791 = arith.subf %get3A_1779, %add3A_630 : vector<16xf32>
      %abs3A_1792 = math.absf %sub3A_1791 : vector<16xf32>
      %add3A_1793 = arith.addf %add3A_1790, %abs3A_1792 : vector<16xf32>
      %sub3A_1794 = arith.subf %get3A_1785, %add3A_634 : vector<16xf32>
      %abs3A_1795 = math.absf %sub3A_1794 : vector<16xf32>
      %add3A_1796 = arith.addf %add3A_1793, %abs3A_1795 : vector<16xf32>
      %gt3A_1797 = arith.constant 5.000000e-01 : f32
      %gt3A_1798 = vector.broadcast %gt3A_1797 : f32 to vector<16xf32>
      %gt3A_1799 = arith.cmpf ogt, %div3A_1761, %gt3A_1798 : vector<16xf32>
      %jit3A_1800 = arith.constant 0.000000e+00 : f32
      %broadcast_in_dim3A_1801 = vector.broadcast %jit3A_1800 : f32 to vector<16xf32>
      %select_n3A_1802 = arith.select %gt3A_1799, %gather3A_618, %broadcast_in_dim3A_1801 : vector<16xi1>, vector<16xf32>
      %mul3A_1803 = arith.mulf %select_n3A_1802, %add3A_1796 : vector<16xf32>
      %add3A_1804 = arith.addf %add3A_1713, %mul3A_1803 : vector<16xf32>
      %add3A_1805 = arith.addf %add3A_1714, %select_n3A_1802 : vector<16xf32>
      %get3A_1806 = arith.constant 192 : index
      %get3A_1807 = tpu.vector_load %arg13[%get3A_1806] {strides = array<i32>} : memref<320xf32, #tpu.memory_space<vmem>>, vector<16xf32>,
      %max3A_1808 = arith.maximumf %get3A_1807, %select_n3A_1802 : vector<16xf32>
      %swap3A_1809 = arith.constant 192 : index
      %swap3A_1810 = tpu.vector_load %arg13[%swap3A_1809] {strides = array<i32>} : memref<320xf32, #tpu.memory_space<vmem>>, vector<16xf32>,
      tpu.vector_store %arg13[%swap3A_1809], %max3A_1808 {strides = array<i32>} : memref<320xf32, #tpu.memory_space<vmem>>, vector<16xf32>,
      %gt3A_1811 = arith.cmpf ogt, %div3A_1761, %select_n3A_1721 : vector<16xf32>
      %select_n3A_1812 = arith.select %gt3A_1811, %div3A_1761, %select_n3A_1721 : vector<16xi1>, vector<16xf32>
      %add3A_1813 = arith.constant 192 : i32
      %add3A_1814 = arith.addi %mul3A_462, %add3A_1813 : i32
      %add3A_1815 = vector.broadcast %add3A_1814 : i32 to vector<16xi32>
      %add3A_1816 = arith.addi %iota3A, %add3A_1815 : vector<16xi32>
      %select_n3A_1817 = arith.select %gt3A_1811, %add3A_1816, %select_n3A_1726 : vector<16xi1>, vector<16xi32>
      %select_n3A_1818 = arith.select %gt3A_1811, %add3A_1796, %select_n3A_1727 : vector<16xi1>, vector<16xf32>
      %get3A_1819 = arith.constant 0 : i32
      %get3A_1820 = arith.index_cast %get3A_1819 : i32 to index
      %get3A_1821 = arith.constant 208 : index
      %get3A_1822 = tpu.vector_load %arg8[%get3A_1820, %get3A_1821] {strides = array<i32>} : memref<4x320xf32, #tpu.memory_space<vmem>>, vector<16xf32>,
      %get3A_1823 = arith.constant 1 : i32
      %get3A_1824 = arith.index_cast %get3A_1823 : i32 to index
      %get3A_1825 = arith.constant 208 : index
      %get3A_1826 = tpu.vector_load %arg8[%get3A_1824, %get3A_1825] {strides = array<i32>} : memref<4x320xf32, #tpu.memory_space<vmem>>, vector<16xf32>,
      %get3A_1827 = arith.constant 2 : i32
      %get3A_1828 = arith.index_cast %get3A_1827 : i32 to index
      %get3A_1829 = arith.constant 208 : index
      %get3A_1830 = tpu.vector_load %arg8[%get3A_1828, %get3A_1829] {strides = array<i32>} : memref<4x320xf32, #tpu.memory_space<vmem>>, vector<16xf32>,
      %get3A_1831 = arith.constant 3 : i32
      %get3A_1832 = arith.index_cast %get3A_1831 : i32 to index
      %get3A_1833 = arith.constant 208 : index
      %get3A_1834 = tpu.vector_load %arg8[%get3A_1832, %get3A_1833] {strides = array<i32>} : memref<4x320xf32, #tpu.memory_space<vmem>>, vector<16xf32>,
      %get3A_1835 = arith.constant 208 : index
      %get3A_1836 = tpu.vector_load %arg9[%get3A_1835] {strides = array<i32>} : memref<320xf32, #tpu.memory_space<vmem>>, vector<16xf32>,
      %min3A_1837 = arith.minimumf %get3A_1830, %add3A_630 : vector<16xf32>
      %max3A_1838 = arith.maximumf %get3A_1822, %sub3A_622 : vector<16xf32>
      %sub3A_1839 = arith.subf %min3A_1837, %max3A_1838 : vector<16xf32>
      %max3A_1840 = arith.constant 0.000000e+00 : f32
      %max3A_1841 = vector.broadcast %max3A_1840 : f32 to vector<16xf32>
      %max3A_1842 = arith.maximumf %sub3A_1839, %max3A_1841 : vector<16xf32>
      %min3A_1843 = arith.minimumf %get3A_1834, %add3A_634 : vector<16xf32>
      %max3A_1844 = arith.maximumf %get3A_1826, %sub3A_626 : vector<16xf32>
      %sub3A_1845 = arith.subf %min3A_1843, %max3A_1844 : vector<16xf32>
      %max3A_1846 = arith.constant 0.000000e+00 : f32
      %max3A_1847 = vector.broadcast %max3A_1846 : f32 to vector<16xf32>
      %max3A_1848 = arith.maximumf %sub3A_1845, %max3A_1847 : vector<16xf32>
      %mul3A_1849 = arith.mulf %max3A_1842, %max3A_1848 : vector<16xf32>
      %add3A_1850 = arith.addf %get3A_1836, %mul3A_635 : vector<16xf32>
      %sub3A_1851 = arith.subf %add3A_1850, %mul3A_1849 : vector<16xf32>
      %div3A_1852 = arith.divf %mul3A_1849, %sub3A_1851 : vector<16xf32>
      %get3A_1853 = arith.constant 0 : i32
      %get3A_1854 = arith.constant 0 : i32
      %get3A_1855 = arith.index_cast %get3A_1853 : i32 to index
      %get3A_1856 = arith.index_cast %get3A_1854 : i32 to index
      %get3A_1857 = arith.constant 208 : index
      %get3A_1858 = tpu.vector_load %arg10[%get3A_1855, %get3A_1856, %get3A_1857] {strides = array<i32>} : memref<1x4x320xf32, #tpu.memory_space<vmem>>, vector<16xf32>,
      %get3A_1859 = arith.constant 0 : i32
      %get3A_1860 = arith.constant 1 : i32
      %get3A_1861 = arith.index_cast %get3A_1859 : i32 to index
      %get3A_1862 = arith.index_cast %get3A_1860 : i32 to index
      %get3A_1863 = arith.constant 208 : index
      %get3A_1864 = tpu.vector_load %arg10[%get3A_1861, %get3A_1862, %get3A_1863] {strides = array<i32>} : memref<1x4x320xf32, #tpu.memory_space<vmem>>, vector<16xf32>,
      %get3A_1865 = arith.constant 0 : i32
      %get3A_1866 = arith.constant 2 : i32
      %get3A_1867 = arith.index_cast %get3A_1865 : i32 to index
      %get3A_1868 = arith.index_cast %get3A_1866 : i32 to index
      %get3A_1869 = arith.constant 208 : index
      %get3A_1870 = tpu.vector_load %arg10[%get3A_1867, %get3A_1868, %get3A_1869] {strides = array<i32>} : memref<1x4x320xf32, #tpu.memory_space<vmem>>, vector<16xf32>,
      %get3A_1871 = arith.constant 0 : i32
      %get3A_1872 = arith.constant 3 : i32
      %get3A_1873 = arith.index_cast %get3A_1871 : i32 to index
      %get3A_1874 = arith.index_cast %get3A_1872 : i32 to index
      %get3A_1875 = arith.constant 208 : index
      %get3A_1876 = tpu.vector_load %arg10[%get3A_1873, %get3A_1874, %get3A_1875] {strides = array<i32>} : memref<1x4x320xf32, #tpu.memory_space<vmem>>, vector<16xf32>,
      %sub3A_1877 = arith.subf %get3A_1858, %sub3A_622 : vector<16xf32>
      %abs3A_1878 = math.absf %sub3A_1877 : vector<16xf32>
      %sub3A_1879 = arith.subf %get3A_1864, %sub3A_626 : vector<16xf32>
      %abs3A_1880 = math.absf %sub3A_1879 : vector<16xf32>
      %add3A_1881 = arith.addf %abs3A_1878, %abs3A_1880 : vector<16xf32>
      %sub3A_1882 = arith.subf %get3A_1870, %add3A_630 : vector<16xf32>
      %abs3A_1883 = math.absf %sub3A_1882 : vector<16xf32>
      %add3A_1884 = arith.addf %add3A_1881, %abs3A_1883 : vector<16xf32>
      %sub3A_1885 = arith.subf %get3A_1876, %add3A_634 : vector<16xf32>
      %abs3A_1886 = math.absf %sub3A_1885 : vector<16xf32>
      %add3A_1887 = arith.addf %add3A_1884, %abs3A_1886 : vector<16xf32>
      %gt3A_1888 = arith.constant 5.000000e-01 : f32
      %gt3A_1889 = vector.broadcast %gt3A_1888 : f32 to vector<16xf32>
      %gt3A_1890 = arith.cmpf ogt, %div3A_1852, %gt3A_1889 : vector<16xf32>
      %jit3A_1891 = arith.constant 0.000000e+00 : f32
      %broadcast_in_dim3A_1892 = vector.broadcast %jit3A_1891 : f32 to vector<16xf32>
      %select_n3A_1893 = arith.select %gt3A_1890, %gather3A_618, %broadcast_in_dim3A_1892 : vector<16xi1>, vector<16xf32>
      %mul3A_1894 = arith.mulf %select_n3A_1893, %add3A_1887 : vector<16xf32>
      %add3A_1895 = arith.addf %add3A_1804, %mul3A_1894 : vector<16xf32>
      %add3A_1896 = arith.addf %add3A_1805, %select_n3A_1893 : vector<16xf32>
      %get3A_1897 = arith.constant 208 : index
      %get3A_1898 = tpu.vector_load %arg13[%get3A_1897] {strides = array<i32>} : memref<320xf32, #tpu.memory_space<vmem>>, vector<16xf32>,
      %max3A_1899 = arith.maximumf %get3A_1898, %select_n3A_1893 : vector<16xf32>
      %swap3A_1900 = arith.constant 208 : index
      %swap3A_1901 = tpu.vector_load %arg13[%swap3A_1900] {strides = array<i32>} : memref<320xf32, #tpu.memory_space<vmem>>, vector<16xf32>,
      tpu.vector_store %arg13[%swap3A_1900], %max3A_1899 {strides = array<i32>} : memref<320xf32, #tpu.memory_space<vmem>>, vector<16xf32>,
      %gt3A_1902 = arith.cmpf ogt, %div3A_1852, %select_n3A_1812 : vector<16xf32>
      %select_n3A_1903 = arith.select %gt3A_1902, %div3A_1852, %select_n3A_1812 : vector<16xi1>, vector<16xf32>
      %add3A_1904 = arith.constant 208 : i32
      %add3A_1905 = arith.addi %mul3A_462, %add3A_1904 : i32
      %add3A_1906 = vector.broadcast %add3A_1905 : i32 to vector<16xi32>
      %add3A_1907 = arith.addi %iota3A, %add3A_1906 : vector<16xi32>
      %select_n3A_1908 = arith.select %gt3A_1902, %add3A_1907, %select_n3A_1817 : vector<16xi1>, vector<16xi32>
      %select_n3A_1909 = arith.select %gt3A_1902, %add3A_1887, %select_n3A_1818 : vector<16xi1>, vector<16xf32>
      %get3A_1910 = arith.constant 0 : i32
      %get3A_1911 = arith.index_cast %get3A_1910 : i32 to index
      %get3A_1912 = arith.constant 224 : index
      %get3A_1913 = tpu.vector_load %arg8[%get3A_1911, %get3A_1912] {strides = array<i32>} : memref<4x320xf32, #tpu.memory_space<vmem>>, vector<16xf32>,
      %get3A_1914 = arith.constant 1 : i32
      %get3A_1915 = arith.index_cast %get3A_1914 : i32 to index
      %get3A_1916 = arith.constant 224 : index
      %get3A_1917 = tpu.vector_load %arg8[%get3A_1915, %get3A_1916] {strides = array<i32>} : memref<4x320xf32, #tpu.memory_space<vmem>>, vector<16xf32>,
      %get3A_1918 = arith.constant 2 : i32
      %get3A_1919 = arith.index_cast %get3A_1918 : i32 to index
      %get3A_1920 = arith.constant 224 : index
      %get3A_1921 = tpu.vector_load %arg8[%get3A_1919, %get3A_1920] {strides = array<i32>} : memref<4x320xf32, #tpu.memory_space<vmem>>, vector<16xf32>,
      %get3A_1922 = arith.constant 3 : i32
      %get3A_1923 = arith.index_cast %get3A_1922 : i32 to index
      %get3A_1924 = arith.constant 224 : index
      %get3A_1925 = tpu.vector_load %arg8[%get3A_1923, %get3A_1924] {strides = array<i32>} : memref<4x320xf32, #tpu.memory_space<vmem>>, vector<16xf32>,
      %get3A_1926 = arith.constant 224 : index
      %get3A_1927 = tpu.vector_load %arg9[%get3A_1926] {strides = array<i32>} : memref<320xf32, #tpu.memory_space<vmem>>, vector<16xf32>,
      %min3A_1928 = arith.minimumf %get3A_1921, %add3A_630 : vector<16xf32>
      %max3A_1929 = arith.maximumf %get3A_1913, %sub3A_622 : vector<16xf32>
      %sub3A_1930 = arith.subf %min3A_1928, %max3A_1929 : vector<16xf32>
      %max3A_1931 = arith.constant 0.000000e+00 : f32
      %max3A_1932 = vector.broadcast %max3A_1931 : f32 to vector<16xf32>
      %max3A_1933 = arith.maximumf %sub3A_1930, %max3A_1932 : vector<16xf32>
      %min3A_1934 = arith.minimumf %get3A_1925, %add3A_634 : vector<16xf32>
      %max3A_1935 = arith.maximumf %get3A_1917, %sub3A_626 : vector<16xf32>
      %sub3A_1936 = arith.subf %min3A_1934, %max3A_1935 : vector<16xf32>
      %max3A_1937 = arith.constant 0.000000e+00 : f32
      %max3A_1938 = vector.broadcast %max3A_1937 : f32 to vector<16xf32>
      %max3A_1939 = arith.maximumf %sub3A_1936, %max3A_1938 : vector<16xf32>
      %mul3A_1940 = arith.mulf %max3A_1933, %max3A_1939 : vector<16xf32>
      %add3A_1941 = arith.addf %get3A_1927, %mul3A_635 : vector<16xf32>
      %sub3A_1942 = arith.subf %add3A_1941, %mul3A_1940 : vector<16xf32>
      %div3A_1943 = arith.divf %mul3A_1940, %sub3A_1942 : vector<16xf32>
      %get3A_1944 = arith.constant 0 : i32
      %get3A_1945 = arith.constant 0 : i32
      %get3A_1946 = arith.index_cast %get3A_1944 : i32 to index
      %get3A_1947 = arith.index_cast %get3A_1945 : i32 to index
      %get3A_1948 = arith.constant 224 : index
      %get3A_1949 = tpu.vector_load %arg10[%get3A_1946, %get3A_1947, %get3A_1948] {strides = array<i32>} : memref<1x4x320xf32, #tpu.memory_space<vmem>>, vector<16xf32>,
      %get3A_1950 = arith.constant 0 : i32
      %get3A_1951 = arith.constant 1 : i32
      %get3A_1952 = arith.index_cast %get3A_1950 : i32 to index
      %get3A_1953 = arith.index_cast %get3A_1951 : i32 to index
      %get3A_1954 = arith.constant 224 : index
      %get3A_1955 = tpu.vector_load %arg10[%get3A_1952, %get3A_1953, %get3A_1954] {strides = array<i32>} : memref<1x4x320xf32, #tpu.memory_space<vmem>>, vector<16xf32>,
      %get3A_1956 = arith.constant 0 : i32
      %get3A_1957 = arith.constant 2 : i32
      %get3A_1958 = arith.index_cast %get3A_1956 : i32 to index
      %get3A_1959 = arith.index_cast %get3A_1957 : i32 to index
      %get3A_1960 = arith.constant 224 : index
      %get3A_1961 = tpu.vector_load %arg10[%get3A_1958, %get3A_1959, %get3A_1960] {strides = array<i32>} : memref<1x4x320xf32, #tpu.memory_space<vmem>>, vector<16xf32>,
      %get3A_1962 = arith.constant 0 : i32
      %get3A_1963 = arith.constant 3 : i32
      %get3A_1964 = arith.index_cast %get3A_1962 : i32 to index
      %get3A_1965 = arith.index_cast %get3A_1963 : i32 to index
      %get3A_1966 = arith.constant 224 : index
      %get3A_1967 = tpu.vector_load %arg10[%get3A_1964, %get3A_1965, %get3A_1966] {strides = array<i32>} : memref<1x4x320xf32, #tpu.memory_space<vmem>>, vector<16xf32>,
      %sub3A_1968 = arith.subf %get3A_1949, %sub3A_622 : vector<16xf32>
      %abs3A_1969 = math.absf %sub3A_1968 : vector<16xf32>
      %sub3A_1970 = arith.subf %get3A_1955, %sub3A_626 : vector<16xf32>
      %abs3A_1971 = math.absf %sub3A_1970 : vector<16xf32>
      %add3A_1972 = arith.addf %abs3A_1969, %abs3A_1971 : vector<16xf32>
      %sub3A_1973 = arith.subf %get3A_1961, %add3A_630 : vector<16xf32>
      %abs3A_1974 = math.absf %sub3A_1973 : vector<16xf32>
      %add3A_1975 = arith.addf %add3A_1972, %abs3A_1974 : vector<16xf32>
      %sub3A_1976 = arith.subf %get3A_1967, %add3A_634 : vector<16xf32>
      %abs3A_1977 = math.absf %sub3A_1976 : vector<16xf32>
      %add3A_1978 = arith.addf %add3A_1975, %abs3A_1977 : vector<16xf32>
      %gt3A_1979 = arith.constant 5.000000e-01 : f32
      %gt3A_1980 = vector.broadcast %gt3A_1979 : f32 to vector<16xf32>
      %gt3A_1981 = arith.cmpf ogt, %div3A_1943, %gt3A_1980 : vector<16xf32>
      %jit3A_1982 = arith.constant 0.000000e+00 : f32
      %broadcast_in_dim3A_1983 = vector.broadcast %jit3A_1982 : f32 to vector<16xf32>
      %select_n3A_1984 = arith.select %gt3A_1981, %gather3A_618, %broadcast_in_dim3A_1983 : vector<16xi1>, vector<16xf32>
      %mul3A_1985 = arith.mulf %select_n3A_1984, %add3A_1978 : vector<16xf32>
      %add3A_1986 = arith.addf %add3A_1895, %mul3A_1985 : vector<16xf32>
      %add3A_1987 = arith.addf %add3A_1896, %select_n3A_1984 : vector<16xf32>
      %get3A_1988 = arith.constant 224 : index
      %get3A_1989 = tpu.vector_load %arg13[%get3A_1988] {strides = array<i32>} : memref<320xf32, #tpu.memory_space<vmem>>, vector<16xf32>,
      %max3A_1990 = arith.maximumf %get3A_1989, %select_n3A_1984 : vector<16xf32>
      %swap3A_1991 = arith.constant 224 : index
      %swap3A_1992 = tpu.vector_load %arg13[%swap3A_1991] {strides = array<i32>} : memref<320xf32, #tpu.memory_space<vmem>>, vector<16xf32>,
      tpu.vector_store %arg13[%swap3A_1991], %max3A_1990 {strides = array<i32>} : memref<320xf32, #tpu.memory_space<vmem>>, vector<16xf32>,
      %gt3A_1993 = arith.cmpf ogt, %div3A_1943, %select_n3A_1903 : vector<16xf32>
      %select_n3A_1994 = arith.select %gt3A_1993, %div3A_1943, %select_n3A_1903 : vector<16xi1>, vector<16xf32>
      %add3A_1995 = arith.constant 224 : i32
      %add3A_1996 = arith.addi %mul3A_462, %add3A_1995 : i32
      %add3A_1997 = vector.broadcast %add3A_1996 : i32 to vector<16xi32>
      %add3A_1998 = arith.addi %iota3A, %add3A_1997 : vector<16xi32>
      %select_n3A_1999 = arith.select %gt3A_1993, %add3A_1998, %select_n3A_1908 : vector<16xi1>, vector<16xi32>
      %select_n3A_2000 = arith.select %gt3A_1993, %add3A_1978, %select_n3A_1909 : vector<16xi1>, vector<16xf32>
      %get3A_2001 = arith.constant 0 : i32
      %get3A_2002 = arith.index_cast %get3A_2001 : i32 to index
      %get3A_2003 = arith.constant 240 : index
      %get3A_2004 = tpu.vector_load %arg8[%get3A_2002, %get3A_2003] {strides = array<i32>} : memref<4x320xf32, #tpu.memory_space<vmem>>, vector<16xf32>,
      %get3A_2005 = arith.constant 1 : i32
      %get3A_2006 = arith.index_cast %get3A_2005 : i32 to index
      %get3A_2007 = arith.constant 240 : index
      %get3A_2008 = tpu.vector_load %arg8[%get3A_2006, %get3A_2007] {strides = array<i32>} : memref<4x320xf32, #tpu.memory_space<vmem>>, vector<16xf32>,
      %get3A_2009 = arith.constant 2 : i32
      %get3A_2010 = arith.index_cast %get3A_2009 : i32 to index
      %get3A_2011 = arith.constant 240 : index
      %get3A_2012 = tpu.vector_load %arg8[%get3A_2010, %get3A_2011] {strides = array<i32>} : memref<4x320xf32, #tpu.memory_space<vmem>>, vector<16xf32>,
      %get3A_2013 = arith.constant 3 : i32
      %get3A_2014 = arith.index_cast %get3A_2013 : i32 to index
      %get3A_2015 = arith.constant 240 : index
      %get3A_2016 = tpu.vector_load %arg8[%get3A_2014, %get3A_2015] {strides = array<i32>} : memref<4x320xf32, #tpu.memory_space<vmem>>, vector<16xf32>,
      %get3A_2017 = arith.constant 240 : index
      %get3A_2018 = tpu.vector_load %arg9[%get3A_2017] {strides = array<i32>} : memref<320xf32, #tpu.memory_space<vmem>>, vector<16xf32>,
      %min3A_2019 = arith.minimumf %get3A_2012, %add3A_630 : vector<16xf32>
      %max3A_2020 = arith.maximumf %get3A_2004, %sub3A_622 : vector<16xf32>
      %sub3A_2021 = arith.subf %min3A_2019, %max3A_2020 : vector<16xf32>
      %max3A_2022 = arith.constant 0.000000e+00 : f32
      %max3A_2023 = vector.broadcast %max3A_2022 : f32 to vector<16xf32>
      %max3A_2024 = arith.maximumf %sub3A_2021, %max3A_2023 : vector<16xf32>
      %min3A_2025 = arith.minimumf %get3A_2016, %add3A_634 : vector<16xf32>
      %max3A_2026 = arith.maximumf %get3A_2008, %sub3A_626 : vector<16xf32>
      %sub3A_2027 = arith.subf %min3A_2025, %max3A_2026 : vector<16xf32>
      %max3A_2028 = arith.constant 0.000000e+00 : f32
      %max3A_2029 = vector.broadcast %max3A_2028 : f32 to vector<16xf32>
      %max3A_2030 = arith.maximumf %sub3A_2027, %max3A_2029 : vector<16xf32>
      %mul3A_2031 = arith.mulf %max3A_2024, %max3A_2030 : vector<16xf32>
      %add3A_2032 = arith.addf %get3A_2018, %mul3A_635 : vector<16xf32>
      %sub3A_2033 = arith.subf %add3A_2032, %mul3A_2031 : vector<16xf32>
      %div3A_2034 = arith.divf %mul3A_2031, %sub3A_2033 : vector<16xf32>
      %get3A_2035 = arith.constant 0 : i32
      %get3A_2036 = arith.constant 0 : i32
      %get3A_2037 = arith.index_cast %get3A_2035 : i32 to index
      %get3A_2038 = arith.index_cast %get3A_2036 : i32 to index
      %get3A_2039 = arith.constant 240 : index
      %get3A_2040 = tpu.vector_load %arg10[%get3A_2037, %get3A_2038, %get3A_2039] {strides = array<i32>} : memref<1x4x320xf32, #tpu.memory_space<vmem>>, vector<16xf32>,
      %get3A_2041 = arith.constant 0 : i32
      %get3A_2042 = arith.constant 1 : i32
      %get3A_2043 = arith.index_cast %get3A_2041 : i32 to index
      %get3A_2044 = arith.index_cast %get3A_2042 : i32 to index
      %get3A_2045 = arith.constant 240 : index
      %get3A_2046 = tpu.vector_load %arg10[%get3A_2043, %get3A_2044, %get3A_2045] {strides = array<i32>} : memref<1x4x320xf32, #tpu.memory_space<vmem>>, vector<16xf32>,
      %get3A_2047 = arith.constant 0 : i32
      %get3A_2048 = arith.constant 2 : i32
      %get3A_2049 = arith.index_cast %get3A_2047 : i32 to index
      %get3A_2050 = arith.index_cast %get3A_2048 : i32 to index
      %get3A_2051 = arith.constant 240 : index
      %get3A_2052 = tpu.vector_load %arg10[%get3A_2049, %get3A_2050, %get3A_2051] {strides = array<i32>} : memref<1x4x320xf32, #tpu.memory_space<vmem>>, vector<16xf32>,
      %get3A_2053 = arith.constant 0 : i32
      %get3A_2054 = arith.constant 3 : i32
      %get3A_2055 = arith.index_cast %get3A_2053 : i32 to index
      %get3A_2056 = arith.index_cast %get3A_2054 : i32 to index
      %get3A_2057 = arith.constant 240 : index
      %get3A_2058 = tpu.vector_load %arg10[%get3A_2055, %get3A_2056, %get3A_2057] {strides = array<i32>} : memref<1x4x320xf32, #tpu.memory_space<vmem>>, vector<16xf32>,
      %sub3A_2059 = arith.subf %get3A_2040, %sub3A_622 : vector<16xf32>
      %abs3A_2060 = math.absf %sub3A_2059 : vector<16xf32>
      %sub3A_2061 = arith.subf %get3A_2046, %sub3A_626 : vector<16xf32>
      %abs3A_2062 = math.absf %sub3A_2061 : vector<16xf32>
      %add3A_2063 = arith.addf %abs3A_2060, %abs3A_2062 : vector<16xf32>
      %sub3A_2064 = arith.subf %get3A_2052, %add3A_630 : vector<16xf32>
      %abs3A_2065 = math.absf %sub3A_2064 : vector<16xf32>
      %add3A_2066 = arith.addf %add3A_2063, %abs3A_2065 : vector<16xf32>
      %sub3A_2067 = arith.subf %get3A_2058, %add3A_634 : vector<16xf32>
      %abs3A_2068 = math.absf %sub3A_2067 : vector<16xf32>
      %add3A_2069 = arith.addf %add3A_2066, %abs3A_2068 : vector<16xf32>
      %gt3A_2070 = arith.constant 5.000000e-01 : f32
      %gt3A_2071 = vector.broadcast %gt3A_2070 : f32 to vector<16xf32>
      %gt3A_2072 = arith.cmpf ogt, %div3A_2034, %gt3A_2071 : vector<16xf32>
      %jit3A_2073 = arith.constant 0.000000e+00 : f32
      %broadcast_in_dim3A_2074 = vector.broadcast %jit3A_2073 : f32 to vector<16xf32>
      %select_n3A_2075 = arith.select %gt3A_2072, %gather3A_618, %broadcast_in_dim3A_2074 : vector<16xi1>, vector<16xf32>
      %mul3A_2076 = arith.mulf %select_n3A_2075, %add3A_2069 : vector<16xf32>
      %add3A_2077 = arith.addf %add3A_1986, %mul3A_2076 : vector<16xf32>
      %add3A_2078 = arith.addf %add3A_1987, %select_n3A_2075 : vector<16xf32>
      %get3A_2079 = arith.constant 240 : index
      %get3A_2080 = tpu.vector_load %arg13[%get3A_2079] {strides = array<i32>} : memref<320xf32, #tpu.memory_space<vmem>>, vector<16xf32>,
      %max3A_2081 = arith.maximumf %get3A_2080, %select_n3A_2075 : vector<16xf32>
      %swap3A_2082 = arith.constant 240 : index
      %swap3A_2083 = tpu.vector_load %arg13[%swap3A_2082] {strides = array<i32>} : memref<320xf32, #tpu.memory_space<vmem>>, vector<16xf32>,
      tpu.vector_store %arg13[%swap3A_2082], %max3A_2081 {strides = array<i32>} : memref<320xf32, #tpu.memory_space<vmem>>, vector<16xf32>,
      %gt3A_2084 = arith.cmpf ogt, %div3A_2034, %select_n3A_1994 : vector<16xf32>
      %select_n3A_2085 = arith.select %gt3A_2084, %div3A_2034, %select_n3A_1994 : vector<16xi1>, vector<16xf32>
      %add3A_2086 = arith.constant 240 : i32
      %add3A_2087 = arith.addi %mul3A_462, %add3A_2086 : i32
      %add3A_2088 = vector.broadcast %add3A_2087 : i32 to vector<16xi32>
      %add3A_2089 = arith.addi %iota3A, %add3A_2088 : vector<16xi32>
      %select_n3A_2090 = arith.select %gt3A_2084, %add3A_2089, %select_n3A_1999 : vector<16xi1>, vector<16xi32>
      %select_n3A_2091 = arith.select %gt3A_2084, %add3A_2069, %select_n3A_2000 : vector<16xi1>, vector<16xf32>
      %get3A_2092 = arith.constant 0 : i32
      %get3A_2093 = arith.index_cast %get3A_2092 : i32 to index
      %get3A_2094 = arith.constant 256 : index
      %get3A_2095 = tpu.vector_load %arg8[%get3A_2093, %get3A_2094] {strides = array<i32>} : memref<4x320xf32, #tpu.memory_space<vmem>>, vector<16xf32>,
      %get3A_2096 = arith.constant 1 : i32
      %get3A_2097 = arith.index_cast %get3A_2096 : i32 to index
      %get3A_2098 = arith.constant 256 : index
      %get3A_2099 = tpu.vector_load %arg8[%get3A_2097, %get3A_2098] {strides = array<i32>} : memref<4x320xf32, #tpu.memory_space<vmem>>, vector<16xf32>,
      %get3A_2100 = arith.constant 2 : i32
      %get3A_2101 = arith.index_cast %get3A_2100 : i32 to index
      %get3A_2102 = arith.constant 256 : index
      %get3A_2103 = tpu.vector_load %arg8[%get3A_2101, %get3A_2102] {strides = array<i32>} : memref<4x320xf32, #tpu.memory_space<vmem>>, vector<16xf32>,
      %get3A_2104 = arith.constant 3 : i32
      %get3A_2105 = arith.index_cast %get3A_2104 : i32 to index
      %get3A_2106 = arith.constant 256 : index
      %get3A_2107 = tpu.vector_load %arg8[%get3A_2105, %get3A_2106] {strides = array<i32>} : memref<4x320xf32, #tpu.memory_space<vmem>>, vector<16xf32>,
      %get3A_2108 = arith.constant 256 : index
      %get3A_2109 = tpu.vector_load %arg9[%get3A_2108] {strides = array<i32>} : memref<320xf32, #tpu.memory_space<vmem>>, vector<16xf32>,
      %min3A_2110 = arith.minimumf %get3A_2103, %add3A_630 : vector<16xf32>
      %max3A_2111 = arith.maximumf %get3A_2095, %sub3A_622 : vector<16xf32>
      %sub3A_2112 = arith.subf %min3A_2110, %max3A_2111 : vector<16xf32>
      %max3A_2113 = arith.constant 0.000000e+00 : f32
      %max3A_2114 = vector.broadcast %max3A_2113 : f32 to vector<16xf32>
      %max3A_2115 = arith.maximumf %sub3A_2112, %max3A_2114 : vector<16xf32>
      %min3A_2116 = arith.minimumf %get3A_2107, %add3A_634 : vector<16xf32>
      %max3A_2117 = arith.maximumf %get3A_2099, %sub3A_626 : vector<16xf32>
      %sub3A_2118 = arith.subf %min3A_2116, %max3A_2117 : vector<16xf32>
      %max3A_2119 = arith.constant 0.000000e+00 : f32
      %max3A_2120 = vector.broadcast %max3A_2119 : f32 to vector<16xf32>
      %max3A_2121 = arith.maximumf %sub3A_2118, %max3A_2120 : vector<16xf32>
      %mul3A_2122 = arith.mulf %max3A_2115, %max3A_2121 : vector<16xf32>
      %add3A_2123 = arith.addf %get3A_2109, %mul3A_635 : vector<16xf32>
      %sub3A_2124 = arith.subf %add3A_2123, %mul3A_2122 : vector<16xf32>
      %div3A_2125 = arith.divf %mul3A_2122, %sub3A_2124 : vector<16xf32>
      %get3A_2126 = arith.constant 0 : i32
      %get3A_2127 = arith.constant 0 : i32
      %get3A_2128 = arith.index_cast %get3A_2126 : i32 to index
      %get3A_2129 = arith.index_cast %get3A_2127 : i32 to index
      %get3A_2130 = arith.constant 256 : index
      %get3A_2131 = tpu.vector_load %arg10[%get3A_2128, %get3A_2129, %get3A_2130] {strides = array<i32>} : memref<1x4x320xf32, #tpu.memory_space<vmem>>, vector<16xf32>,
      %get3A_2132 = arith.constant 0 : i32
      %get3A_2133 = arith.constant 1 : i32
      %get3A_2134 = arith.index_cast %get3A_2132 : i32 to index
      %get3A_2135 = arith.index_cast %get3A_2133 : i32 to index
      %get3A_2136 = arith.constant 256 : index
      %get3A_2137 = tpu.vector_load %arg10[%get3A_2134, %get3A_2135, %get3A_2136] {strides = array<i32>} : memref<1x4x320xf32, #tpu.memory_space<vmem>>, vector<16xf32>,
      %get3A_2138 = arith.constant 0 : i32
      %get3A_2139 = arith.constant 2 : i32
      %get3A_2140 = arith.index_cast %get3A_2138 : i32 to index
      %get3A_2141 = arith.index_cast %get3A_2139 : i32 to index
      %get3A_2142 = arith.constant 256 : index
      %get3A_2143 = tpu.vector_load %arg10[%get3A_2140, %get3A_2141, %get3A_2142] {strides = array<i32>} : memref<1x4x320xf32, #tpu.memory_space<vmem>>, vector<16xf32>,
      %get3A_2144 = arith.constant 0 : i32
      %get3A_2145 = arith.constant 3 : i32
      %get3A_2146 = arith.index_cast %get3A_2144 : i32 to index
      %get3A_2147 = arith.index_cast %get3A_2145 : i32 to index
      %get3A_2148 = arith.constant 256 : index
      %get3A_2149 = tpu.vector_load %arg10[%get3A_2146, %get3A_2147, %get3A_2148] {strides = array<i32>} : memref<1x4x320xf32, #tpu.memory_space<vmem>>, vector<16xf32>,
      %sub3A_2150 = arith.subf %get3A_2131, %sub3A_622 : vector<16xf32>
      %abs3A_2151 = math.absf %sub3A_2150 : vector<16xf32>
      %sub3A_2152 = arith.subf %get3A_2137, %sub3A_626 : vector<16xf32>
      %abs3A_2153 = math.absf %sub3A_2152 : vector<16xf32>
      %add3A_2154 = arith.addf %abs3A_2151, %abs3A_2153 : vector<16xf32>
      %sub3A_2155 = arith.subf %get3A_2143, %add3A_630 : vector<16xf32>
      %abs3A_2156 = math.absf %sub3A_2155 : vector<16xf32>
      %add3A_2157 = arith.addf %add3A_2154, %abs3A_2156 : vector<16xf32>
      %sub3A_2158 = arith.subf %get3A_2149, %add3A_634 : vector<16xf32>
      %abs3A_2159 = math.absf %sub3A_2158 : vector<16xf32>
      %add3A_2160 = arith.addf %add3A_2157, %abs3A_2159 : vector<16xf32>
      %gt3A_2161 = arith.constant 5.000000e-01 : f32
      %gt3A_2162 = vector.broadcast %gt3A_2161 : f32 to vector<16xf32>
      %gt3A_2163 = arith.cmpf ogt, %div3A_2125, %gt3A_2162 : vector<16xf32>
      %jit3A_2164 = arith.constant 0.000000e+00 : f32
      %broadcast_in_dim3A_2165 = vector.broadcast %jit3A_2164 : f32 to vector<16xf32>
      %select_n3A_2166 = arith.select %gt3A_2163, %gather3A_618, %broadcast_in_dim3A_2165 : vector<16xi1>, vector<16xf32>
      %mul3A_2167 = arith.mulf %select_n3A_2166, %add3A_2160 : vector<16xf32>
      %add3A_2168 = arith.addf %add3A_2077, %mul3A_2167 : vector<16xf32>
      %add3A_2169 = arith.addf %add3A_2078, %select_n3A_2166 : vector<16xf32>
      %get3A_2170 = arith.constant 256 : index
      %get3A_2171 = tpu.vector_load %arg13[%get3A_2170] {strides = array<i32>} : memref<320xf32, #tpu.memory_space<vmem>>, vector<16xf32>,
      %max3A_2172 = arith.maximumf %get3A_2171, %select_n3A_2166 : vector<16xf32>
      %swap3A_2173 = arith.constant 256 : index
      %swap3A_2174 = tpu.vector_load %arg13[%swap3A_2173] {strides = array<i32>} : memref<320xf32, #tpu.memory_space<vmem>>, vector<16xf32>,
      tpu.vector_store %arg13[%swap3A_2173], %max3A_2172 {strides = array<i32>} : memref<320xf32, #tpu.memory_space<vmem>>, vector<16xf32>,
      %gt3A_2175 = arith.cmpf ogt, %div3A_2125, %select_n3A_2085 : vector<16xf32>
      %select_n3A_2176 = arith.select %gt3A_2175, %div3A_2125, %select_n3A_2085 : vector<16xi1>, vector<16xf32>
      %add3A_2177 = arith.constant 256 : i32
      %add3A_2178 = arith.addi %mul3A_462, %add3A_2177 : i32
      %add3A_2179 = vector.broadcast %add3A_2178 : i32 to vector<16xi32>
      %add3A_2180 = arith.addi %iota3A, %add3A_2179 : vector<16xi32>
      %select_n3A_2181 = arith.select %gt3A_2175, %add3A_2180, %select_n3A_2090 : vector<16xi1>, vector<16xi32>
      %select_n3A_2182 = arith.select %gt3A_2175, %add3A_2160, %select_n3A_2091 : vector<16xi1>, vector<16xf32>
      %get3A_2183 = arith.constant 0 : i32
      %get3A_2184 = arith.index_cast %get3A_2183 : i32 to index
      %get3A_2185 = arith.constant 272 : index
      %get3A_2186 = tpu.vector_load %arg8[%get3A_2184, %get3A_2185] {strides = array<i32>} : memref<4x320xf32, #tpu.memory_space<vmem>>, vector<16xf32>,
      %get3A_2187 = arith.constant 1 : i32
      %get3A_2188 = arith.index_cast %get3A_2187 : i32 to index
      %get3A_2189 = arith.constant 272 : index
      %get3A_2190 = tpu.vector_load %arg8[%get3A_2188, %get3A_2189] {strides = array<i32>} : memref<4x320xf32, #tpu.memory_space<vmem>>, vector<16xf32>,
      %get3A_2191 = arith.constant 2 : i32
      %get3A_2192 = arith.index_cast %get3A_2191 : i32 to index
      %get3A_2193 = arith.constant 272 : index
      %get3A_2194 = tpu.vector_load %arg8[%get3A_2192, %get3A_2193] {strides = array<i32>} : memref<4x320xf32, #tpu.memory_space<vmem>>, vector<16xf32>,
      %get3A_2195 = arith.constant 3 : i32
      %get3A_2196 = arith.index_cast %get3A_2195 : i32 to index
      %get3A_2197 = arith.constant 272 : index
      %get3A_2198 = tpu.vector_load %arg8[%get3A_2196, %get3A_2197] {strides = array<i32>} : memref<4x320xf32, #tpu.memory_space<vmem>>, vector<16xf32>,
      %get3A_2199 = arith.constant 272 : index
      %get3A_2200 = tpu.vector_load %arg9[%get3A_2199] {strides = array<i32>} : memref<320xf32, #tpu.memory_space<vmem>>, vector<16xf32>,
      %min3A_2201 = arith.minimumf %get3A_2194, %add3A_630 : vector<16xf32>
      %max3A_2202 = arith.maximumf %get3A_2186, %sub3A_622 : vector<16xf32>
      %sub3A_2203 = arith.subf %min3A_2201, %max3A_2202 : vector<16xf32>
      %max3A_2204 = arith.constant 0.000000e+00 : f32
      %max3A_2205 = vector.broadcast %max3A_2204 : f32 to vector<16xf32>
      %max3A_2206 = arith.maximumf %sub3A_2203, %max3A_2205 : vector<16xf32>
      %min3A_2207 = arith.minimumf %get3A_2198, %add3A_634 : vector<16xf32>
      %max3A_2208 = arith.maximumf %get3A_2190, %sub3A_626 : vector<16xf32>
      %sub3A_2209 = arith.subf %min3A_2207, %max3A_2208 : vector<16xf32>
      %max3A_2210 = arith.constant 0.000000e+00 : f32
      %max3A_2211 = vector.broadcast %max3A_2210 : f32 to vector<16xf32>
      %max3A_2212 = arith.maximumf %sub3A_2209, %max3A_2211 : vector<16xf32>
      %mul3A_2213 = arith.mulf %max3A_2206, %max3A_2212 : vector<16xf32>
      %add3A_2214 = arith.addf %get3A_2200, %mul3A_635 : vector<16xf32>
      %sub3A_2215 = arith.subf %add3A_2214, %mul3A_2213 : vector<16xf32>
      %div3A_2216 = arith.divf %mul3A_2213, %sub3A_2215 : vector<16xf32>
      %get3A_2217 = arith.constant 0 : i32
      %get3A_2218 = arith.constant 0 : i32
      %get3A_2219 = arith.index_cast %get3A_2217 : i32 to index
      %get3A_2220 = arith.index_cast %get3A_2218 : i32 to index
      %get3A_2221 = arith.constant 272 : index
      %get3A_2222 = tpu.vector_load %arg10[%get3A_2219, %get3A_2220, %get3A_2221] {strides = array<i32>} : memref<1x4x320xf32, #tpu.memory_space<vmem>>, vector<16xf32>,
      %get3A_2223 = arith.constant 0 : i32
      %get3A_2224 = arith.constant 1 : i32
      %get3A_2225 = arith.index_cast %get3A_2223 : i32 to index
      %get3A_2226 = arith.index_cast %get3A_2224 : i32 to index
      %get3A_2227 = arith.constant 272 : index
      %get3A_2228 = tpu.vector_load %arg10[%get3A_2225, %get3A_2226, %get3A_2227] {strides = array<i32>} : memref<1x4x320xf32, #tpu.memory_space<vmem>>, vector<16xf32>,
      %get3A_2229 = arith.constant 0 : i32
      %get3A_2230 = arith.constant 2 : i32
      %get3A_2231 = arith.index_cast %get3A_2229 : i32 to index
      %get3A_2232 = arith.index_cast %get3A_2230 : i32 to index
      %get3A_2233 = arith.constant 272 : index
      %get3A_2234 = tpu.vector_load %arg10[%get3A_2231, %get3A_2232, %get3A_2233] {strides = array<i32>} : memref<1x4x320xf32, #tpu.memory_space<vmem>>, vector<16xf32>,
      %get3A_2235 = arith.constant 0 : i32
      %get3A_2236 = arith.constant 3 : i32
      %get3A_2237 = arith.index_cast %get3A_2235 : i32 to index
      %get3A_2238 = arith.index_cast %get3A_2236 : i32 to index
      %get3A_2239 = arith.constant 272 : index
      %get3A_2240 = tpu.vector_load %arg10[%get3A_2237, %get3A_2238, %get3A_2239] {strides = array<i32>} : memref<1x4x320xf32, #tpu.memory_space<vmem>>, vector<16xf32>,
      %sub3A_2241 = arith.subf %get3A_2222, %sub3A_622 : vector<16xf32>
      %abs3A_2242 = math.absf %sub3A_2241 : vector<16xf32>
      %sub3A_2243 = arith.subf %get3A_2228, %sub3A_626 : vector<16xf32>
      %abs3A_2244 = math.absf %sub3A_2243 : vector<16xf32>
      %add3A_2245 = arith.addf %abs3A_2242, %abs3A_2244 : vector<16xf32>
      %sub3A_2246 = arith.subf %get3A_2234, %add3A_630 : vector<16xf32>
      %abs3A_2247 = math.absf %sub3A_2246 : vector<16xf32>
      %add3A_2248 = arith.addf %add3A_2245, %abs3A_2247 : vector<16xf32>
      %sub3A_2249 = arith.subf %get3A_2240, %add3A_634 : vector<16xf32>
      %abs3A_2250 = math.absf %sub3A_2249 : vector<16xf32>
      %add3A_2251 = arith.addf %add3A_2248, %abs3A_2250 : vector<16xf32>
      %gt3A_2252 = arith.constant 5.000000e-01 : f32
      %gt3A_2253 = vector.broadcast %gt3A_2252 : f32 to vector<16xf32>
      %gt3A_2254 = arith.cmpf ogt, %div3A_2216, %gt3A_2253 : vector<16xf32>
      %jit3A_2255 = arith.constant 0.000000e+00 : f32
      %broadcast_in_dim3A_2256 = vector.broadcast %jit3A_2255 : f32 to vector<16xf32>
      %select_n3A_2257 = arith.select %gt3A_2254, %gather3A_618, %broadcast_in_dim3A_2256 : vector<16xi1>, vector<16xf32>
      %mul3A_2258 = arith.mulf %select_n3A_2257, %add3A_2251 : vector<16xf32>
      %add3A_2259 = arith.addf %add3A_2168, %mul3A_2258 : vector<16xf32>
      %add3A_2260 = arith.addf %add3A_2169, %select_n3A_2257 : vector<16xf32>
      %get3A_2261 = arith.constant 272 : index
      %get3A_2262 = tpu.vector_load %arg13[%get3A_2261] {strides = array<i32>} : memref<320xf32, #tpu.memory_space<vmem>>, vector<16xf32>,
      %max3A_2263 = arith.maximumf %get3A_2262, %select_n3A_2257 : vector<16xf32>
      %swap3A_2264 = arith.constant 272 : index
      %swap3A_2265 = tpu.vector_load %arg13[%swap3A_2264] {strides = array<i32>} : memref<320xf32, #tpu.memory_space<vmem>>, vector<16xf32>,
      tpu.vector_store %arg13[%swap3A_2264], %max3A_2263 {strides = array<i32>} : memref<320xf32, #tpu.memory_space<vmem>>, vector<16xf32>,
      %gt3A_2266 = arith.cmpf ogt, %div3A_2216, %select_n3A_2176 : vector<16xf32>
      %select_n3A_2267 = arith.select %gt3A_2266, %div3A_2216, %select_n3A_2176 : vector<16xi1>, vector<16xf32>
      %add3A_2268 = arith.constant 272 : i32
      %add3A_2269 = arith.addi %mul3A_462, %add3A_2268 : i32
      %add3A_2270 = vector.broadcast %add3A_2269 : i32 to vector<16xi32>
      %add3A_2271 = arith.addi %iota3A, %add3A_2270 : vector<16xi32>
      %select_n3A_2272 = arith.select %gt3A_2266, %add3A_2271, %select_n3A_2181 : vector<16xi1>, vector<16xi32>
      %select_n3A_2273 = arith.select %gt3A_2266, %add3A_2251, %select_n3A_2182 : vector<16xi1>, vector<16xf32>
      %get3A_2274 = arith.constant 0 : i32
      %get3A_2275 = arith.index_cast %get3A_2274 : i32 to index
      %get3A_2276 = arith.constant 288 : index
      %get3A_2277 = tpu.vector_load %arg8[%get3A_2275, %get3A_2276] {strides = array<i32>} : memref<4x320xf32, #tpu.memory_space<vmem>>, vector<16xf32>,
      %get3A_2278 = arith.constant 1 : i32
      %get3A_2279 = arith.index_cast %get3A_2278 : i32 to index
      %get3A_2280 = arith.constant 288 : index
      %get3A_2281 = tpu.vector_load %arg8[%get3A_2279, %get3A_2280] {strides = array<i32>} : memref<4x320xf32, #tpu.memory_space<vmem>>, vector<16xf32>,
      %get3A_2282 = arith.constant 2 : i32
      %get3A_2283 = arith.index_cast %get3A_2282 : i32 to index
      %get3A_2284 = arith.constant 288 : index
      %get3A_2285 = tpu.vector_load %arg8[%get3A_2283, %get3A_2284] {strides = array<i32>} : memref<4x320xf32, #tpu.memory_space<vmem>>, vector<16xf32>,
      %get3A_2286 = arith.constant 3 : i32
      %get3A_2287 = arith.index_cast %get3A_2286 : i32 to index
      %get3A_2288 = arith.constant 288 : index
      %get3A_2289 = tpu.vector_load %arg8[%get3A_2287, %get3A_2288] {strides = array<i32>} : memref<4x320xf32, #tpu.memory_space<vmem>>, vector<16xf32>,
      %get3A_2290 = arith.constant 288 : index
      %get3A_2291 = tpu.vector_load %arg9[%get3A_2290] {strides = array<i32>} : memref<320xf32, #tpu.memory_space<vmem>>, vector<16xf32>,
      %min3A_2292 = arith.minimumf %get3A_2285, %add3A_630 : vector<16xf32>
      %max3A_2293 = arith.maximumf %get3A_2277, %sub3A_622 : vector<16xf32>
      %sub3A_2294 = arith.subf %min3A_2292, %max3A_2293 : vector<16xf32>
      %max3A_2295 = arith.constant 0.000000e+00 : f32
      %max3A_2296 = vector.broadcast %max3A_2295 : f32 to vector<16xf32>
      %max3A_2297 = arith.maximumf %sub3A_2294, %max3A_2296 : vector<16xf32>
      %min3A_2298 = arith.minimumf %get3A_2289, %add3A_634 : vector<16xf32>
      %max3A_2299 = arith.maximumf %get3A_2281, %sub3A_626 : vector<16xf32>
      %sub3A_2300 = arith.subf %min3A_2298, %max3A_2299 : vector<16xf32>
      %max3A_2301 = arith.constant 0.000000e+00 : f32
      %max3A_2302 = vector.broadcast %max3A_2301 : f32 to vector<16xf32>
      %max3A_2303 = arith.maximumf %sub3A_2300, %max3A_2302 : vector<16xf32>
      %mul3A_2304 = arith.mulf %max3A_2297, %max3A_2303 : vector<16xf32>
      %add3A_2305 = arith.addf %get3A_2291, %mul3A_635 : vector<16xf32>
      %sub3A_2306 = arith.subf %add3A_2305, %mul3A_2304 : vector<16xf32>
      %div3A_2307 = arith.divf %mul3A_2304, %sub3A_2306 : vector<16xf32>
      %get3A_2308 = arith.constant 0 : i32
      %get3A_2309 = arith.constant 0 : i32
      %get3A_2310 = arith.index_cast %get3A_2308 : i32 to index
      %get3A_2311 = arith.index_cast %get3A_2309 : i32 to index
      %get3A_2312 = arith.constant 288 : index
      %get3A_2313 = tpu.vector_load %arg10[%get3A_2310, %get3A_2311, %get3A_2312] {strides = array<i32>} : memref<1x4x320xf32, #tpu.memory_space<vmem>>, vector<16xf32>,
      %get3A_2314 = arith.constant 0 : i32
      %get3A_2315 = arith.constant 1 : i32
      %get3A_2316 = arith.index_cast %get3A_2314 : i32 to index
      %get3A_2317 = arith.index_cast %get3A_2315 : i32 to index
      %get3A_2318 = arith.constant 288 : index
      %get3A_2319 = tpu.vector_load %arg10[%get3A_2316, %get3A_2317, %get3A_2318] {strides = array<i32>} : memref<1x4x320xf32, #tpu.memory_space<vmem>>, vector<16xf32>,
      %get3A_2320 = arith.constant 0 : i32
      %get3A_2321 = arith.constant 2 : i32
      %get3A_2322 = arith.index_cast %get3A_2320 : i32 to index
      %get3A_2323 = arith.index_cast %get3A_2321 : i32 to index
      %get3A_2324 = arith.constant 288 : index
      %get3A_2325 = tpu.vector_load %arg10[%get3A_2322, %get3A_2323, %get3A_2324] {strides = array<i32>} : memref<1x4x320xf32, #tpu.memory_space<vmem>>, vector<16xf32>,
      %get3A_2326 = arith.constant 0 : i32
      %get3A_2327 = arith.constant 3 : i32
      %get3A_2328 = arith.index_cast %get3A_2326 : i32 to index
      %get3A_2329 = arith.index_cast %get3A_2327 : i32 to index
      %get3A_2330 = arith.constant 288 : index
      %get3A_2331 = tpu.vector_load %arg10[%get3A_2328, %get3A_2329, %get3A_2330] {strides = array<i32>} : memref<1x4x320xf32, #tpu.memory_space<vmem>>, vector<16xf32>,
      %sub3A_2332 = arith.subf %get3A_2313, %sub3A_622 : vector<16xf32>
      %abs3A_2333 = math.absf %sub3A_2332 : vector<16xf32>
      %sub3A_2334 = arith.subf %get3A_2319, %sub3A_626 : vector<16xf32>
      %abs3A_2335 = math.absf %sub3A_2334 : vector<16xf32>
      %add3A_2336 = arith.addf %abs3A_2333, %abs3A_2335 : vector<16xf32>
      %sub3A_2337 = arith.subf %get3A_2325, %add3A_630 : vector<16xf32>
      %abs3A_2338 = math.absf %sub3A_2337 : vector<16xf32>
      %add3A_2339 = arith.addf %add3A_2336, %abs3A_2338 : vector<16xf32>
      %sub3A_2340 = arith.subf %get3A_2331, %add3A_634 : vector<16xf32>
      %abs3A_2341 = math.absf %sub3A_2340 : vector<16xf32>
      %add3A_2342 = arith.addf %add3A_2339, %abs3A_2341 : vector<16xf32>
      %gt3A_2343 = arith.constant 5.000000e-01 : f32
      %gt3A_2344 = vector.broadcast %gt3A_2343 : f32 to vector<16xf32>
      %gt3A_2345 = arith.cmpf ogt, %div3A_2307, %gt3A_2344 : vector<16xf32>
      %jit3A_2346 = arith.constant 0.000000e+00 : f32
      %broadcast_in_dim3A_2347 = vector.broadcast %jit3A_2346 : f32 to vector<16xf32>
      %select_n3A_2348 = arith.select %gt3A_2345, %gather3A_618, %broadcast_in_dim3A_2347 : vector<16xi1>, vector<16xf32>
      %mul3A_2349 = arith.mulf %select_n3A_2348, %add3A_2342 : vector<16xf32>
      %add3A_2350 = arith.addf %add3A_2259, %mul3A_2349 : vector<16xf32>
      %add3A_2351 = arith.addf %add3A_2260, %select_n3A_2348 : vector<16xf32>
      %get3A_2352 = arith.constant 288 : index
      %get3A_2353 = tpu.vector_load %arg13[%get3A_2352] {strides = array<i32>} : memref<320xf32, #tpu.memory_space<vmem>>, vector<16xf32>,
      %max3A_2354 = arith.maximumf %get3A_2353, %select_n3A_2348 : vector<16xf32>
      %swap3A_2355 = arith.constant 288 : index
      %swap3A_2356 = tpu.vector_load %arg13[%swap3A_2355] {strides = array<i32>} : memref<320xf32, #tpu.memory_space<vmem>>, vector<16xf32>,
      tpu.vector_store %arg13[%swap3A_2355], %max3A_2354 {strides = array<i32>} : memref<320xf32, #tpu.memory_space<vmem>>, vector<16xf32>,
      %gt3A_2357 = arith.cmpf ogt, %div3A_2307, %select_n3A_2267 : vector<16xf32>
      %select_n3A_2358 = arith.select %gt3A_2357, %div3A_2307, %select_n3A_2267 : vector<16xi1>, vector<16xf32>
      %add3A_2359 = arith.constant 288 : i32
      %add3A_2360 = arith.addi %mul3A_462, %add3A_2359 : i32
      %add3A_2361 = vector.broadcast %add3A_2360 : i32 to vector<16xi32>
      %add3A_2362 = arith.addi %iota3A, %add3A_2361 : vector<16xi32>
      %select_n3A_2363 = arith.select %gt3A_2357, %add3A_2362, %select_n3A_2272 : vector<16xi1>, vector<16xi32>
      %select_n3A_2364 = arith.select %gt3A_2357, %add3A_2342, %select_n3A_2273 : vector<16xi1>, vector<16xf32>
      %get3A_2365 = arith.constant 0 : i32
      %get3A_2366 = arith.index_cast %get3A_2365 : i32 to index
      %get3A_2367 = arith.constant 304 : index
      %get3A_2368 = tpu.vector_load %arg8[%get3A_2366, %get3A_2367] {strides = array<i32>} : memref<4x320xf32, #tpu.memory_space<vmem>>, vector<16xf32>,
      %get3A_2369 = arith.constant 1 : i32
      %get3A_2370 = arith.index_cast %get3A_2369 : i32 to index
      %get3A_2371 = arith.constant 304 : index
      %get3A_2372 = tpu.vector_load %arg8[%get3A_2370, %get3A_2371] {strides = array<i32>} : memref<4x320xf32, #tpu.memory_space<vmem>>, vector<16xf32>,
      %get3A_2373 = arith.constant 2 : i32
      %get3A_2374 = arith.index_cast %get3A_2373 : i32 to index
      %get3A_2375 = arith.constant 304 : index
      %get3A_2376 = tpu.vector_load %arg8[%get3A_2374, %get3A_2375] {strides = array<i32>} : memref<4x320xf32, #tpu.memory_space<vmem>>, vector<16xf32>,
      %get3A_2377 = arith.constant 3 : i32
      %get3A_2378 = arith.index_cast %get3A_2377 : i32 to index
      %get3A_2379 = arith.constant 304 : index
      %get3A_2380 = tpu.vector_load %arg8[%get3A_2378, %get3A_2379] {strides = array<i32>} : memref<4x320xf32, #tpu.memory_space<vmem>>, vector<16xf32>,
      %get3A_2381 = arith.constant 304 : index
      %get3A_2382 = tpu.vector_load %arg9[%get3A_2381] {strides = array<i32>} : memref<320xf32, #tpu.memory_space<vmem>>, vector<16xf32>,
      %min3A_2383 = arith.minimumf %get3A_2376, %add3A_630 : vector<16xf32>
      %max3A_2384 = arith.maximumf %get3A_2368, %sub3A_622 : vector<16xf32>
      %sub3A_2385 = arith.subf %min3A_2383, %max3A_2384 : vector<16xf32>
      %max3A_2386 = arith.constant 0.000000e+00 : f32
      %max3A_2387 = vector.broadcast %max3A_2386 : f32 to vector<16xf32>
      %max3A_2388 = arith.maximumf %sub3A_2385, %max3A_2387 : vector<16xf32>
      %min3A_2389 = arith.minimumf %get3A_2380, %add3A_634 : vector<16xf32>
      %max3A_2390 = arith.maximumf %get3A_2372, %sub3A_626 : vector<16xf32>
      %sub3A_2391 = arith.subf %min3A_2389, %max3A_2390 : vector<16xf32>
      %max3A_2392 = arith.constant 0.000000e+00 : f32
      %max3A_2393 = vector.broadcast %max3A_2392 : f32 to vector<16xf32>
      %max3A_2394 = arith.maximumf %sub3A_2391, %max3A_2393 : vector<16xf32>
      %mul3A_2395 = arith.mulf %max3A_2388, %max3A_2394 : vector<16xf32>
      %add3A_2396 = arith.addf %get3A_2382, %mul3A_635 : vector<16xf32>
      %sub3A_2397 = arith.subf %add3A_2396, %mul3A_2395 : vector<16xf32>
      %div3A_2398 = arith.divf %mul3A_2395, %sub3A_2397 : vector<16xf32>
      %get3A_2399 = arith.constant 0 : i32
      %get3A_2400 = arith.constant 0 : i32
      %get3A_2401 = arith.index_cast %get3A_2399 : i32 to index
      %get3A_2402 = arith.index_cast %get3A_2400 : i32 to index
      %get3A_2403 = arith.constant 304 : index
      %get3A_2404 = tpu.vector_load %arg10[%get3A_2401, %get3A_2402, %get3A_2403] {strides = array<i32>} : memref<1x4x320xf32, #tpu.memory_space<vmem>>, vector<16xf32>,
      %get3A_2405 = arith.constant 0 : i32
      %get3A_2406 = arith.constant 1 : i32
      %get3A_2407 = arith.index_cast %get3A_2405 : i32 to index
      %get3A_2408 = arith.index_cast %get3A_2406 : i32 to index
      %get3A_2409 = arith.constant 304 : index
      %get3A_2410 = tpu.vector_load %arg10[%get3A_2407, %get3A_2408, %get3A_2409] {strides = array<i32>} : memref<1x4x320xf32, #tpu.memory_space<vmem>>, vector<16xf32>,
      %get3A_2411 = arith.constant 0 : i32
      %get3A_2412 = arith.constant 2 : i32
      %get3A_2413 = arith.index_cast %get3A_2411 : i32 to index
      %get3A_2414 = arith.index_cast %get3A_2412 : i32 to index
      %get3A_2415 = arith.constant 304 : index
      %get3A_2416 = tpu.vector_load %arg10[%get3A_2413, %get3A_2414, %get3A_2415] {strides = array<i32>} : memref<1x4x320xf32, #tpu.memory_space<vmem>>, vector<16xf32>,
      %get3A_2417 = arith.constant 0 : i32
      %get3A_2418 = arith.constant 3 : i32
      %get3A_2419 = arith.index_cast %get3A_2417 : i32 to index
      %get3A_2420 = arith.index_cast %get3A_2418 : i32 to index
      %get3A_2421 = arith.constant 304 : index
      %get3A_2422 = tpu.vector_load %arg10[%get3A_2419, %get3A_2420, %get3A_2421] {strides = array<i32>} : memref<1x4x320xf32, #tpu.memory_space<vmem>>, vector<16xf32>,
      %sub3A_2423 = arith.subf %get3A_2404, %sub3A_622 : vector<16xf32>
      %abs3A_2424 = math.absf %sub3A_2423 : vector<16xf32>
      %sub3A_2425 = arith.subf %get3A_2410, %sub3A_626 : vector<16xf32>
      %abs3A_2426 = math.absf %sub3A_2425 : vector<16xf32>
      %add3A_2427 = arith.addf %abs3A_2424, %abs3A_2426 : vector<16xf32>
      %sub3A_2428 = arith.subf %get3A_2416, %add3A_630 : vector<16xf32>
      %abs3A_2429 = math.absf %sub3A_2428 : vector<16xf32>
      %add3A_2430 = arith.addf %add3A_2427, %abs3A_2429 : vector<16xf32>
      %sub3A_2431 = arith.subf %get3A_2422, %add3A_634 : vector<16xf32>
      %abs3A_2432 = math.absf %sub3A_2431 : vector<16xf32>
      %add3A_2433 = arith.addf %add3A_2430, %abs3A_2432 : vector<16xf32>
      %gt3A_2434 = arith.constant 5.000000e-01 : f32
      %gt3A_2435 = vector.broadcast %gt3A_2434 : f32 to vector<16xf32>
      %gt3A_2436 = arith.cmpf ogt, %div3A_2398, %gt3A_2435 : vector<16xf32>
      %jit3A_2437 = arith.constant 0.000000e+00 : f32
      %broadcast_in_dim3A_2438 = vector.broadcast %jit3A_2437 : f32 to vector<16xf32>
      %select_n3A_2439 = arith.select %gt3A_2436, %gather3A_618, %broadcast_in_dim3A_2438 : vector<16xi1>, vector<16xf32>
      %mul3A_2440 = arith.mulf %select_n3A_2439, %add3A_2433 : vector<16xf32>
      %add3A_2441 = arith.addf %add3A_2350, %mul3A_2440 : vector<16xf32>
      %add3A_2442 = arith.addf %add3A_2351, %select_n3A_2439 : vector<16xf32>
      %get3A_2443 = arith.constant 304 : index
      %get3A_2444 = tpu.vector_load %arg13[%get3A_2443] {strides = array<i32>} : memref<320xf32, #tpu.memory_space<vmem>>, vector<16xf32>,
      %max3A_2445 = arith.maximumf %get3A_2444, %select_n3A_2439 : vector<16xf32>
      %swap3A_2446 = arith.constant 304 : index
      %swap3A_2447 = tpu.vector_load %arg13[%swap3A_2446] {strides = array<i32>} : memref<320xf32, #tpu.memory_space<vmem>>, vector<16xf32>,
      tpu.vector_store %arg13[%swap3A_2446], %max3A_2445 {strides = array<i32>} : memref<320xf32, #tpu.memory_space<vmem>>, vector<16xf32>,
      %gt3A_2448 = arith.cmpf ogt, %div3A_2398, %select_n3A_2358 : vector<16xf32>
      %select_n3A_2449 = arith.select %gt3A_2448, %div3A_2398, %select_n3A_2358 : vector<16xi1>, vector<16xf32>
      %add3A_2450 = arith.constant 304 : i32
      %add3A_2451 = arith.addi %mul3A_462, %add3A_2450 : i32
      %add3A_2452 = vector.broadcast %add3A_2451 : i32 to vector<16xi32>
      %add3A_2453 = arith.addi %iota3A, %add3A_2452 : vector<16xi32>
      %select_n3A_2454 = arith.select %gt3A_2448, %add3A_2453, %select_n3A_2363 : vector<16xi1>, vector<16xi32>
      %select_n3A_2455 = arith.select %gt3A_2448, %add3A_2433, %select_n3A_2364 : vector<16xi1>, vector<16xf32>
      %reduce_max3A = arith.constant true
      %reduce_max3A_2456 = vector.broadcast %reduce_max3A : i1 to vector<16xi1>
      %reduce_max3A_2457 = tpu.scan <max>, %select_n3A_2449 masked %reduce_max3A_2456 : vector<16xf32>, vector<16xi1> -> vector<16xf32>
      %reduce_max3A_2458 = vector.extract %reduce_max3A_2457[15] : f32 from vector<16xf32>
      %eq3A_2459 = vector.broadcast %reduce_max3A_2458 : f32 to vector<16xf32>
      %eq3A_2460 = arith.cmpf oeq, %select_n3A_2449, %eq3A_2459 : vector<16xf32>
      %jit3A_2461 = arith.constant 5136 : i32
      %broadcast_in_dim3A_2462 = vector.broadcast %jit3A_2461 : i32 to vector<16xi32>
      %select_n3A_2463 = arith.select %eq3A_2460, %select_n3A_2454, %broadcast_in_dim3A_2462 : vector<16xi1>, vector<16xi32>
      %reduce_min3A = arith.constant true
      %reduce_min3A_2464 = vector.broadcast %reduce_min3A : i1 to vector<16xi1>
      %reduce_min3A_2465 = arith.constant -2147483648 : i32
      %reduce_min3A_2466 = vector.broadcast %reduce_min3A_2465 : i32 to vector<16xi32>
      %reduce_min3A_2467 = arith.xori %select_n3A_2463, %reduce_min3A_2466 : vector<16xi32>
      %reduce_min3A_2468 = tpu.scan <min>, %reduce_min3A_2467 masked %reduce_min3A_2464 : vector<16xi32>, vector<16xi1> -> vector<16xi32>
      %reduce_min3A_2469 = arith.xori %reduce_min3A_2468, %reduce_min3A_2466 : vector<16xi32>
      %reduce_min3A_2470 = vector.extract %reduce_min3A_2469[15] : i32 from vector<16xi32>
      %eq3A_2471 = vector.broadcast %reduce_min3A_2470 : i32 to vector<16xi32>
      %eq3A_2472 = arith.cmpi eq, %select_n3A_2454, %eq3A_2471 : vector<16xi32>
      %jit3A_2473 = arith.constant 0.000000e+00 : f32
      %broadcast_in_dim3A_2474 = vector.broadcast %jit3A_2473 : f32 to vector<16xf32>
      %select_n3A_2475 = arith.select %eq3A_2472, %select_n3A_2455, %broadcast_in_dim3A_2474 : vector<16xi1>, vector<16xf32>
      %reduce_max3A_2476 = arith.constant true
      %reduce_max3A_2477 = vector.broadcast %reduce_max3A_2476 : i1 to vector<16xi1>
      %reduce_max3A_2478 = tpu.scan <max>, %select_n3A_2475 masked %reduce_max3A_2477 : vector<16xf32>, vector<16xi1> -> vector<16xf32>
      %reduce_max3A_2479 = vector.extract %reduce_max3A_2478[15] : f32 from vector<16xf32>
      %eq3A_2480 = arith.constant 0 : i32
      %eq3A_2481 = vector.broadcast %eq3A_2480 : i32 to vector<16xi32>
      %eq3A_2482 = arith.cmpi eq, %iota3A, %eq3A_2481 : vector<16xi32>
      %eq3A_2483 = arith.constant 1 : i32
      %eq3A_2484 = vector.broadcast %eq3A_2483 : i32 to vector<16xi32>
      %eq3A_2485 = arith.cmpi eq, %iota3A, %eq3A_2484 : vector<16xi32>
      %convert_element_type3A_2486 = arith.sitofp %reduce_min3A_2470 : i32 to f32
      %broadcast_in_dim3A_2487 = vector.broadcast %convert_element_type3A_2486 : f32 to vector<16xf32>
      %broadcast_in_dim3A_2488 = vector.broadcast %reduce_max3A_2479 : f32 to vector<16xf32>
      %select_n3A_2489 = arith.select %eq3A_2485, %broadcast_in_dim3A_2487, %broadcast_in_dim3A_2488 : vector<16xi1>, vector<16xf32>
      %broadcast_in_dim3A_2490 = vector.broadcast %reduce_max3A_2458 : f32 to vector<16xf32>
      %select_n3A_2491 = arith.select %eq3A_2482, %broadcast_in_dim3A_2490, %select_n3A_2489 : vector<16xi1>, vector<16xf32>
      %min3A_2492 = arith.constant 2 : i32
      %min3A_2493 = vector.broadcast %min3A_2492 : i32 to vector<16xi32>
      %min3A_2494 = arith.minsi %iota3A, %min3A_2493 : vector<16xi32>
      %mul3A_2495 = arith.constant 64 : i32
      %mul3A_2496 = vector.broadcast %mul3A_2495 : i32 to vector<16xi32>
      %mul3A_2497 = arith.muli %min3A_2494, %mul3A_2496 : vector<16xi32>
      %add3A_2498 = arith.addi %broadcast_in_dim3A_605, %mul3A_2497 : vector<16xi32>
      %lt3A_2499 = arith.constant 3 : i32
      %lt3A_2500 = vector.broadcast %lt3A_2499 : i32 to vector<16xi32>
      %lt3A_2501 = arith.cmpi slt, %iota3A, %lt3A_2500 : vector<16xi32>
      tpu.vector_store_idx %arg14[%add3A_2498], %select_n3A_2491 masked %lt3A_2501 : memref<192xf32, #tpu.memory_space<vmem>>[vector<16xi32>], vector<16xf32>, vector<16xi1>
      scf.yield %add3A_2441, %add3A_2442 : vector<16xf32>, vector<16xf32>
    }
    %scan3A_467 = arith.constant 64 : i32
    %eq3A = arith.constant 0 : i32
    %eq3A_468 = vector.broadcast %eq3A : i32 to vector<16xi32>
    %eq3A_469 = arith.cmpi eq, %iota3A, %eq3A_468 : vector<16xi32>
    %reduce_sum3A = arith.constant true
    %reduce_sum3A_470 = vector.broadcast %reduce_sum3A : i1 to vector<16xi1>
    %reduce_sum3A_471 = tpu.scan <sum>, %scan3A_466#0 masked %reduce_sum3A_470 : vector<16xf32>, vector<16xi1> -> vector<16xf32>
    %reduce_sum3A_472 = vector.extract %reduce_sum3A_471[15] : f32 from vector<16xf32>
    %jit3A = arith.constant 0.000000e+00 : f32
    %broadcast_in_dim3A_473 = vector.broadcast %reduce_sum3A_472 : f32 to vector<16xf32>
    %broadcast_in_dim3A_474 = vector.broadcast %jit3A : f32 to vector<16xf32>
    %select_n3A = arith.select %eq3A_469, %broadcast_in_dim3A_473, %broadcast_in_dim3A_474 : vector<16xi1>, vector<16xf32>
    %add3A = arith.addf %broadcast_in_dim3A_0, %select_n3A : vector<16xf32>
    %eq3A_475 = arith.constant 1 : i32
    %eq3A_476 = vector.broadcast %eq3A_475 : i32 to vector<16xi32>
    %eq3A_477 = arith.cmpi eq, %iota3A, %eq3A_476 : vector<16xi32>
    %reduce_sum3A_478 = arith.constant true
    %reduce_sum3A_479 = vector.broadcast %reduce_sum3A_478 : i1 to vector<16xi1>
    %reduce_sum3A_480 = tpu.scan <sum>, %scan3A_466#1 masked %reduce_sum3A_479 : vector<16xf32>, vector<16xi1> -> vector<16xf32>
    %reduce_sum3A_481 = vector.extract %reduce_sum3A_480[15] : f32 from vector<16xf32>
    %jit3A_482 = arith.constant 0.000000e+00 : f32
    %broadcast_in_dim3A_483 = vector.broadcast %reduce_sum3A_481 : f32 to vector<16xf32>
    %broadcast_in_dim3A_484 = vector.broadcast %jit3A_482 : f32 to vector<16xf32>
    %select_n3A_485 = arith.select %eq3A_477, %broadcast_in_dim3A_483, %broadcast_in_dim3A_484 : vector<16xi1>, vector<16xf32>
    %add3A_486 = arith.addf %add3A, %select_n3A_485 : vector<16xf32>
    "tpu.region"() ({
      %run_scoped3A = tpu.sem_alloc : memref<!tpu.dma_semaphore, #tpu.memory_space<semaphore_mem>>
      %dma_start3A = arith.constant 0 : i32
      %dma_start3A_600 = tpu.memref_slice %arg19[%arg1, %dma_start3A] : memref<16x192xf32, #tpu.memory_space<vmem_shared>> -> memref<1x192xf32, #tpu.memory_space<vmem_shared>>
      %dma_start3A_601 = tpu.memref_squeeze %dma_start3A_600 : memref<1x192xf32, #tpu.memory_space<vmem_shared>> -> memref<192xf32, #tpu.memory_space<vmem_shared>>
      %dma_start3A_602 = arith.constant 0 : i32
      %dma_start3A_603 = tpu.memref_slice %arg19[%arg1, %dma_start3A_602] : memref<16x192xf32, #tpu.memory_space<vmem_shared>> -> memref<1x192xf32, #tpu.memory_space<vmem_shared>>
      %dma_start3A_604 = tpu.memref_squeeze %dma_start3A_603 : memref<1x192xf32, #tpu.memory_space<vmem_shared>> -> memref<192xf32, #tpu.memory_space<vmem_shared>>
      tpu.enqueue_dma source(%arg14 : memref<192xf32, #tpu.memory_space<vmem>>) target(%dma_start3A_604 : memref<192xf32, #tpu.memory_space<vmem_shared>>) target_semaphore(%run_scoped3A : memref<!tpu.dma_semaphore, #tpu.memory_space<semaphore_mem>>)
      %dma_wait3A = arith.constant 0 : i32
      %dma_wait3A_605 = tpu.memref_slice %arg19[%arg1, %dma_wait3A] : memref<16x192xf32, #tpu.memory_space<vmem_shared>> -> memref<1x192xf32, #tpu.memory_space<vmem_shared>>
      %dma_wait3A_606 = tpu.memref_squeeze %dma_wait3A_605 : memref<1x192xf32, #tpu.memory_space<vmem_shared>> -> memref<192xf32, #tpu.memory_space<vmem_shared>>
      %dma_wait3A_607 = arith.constant 0 : i32
      %dma_wait3A_608 = tpu.memref_slice %arg19[%arg1, %dma_wait3A_607] : memref<16x192xf32, #tpu.memory_space<vmem_shared>> -> memref<1x192xf32, #tpu.memory_space<vmem_shared>>
      %dma_wait3A_609 = tpu.memref_squeeze %dma_wait3A_608 : memref<1x192xf32, #tpu.memory_space<vmem_shared>> -> memref<192xf32, #tpu.memory_space<vmem_shared>>
      tpu.wait_dma2 semaphore(%run_scoped3A : memref<!tpu.dma_semaphore, #tpu.memory_space<semaphore_mem>>) src(%arg14 : memref<192xf32, #tpu.memory_space<vmem>>) dst(%dma_wait3A_609 : memref<192xf32, #tpu.memory_space<vmem_shared>>)
      tpu.yield
    }) : () -> ()
    %barrier3A = arith.constant 0 : index
    tpu.barrier barrier_id(%barrier3A)
    %eq3A_487 = arith.constant 0 : i32
    %eq3A_488 = arith.cmpi eq, %arg1, %eq3A_487 : i32
    %convert_element_type3A = arith.extui %eq3A_488 : i1 to i32
    %cond3A = arith.constant 0 : i32
    %cond3A_489 = arith.cmpi ne, %convert_element_type3A, %cond3A : i32
    scf.if %cond3A_489 {
      "tpu.region"() ({
        %run_scoped3A = tpu.sem_alloc : memref<!tpu.dma_semaphore, #tpu.memory_space<semaphore_mem>>
        tpu.enqueue_dma source(%arg19 : memref<16x192xf32, #tpu.memory_space<vmem_shared>>) target(%arg15 : memref<16x192xf32, #tpu.memory_space<vmem>>) target_semaphore(%run_scoped3A : memref<!tpu.dma_semaphore, #tpu.memory_space<semaphore_mem>>)
        tpu.wait_dma2 semaphore(%run_scoped3A : memref<!tpu.dma_semaphore, #tpu.memory_space<semaphore_mem>>) src(%arg19 : memref<16x192xf32, #tpu.memory_space<vmem_shared>>) dst(%arg15 : memref<16x192xf32, #tpu.memory_space<vmem>>)
        tpu.yield
      }) : () -> ()
      %get3A_600 = arith.constant 0 : i32
      %get3A_601 = arith.index_cast %get3A_600 : i32 to index
      %get3A_602 = arith.constant 0 : index
      %get3A_603 = tpu.vector_load %arg15[%get3A_601, %get3A_602] {strides = array<i32>} : memref<16x192xf32, #tpu.memory_space<vmem>>, vector<16xf32>,
      %get3A_604 = arith.constant 0 : i32
      %get3A_605 = arith.index_cast %get3A_604 : i32 to index
      %get3A_606 = arith.constant 64 : index
      %get3A_607 = tpu.vector_load %arg15[%get3A_605, %get3A_606] {strides = array<i32>} : memref<16x192xf32, #tpu.memory_space<vmem>>, vector<16xf32>,
      %get3A_608 = arith.constant 0 : i32
      %get3A_609 = arith.index_cast %get3A_608 : i32 to index
      %get3A_610 = arith.constant 128 : index
      %get3A_611 = tpu.vector_load %arg15[%get3A_609, %get3A_610] {strides = array<i32>} : memref<16x192xf32, #tpu.memory_space<vmem>>, vector<16xf32>,
      %get3A_612 = arith.constant 1 : i32
      %get3A_613 = arith.index_cast %get3A_612 : i32 to index
      %get3A_614 = arith.constant 0 : index
      %get3A_615 = tpu.vector_load %arg15[%get3A_613, %get3A_614] {strides = array<i32>} : memref<16x192xf32, #tpu.memory_space<vmem>>, vector<16xf32>,
      %get3A_616 = arith.constant 1 : i32
      %get3A_617 = arith.index_cast %get3A_616 : i32 to index
      %get3A_618 = arith.constant 64 : index
      %get3A_619 = tpu.vector_load %arg15[%get3A_617, %get3A_618] {strides = array<i32>} : memref<16x192xf32, #tpu.memory_space<vmem>>, vector<16xf32>,
      %get3A_620 = arith.constant 1 : i32
      %get3A_621 = arith.index_cast %get3A_620 : i32 to index
      %get3A_622 = arith.constant 128 : index
      %get3A_623 = tpu.vector_load %arg15[%get3A_621, %get3A_622] {strides = array<i32>} : memref<16x192xf32, #tpu.memory_space<vmem>>, vector<16xf32>,
      %gt3A_624 = arith.cmpf ogt, %get3A_615, %get3A_603 : vector<16xf32>
      %eq3A_625 = arith.cmpf oeq, %get3A_615, %get3A_603 : vector<16xf32>
      %lt3A_626 = arith.cmpf olt, %get3A_619, %get3A_607 : vector<16xf32>
      %and3A_627 = arith.andi %eq3A_625, %lt3A_626 : vector<16xi1>
      %or3A = arith.ori %gt3A_624, %and3A_627 : vector<16xi1>
      %select_n3A_628 = arith.select %or3A, %get3A_615, %get3A_603 : vector<16xi1>, vector<16xf32>
      %select_n3A_629 = arith.select %or3A, %get3A_619, %get3A_607 : vector<16xi1>, vector<16xf32>
      %select_n3A_630 = arith.select %or3A, %get3A_623, %get3A_611 : vector<16xi1>, vector<16xf32>
      %get3A_631 = arith.constant 2 : i32
      %get3A_632 = arith.index_cast %get3A_631 : i32 to index
      %get3A_633 = arith.constant 0 : index
      %get3A_634 = tpu.vector_load %arg15[%get3A_632, %get3A_633] {strides = array<i32>} : memref<16x192xf32, #tpu.memory_space<vmem>>, vector<16xf32>,
      %get3A_635 = arith.constant 2 : i32
      %get3A_636 = arith.index_cast %get3A_635 : i32 to index
      %get3A_637 = arith.constant 64 : index
      %get3A_638 = tpu.vector_load %arg15[%get3A_636, %get3A_637] {strides = array<i32>} : memref<16x192xf32, #tpu.memory_space<vmem>>, vector<16xf32>,
      %get3A_639 = arith.constant 2 : i32
      %get3A_640 = arith.index_cast %get3A_639 : i32 to index
      %get3A_641 = arith.constant 128 : index
      %get3A_642 = tpu.vector_load %arg15[%get3A_640, %get3A_641] {strides = array<i32>} : memref<16x192xf32, #tpu.memory_space<vmem>>, vector<16xf32>,
      %gt3A_643 = arith.cmpf ogt, %get3A_634, %select_n3A_628 : vector<16xf32>
      %eq3A_644 = arith.cmpf oeq, %get3A_634, %select_n3A_628 : vector<16xf32>
      %lt3A_645 = arith.cmpf olt, %get3A_638, %select_n3A_629 : vector<16xf32>
      %and3A_646 = arith.andi %eq3A_644, %lt3A_645 : vector<16xi1>
      %or3A_647 = arith.ori %gt3A_643, %and3A_646 : vector<16xi1>
      %select_n3A_648 = arith.select %or3A_647, %get3A_634, %select_n3A_628 : vector<16xi1>, vector<16xf32>
      %select_n3A_649 = arith.select %or3A_647, %get3A_638, %select_n3A_629 : vector<16xi1>, vector<16xf32>
      %select_n3A_650 = arith.select %or3A_647, %get3A_642, %select_n3A_630 : vector<16xi1>, vector<16xf32>
      %get3A_651 = arith.constant 3 : i32
      %get3A_652 = arith.index_cast %get3A_651 : i32 to index
      %get3A_653 = arith.constant 0 : index
      %get3A_654 = tpu.vector_load %arg15[%get3A_652, %get3A_653] {strides = array<i32>} : memref<16x192xf32, #tpu.memory_space<vmem>>, vector<16xf32>,
      %get3A_655 = arith.constant 3 : i32
      %get3A_656 = arith.index_cast %get3A_655 : i32 to index
      %get3A_657 = arith.constant 64 : index
      %get3A_658 = tpu.vector_load %arg15[%get3A_656, %get3A_657] {strides = array<i32>} : memref<16x192xf32, #tpu.memory_space<vmem>>, vector<16xf32>,
      %get3A_659 = arith.constant 3 : i32
      %get3A_660 = arith.index_cast %get3A_659 : i32 to index
      %get3A_661 = arith.constant 128 : index
      %get3A_662 = tpu.vector_load %arg15[%get3A_660, %get3A_661] {strides = array<i32>} : memref<16x192xf32, #tpu.memory_space<vmem>>, vector<16xf32>,
      %gt3A_663 = arith.cmpf ogt, %get3A_654, %select_n3A_648 : vector<16xf32>
      %eq3A_664 = arith.cmpf oeq, %get3A_654, %select_n3A_648 : vector<16xf32>
      %lt3A_665 = arith.cmpf olt, %get3A_658, %select_n3A_649 : vector<16xf32>
      %and3A_666 = arith.andi %eq3A_664, %lt3A_665 : vector<16xi1>
      %or3A_667 = arith.ori %gt3A_663, %and3A_666 : vector<16xi1>
      %select_n3A_668 = arith.select %or3A_667, %get3A_654, %select_n3A_648 : vector<16xi1>, vector<16xf32>
      %select_n3A_669 = arith.select %or3A_667, %get3A_658, %select_n3A_649 : vector<16xi1>, vector<16xf32>
      %select_n3A_670 = arith.select %or3A_667, %get3A_662, %select_n3A_650 : vector<16xi1>, vector<16xf32>
      %get3A_671 = arith.constant 4 : i32
      %get3A_672 = arith.index_cast %get3A_671 : i32 to index
      %get3A_673 = arith.constant 0 : index
      %get3A_674 = tpu.vector_load %arg15[%get3A_672, %get3A_673] {strides = array<i32>} : memref<16x192xf32, #tpu.memory_space<vmem>>, vector<16xf32>,
      %get3A_675 = arith.constant 4 : i32
      %get3A_676 = arith.index_cast %get3A_675 : i32 to index
      %get3A_677 = arith.constant 64 : index
      %get3A_678 = tpu.vector_load %arg15[%get3A_676, %get3A_677] {strides = array<i32>} : memref<16x192xf32, #tpu.memory_space<vmem>>, vector<16xf32>,
      %get3A_679 = arith.constant 4 : i32
      %get3A_680 = arith.index_cast %get3A_679 : i32 to index
      %get3A_681 = arith.constant 128 : index
      %get3A_682 = tpu.vector_load %arg15[%get3A_680, %get3A_681] {strides = array<i32>} : memref<16x192xf32, #tpu.memory_space<vmem>>, vector<16xf32>,
      %gt3A_683 = arith.cmpf ogt, %get3A_674, %select_n3A_668 : vector<16xf32>
      %eq3A_684 = arith.cmpf oeq, %get3A_674, %select_n3A_668 : vector<16xf32>
      %lt3A_685 = arith.cmpf olt, %get3A_678, %select_n3A_669 : vector<16xf32>
      %and3A_686 = arith.andi %eq3A_684, %lt3A_685 : vector<16xi1>
      %or3A_687 = arith.ori %gt3A_683, %and3A_686 : vector<16xi1>
      %select_n3A_688 = arith.select %or3A_687, %get3A_674, %select_n3A_668 : vector<16xi1>, vector<16xf32>
      %select_n3A_689 = arith.select %or3A_687, %get3A_678, %select_n3A_669 : vector<16xi1>, vector<16xf32>
      %select_n3A_690 = arith.select %or3A_687, %get3A_682, %select_n3A_670 : vector<16xi1>, vector<16xf32>
      %get3A_691 = arith.constant 5 : i32
      %get3A_692 = arith.index_cast %get3A_691 : i32 to index
      %get3A_693 = arith.constant 0 : index
      %get3A_694 = tpu.vector_load %arg15[%get3A_692, %get3A_693] {strides = array<i32>} : memref<16x192xf32, #tpu.memory_space<vmem>>, vector<16xf32>,
      %get3A_695 = arith.constant 5 : i32
      %get3A_696 = arith.index_cast %get3A_695 : i32 to index
      %get3A_697 = arith.constant 64 : index
      %get3A_698 = tpu.vector_load %arg15[%get3A_696, %get3A_697] {strides = array<i32>} : memref<16x192xf32, #tpu.memory_space<vmem>>, vector<16xf32>,
      %get3A_699 = arith.constant 5 : i32
      %get3A_700 = arith.index_cast %get3A_699 : i32 to index
      %get3A_701 = arith.constant 128 : index
      %get3A_702 = tpu.vector_load %arg15[%get3A_700, %get3A_701] {strides = array<i32>} : memref<16x192xf32, #tpu.memory_space<vmem>>, vector<16xf32>,
      %gt3A_703 = arith.cmpf ogt, %get3A_694, %select_n3A_688 : vector<16xf32>
      %eq3A_704 = arith.cmpf oeq, %get3A_694, %select_n3A_688 : vector<16xf32>
      %lt3A_705 = arith.cmpf olt, %get3A_698, %select_n3A_689 : vector<16xf32>
      %and3A_706 = arith.andi %eq3A_704, %lt3A_705 : vector<16xi1>
      %or3A_707 = arith.ori %gt3A_703, %and3A_706 : vector<16xi1>
      %select_n3A_708 = arith.select %or3A_707, %get3A_694, %select_n3A_688 : vector<16xi1>, vector<16xf32>
      %select_n3A_709 = arith.select %or3A_707, %get3A_698, %select_n3A_689 : vector<16xi1>, vector<16xf32>
      %select_n3A_710 = arith.select %or3A_707, %get3A_702, %select_n3A_690 : vector<16xi1>, vector<16xf32>
      %get3A_711 = arith.constant 6 : i32
      %get3A_712 = arith.index_cast %get3A_711 : i32 to index
      %get3A_713 = arith.constant 0 : index
      %get3A_714 = tpu.vector_load %arg15[%get3A_712, %get3A_713] {strides = array<i32>} : memref<16x192xf32, #tpu.memory_space<vmem>>, vector<16xf32>,
      %get3A_715 = arith.constant 6 : i32
      %get3A_716 = arith.index_cast %get3A_715 : i32 to index
      %get3A_717 = arith.constant 64 : index
      %get3A_718 = tpu.vector_load %arg15[%get3A_716, %get3A_717] {strides = array<i32>} : memref<16x192xf32, #tpu.memory_space<vmem>>, vector<16xf32>,
      %get3A_719 = arith.constant 6 : i32
      %get3A_720 = arith.index_cast %get3A_719 : i32 to index
      %get3A_721 = arith.constant 128 : index
      %get3A_722 = tpu.vector_load %arg15[%get3A_720, %get3A_721] {strides = array<i32>} : memref<16x192xf32, #tpu.memory_space<vmem>>, vector<16xf32>,
      %gt3A_723 = arith.cmpf ogt, %get3A_714, %select_n3A_708 : vector<16xf32>
      %eq3A_724 = arith.cmpf oeq, %get3A_714, %select_n3A_708 : vector<16xf32>
      %lt3A_725 = arith.cmpf olt, %get3A_718, %select_n3A_709 : vector<16xf32>
      %and3A_726 = arith.andi %eq3A_724, %lt3A_725 : vector<16xi1>
      %or3A_727 = arith.ori %gt3A_723, %and3A_726 : vector<16xi1>
      %select_n3A_728 = arith.select %or3A_727, %get3A_714, %select_n3A_708 : vector<16xi1>, vector<16xf32>
      %select_n3A_729 = arith.select %or3A_727, %get3A_718, %select_n3A_709 : vector<16xi1>, vector<16xf32>
      %select_n3A_730 = arith.select %or3A_727, %get3A_722, %select_n3A_710 : vector<16xi1>, vector<16xf32>
      %get3A_731 = arith.constant 7 : i32
      %get3A_732 = arith.index_cast %get3A_731 : i32 to index
      %get3A_733 = arith.constant 0 : index
      %get3A_734 = tpu.vector_load %arg15[%get3A_732, %get3A_733] {strides = array<i32>} : memref<16x192xf32, #tpu.memory_space<vmem>>, vector<16xf32>,
      %get3A_735 = arith.constant 7 : i32
      %get3A_736 = arith.index_cast %get3A_735 : i32 to index
      %get3A_737 = arith.constant 64 : index
      %get3A_738 = tpu.vector_load %arg15[%get3A_736, %get3A_737] {strides = array<i32>} : memref<16x192xf32, #tpu.memory_space<vmem>>, vector<16xf32>,
      %get3A_739 = arith.constant 7 : i32
      %get3A_740 = arith.index_cast %get3A_739 : i32 to index
      %get3A_741 = arith.constant 128 : index
      %get3A_742 = tpu.vector_load %arg15[%get3A_740, %get3A_741] {strides = array<i32>} : memref<16x192xf32, #tpu.memory_space<vmem>>, vector<16xf32>,
      %gt3A_743 = arith.cmpf ogt, %get3A_734, %select_n3A_728 : vector<16xf32>
      %eq3A_744 = arith.cmpf oeq, %get3A_734, %select_n3A_728 : vector<16xf32>
      %lt3A_745 = arith.cmpf olt, %get3A_738, %select_n3A_729 : vector<16xf32>
      %and3A_746 = arith.andi %eq3A_744, %lt3A_745 : vector<16xi1>
      %or3A_747 = arith.ori %gt3A_743, %and3A_746 : vector<16xi1>
      %select_n3A_748 = arith.select %or3A_747, %get3A_734, %select_n3A_728 : vector<16xi1>, vector<16xf32>
      %select_n3A_749 = arith.select %or3A_747, %get3A_738, %select_n3A_729 : vector<16xi1>, vector<16xf32>
      %select_n3A_750 = arith.select %or3A_747, %get3A_742, %select_n3A_730 : vector<16xi1>, vector<16xf32>
      %get3A_751 = arith.constant 8 : i32
      %get3A_752 = arith.index_cast %get3A_751 : i32 to index
      %get3A_753 = arith.constant 0 : index
      %get3A_754 = tpu.vector_load %arg15[%get3A_752, %get3A_753] {strides = array<i32>} : memref<16x192xf32, #tpu.memory_space<vmem>>, vector<16xf32>,
      %get3A_755 = arith.constant 8 : i32
      %get3A_756 = arith.index_cast %get3A_755 : i32 to index
      %get3A_757 = arith.constant 64 : index
      %get3A_758 = tpu.vector_load %arg15[%get3A_756, %get3A_757] {strides = array<i32>} : memref<16x192xf32, #tpu.memory_space<vmem>>, vector<16xf32>,
      %get3A_759 = arith.constant 8 : i32
      %get3A_760 = arith.index_cast %get3A_759 : i32 to index
      %get3A_761 = arith.constant 128 : index
      %get3A_762 = tpu.vector_load %arg15[%get3A_760, %get3A_761] {strides = array<i32>} : memref<16x192xf32, #tpu.memory_space<vmem>>, vector<16xf32>,
      %gt3A_763 = arith.cmpf ogt, %get3A_754, %select_n3A_748 : vector<16xf32>
      %eq3A_764 = arith.cmpf oeq, %get3A_754, %select_n3A_748 : vector<16xf32>
      %lt3A_765 = arith.cmpf olt, %get3A_758, %select_n3A_749 : vector<16xf32>
      %and3A_766 = arith.andi %eq3A_764, %lt3A_765 : vector<16xi1>
      %or3A_767 = arith.ori %gt3A_763, %and3A_766 : vector<16xi1>
      %select_n3A_768 = arith.select %or3A_767, %get3A_754, %select_n3A_748 : vector<16xi1>, vector<16xf32>
      %select_n3A_769 = arith.select %or3A_767, %get3A_758, %select_n3A_749 : vector<16xi1>, vector<16xf32>
      %select_n3A_770 = arith.select %or3A_767, %get3A_762, %select_n3A_750 : vector<16xi1>, vector<16xf32>
      %get3A_771 = arith.constant 9 : i32
      %get3A_772 = arith.index_cast %get3A_771 : i32 to index
      %get3A_773 = arith.constant 0 : index
      %get3A_774 = tpu.vector_load %arg15[%get3A_772, %get3A_773] {strides = array<i32>} : memref<16x192xf32, #tpu.memory_space<vmem>>, vector<16xf32>,
      %get3A_775 = arith.constant 9 : i32
      %get3A_776 = arith.index_cast %get3A_775 : i32 to index
      %get3A_777 = arith.constant 64 : index
      %get3A_778 = tpu.vector_load %arg15[%get3A_776, %get3A_777] {strides = array<i32>} : memref<16x192xf32, #tpu.memory_space<vmem>>, vector<16xf32>,
      %get3A_779 = arith.constant 9 : i32
      %get3A_780 = arith.index_cast %get3A_779 : i32 to index
      %get3A_781 = arith.constant 128 : index
      %get3A_782 = tpu.vector_load %arg15[%get3A_780, %get3A_781] {strides = array<i32>} : memref<16x192xf32, #tpu.memory_space<vmem>>, vector<16xf32>,
      %gt3A_783 = arith.cmpf ogt, %get3A_774, %select_n3A_768 : vector<16xf32>
      %eq3A_784 = arith.cmpf oeq, %get3A_774, %select_n3A_768 : vector<16xf32>
      %lt3A_785 = arith.cmpf olt, %get3A_778, %select_n3A_769 : vector<16xf32>
      %and3A_786 = arith.andi %eq3A_784, %lt3A_785 : vector<16xi1>
      %or3A_787 = arith.ori %gt3A_783, %and3A_786 : vector<16xi1>
      %select_n3A_788 = arith.select %or3A_787, %get3A_774, %select_n3A_768 : vector<16xi1>, vector<16xf32>
      %select_n3A_789 = arith.select %or3A_787, %get3A_778, %select_n3A_769 : vector<16xi1>, vector<16xf32>
      %select_n3A_790 = arith.select %or3A_787, %get3A_782, %select_n3A_770 : vector<16xi1>, vector<16xf32>
      %get3A_791 = arith.constant 10 : i32
      %get3A_792 = arith.index_cast %get3A_791 : i32 to index
      %get3A_793 = arith.constant 0 : index
      %get3A_794 = tpu.vector_load %arg15[%get3A_792, %get3A_793] {strides = array<i32>} : memref<16x192xf32, #tpu.memory_space<vmem>>, vector<16xf32>,
      %get3A_795 = arith.constant 10 : i32
      %get3A_796 = arith.index_cast %get3A_795 : i32 to index
      %get3A_797 = arith.constant 64 : index
      %get3A_798 = tpu.vector_load %arg15[%get3A_796, %get3A_797] {strides = array<i32>} : memref<16x192xf32, #tpu.memory_space<vmem>>, vector<16xf32>,
      %get3A_799 = arith.constant 10 : i32
      %get3A_800 = arith.index_cast %get3A_799 : i32 to index
      %get3A_801 = arith.constant 128 : index
      %get3A_802 = tpu.vector_load %arg15[%get3A_800, %get3A_801] {strides = array<i32>} : memref<16x192xf32, #tpu.memory_space<vmem>>, vector<16xf32>,
      %gt3A_803 = arith.cmpf ogt, %get3A_794, %select_n3A_788 : vector<16xf32>
      %eq3A_804 = arith.cmpf oeq, %get3A_794, %select_n3A_788 : vector<16xf32>
      %lt3A_805 = arith.cmpf olt, %get3A_798, %select_n3A_789 : vector<16xf32>
      %and3A_806 = arith.andi %eq3A_804, %lt3A_805 : vector<16xi1>
      %or3A_807 = arith.ori %gt3A_803, %and3A_806 : vector<16xi1>
      %select_n3A_808 = arith.select %or3A_807, %get3A_794, %select_n3A_788 : vector<16xi1>, vector<16xf32>
      %select_n3A_809 = arith.select %or3A_807, %get3A_798, %select_n3A_789 : vector<16xi1>, vector<16xf32>
      %select_n3A_810 = arith.select %or3A_807, %get3A_802, %select_n3A_790 : vector<16xi1>, vector<16xf32>
      %get3A_811 = arith.constant 11 : i32
      %get3A_812 = arith.index_cast %get3A_811 : i32 to index
      %get3A_813 = arith.constant 0 : index
      %get3A_814 = tpu.vector_load %arg15[%get3A_812, %get3A_813] {strides = array<i32>} : memref<16x192xf32, #tpu.memory_space<vmem>>, vector<16xf32>,
      %get3A_815 = arith.constant 11 : i32
      %get3A_816 = arith.index_cast %get3A_815 : i32 to index
      %get3A_817 = arith.constant 64 : index
      %get3A_818 = tpu.vector_load %arg15[%get3A_816, %get3A_817] {strides = array<i32>} : memref<16x192xf32, #tpu.memory_space<vmem>>, vector<16xf32>,
      %get3A_819 = arith.constant 11 : i32
      %get3A_820 = arith.index_cast %get3A_819 : i32 to index
      %get3A_821 = arith.constant 128 : index
      %get3A_822 = tpu.vector_load %arg15[%get3A_820, %get3A_821] {strides = array<i32>} : memref<16x192xf32, #tpu.memory_space<vmem>>, vector<16xf32>,
      %gt3A_823 = arith.cmpf ogt, %get3A_814, %select_n3A_808 : vector<16xf32>
      %eq3A_824 = arith.cmpf oeq, %get3A_814, %select_n3A_808 : vector<16xf32>
      %lt3A_825 = arith.cmpf olt, %get3A_818, %select_n3A_809 : vector<16xf32>
      %and3A_826 = arith.andi %eq3A_824, %lt3A_825 : vector<16xi1>
      %or3A_827 = arith.ori %gt3A_823, %and3A_826 : vector<16xi1>
      %select_n3A_828 = arith.select %or3A_827, %get3A_814, %select_n3A_808 : vector<16xi1>, vector<16xf32>
      %select_n3A_829 = arith.select %or3A_827, %get3A_818, %select_n3A_809 : vector<16xi1>, vector<16xf32>
      %select_n3A_830 = arith.select %or3A_827, %get3A_822, %select_n3A_810 : vector<16xi1>, vector<16xf32>
      %get3A_831 = arith.constant 12 : i32
      %get3A_832 = arith.index_cast %get3A_831 : i32 to index
      %get3A_833 = arith.constant 0 : index
      %get3A_834 = tpu.vector_load %arg15[%get3A_832, %get3A_833] {strides = array<i32>} : memref<16x192xf32, #tpu.memory_space<vmem>>, vector<16xf32>,
      %get3A_835 = arith.constant 12 : i32
      %get3A_836 = arith.index_cast %get3A_835 : i32 to index
      %get3A_837 = arith.constant 64 : index
      %get3A_838 = tpu.vector_load %arg15[%get3A_836, %get3A_837] {strides = array<i32>} : memref<16x192xf32, #tpu.memory_space<vmem>>, vector<16xf32>,
      %get3A_839 = arith.constant 12 : i32
      %get3A_840 = arith.index_cast %get3A_839 : i32 to index
      %get3A_841 = arith.constant 128 : index
      %get3A_842 = tpu.vector_load %arg15[%get3A_840, %get3A_841] {strides = array<i32>} : memref<16x192xf32, #tpu.memory_space<vmem>>, vector<16xf32>,
      %gt3A_843 = arith.cmpf ogt, %get3A_834, %select_n3A_828 : vector<16xf32>
      %eq3A_844 = arith.cmpf oeq, %get3A_834, %select_n3A_828 : vector<16xf32>
      %lt3A_845 = arith.cmpf olt, %get3A_838, %select_n3A_829 : vector<16xf32>
      %and3A_846 = arith.andi %eq3A_844, %lt3A_845 : vector<16xi1>
      %or3A_847 = arith.ori %gt3A_843, %and3A_846 : vector<16xi1>
      %select_n3A_848 = arith.select %or3A_847, %get3A_834, %select_n3A_828 : vector<16xi1>, vector<16xf32>
      %select_n3A_849 = arith.select %or3A_847, %get3A_838, %select_n3A_829 : vector<16xi1>, vector<16xf32>
      %select_n3A_850 = arith.select %or3A_847, %get3A_842, %select_n3A_830 : vector<16xi1>, vector<16xf32>
      %get3A_851 = arith.constant 13 : i32
      %get3A_852 = arith.index_cast %get3A_851 : i32 to index
      %get3A_853 = arith.constant 0 : index
      %get3A_854 = tpu.vector_load %arg15[%get3A_852, %get3A_853] {strides = array<i32>} : memref<16x192xf32, #tpu.memory_space<vmem>>, vector<16xf32>,
      %get3A_855 = arith.constant 13 : i32
      %get3A_856 = arith.index_cast %get3A_855 : i32 to index
      %get3A_857 = arith.constant 64 : index
      %get3A_858 = tpu.vector_load %arg15[%get3A_856, %get3A_857] {strides = array<i32>} : memref<16x192xf32, #tpu.memory_space<vmem>>, vector<16xf32>,
      %get3A_859 = arith.constant 13 : i32
      %get3A_860 = arith.index_cast %get3A_859 : i32 to index
      %get3A_861 = arith.constant 128 : index
      %get3A_862 = tpu.vector_load %arg15[%get3A_860, %get3A_861] {strides = array<i32>} : memref<16x192xf32, #tpu.memory_space<vmem>>, vector<16xf32>,
      %gt3A_863 = arith.cmpf ogt, %get3A_854, %select_n3A_848 : vector<16xf32>
      %eq3A_864 = arith.cmpf oeq, %get3A_854, %select_n3A_848 : vector<16xf32>
      %lt3A_865 = arith.cmpf olt, %get3A_858, %select_n3A_849 : vector<16xf32>
      %and3A_866 = arith.andi %eq3A_864, %lt3A_865 : vector<16xi1>
      %or3A_867 = arith.ori %gt3A_863, %and3A_866 : vector<16xi1>
      %select_n3A_868 = arith.select %or3A_867, %get3A_854, %select_n3A_848 : vector<16xi1>, vector<16xf32>
      %select_n3A_869 = arith.select %or3A_867, %get3A_858, %select_n3A_849 : vector<16xi1>, vector<16xf32>
      %select_n3A_870 = arith.select %or3A_867, %get3A_862, %select_n3A_850 : vector<16xi1>, vector<16xf32>
      %get3A_871 = arith.constant 14 : i32
      %get3A_872 = arith.index_cast %get3A_871 : i32 to index
      %get3A_873 = arith.constant 0 : index
      %get3A_874 = tpu.vector_load %arg15[%get3A_872, %get3A_873] {strides = array<i32>} : memref<16x192xf32, #tpu.memory_space<vmem>>, vector<16xf32>,
      %get3A_875 = arith.constant 14 : i32
      %get3A_876 = arith.index_cast %get3A_875 : i32 to index
      %get3A_877 = arith.constant 64 : index
      %get3A_878 = tpu.vector_load %arg15[%get3A_876, %get3A_877] {strides = array<i32>} : memref<16x192xf32, #tpu.memory_space<vmem>>, vector<16xf32>,
      %get3A_879 = arith.constant 14 : i32
      %get3A_880 = arith.index_cast %get3A_879 : i32 to index
      %get3A_881 = arith.constant 128 : index
      %get3A_882 = tpu.vector_load %arg15[%get3A_880, %get3A_881] {strides = array<i32>} : memref<16x192xf32, #tpu.memory_space<vmem>>, vector<16xf32>,
      %gt3A_883 = arith.cmpf ogt, %get3A_874, %select_n3A_868 : vector<16xf32>
      %eq3A_884 = arith.cmpf oeq, %get3A_874, %select_n3A_868 : vector<16xf32>
      %lt3A_885 = arith.cmpf olt, %get3A_878, %select_n3A_869 : vector<16xf32>
      %and3A_886 = arith.andi %eq3A_884, %lt3A_885 : vector<16xi1>
      %or3A_887 = arith.ori %gt3A_883, %and3A_886 : vector<16xi1>
      %select_n3A_888 = arith.select %or3A_887, %get3A_874, %select_n3A_868 : vector<16xi1>, vector<16xf32>
      %select_n3A_889 = arith.select %or3A_887, %get3A_878, %select_n3A_869 : vector<16xi1>, vector<16xf32>
      %select_n3A_890 = arith.select %or3A_887, %get3A_882, %select_n3A_870 : vector<16xi1>, vector<16xf32>
      %get3A_891 = arith.constant 15 : i32
      %get3A_892 = arith.index_cast %get3A_891 : i32 to index
      %get3A_893 = arith.constant 0 : index
      %get3A_894 = tpu.vector_load %arg15[%get3A_892, %get3A_893] {strides = array<i32>} : memref<16x192xf32, #tpu.memory_space<vmem>>, vector<16xf32>,
      %get3A_895 = arith.constant 15 : i32
      %get3A_896 = arith.index_cast %get3A_895 : i32 to index
      %get3A_897 = arith.constant 64 : index
      %get3A_898 = tpu.vector_load %arg15[%get3A_896, %get3A_897] {strides = array<i32>} : memref<16x192xf32, #tpu.memory_space<vmem>>, vector<16xf32>,
      %get3A_899 = arith.constant 15 : i32
      %get3A_900 = arith.index_cast %get3A_899 : i32 to index
      %get3A_901 = arith.constant 128 : index
      %get3A_902 = tpu.vector_load %arg15[%get3A_900, %get3A_901] {strides = array<i32>} : memref<16x192xf32, #tpu.memory_space<vmem>>, vector<16xf32>,
      %gt3A_903 = arith.cmpf ogt, %get3A_894, %select_n3A_888 : vector<16xf32>
      %eq3A_904 = arith.cmpf oeq, %get3A_894, %select_n3A_888 : vector<16xf32>
      %lt3A_905 = arith.cmpf olt, %get3A_898, %select_n3A_889 : vector<16xf32>
      %and3A_906 = arith.andi %eq3A_904, %lt3A_905 : vector<16xi1>
      %or3A_907 = arith.ori %gt3A_903, %and3A_906 : vector<16xi1>
      %select_n3A_908 = arith.select %or3A_907, %get3A_894, %select_n3A_888 : vector<16xi1>, vector<16xf32>
      %select_n3A_909 = arith.select %or3A_907, %get3A_898, %select_n3A_889 : vector<16xi1>, vector<16xf32>
      %select_n3A_910 = arith.select %or3A_907, %get3A_902, %select_n3A_890 : vector<16xi1>, vector<16xf32>
      %swap3A_911 = arith.constant 0 : index
      %swap3A_912 = tpu.vector_load %arg16[%swap3A_911] {strides = array<i32>} : memref<64xf32, #tpu.memory_space<vmem>>, vector<16xf32>,
      tpu.vector_store %arg16[%swap3A_911], %select_n3A_909 {strides = array<i32>} : memref<64xf32, #tpu.memory_space<vmem>>, vector<16xf32>,
      %get3A_913 = arith.constant 0 : index
      %get3A_914 = tpu.vector_load %arg12[%get3A_913] {strides = array<i32>} : memref<64xf32, #tpu.memory_space<vmem>>, vector<16xf32>,
      %le3A = arith.constant 5.000000e-01 : f32
      %le3A_915 = vector.broadcast %le3A : f32 to vector<16xf32>
      %le3A_916 = arith.cmpf ole, %select_n3A_908, %le3A_915 : vector<16xf32>
      %gt3A_917 = arith.constant 5.000000e-01 : f32
      %gt3A_918 = vector.broadcast %gt3A_917 : f32 to vector<16xf32>
      %gt3A_919 = arith.cmpf ogt, %get3A_914, %gt3A_918 : vector<16xf32>
      %and3A_920 = arith.andi %le3A_916, %gt3A_919 : vector<16xi1>
      %jit3A_921 = arith.constant 0.000000e+00 : f32
      %broadcast_in_dim3A_922 = vector.broadcast %jit3A_921 : f32 to vector<16xf32>
      %select_n3A_923 = arith.select %and3A_920, %select_n3A_910, %broadcast_in_dim3A_922 : vector<16xi1>, vector<16xf32>
      %reduce_sum3A_924 = arith.constant true
      %reduce_sum3A_925 = vector.broadcast %reduce_sum3A_924 : i1 to vector<16xi1>
      %reduce_sum3A_926 = tpu.scan <sum>, %select_n3A_923 masked %reduce_sum3A_925 : vector<16xf32>, vector<16xi1> -> vector<16xf32>
      %reduce_sum3A_927 = vector.extract %reduce_sum3A_926[15] : f32 from vector<16xf32>
      %jit3A_928 = arith.constant 1.000000e+00 : f32
      %jit3A_929 = arith.constant 0.000000e+00 : f32
      %broadcast_in_dim3A_930 = vector.broadcast %jit3A_928 : f32 to vector<16xf32>
      %broadcast_in_dim3A_931 = vector.broadcast %jit3A_929 : f32 to vector<16xf32>
      %select_n3A_932 = arith.select %and3A_920, %broadcast_in_dim3A_930, %broadcast_in_dim3A_931 : vector<16xi1>, vector<16xf32>
      %reduce_sum3A_933 = arith.constant true
      %reduce_sum3A_934 = vector.broadcast %reduce_sum3A_933 : i1 to vector<16xi1>
      %reduce_sum3A_935 = tpu.scan <sum>, %select_n3A_932 masked %reduce_sum3A_934 : vector<16xf32>, vector<16xi1> -> vector<16xf32>
      %reduce_sum3A_936 = vector.extract %reduce_sum3A_935[15] : f32 from vector<16xf32>
      %eq3A_937 = arith.constant 0 : i32
      %eq3A_938 = vector.broadcast %eq3A_937 : i32 to vector<16xi32>
      %eq3A_939 = arith.cmpi eq, %iota3A, %eq3A_938 : vector<16xi32>
      %jit3A_940 = arith.constant 0.000000e+00 : f32
      %broadcast_in_dim3A_941 = vector.broadcast %reduce_sum3A_927 : f32 to vector<16xf32>
      %broadcast_in_dim3A_942 = vector.broadcast %jit3A_940 : f32 to vector<16xf32>
      %select_n3A_943 = arith.select %eq3A_939, %broadcast_in_dim3A_941, %broadcast_in_dim3A_942 : vector<16xi1>, vector<16xf32>
      %add3A_944 = arith.addf %broadcast_in_dim3A_0, %select_n3A_943 : vector<16xf32>
      %eq3A_945 = arith.constant 1 : i32
      %eq3A_946 = vector.broadcast %eq3A_945 : i32 to vector<16xi32>
      %eq3A_947 = arith.cmpi eq, %iota3A, %eq3A_946 : vector<16xi32>
      %jit3A_948 = arith.constant 0.000000e+00 : f32
      %broadcast_in_dim3A_949 = vector.broadcast %reduce_sum3A_936 : f32 to vector<16xf32>
      %broadcast_in_dim3A_950 = vector.broadcast %jit3A_948 : f32 to vector<16xf32>
      %select_n3A_951 = arith.select %eq3A_947, %broadcast_in_dim3A_949, %broadcast_in_dim3A_950 : vector<16xi1>, vector<16xf32>
      %add3A_952 = arith.addf %add3A_944, %select_n3A_951 : vector<16xf32>
      %get3A_953 = arith.constant 0 : i32
      %get3A_954 = arith.index_cast %get3A_953 : i32 to index
      %get3A_955 = arith.constant 16 : index
      %get3A_956 = tpu.vector_load %arg15[%get3A_954, %get3A_955] {strides = array<i32>} : memref<16x192xf32, #tpu.memory_space<vmem>>, vector<16xf32>,
      %get3A_957 = arith.constant 0 : i32
      %get3A_958 = arith.index_cast %get3A_957 : i32 to index
      %get3A_959 = arith.constant 80 : index
      %get3A_960 = tpu.vector_load %arg15[%get3A_958, %get3A_959] {strides = array<i32>} : memref<16x192xf32, #tpu.memory_space<vmem>>, vector<16xf32>,
      %get3A_961 = arith.constant 0 : i32
      %get3A_962 = arith.index_cast %get3A_961 : i32 to index
      %get3A_963 = arith.constant 144 : index
      %get3A_964 = tpu.vector_load %arg15[%get3A_962, %get3A_963] {strides = array<i32>} : memref<16x192xf32, #tpu.memory_space<vmem>>, vector<16xf32>,
      %get3A_965 = arith.constant 1 : i32
      %get3A_966 = arith.index_cast %get3A_965 : i32 to index
      %get3A_967 = arith.constant 16 : index
      %get3A_968 = tpu.vector_load %arg15[%get3A_966, %get3A_967] {strides = array<i32>} : memref<16x192xf32, #tpu.memory_space<vmem>>, vector<16xf32>,
      %get3A_969 = arith.constant 1 : i32
      %get3A_970 = arith.index_cast %get3A_969 : i32 to index
      %get3A_971 = arith.constant 80 : index
      %get3A_972 = tpu.vector_load %arg15[%get3A_970, %get3A_971] {strides = array<i32>} : memref<16x192xf32, #tpu.memory_space<vmem>>, vector<16xf32>,
      %get3A_973 = arith.constant 1 : i32
      %get3A_974 = arith.index_cast %get3A_973 : i32 to index
      %get3A_975 = arith.constant 144 : index
      %get3A_976 = tpu.vector_load %arg15[%get3A_974, %get3A_975] {strides = array<i32>} : memref<16x192xf32, #tpu.memory_space<vmem>>, vector<16xf32>,
      %gt3A_977 = arith.cmpf ogt, %get3A_968, %get3A_956 : vector<16xf32>
      %eq3A_978 = arith.cmpf oeq, %get3A_968, %get3A_956 : vector<16xf32>
      %lt3A_979 = arith.cmpf olt, %get3A_972, %get3A_960 : vector<16xf32>
      %and3A_980 = arith.andi %eq3A_978, %lt3A_979 : vector<16xi1>
      %or3A_981 = arith.ori %gt3A_977, %and3A_980 : vector<16xi1>
      %select_n3A_982 = arith.select %or3A_981, %get3A_968, %get3A_956 : vector<16xi1>, vector<16xf32>
      %select_n3A_983 = arith.select %or3A_981, %get3A_972, %get3A_960 : vector<16xi1>, vector<16xf32>
      %select_n3A_984 = arith.select %or3A_981, %get3A_976, %get3A_964 : vector<16xi1>, vector<16xf32>
      %get3A_985 = arith.constant 2 : i32
      %get3A_986 = arith.index_cast %get3A_985 : i32 to index
      %get3A_987 = arith.constant 16 : index
      %get3A_988 = tpu.vector_load %arg15[%get3A_986, %get3A_987] {strides = array<i32>} : memref<16x192xf32, #tpu.memory_space<vmem>>, vector<16xf32>,
      %get3A_989 = arith.constant 2 : i32
      %get3A_990 = arith.index_cast %get3A_989 : i32 to index
      %get3A_991 = arith.constant 80 : index
      %get3A_992 = tpu.vector_load %arg15[%get3A_990, %get3A_991] {strides = array<i32>} : memref<16x192xf32, #tpu.memory_space<vmem>>, vector<16xf32>,
      %get3A_993 = arith.constant 2 : i32
      %get3A_994 = arith.index_cast %get3A_993 : i32 to index
      %get3A_995 = arith.constant 144 : index
      %get3A_996 = tpu.vector_load %arg15[%get3A_994, %get3A_995] {strides = array<i32>} : memref<16x192xf32, #tpu.memory_space<vmem>>, vector<16xf32>,
      %gt3A_997 = arith.cmpf ogt, %get3A_988, %select_n3A_982 : vector<16xf32>
      %eq3A_998 = arith.cmpf oeq, %get3A_988, %select_n3A_982 : vector<16xf32>
      %lt3A_999 = arith.cmpf olt, %get3A_992, %select_n3A_983 : vector<16xf32>
      %and3A_1000 = arith.andi %eq3A_998, %lt3A_999 : vector<16xi1>
      %or3A_1001 = arith.ori %gt3A_997, %and3A_1000 : vector<16xi1>
      %select_n3A_1002 = arith.select %or3A_1001, %get3A_988, %select_n3A_982 : vector<16xi1>, vector<16xf32>
      %select_n3A_1003 = arith.select %or3A_1001, %get3A_992, %select_n3A_983 : vector<16xi1>, vector<16xf32>
      %select_n3A_1004 = arith.select %or3A_1001, %get3A_996, %select_n3A_984 : vector<16xi1>, vector<16xf32>
      %get3A_1005 = arith.constant 3 : i32
      %get3A_1006 = arith.index_cast %get3A_1005 : i32 to index
      %get3A_1007 = arith.constant 16 : index
      %get3A_1008 = tpu.vector_load %arg15[%get3A_1006, %get3A_1007] {strides = array<i32>} : memref<16x192xf32, #tpu.memory_space<vmem>>, vector<16xf32>,
      %get3A_1009 = arith.constant 3 : i32
      %get3A_1010 = arith.index_cast %get3A_1009 : i32 to index
      %get3A_1011 = arith.constant 80 : index
      %get3A_1012 = tpu.vector_load %arg15[%get3A_1010, %get3A_1011] {strides = array<i32>} : memref<16x192xf32, #tpu.memory_space<vmem>>, vector<16xf32>,
      %get3A_1013 = arith.constant 3 : i32
      %get3A_1014 = arith.index_cast %get3A_1013 : i32 to index
      %get3A_1015 = arith.constant 144 : index
      %get3A_1016 = tpu.vector_load %arg15[%get3A_1014, %get3A_1015] {strides = array<i32>} : memref<16x192xf32, #tpu.memory_space<vmem>>, vector<16xf32>,
      %gt3A_1017 = arith.cmpf ogt, %get3A_1008, %select_n3A_1002 : vector<16xf32>
      %eq3A_1018 = arith.cmpf oeq, %get3A_1008, %select_n3A_1002 : vector<16xf32>
      %lt3A_1019 = arith.cmpf olt, %get3A_1012, %select_n3A_1003 : vector<16xf32>
      %and3A_1020 = arith.andi %eq3A_1018, %lt3A_1019 : vector<16xi1>
      %or3A_1021 = arith.ori %gt3A_1017, %and3A_1020 : vector<16xi1>
      %select_n3A_1022 = arith.select %or3A_1021, %get3A_1008, %select_n3A_1002 : vector<16xi1>, vector<16xf32>
      %select_n3A_1023 = arith.select %or3A_1021, %get3A_1012, %select_n3A_1003 : vector<16xi1>, vector<16xf32>
      %select_n3A_1024 = arith.select %or3A_1021, %get3A_1016, %select_n3A_1004 : vector<16xi1>, vector<16xf32>
      %get3A_1025 = arith.constant 4 : i32
      %get3A_1026 = arith.index_cast %get3A_1025 : i32 to index
      %get3A_1027 = arith.constant 16 : index
      %get3A_1028 = tpu.vector_load %arg15[%get3A_1026, %get3A_1027] {strides = array<i32>} : memref<16x192xf32, #tpu.memory_space<vmem>>, vector<16xf32>,
      %get3A_1029 = arith.constant 4 : i32
      %get3A_1030 = arith.index_cast %get3A_1029 : i32 to index
      %get3A_1031 = arith.constant 80 : index
      %get3A_1032 = tpu.vector_load %arg15[%get3A_1030, %get3A_1031] {strides = array<i32>} : memref<16x192xf32, #tpu.memory_space<vmem>>, vector<16xf32>,
      %get3A_1033 = arith.constant 4 : i32
      %get3A_1034 = arith.index_cast %get3A_1033 : i32 to index
      %get3A_1035 = arith.constant 144 : index
      %get3A_1036 = tpu.vector_load %arg15[%get3A_1034, %get3A_1035] {strides = array<i32>} : memref<16x192xf32, #tpu.memory_space<vmem>>, vector<16xf32>,
      %gt3A_1037 = arith.cmpf ogt, %get3A_1028, %select_n3A_1022 : vector<16xf32>
      %eq3A_1038 = arith.cmpf oeq, %get3A_1028, %select_n3A_1022 : vector<16xf32>
      %lt3A_1039 = arith.cmpf olt, %get3A_1032, %select_n3A_1023 : vector<16xf32>
      %and3A_1040 = arith.andi %eq3A_1038, %lt3A_1039 : vector<16xi1>
      %or3A_1041 = arith.ori %gt3A_1037, %and3A_1040 : vector<16xi1>
      %select_n3A_1042 = arith.select %or3A_1041, %get3A_1028, %select_n3A_1022 : vector<16xi1>, vector<16xf32>
      %select_n3A_1043 = arith.select %or3A_1041, %get3A_1032, %select_n3A_1023 : vector<16xi1>, vector<16xf32>
      %select_n3A_1044 = arith.select %or3A_1041, %get3A_1036, %select_n3A_1024 : vector<16xi1>, vector<16xf32>
      %get3A_1045 = arith.constant 5 : i32
      %get3A_1046 = arith.index_cast %get3A_1045 : i32 to index
      %get3A_1047 = arith.constant 16 : index
      %get3A_1048 = tpu.vector_load %arg15[%get3A_1046, %get3A_1047] {strides = array<i32>} : memref<16x192xf32, #tpu.memory_space<vmem>>, vector<16xf32>,
      %get3A_1049 = arith.constant 5 : i32
      %get3A_1050 = arith.index_cast %get3A_1049 : i32 to index
      %get3A_1051 = arith.constant 80 : index
      %get3A_1052 = tpu.vector_load %arg15[%get3A_1050, %get3A_1051] {strides = array<i32>} : memref<16x192xf32, #tpu.memory_space<vmem>>, vector<16xf32>,
      %get3A_1053 = arith.constant 5 : i32
      %get3A_1054 = arith.index_cast %get3A_1053 : i32 to index
      %get3A_1055 = arith.constant 144 : index
      %get3A_1056 = tpu.vector_load %arg15[%get3A_1054, %get3A_1055] {strides = array<i32>} : memref<16x192xf32, #tpu.memory_space<vmem>>, vector<16xf32>,
      %gt3A_1057 = arith.cmpf ogt, %get3A_1048, %select_n3A_1042 : vector<16xf32>
      %eq3A_1058 = arith.cmpf oeq, %get3A_1048, %select_n3A_1042 : vector<16xf32>
      %lt3A_1059 = arith.cmpf olt, %get3A_1052, %select_n3A_1043 : vector<16xf32>
      %and3A_1060 = arith.andi %eq3A_1058, %lt3A_1059 : vector<16xi1>
      %or3A_1061 = arith.ori %gt3A_1057, %and3A_1060 : vector<16xi1>
      %select_n3A_1062 = arith.select %or3A_1061, %get3A_1048, %select_n3A_1042 : vector<16xi1>, vector<16xf32>
      %select_n3A_1063 = arith.select %or3A_1061, %get3A_1052, %select_n3A_1043 : vector<16xi1>, vector<16xf32>
      %select_n3A_1064 = arith.select %or3A_1061, %get3A_1056, %select_n3A_1044 : vector<16xi1>, vector<16xf32>
      %get3A_1065 = arith.constant 6 : i32
      %get3A_1066 = arith.index_cast %get3A_1065 : i32 to index
      %get3A_1067 = arith.constant 16 : index
      %get3A_1068 = tpu.vector_load %arg15[%get3A_1066, %get3A_1067] {strides = array<i32>} : memref<16x192xf32, #tpu.memory_space<vmem>>, vector<16xf32>,
      %get3A_1069 = arith.constant 6 : i32
      %get3A_1070 = arith.index_cast %get3A_1069 : i32 to index
      %get3A_1071 = arith.constant 80 : index
      %get3A_1072 = tpu.vector_load %arg15[%get3A_1070, %get3A_1071] {strides = array<i32>} : memref<16x192xf32, #tpu.memory_space<vmem>>, vector<16xf32>,
      %get3A_1073 = arith.constant 6 : i32
      %get3A_1074 = arith.index_cast %get3A_1073 : i32 to index
      %get3A_1075 = arith.constant 144 : index
      %get3A_1076 = tpu.vector_load %arg15[%get3A_1074, %get3A_1075] {strides = array<i32>} : memref<16x192xf32, #tpu.memory_space<vmem>>, vector<16xf32>,
      %gt3A_1077 = arith.cmpf ogt, %get3A_1068, %select_n3A_1062 : vector<16xf32>
      %eq3A_1078 = arith.cmpf oeq, %get3A_1068, %select_n3A_1062 : vector<16xf32>
      %lt3A_1079 = arith.cmpf olt, %get3A_1072, %select_n3A_1063 : vector<16xf32>
      %and3A_1080 = arith.andi %eq3A_1078, %lt3A_1079 : vector<16xi1>
      %or3A_1081 = arith.ori %gt3A_1077, %and3A_1080 : vector<16xi1>
      %select_n3A_1082 = arith.select %or3A_1081, %get3A_1068, %select_n3A_1062 : vector<16xi1>, vector<16xf32>
      %select_n3A_1083 = arith.select %or3A_1081, %get3A_1072, %select_n3A_1063 : vector<16xi1>, vector<16xf32>
      %select_n3A_1084 = arith.select %or3A_1081, %get3A_1076, %select_n3A_1064 : vector<16xi1>, vector<16xf32>
      %get3A_1085 = arith.constant 7 : i32
      %get3A_1086 = arith.index_cast %get3A_1085 : i32 to index
      %get3A_1087 = arith.constant 16 : index
      %get3A_1088 = tpu.vector_load %arg15[%get3A_1086, %get3A_1087] {strides = array<i32>} : memref<16x192xf32, #tpu.memory_space<vmem>>, vector<16xf32>,
      %get3A_1089 = arith.constant 7 : i32
      %get3A_1090 = arith.index_cast %get3A_1089 : i32 to index
      %get3A_1091 = arith.constant 80 : index
      %get3A_1092 = tpu.vector_load %arg15[%get3A_1090, %get3A_1091] {strides = array<i32>} : memref<16x192xf32, #tpu.memory_space<vmem>>, vector<16xf32>,
      %get3A_1093 = arith.constant 7 : i32
      %get3A_1094 = arith.index_cast %get3A_1093 : i32 to index
      %get3A_1095 = arith.constant 144 : index
      %get3A_1096 = tpu.vector_load %arg15[%get3A_1094, %get3A_1095] {strides = array<i32>} : memref<16x192xf32, #tpu.memory_space<vmem>>, vector<16xf32>,
      %gt3A_1097 = arith.cmpf ogt, %get3A_1088, %select_n3A_1082 : vector<16xf32>
      %eq3A_1098 = arith.cmpf oeq, %get3A_1088, %select_n3A_1082 : vector<16xf32>
      %lt3A_1099 = arith.cmpf olt, %get3A_1092, %select_n3A_1083 : vector<16xf32>
      %and3A_1100 = arith.andi %eq3A_1098, %lt3A_1099 : vector<16xi1>
      %or3A_1101 = arith.ori %gt3A_1097, %and3A_1100 : vector<16xi1>
      %select_n3A_1102 = arith.select %or3A_1101, %get3A_1088, %select_n3A_1082 : vector<16xi1>, vector<16xf32>
      %select_n3A_1103 = arith.select %or3A_1101, %get3A_1092, %select_n3A_1083 : vector<16xi1>, vector<16xf32>
      %select_n3A_1104 = arith.select %or3A_1101, %get3A_1096, %select_n3A_1084 : vector<16xi1>, vector<16xf32>
      %get3A_1105 = arith.constant 8 : i32
      %get3A_1106 = arith.index_cast %get3A_1105 : i32 to index
      %get3A_1107 = arith.constant 16 : index
      %get3A_1108 = tpu.vector_load %arg15[%get3A_1106, %get3A_1107] {strides = array<i32>} : memref<16x192xf32, #tpu.memory_space<vmem>>, vector<16xf32>,
      %get3A_1109 = arith.constant 8 : i32
      %get3A_1110 = arith.index_cast %get3A_1109 : i32 to index
      %get3A_1111 = arith.constant 80 : index
      %get3A_1112 = tpu.vector_load %arg15[%get3A_1110, %get3A_1111] {strides = array<i32>} : memref<16x192xf32, #tpu.memory_space<vmem>>, vector<16xf32>,
      %get3A_1113 = arith.constant 8 : i32
      %get3A_1114 = arith.index_cast %get3A_1113 : i32 to index
      %get3A_1115 = arith.constant 144 : index
      %get3A_1116 = tpu.vector_load %arg15[%get3A_1114, %get3A_1115] {strides = array<i32>} : memref<16x192xf32, #tpu.memory_space<vmem>>, vector<16xf32>,
      %gt3A_1117 = arith.cmpf ogt, %get3A_1108, %select_n3A_1102 : vector<16xf32>
      %eq3A_1118 = arith.cmpf oeq, %get3A_1108, %select_n3A_1102 : vector<16xf32>
      %lt3A_1119 = arith.cmpf olt, %get3A_1112, %select_n3A_1103 : vector<16xf32>
      %and3A_1120 = arith.andi %eq3A_1118, %lt3A_1119 : vector<16xi1>
      %or3A_1121 = arith.ori %gt3A_1117, %and3A_1120 : vector<16xi1>
      %select_n3A_1122 = arith.select %or3A_1121, %get3A_1108, %select_n3A_1102 : vector<16xi1>, vector<16xf32>
      %select_n3A_1123 = arith.select %or3A_1121, %get3A_1112, %select_n3A_1103 : vector<16xi1>, vector<16xf32>
      %select_n3A_1124 = arith.select %or3A_1121, %get3A_1116, %select_n3A_1104 : vector<16xi1>, vector<16xf32>
      %get3A_1125 = arith.constant 9 : i32
      %get3A_1126 = arith.index_cast %get3A_1125 : i32 to index
      %get3A_1127 = arith.constant 16 : index
      %get3A_1128 = tpu.vector_load %arg15[%get3A_1126, %get3A_1127] {strides = array<i32>} : memref<16x192xf32, #tpu.memory_space<vmem>>, vector<16xf32>,
      %get3A_1129 = arith.constant 9 : i32
      %get3A_1130 = arith.index_cast %get3A_1129 : i32 to index
      %get3A_1131 = arith.constant 80 : index
      %get3A_1132 = tpu.vector_load %arg15[%get3A_1130, %get3A_1131] {strides = array<i32>} : memref<16x192xf32, #tpu.memory_space<vmem>>, vector<16xf32>,
      %get3A_1133 = arith.constant 9 : i32
      %get3A_1134 = arith.index_cast %get3A_1133 : i32 to index
      %get3A_1135 = arith.constant 144 : index
      %get3A_1136 = tpu.vector_load %arg15[%get3A_1134, %get3A_1135] {strides = array<i32>} : memref<16x192xf32, #tpu.memory_space<vmem>>, vector<16xf32>,
      %gt3A_1137 = arith.cmpf ogt, %get3A_1128, %select_n3A_1122 : vector<16xf32>
      %eq3A_1138 = arith.cmpf oeq, %get3A_1128, %select_n3A_1122 : vector<16xf32>
      %lt3A_1139 = arith.cmpf olt, %get3A_1132, %select_n3A_1123 : vector<16xf32>
      %and3A_1140 = arith.andi %eq3A_1138, %lt3A_1139 : vector<16xi1>
      %or3A_1141 = arith.ori %gt3A_1137, %and3A_1140 : vector<16xi1>
      %select_n3A_1142 = arith.select %or3A_1141, %get3A_1128, %select_n3A_1122 : vector<16xi1>, vector<16xf32>
      %select_n3A_1143 = arith.select %or3A_1141, %get3A_1132, %select_n3A_1123 : vector<16xi1>, vector<16xf32>
      %select_n3A_1144 = arith.select %or3A_1141, %get3A_1136, %select_n3A_1124 : vector<16xi1>, vector<16xf32>
      %get3A_1145 = arith.constant 10 : i32
      %get3A_1146 = arith.index_cast %get3A_1145 : i32 to index
      %get3A_1147 = arith.constant 16 : index
      %get3A_1148 = tpu.vector_load %arg15[%get3A_1146, %get3A_1147] {strides = array<i32>} : memref<16x192xf32, #tpu.memory_space<vmem>>, vector<16xf32>,
      %get3A_1149 = arith.constant 10 : i32
      %get3A_1150 = arith.index_cast %get3A_1149 : i32 to index
      %get3A_1151 = arith.constant 80 : index
      %get3A_1152 = tpu.vector_load %arg15[%get3A_1150, %get3A_1151] {strides = array<i32>} : memref<16x192xf32, #tpu.memory_space<vmem>>, vector<16xf32>,
      %get3A_1153 = arith.constant 10 : i32
      %get3A_1154 = arith.index_cast %get3A_1153 : i32 to index
      %get3A_1155 = arith.constant 144 : index
      %get3A_1156 = tpu.vector_load %arg15[%get3A_1154, %get3A_1155] {strides = array<i32>} : memref<16x192xf32, #tpu.memory_space<vmem>>, vector<16xf32>,
      %gt3A_1157 = arith.cmpf ogt, %get3A_1148, %select_n3A_1142 : vector<16xf32>
      %eq3A_1158 = arith.cmpf oeq, %get3A_1148, %select_n3A_1142 : vector<16xf32>
      %lt3A_1159 = arith.cmpf olt, %get3A_1152, %select_n3A_1143 : vector<16xf32>
      %and3A_1160 = arith.andi %eq3A_1158, %lt3A_1159 : vector<16xi1>
      %or3A_1161 = arith.ori %gt3A_1157, %and3A_1160 : vector<16xi1>
      %select_n3A_1162 = arith.select %or3A_1161, %get3A_1148, %select_n3A_1142 : vector<16xi1>, vector<16xf32>
      %select_n3A_1163 = arith.select %or3A_1161, %get3A_1152, %select_n3A_1143 : vector<16xi1>, vector<16xf32>
      %select_n3A_1164 = arith.select %or3A_1161, %get3A_1156, %select_n3A_1144 : vector<16xi1>, vector<16xf32>
      %get3A_1165 = arith.constant 11 : i32
      %get3A_1166 = arith.index_cast %get3A_1165 : i32 to index
      %get3A_1167 = arith.constant 16 : index
      %get3A_1168 = tpu.vector_load %arg15[%get3A_1166, %get3A_1167] {strides = array<i32>} : memref<16x192xf32, #tpu.memory_space<vmem>>, vector<16xf32>,
      %get3A_1169 = arith.constant 11 : i32
      %get3A_1170 = arith.index_cast %get3A_1169 : i32 to index
      %get3A_1171 = arith.constant 80 : index
      %get3A_1172 = tpu.vector_load %arg15[%get3A_1170, %get3A_1171] {strides = array<i32>} : memref<16x192xf32, #tpu.memory_space<vmem>>, vector<16xf32>,
      %get3A_1173 = arith.constant 11 : i32
      %get3A_1174 = arith.index_cast %get3A_1173 : i32 to index
      %get3A_1175 = arith.constant 144 : index
      %get3A_1176 = tpu.vector_load %arg15[%get3A_1174, %get3A_1175] {strides = array<i32>} : memref<16x192xf32, #tpu.memory_space<vmem>>, vector<16xf32>,
      %gt3A_1177 = arith.cmpf ogt, %get3A_1168, %select_n3A_1162 : vector<16xf32>
      %eq3A_1178 = arith.cmpf oeq, %get3A_1168, %select_n3A_1162 : vector<16xf32>
      %lt3A_1179 = arith.cmpf olt, %get3A_1172, %select_n3A_1163 : vector<16xf32>
      %and3A_1180 = arith.andi %eq3A_1178, %lt3A_1179 : vector<16xi1>
      %or3A_1181 = arith.ori %gt3A_1177, %and3A_1180 : vector<16xi1>
      %select_n3A_1182 = arith.select %or3A_1181, %get3A_1168, %select_n3A_1162 : vector<16xi1>, vector<16xf32>
      %select_n3A_1183 = arith.select %or3A_1181, %get3A_1172, %select_n3A_1163 : vector<16xi1>, vector<16xf32>
      %select_n3A_1184 = arith.select %or3A_1181, %get3A_1176, %select_n3A_1164 : vector<16xi1>, vector<16xf32>
      %get3A_1185 = arith.constant 12 : i32
      %get3A_1186 = arith.index_cast %get3A_1185 : i32 to index
      %get3A_1187 = arith.constant 16 : index
      %get3A_1188 = tpu.vector_load %arg15[%get3A_1186, %get3A_1187] {strides = array<i32>} : memref<16x192xf32, #tpu.memory_space<vmem>>, vector<16xf32>,
      %get3A_1189 = arith.constant 12 : i32
      %get3A_1190 = arith.index_cast %get3A_1189 : i32 to index
      %get3A_1191 = arith.constant 80 : index
      %get3A_1192 = tpu.vector_load %arg15[%get3A_1190, %get3A_1191] {strides = array<i32>} : memref<16x192xf32, #tpu.memory_space<vmem>>, vector<16xf32>,
      %get3A_1193 = arith.constant 12 : i32
      %get3A_1194 = arith.index_cast %get3A_1193 : i32 to index
      %get3A_1195 = arith.constant 144 : index
      %get3A_1196 = tpu.vector_load %arg15[%get3A_1194, %get3A_1195] {strides = array<i32>} : memref<16x192xf32, #tpu.memory_space<vmem>>, vector<16xf32>,
      %gt3A_1197 = arith.cmpf ogt, %get3A_1188, %select_n3A_1182 : vector<16xf32>
      %eq3A_1198 = arith.cmpf oeq, %get3A_1188, %select_n3A_1182 : vector<16xf32>
      %lt3A_1199 = arith.cmpf olt, %get3A_1192, %select_n3A_1183 : vector<16xf32>
      %and3A_1200 = arith.andi %eq3A_1198, %lt3A_1199 : vector<16xi1>
      %or3A_1201 = arith.ori %gt3A_1197, %and3A_1200 : vector<16xi1>
      %select_n3A_1202 = arith.select %or3A_1201, %get3A_1188, %select_n3A_1182 : vector<16xi1>, vector<16xf32>
      %select_n3A_1203 = arith.select %or3A_1201, %get3A_1192, %select_n3A_1183 : vector<16xi1>, vector<16xf32>
      %select_n3A_1204 = arith.select %or3A_1201, %get3A_1196, %select_n3A_1184 : vector<16xi1>, vector<16xf32>
      %get3A_1205 = arith.constant 13 : i32
      %get3A_1206 = arith.index_cast %get3A_1205 : i32 to index
      %get3A_1207 = arith.constant 16 : index
      %get3A_1208 = tpu.vector_load %arg15[%get3A_1206, %get3A_1207] {strides = array<i32>} : memref<16x192xf32, #tpu.memory_space<vmem>>, vector<16xf32>,
      %get3A_1209 = arith.constant 13 : i32
      %get3A_1210 = arith.index_cast %get3A_1209 : i32 to index
      %get3A_1211 = arith.constant 80 : index
      %get3A_1212 = tpu.vector_load %arg15[%get3A_1210, %get3A_1211] {strides = array<i32>} : memref<16x192xf32, #tpu.memory_space<vmem>>, vector<16xf32>,
      %get3A_1213 = arith.constant 13 : i32
      %get3A_1214 = arith.index_cast %get3A_1213 : i32 to index
      %get3A_1215 = arith.constant 144 : index
      %get3A_1216 = tpu.vector_load %arg15[%get3A_1214, %get3A_1215] {strides = array<i32>} : memref<16x192xf32, #tpu.memory_space<vmem>>, vector<16xf32>,
      %gt3A_1217 = arith.cmpf ogt, %get3A_1208, %select_n3A_1202 : vector<16xf32>
      %eq3A_1218 = arith.cmpf oeq, %get3A_1208, %select_n3A_1202 : vector<16xf32>
      %lt3A_1219 = arith.cmpf olt, %get3A_1212, %select_n3A_1203 : vector<16xf32>
      %and3A_1220 = arith.andi %eq3A_1218, %lt3A_1219 : vector<16xi1>
      %or3A_1221 = arith.ori %gt3A_1217, %and3A_1220 : vector<16xi1>
      %select_n3A_1222 = arith.select %or3A_1221, %get3A_1208, %select_n3A_1202 : vector<16xi1>, vector<16xf32>
      %select_n3A_1223 = arith.select %or3A_1221, %get3A_1212, %select_n3A_1203 : vector<16xi1>, vector<16xf32>
      %select_n3A_1224 = arith.select %or3A_1221, %get3A_1216, %select_n3A_1204 : vector<16xi1>, vector<16xf32>
      %get3A_1225 = arith.constant 14 : i32
      %get3A_1226 = arith.index_cast %get3A_1225 : i32 to index
      %get3A_1227 = arith.constant 16 : index
      %get3A_1228 = tpu.vector_load %arg15[%get3A_1226, %get3A_1227] {strides = array<i32>} : memref<16x192xf32, #tpu.memory_space<vmem>>, vector<16xf32>,
      %get3A_1229 = arith.constant 14 : i32
      %get3A_1230 = arith.index_cast %get3A_1229 : i32 to index
      %get3A_1231 = arith.constant 80 : index
      %get3A_1232 = tpu.vector_load %arg15[%get3A_1230, %get3A_1231] {strides = array<i32>} : memref<16x192xf32, #tpu.memory_space<vmem>>, vector<16xf32>,
      %get3A_1233 = arith.constant 14 : i32
      %get3A_1234 = arith.index_cast %get3A_1233 : i32 to index
      %get3A_1235 = arith.constant 144 : index
      %get3A_1236 = tpu.vector_load %arg15[%get3A_1234, %get3A_1235] {strides = array<i32>} : memref<16x192xf32, #tpu.memory_space<vmem>>, vector<16xf32>,
      %gt3A_1237 = arith.cmpf ogt, %get3A_1228, %select_n3A_1222 : vector<16xf32>
      %eq3A_1238 = arith.cmpf oeq, %get3A_1228, %select_n3A_1222 : vector<16xf32>
      %lt3A_1239 = arith.cmpf olt, %get3A_1232, %select_n3A_1223 : vector<16xf32>
      %and3A_1240 = arith.andi %eq3A_1238, %lt3A_1239 : vector<16xi1>
      %or3A_1241 = arith.ori %gt3A_1237, %and3A_1240 : vector<16xi1>
      %select_n3A_1242 = arith.select %or3A_1241, %get3A_1228, %select_n3A_1222 : vector<16xi1>, vector<16xf32>
      %select_n3A_1243 = arith.select %or3A_1241, %get3A_1232, %select_n3A_1223 : vector<16xi1>, vector<16xf32>
      %select_n3A_1244 = arith.select %or3A_1241, %get3A_1236, %select_n3A_1224 : vector<16xi1>, vector<16xf32>
      %get3A_1245 = arith.constant 15 : i32
      %get3A_1246 = arith.index_cast %get3A_1245 : i32 to index
      %get3A_1247 = arith.constant 16 : index
      %get3A_1248 = tpu.vector_load %arg15[%get3A_1246, %get3A_1247] {strides = array<i32>} : memref<16x192xf32, #tpu.memory_space<vmem>>, vector<16xf32>,
      %get3A_1249 = arith.constant 15 : i32
      %get3A_1250 = arith.index_cast %get3A_1249 : i32 to index
      %get3A_1251 = arith.constant 80 : index
      %get3A_1252 = tpu.vector_load %arg15[%get3A_1250, %get3A_1251] {strides = array<i32>} : memref<16x192xf32, #tpu.memory_space<vmem>>, vector<16xf32>,
      %get3A_1253 = arith.constant 15 : i32
      %get3A_1254 = arith.index_cast %get3A_1253 : i32 to index
      %get3A_1255 = arith.constant 144 : index
      %get3A_1256 = tpu.vector_load %arg15[%get3A_1254, %get3A_1255] {strides = array<i32>} : memref<16x192xf32, #tpu.memory_space<vmem>>, vector<16xf32>,
      %gt3A_1257 = arith.cmpf ogt, %get3A_1248, %select_n3A_1242 : vector<16xf32>
      %eq3A_1258 = arith.cmpf oeq, %get3A_1248, %select_n3A_1242 : vector<16xf32>
      %lt3A_1259 = arith.cmpf olt, %get3A_1252, %select_n3A_1243 : vector<16xf32>
      %and3A_1260 = arith.andi %eq3A_1258, %lt3A_1259 : vector<16xi1>
      %or3A_1261 = arith.ori %gt3A_1257, %and3A_1260 : vector<16xi1>
      %select_n3A_1262 = arith.select %or3A_1261, %get3A_1248, %select_n3A_1242 : vector<16xi1>, vector<16xf32>
      %select_n3A_1263 = arith.select %or3A_1261, %get3A_1252, %select_n3A_1243 : vector<16xi1>, vector<16xf32>
      %select_n3A_1264 = arith.select %or3A_1261, %get3A_1256, %select_n3A_1244 : vector<16xi1>, vector<16xf32>
      %swap3A_1265 = arith.constant 16 : index
      %swap3A_1266 = tpu.vector_load %arg16[%swap3A_1265] {strides = array<i32>} : memref<64xf32, #tpu.memory_space<vmem>>, vector<16xf32>,
      tpu.vector_store %arg16[%swap3A_1265], %select_n3A_1263 {strides = array<i32>} : memref<64xf32, #tpu.memory_space<vmem>>, vector<16xf32>,
      %get3A_1267 = arith.constant 16 : index
      %get3A_1268 = tpu.vector_load %arg12[%get3A_1267] {strides = array<i32>} : memref<64xf32, #tpu.memory_space<vmem>>, vector<16xf32>,
      %le3A_1269 = arith.constant 5.000000e-01 : f32
      %le3A_1270 = vector.broadcast %le3A_1269 : f32 to vector<16xf32>
      %le3A_1271 = arith.cmpf ole, %select_n3A_1262, %le3A_1270 : vector<16xf32>
      %gt3A_1272 = arith.constant 5.000000e-01 : f32
      %gt3A_1273 = vector.broadcast %gt3A_1272 : f32 to vector<16xf32>
      %gt3A_1274 = arith.cmpf ogt, %get3A_1268, %gt3A_1273 : vector<16xf32>
      %and3A_1275 = arith.andi %le3A_1271, %gt3A_1274 : vector<16xi1>
      %jit3A_1276 = arith.constant 0.000000e+00 : f32
      %broadcast_in_dim3A_1277 = vector.broadcast %jit3A_1276 : f32 to vector<16xf32>
      %select_n3A_1278 = arith.select %and3A_1275, %select_n3A_1264, %broadcast_in_dim3A_1277 : vector<16xi1>, vector<16xf32>
      %reduce_sum3A_1279 = arith.constant true
      %reduce_sum3A_1280 = vector.broadcast %reduce_sum3A_1279 : i1 to vector<16xi1>
      %reduce_sum3A_1281 = tpu.scan <sum>, %select_n3A_1278 masked %reduce_sum3A_1280 : vector<16xf32>, vector<16xi1> -> vector<16xf32>
      %reduce_sum3A_1282 = vector.extract %reduce_sum3A_1281[15] : f32 from vector<16xf32>
      %jit3A_1283 = arith.constant 1.000000e+00 : f32
      %jit3A_1284 = arith.constant 0.000000e+00 : f32
      %broadcast_in_dim3A_1285 = vector.broadcast %jit3A_1283 : f32 to vector<16xf32>
      %broadcast_in_dim3A_1286 = vector.broadcast %jit3A_1284 : f32 to vector<16xf32>
      %select_n3A_1287 = arith.select %and3A_1275, %broadcast_in_dim3A_1285, %broadcast_in_dim3A_1286 : vector<16xi1>, vector<16xf32>
      %reduce_sum3A_1288 = arith.constant true
      %reduce_sum3A_1289 = vector.broadcast %reduce_sum3A_1288 : i1 to vector<16xi1>
      %reduce_sum3A_1290 = tpu.scan <sum>, %select_n3A_1287 masked %reduce_sum3A_1289 : vector<16xf32>, vector<16xi1> -> vector<16xf32>
      %reduce_sum3A_1291 = vector.extract %reduce_sum3A_1290[15] : f32 from vector<16xf32>
      %eq3A_1292 = arith.constant 0 : i32
      %eq3A_1293 = vector.broadcast %eq3A_1292 : i32 to vector<16xi32>
      %eq3A_1294 = arith.cmpi eq, %iota3A, %eq3A_1293 : vector<16xi32>
      %jit3A_1295 = arith.constant 0.000000e+00 : f32
      %broadcast_in_dim3A_1296 = vector.broadcast %reduce_sum3A_1282 : f32 to vector<16xf32>
      %broadcast_in_dim3A_1297 = vector.broadcast %jit3A_1295 : f32 to vector<16xf32>
      %select_n3A_1298 = arith.select %eq3A_1294, %broadcast_in_dim3A_1296, %broadcast_in_dim3A_1297 : vector<16xi1>, vector<16xf32>
      %add3A_1299 = arith.addf %add3A_952, %select_n3A_1298 : vector<16xf32>
      %eq3A_1300 = arith.constant 1 : i32
      %eq3A_1301 = vector.broadcast %eq3A_1300 : i32 to vector<16xi32>
      %eq3A_1302 = arith.cmpi eq, %iota3A, %eq3A_1301 : vector<16xi32>
      %jit3A_1303 = arith.constant 0.000000e+00 : f32
      %broadcast_in_dim3A_1304 = vector.broadcast %reduce_sum3A_1291 : f32 to vector<16xf32>
      %broadcast_in_dim3A_1305 = vector.broadcast %jit3A_1303 : f32 to vector<16xf32>
      %select_n3A_1306 = arith.select %eq3A_1302, %broadcast_in_dim3A_1304, %broadcast_in_dim3A_1305 : vector<16xi1>, vector<16xf32>
      %add3A_1307 = arith.addf %add3A_1299, %select_n3A_1306 : vector<16xf32>
      %get3A_1308 = arith.constant 0 : i32
      %get3A_1309 = arith.index_cast %get3A_1308 : i32 to index
      %get3A_1310 = arith.constant 32 : index
      %get3A_1311 = tpu.vector_load %arg15[%get3A_1309, %get3A_1310] {strides = array<i32>} : memref<16x192xf32, #tpu.memory_space<vmem>>, vector<16xf32>,
      %get3A_1312 = arith.constant 0 : i32
      %get3A_1313 = arith.index_cast %get3A_1312 : i32 to index
      %get3A_1314 = arith.constant 96 : index
      %get3A_1315 = tpu.vector_load %arg15[%get3A_1313, %get3A_1314] {strides = array<i32>} : memref<16x192xf32, #tpu.memory_space<vmem>>, vector<16xf32>,
      %get3A_1316 = arith.constant 0 : i32
      %get3A_1317 = arith.index_cast %get3A_1316 : i32 to index
      %get3A_1318 = arith.constant 160 : index
      %get3A_1319 = tpu.vector_load %arg15[%get3A_1317, %get3A_1318] {strides = array<i32>} : memref<16x192xf32, #tpu.memory_space<vmem>>, vector<16xf32>,
      %get3A_1320 = arith.constant 1 : i32
      %get3A_1321 = arith.index_cast %get3A_1320 : i32 to index
      %get3A_1322 = arith.constant 32 : index
      %get3A_1323 = tpu.vector_load %arg15[%get3A_1321, %get3A_1322] {strides = array<i32>} : memref<16x192xf32, #tpu.memory_space<vmem>>, vector<16xf32>,
      %get3A_1324 = arith.constant 1 : i32
      %get3A_1325 = arith.index_cast %get3A_1324 : i32 to index
      %get3A_1326 = arith.constant 96 : index
      %get3A_1327 = tpu.vector_load %arg15[%get3A_1325, %get3A_1326] {strides = array<i32>} : memref<16x192xf32, #tpu.memory_space<vmem>>, vector<16xf32>,
      %get3A_1328 = arith.constant 1 : i32
      %get3A_1329 = arith.index_cast %get3A_1328 : i32 to index
      %get3A_1330 = arith.constant 160 : index
      %get3A_1331 = tpu.vector_load %arg15[%get3A_1329, %get3A_1330] {strides = array<i32>} : memref<16x192xf32, #tpu.memory_space<vmem>>, vector<16xf32>,
      %gt3A_1332 = arith.cmpf ogt, %get3A_1323, %get3A_1311 : vector<16xf32>
      %eq3A_1333 = arith.cmpf oeq, %get3A_1323, %get3A_1311 : vector<16xf32>
      %lt3A_1334 = arith.cmpf olt, %get3A_1327, %get3A_1315 : vector<16xf32>
      %and3A_1335 = arith.andi %eq3A_1333, %lt3A_1334 : vector<16xi1>
      %or3A_1336 = arith.ori %gt3A_1332, %and3A_1335 : vector<16xi1>
      %select_n3A_1337 = arith.select %or3A_1336, %get3A_1323, %get3A_1311 : vector<16xi1>, vector<16xf32>
      %select_n3A_1338 = arith.select %or3A_1336, %get3A_1327, %get3A_1315 : vector<16xi1>, vector<16xf32>
      %select_n3A_1339 = arith.select %or3A_1336, %get3A_1331, %get3A_1319 : vector<16xi1>, vector<16xf32>
      %get3A_1340 = arith.constant 2 : i32
      %get3A_1341 = arith.index_cast %get3A_1340 : i32 to index
      %get3A_1342 = arith.constant 32 : index
      %get3A_1343 = tpu.vector_load %arg15[%get3A_1341, %get3A_1342] {strides = array<i32>} : memref<16x192xf32, #tpu.memory_space<vmem>>, vector<16xf32>,
      %get3A_1344 = arith.constant 2 : i32
      %get3A_1345 = arith.index_cast %get3A_1344 : i32 to index
      %get3A_1346 = arith.constant 96 : index
      %get3A_1347 = tpu.vector_load %arg15[%get3A_1345, %get3A_1346] {strides = array<i32>} : memref<16x192xf32, #tpu.memory_space<vmem>>, vector<16xf32>,
      %get3A_1348 = arith.constant 2 : i32
      %get3A_1349 = arith.index_cast %get3A_1348 : i32 to index
      %get3A_1350 = arith.constant 160 : index
      %get3A_1351 = tpu.vector_load %arg15[%get3A_1349, %get3A_1350] {strides = array<i32>} : memref<16x192xf32, #tpu.memory_space<vmem>>, vector<16xf32>,
      %gt3A_1352 = arith.cmpf ogt, %get3A_1343, %select_n3A_1337 : vector<16xf32>
      %eq3A_1353 = arith.cmpf oeq, %get3A_1343, %select_n3A_1337 : vector<16xf32>
      %lt3A_1354 = arith.cmpf olt, %get3A_1347, %select_n3A_1338 : vector<16xf32>
      %and3A_1355 = arith.andi %eq3A_1353, %lt3A_1354 : vector<16xi1>
      %or3A_1356 = arith.ori %gt3A_1352, %and3A_1355 : vector<16xi1>
      %select_n3A_1357 = arith.select %or3A_1356, %get3A_1343, %select_n3A_1337 : vector<16xi1>, vector<16xf32>
      %select_n3A_1358 = arith.select %or3A_1356, %get3A_1347, %select_n3A_1338 : vector<16xi1>, vector<16xf32>
      %select_n3A_1359 = arith.select %or3A_1356, %get3A_1351, %select_n3A_1339 : vector<16xi1>, vector<16xf32>
      %get3A_1360 = arith.constant 3 : i32
      %get3A_1361 = arith.index_cast %get3A_1360 : i32 to index
      %get3A_1362 = arith.constant 32 : index
      %get3A_1363 = tpu.vector_load %arg15[%get3A_1361, %get3A_1362] {strides = array<i32>} : memref<16x192xf32, #tpu.memory_space<vmem>>, vector<16xf32>,
      %get3A_1364 = arith.constant 3 : i32
      %get3A_1365 = arith.index_cast %get3A_1364 : i32 to index
      %get3A_1366 = arith.constant 96 : index
      %get3A_1367 = tpu.vector_load %arg15[%get3A_1365, %get3A_1366] {strides = array<i32>} : memref<16x192xf32, #tpu.memory_space<vmem>>, vector<16xf32>,
      %get3A_1368 = arith.constant 3 : i32
      %get3A_1369 = arith.index_cast %get3A_1368 : i32 to index
      %get3A_1370 = arith.constant 160 : index
      %get3A_1371 = tpu.vector_load %arg15[%get3A_1369, %get3A_1370] {strides = array<i32>} : memref<16x192xf32, #tpu.memory_space<vmem>>, vector<16xf32>,
      %gt3A_1372 = arith.cmpf ogt, %get3A_1363, %select_n3A_1357 : vector<16xf32>
      %eq3A_1373 = arith.cmpf oeq, %get3A_1363, %select_n3A_1357 : vector<16xf32>
      %lt3A_1374 = arith.cmpf olt, %get3A_1367, %select_n3A_1358 : vector<16xf32>
      %and3A_1375 = arith.andi %eq3A_1373, %lt3A_1374 : vector<16xi1>
      %or3A_1376 = arith.ori %gt3A_1372, %and3A_1375 : vector<16xi1>
      %select_n3A_1377 = arith.select %or3A_1376, %get3A_1363, %select_n3A_1357 : vector<16xi1>, vector<16xf32>
      %select_n3A_1378 = arith.select %or3A_1376, %get3A_1367, %select_n3A_1358 : vector<16xi1>, vector<16xf32>
      %select_n3A_1379 = arith.select %or3A_1376, %get3A_1371, %select_n3A_1359 : vector<16xi1>, vector<16xf32>
      %get3A_1380 = arith.constant 4 : i32
      %get3A_1381 = arith.index_cast %get3A_1380 : i32 to index
      %get3A_1382 = arith.constant 32 : index
      %get3A_1383 = tpu.vector_load %arg15[%get3A_1381, %get3A_1382] {strides = array<i32>} : memref<16x192xf32, #tpu.memory_space<vmem>>, vector<16xf32>,
      %get3A_1384 = arith.constant 4 : i32
      %get3A_1385 = arith.index_cast %get3A_1384 : i32 to index
      %get3A_1386 = arith.constant 96 : index
      %get3A_1387 = tpu.vector_load %arg15[%get3A_1385, %get3A_1386] {strides = array<i32>} : memref<16x192xf32, #tpu.memory_space<vmem>>, vector<16xf32>,
      %get3A_1388 = arith.constant 4 : i32
      %get3A_1389 = arith.index_cast %get3A_1388 : i32 to index
      %get3A_1390 = arith.constant 160 : index
      %get3A_1391 = tpu.vector_load %arg15[%get3A_1389, %get3A_1390] {strides = array<i32>} : memref<16x192xf32, #tpu.memory_space<vmem>>, vector<16xf32>,
      %gt3A_1392 = arith.cmpf ogt, %get3A_1383, %select_n3A_1377 : vector<16xf32>
      %eq3A_1393 = arith.cmpf oeq, %get3A_1383, %select_n3A_1377 : vector<16xf32>
      %lt3A_1394 = arith.cmpf olt, %get3A_1387, %select_n3A_1378 : vector<16xf32>
      %and3A_1395 = arith.andi %eq3A_1393, %lt3A_1394 : vector<16xi1>
      %or3A_1396 = arith.ori %gt3A_1392, %and3A_1395 : vector<16xi1>
      %select_n3A_1397 = arith.select %or3A_1396, %get3A_1383, %select_n3A_1377 : vector<16xi1>, vector<16xf32>
      %select_n3A_1398 = arith.select %or3A_1396, %get3A_1387, %select_n3A_1378 : vector<16xi1>, vector<16xf32>
      %select_n3A_1399 = arith.select %or3A_1396, %get3A_1391, %select_n3A_1379 : vector<16xi1>, vector<16xf32>
      %get3A_1400 = arith.constant 5 : i32
      %get3A_1401 = arith.index_cast %get3A_1400 : i32 to index
      %get3A_1402 = arith.constant 32 : index
      %get3A_1403 = tpu.vector_load %arg15[%get3A_1401, %get3A_1402] {strides = array<i32>} : memref<16x192xf32, #tpu.memory_space<vmem>>, vector<16xf32>,
      %get3A_1404 = arith.constant 5 : i32
      %get3A_1405 = arith.index_cast %get3A_1404 : i32 to index
      %get3A_1406 = arith.constant 96 : index
      %get3A_1407 = tpu.vector_load %arg15[%get3A_1405, %get3A_1406] {strides = array<i32>} : memref<16x192xf32, #tpu.memory_space<vmem>>, vector<16xf32>,
      %get3A_1408 = arith.constant 5 : i32
      %get3A_1409 = arith.index_cast %get3A_1408 : i32 to index
      %get3A_1410 = arith.constant 160 : index
      %get3A_1411 = tpu.vector_load %arg15[%get3A_1409, %get3A_1410] {strides = array<i32>} : memref<16x192xf32, #tpu.memory_space<vmem>>, vector<16xf32>,
      %gt3A_1412 = arith.cmpf ogt, %get3A_1403, %select_n3A_1397 : vector<16xf32>
      %eq3A_1413 = arith.cmpf oeq, %get3A_1403, %select_n3A_1397 : vector<16xf32>
      %lt3A_1414 = arith.cmpf olt, %get3A_1407, %select_n3A_1398 : vector<16xf32>
      %and3A_1415 = arith.andi %eq3A_1413, %lt3A_1414 : vector<16xi1>
      %or3A_1416 = arith.ori %gt3A_1412, %and3A_1415 : vector<16xi1>
      %select_n3A_1417 = arith.select %or3A_1416, %get3A_1403, %select_n3A_1397 : vector<16xi1>, vector<16xf32>
      %select_n3A_1418 = arith.select %or3A_1416, %get3A_1407, %select_n3A_1398 : vector<16xi1>, vector<16xf32>
      %select_n3A_1419 = arith.select %or3A_1416, %get3A_1411, %select_n3A_1399 : vector<16xi1>, vector<16xf32>
      %get3A_1420 = arith.constant 6 : i32
      %get3A_1421 = arith.index_cast %get3A_1420 : i32 to index
      %get3A_1422 = arith.constant 32 : index
      %get3A_1423 = tpu.vector_load %arg15[%get3A_1421, %get3A_1422] {strides = array<i32>} : memref<16x192xf32, #tpu.memory_space<vmem>>, vector<16xf32>,
      %get3A_1424 = arith.constant 6 : i32
      %get3A_1425 = arith.index_cast %get3A_1424 : i32 to index
      %get3A_1426 = arith.constant 96 : index
      %get3A_1427 = tpu.vector_load %arg15[%get3A_1425, %get3A_1426] {strides = array<i32>} : memref<16x192xf32, #tpu.memory_space<vmem>>, vector<16xf32>,
      %get3A_1428 = arith.constant 6 : i32
      %get3A_1429 = arith.index_cast %get3A_1428 : i32 to index
      %get3A_1430 = arith.constant 160 : index
      %get3A_1431 = tpu.vector_load %arg15[%get3A_1429, %get3A_1430] {strides = array<i32>} : memref<16x192xf32, #tpu.memory_space<vmem>>, vector<16xf32>,
      %gt3A_1432 = arith.cmpf ogt, %get3A_1423, %select_n3A_1417 : vector<16xf32>
      %eq3A_1433 = arith.cmpf oeq, %get3A_1423, %select_n3A_1417 : vector<16xf32>
      %lt3A_1434 = arith.cmpf olt, %get3A_1427, %select_n3A_1418 : vector<16xf32>
      %and3A_1435 = arith.andi %eq3A_1433, %lt3A_1434 : vector<16xi1>
      %or3A_1436 = arith.ori %gt3A_1432, %and3A_1435 : vector<16xi1>
      %select_n3A_1437 = arith.select %or3A_1436, %get3A_1423, %select_n3A_1417 : vector<16xi1>, vector<16xf32>
      %select_n3A_1438 = arith.select %or3A_1436, %get3A_1427, %select_n3A_1418 : vector<16xi1>, vector<16xf32>
      %select_n3A_1439 = arith.select %or3A_1436, %get3A_1431, %select_n3A_1419 : vector<16xi1>, vector<16xf32>
      %get3A_1440 = arith.constant 7 : i32
      %get3A_1441 = arith.index_cast %get3A_1440 : i32 to index
      %get3A_1442 = arith.constant 32 : index
      %get3A_1443 = tpu.vector_load %arg15[%get3A_1441, %get3A_1442] {strides = array<i32>} : memref<16x192xf32, #tpu.memory_space<vmem>>, vector<16xf32>,
      %get3A_1444 = arith.constant 7 : i32
      %get3A_1445 = arith.index_cast %get3A_1444 : i32 to index
      %get3A_1446 = arith.constant 96 : index
      %get3A_1447 = tpu.vector_load %arg15[%get3A_1445, %get3A_1446] {strides = array<i32>} : memref<16x192xf32, #tpu.memory_space<vmem>>, vector<16xf32>,
      %get3A_1448 = arith.constant 7 : i32
      %get3A_1449 = arith.index_cast %get3A_1448 : i32 to index
      %get3A_1450 = arith.constant 160 : index
      %get3A_1451 = tpu.vector_load %arg15[%get3A_1449, %get3A_1450] {strides = array<i32>} : memref<16x192xf32, #tpu.memory_space<vmem>>, vector<16xf32>,
      %gt3A_1452 = arith.cmpf ogt, %get3A_1443, %select_n3A_1437 : vector<16xf32>
      %eq3A_1453 = arith.cmpf oeq, %get3A_1443, %select_n3A_1437 : vector<16xf32>
      %lt3A_1454 = arith.cmpf olt, %get3A_1447, %select_n3A_1438 : vector<16xf32>
      %and3A_1455 = arith.andi %eq3A_1453, %lt3A_1454 : vector<16xi1>
      %or3A_1456 = arith.ori %gt3A_1452, %and3A_1455 : vector<16xi1>
      %select_n3A_1457 = arith.select %or3A_1456, %get3A_1443, %select_n3A_1437 : vector<16xi1>, vector<16xf32>
      %select_n3A_1458 = arith.select %or3A_1456, %get3A_1447, %select_n3A_1438 : vector<16xi1>, vector<16xf32>
      %select_n3A_1459 = arith.select %or3A_1456, %get3A_1451, %select_n3A_1439 : vector<16xi1>, vector<16xf32>
      %get3A_1460 = arith.constant 8 : i32
      %get3A_1461 = arith.index_cast %get3A_1460 : i32 to index
      %get3A_1462 = arith.constant 32 : index
      %get3A_1463 = tpu.vector_load %arg15[%get3A_1461, %get3A_1462] {strides = array<i32>} : memref<16x192xf32, #tpu.memory_space<vmem>>, vector<16xf32>,
      %get3A_1464 = arith.constant 8 : i32
      %get3A_1465 = arith.index_cast %get3A_1464 : i32 to index
      %get3A_1466 = arith.constant 96 : index
      %get3A_1467 = tpu.vector_load %arg15[%get3A_1465, %get3A_1466] {strides = array<i32>} : memref<16x192xf32, #tpu.memory_space<vmem>>, vector<16xf32>,
      %get3A_1468 = arith.constant 8 : i32
      %get3A_1469 = arith.index_cast %get3A_1468 : i32 to index
      %get3A_1470 = arith.constant 160 : index
      %get3A_1471 = tpu.vector_load %arg15[%get3A_1469, %get3A_1470] {strides = array<i32>} : memref<16x192xf32, #tpu.memory_space<vmem>>, vector<16xf32>,
      %gt3A_1472 = arith.cmpf ogt, %get3A_1463, %select_n3A_1457 : vector<16xf32>
      %eq3A_1473 = arith.cmpf oeq, %get3A_1463, %select_n3A_1457 : vector<16xf32>
      %lt3A_1474 = arith.cmpf olt, %get3A_1467, %select_n3A_1458 : vector<16xf32>
      %and3A_1475 = arith.andi %eq3A_1473, %lt3A_1474 : vector<16xi1>
      %or3A_1476 = arith.ori %gt3A_1472, %and3A_1475 : vector<16xi1>
      %select_n3A_1477 = arith.select %or3A_1476, %get3A_1463, %select_n3A_1457 : vector<16xi1>, vector<16xf32>
      %select_n3A_1478 = arith.select %or3A_1476, %get3A_1467, %select_n3A_1458 : vector<16xi1>, vector<16xf32>
      %select_n3A_1479 = arith.select %or3A_1476, %get3A_1471, %select_n3A_1459 : vector<16xi1>, vector<16xf32>
      %get3A_1480 = arith.constant 9 : i32
      %get3A_1481 = arith.index_cast %get3A_1480 : i32 to index
      %get3A_1482 = arith.constant 32 : index
      %get3A_1483 = tpu.vector_load %arg15[%get3A_1481, %get3A_1482] {strides = array<i32>} : memref<16x192xf32, #tpu.memory_space<vmem>>, vector<16xf32>,
      %get3A_1484 = arith.constant 9 : i32
      %get3A_1485 = arith.index_cast %get3A_1484 : i32 to index
      %get3A_1486 = arith.constant 96 : index
      %get3A_1487 = tpu.vector_load %arg15[%get3A_1485, %get3A_1486] {strides = array<i32>} : memref<16x192xf32, #tpu.memory_space<vmem>>, vector<16xf32>,
      %get3A_1488 = arith.constant 9 : i32
      %get3A_1489 = arith.index_cast %get3A_1488 : i32 to index
      %get3A_1490 = arith.constant 160 : index
      %get3A_1491 = tpu.vector_load %arg15[%get3A_1489, %get3A_1490] {strides = array<i32>} : memref<16x192xf32, #tpu.memory_space<vmem>>, vector<16xf32>,
      %gt3A_1492 = arith.cmpf ogt, %get3A_1483, %select_n3A_1477 : vector<16xf32>
      %eq3A_1493 = arith.cmpf oeq, %get3A_1483, %select_n3A_1477 : vector<16xf32>
      %lt3A_1494 = arith.cmpf olt, %get3A_1487, %select_n3A_1478 : vector<16xf32>
      %and3A_1495 = arith.andi %eq3A_1493, %lt3A_1494 : vector<16xi1>
      %or3A_1496 = arith.ori %gt3A_1492, %and3A_1495 : vector<16xi1>
      %select_n3A_1497 = arith.select %or3A_1496, %get3A_1483, %select_n3A_1477 : vector<16xi1>, vector<16xf32>
      %select_n3A_1498 = arith.select %or3A_1496, %get3A_1487, %select_n3A_1478 : vector<16xi1>, vector<16xf32>
      %select_n3A_1499 = arith.select %or3A_1496, %get3A_1491, %select_n3A_1479 : vector<16xi1>, vector<16xf32>
      %get3A_1500 = arith.constant 10 : i32
      %get3A_1501 = arith.index_cast %get3A_1500 : i32 to index
      %get3A_1502 = arith.constant 32 : index
      %get3A_1503 = tpu.vector_load %arg15[%get3A_1501, %get3A_1502] {strides = array<i32>} : memref<16x192xf32, #tpu.memory_space<vmem>>, vector<16xf32>,
      %get3A_1504 = arith.constant 10 : i32
      %get3A_1505 = arith.index_cast %get3A_1504 : i32 to index
      %get3A_1506 = arith.constant 96 : index
      %get3A_1507 = tpu.vector_load %arg15[%get3A_1505, %get3A_1506] {strides = array<i32>} : memref<16x192xf32, #tpu.memory_space<vmem>>, vector<16xf32>,
      %get3A_1508 = arith.constant 10 : i32
      %get3A_1509 = arith.index_cast %get3A_1508 : i32 to index
      %get3A_1510 = arith.constant 160 : index
      %get3A_1511 = tpu.vector_load %arg15[%get3A_1509, %get3A_1510] {strides = array<i32>} : memref<16x192xf32, #tpu.memory_space<vmem>>, vector<16xf32>,
      %gt3A_1512 = arith.cmpf ogt, %get3A_1503, %select_n3A_1497 : vector<16xf32>
      %eq3A_1513 = arith.cmpf oeq, %get3A_1503, %select_n3A_1497 : vector<16xf32>
      %lt3A_1514 = arith.cmpf olt, %get3A_1507, %select_n3A_1498 : vector<16xf32>
      %and3A_1515 = arith.andi %eq3A_1513, %lt3A_1514 : vector<16xi1>
      %or3A_1516 = arith.ori %gt3A_1512, %and3A_1515 : vector<16xi1>
      %select_n3A_1517 = arith.select %or3A_1516, %get3A_1503, %select_n3A_1497 : vector<16xi1>, vector<16xf32>
      %select_n3A_1518 = arith.select %or3A_1516, %get3A_1507, %select_n3A_1498 : vector<16xi1>, vector<16xf32>
      %select_n3A_1519 = arith.select %or3A_1516, %get3A_1511, %select_n3A_1499 : vector<16xi1>, vector<16xf32>
      %get3A_1520 = arith.constant 11 : i32
      %get3A_1521 = arith.index_cast %get3A_1520 : i32 to index
      %get3A_1522 = arith.constant 32 : index
      %get3A_1523 = tpu.vector_load %arg15[%get3A_1521, %get3A_1522] {strides = array<i32>} : memref<16x192xf32, #tpu.memory_space<vmem>>, vector<16xf32>,
      %get3A_1524 = arith.constant 11 : i32
      %get3A_1525 = arith.index_cast %get3A_1524 : i32 to index
      %get3A_1526 = arith.constant 96 : index
      %get3A_1527 = tpu.vector_load %arg15[%get3A_1525, %get3A_1526] {strides = array<i32>} : memref<16x192xf32, #tpu.memory_space<vmem>>, vector<16xf32>,
      %get3A_1528 = arith.constant 11 : i32
      %get3A_1529 = arith.index_cast %get3A_1528 : i32 to index
      %get3A_1530 = arith.constant 160 : index
      %get3A_1531 = tpu.vector_load %arg15[%get3A_1529, %get3A_1530] {strides = array<i32>} : memref<16x192xf32, #tpu.memory_space<vmem>>, vector<16xf32>,
      %gt3A_1532 = arith.cmpf ogt, %get3A_1523, %select_n3A_1517 : vector<16xf32>
      %eq3A_1533 = arith.cmpf oeq, %get3A_1523, %select_n3A_1517 : vector<16xf32>
      %lt3A_1534 = arith.cmpf olt, %get3A_1527, %select_n3A_1518 : vector<16xf32>
      %and3A_1535 = arith.andi %eq3A_1533, %lt3A_1534 : vector<16xi1>
      %or3A_1536 = arith.ori %gt3A_1532, %and3A_1535 : vector<16xi1>
      %select_n3A_1537 = arith.select %or3A_1536, %get3A_1523, %select_n3A_1517 : vector<16xi1>, vector<16xf32>
      %select_n3A_1538 = arith.select %or3A_1536, %get3A_1527, %select_n3A_1518 : vector<16xi1>, vector<16xf32>
      %select_n3A_1539 = arith.select %or3A_1536, %get3A_1531, %select_n3A_1519 : vector<16xi1>, vector<16xf32>
      %get3A_1540 = arith.constant 12 : i32
      %get3A_1541 = arith.index_cast %get3A_1540 : i32 to index
      %get3A_1542 = arith.constant 32 : index
      %get3A_1543 = tpu.vector_load %arg15[%get3A_1541, %get3A_1542] {strides = array<i32>} : memref<16x192xf32, #tpu.memory_space<vmem>>, vector<16xf32>,
      %get3A_1544 = arith.constant 12 : i32
      %get3A_1545 = arith.index_cast %get3A_1544 : i32 to index
      %get3A_1546 = arith.constant 96 : index
      %get3A_1547 = tpu.vector_load %arg15[%get3A_1545, %get3A_1546] {strides = array<i32>} : memref<16x192xf32, #tpu.memory_space<vmem>>, vector<16xf32>,
      %get3A_1548 = arith.constant 12 : i32
      %get3A_1549 = arith.index_cast %get3A_1548 : i32 to index
      %get3A_1550 = arith.constant 160 : index
      %get3A_1551 = tpu.vector_load %arg15[%get3A_1549, %get3A_1550] {strides = array<i32>} : memref<16x192xf32, #tpu.memory_space<vmem>>, vector<16xf32>,
      %gt3A_1552 = arith.cmpf ogt, %get3A_1543, %select_n3A_1537 : vector<16xf32>
      %eq3A_1553 = arith.cmpf oeq, %get3A_1543, %select_n3A_1537 : vector<16xf32>
      %lt3A_1554 = arith.cmpf olt, %get3A_1547, %select_n3A_1538 : vector<16xf32>
      %and3A_1555 = arith.andi %eq3A_1553, %lt3A_1554 : vector<16xi1>
      %or3A_1556 = arith.ori %gt3A_1552, %and3A_1555 : vector<16xi1>
      %select_n3A_1557 = arith.select %or3A_1556, %get3A_1543, %select_n3A_1537 : vector<16xi1>, vector<16xf32>
      %select_n3A_1558 = arith.select %or3A_1556, %get3A_1547, %select_n3A_1538 : vector<16xi1>, vector<16xf32>
      %select_n3A_1559 = arith.select %or3A_1556, %get3A_1551, %select_n3A_1539 : vector<16xi1>, vector<16xf32>
      %get3A_1560 = arith.constant 13 : i32
      %get3A_1561 = arith.index_cast %get3A_1560 : i32 to index
      %get3A_1562 = arith.constant 32 : index
      %get3A_1563 = tpu.vector_load %arg15[%get3A_1561, %get3A_1562] {strides = array<i32>} : memref<16x192xf32, #tpu.memory_space<vmem>>, vector<16xf32>,
      %get3A_1564 = arith.constant 13 : i32
      %get3A_1565 = arith.index_cast %get3A_1564 : i32 to index
      %get3A_1566 = arith.constant 96 : index
      %get3A_1567 = tpu.vector_load %arg15[%get3A_1565, %get3A_1566] {strides = array<i32>} : memref<16x192xf32, #tpu.memory_space<vmem>>, vector<16xf32>,
      %get3A_1568 = arith.constant 13 : i32
      %get3A_1569 = arith.index_cast %get3A_1568 : i32 to index
      %get3A_1570 = arith.constant 160 : index
      %get3A_1571 = tpu.vector_load %arg15[%get3A_1569, %get3A_1570] {strides = array<i32>} : memref<16x192xf32, #tpu.memory_space<vmem>>, vector<16xf32>,
      %gt3A_1572 = arith.cmpf ogt, %get3A_1563, %select_n3A_1557 : vector<16xf32>
      %eq3A_1573 = arith.cmpf oeq, %get3A_1563, %select_n3A_1557 : vector<16xf32>
      %lt3A_1574 = arith.cmpf olt, %get3A_1567, %select_n3A_1558 : vector<16xf32>
      %and3A_1575 = arith.andi %eq3A_1573, %lt3A_1574 : vector<16xi1>
      %or3A_1576 = arith.ori %gt3A_1572, %and3A_1575 : vector<16xi1>
      %select_n3A_1577 = arith.select %or3A_1576, %get3A_1563, %select_n3A_1557 : vector<16xi1>, vector<16xf32>
      %select_n3A_1578 = arith.select %or3A_1576, %get3A_1567, %select_n3A_1558 : vector<16xi1>, vector<16xf32>
      %select_n3A_1579 = arith.select %or3A_1576, %get3A_1571, %select_n3A_1559 : vector<16xi1>, vector<16xf32>
      %get3A_1580 = arith.constant 14 : i32
      %get3A_1581 = arith.index_cast %get3A_1580 : i32 to index
      %get3A_1582 = arith.constant 32 : index
      %get3A_1583 = tpu.vector_load %arg15[%get3A_1581, %get3A_1582] {strides = array<i32>} : memref<16x192xf32, #tpu.memory_space<vmem>>, vector<16xf32>,
      %get3A_1584 = arith.constant 14 : i32
      %get3A_1585 = arith.index_cast %get3A_1584 : i32 to index
      %get3A_1586 = arith.constant 96 : index
      %get3A_1587 = tpu.vector_load %arg15[%get3A_1585, %get3A_1586] {strides = array<i32>} : memref<16x192xf32, #tpu.memory_space<vmem>>, vector<16xf32>,
      %get3A_1588 = arith.constant 14 : i32
      %get3A_1589 = arith.index_cast %get3A_1588 : i32 to index
      %get3A_1590 = arith.constant 160 : index
      %get3A_1591 = tpu.vector_load %arg15[%get3A_1589, %get3A_1590] {strides = array<i32>} : memref<16x192xf32, #tpu.memory_space<vmem>>, vector<16xf32>,
      %gt3A_1592 = arith.cmpf ogt, %get3A_1583, %select_n3A_1577 : vector<16xf32>
      %eq3A_1593 = arith.cmpf oeq, %get3A_1583, %select_n3A_1577 : vector<16xf32>
      %lt3A_1594 = arith.cmpf olt, %get3A_1587, %select_n3A_1578 : vector<16xf32>
      %and3A_1595 = arith.andi %eq3A_1593, %lt3A_1594 : vector<16xi1>
      %or3A_1596 = arith.ori %gt3A_1592, %and3A_1595 : vector<16xi1>
      %select_n3A_1597 = arith.select %or3A_1596, %get3A_1583, %select_n3A_1577 : vector<16xi1>, vector<16xf32>
      %select_n3A_1598 = arith.select %or3A_1596, %get3A_1587, %select_n3A_1578 : vector<16xi1>, vector<16xf32>
      %select_n3A_1599 = arith.select %or3A_1596, %get3A_1591, %select_n3A_1579 : vector<16xi1>, vector<16xf32>
      %get3A_1600 = arith.constant 15 : i32
      %get3A_1601 = arith.index_cast %get3A_1600 : i32 to index
      %get3A_1602 = arith.constant 32 : index
      %get3A_1603 = tpu.vector_load %arg15[%get3A_1601, %get3A_1602] {strides = array<i32>} : memref<16x192xf32, #tpu.memory_space<vmem>>, vector<16xf32>,
      %get3A_1604 = arith.constant 15 : i32
      %get3A_1605 = arith.index_cast %get3A_1604 : i32 to index
      %get3A_1606 = arith.constant 96 : index
      %get3A_1607 = tpu.vector_load %arg15[%get3A_1605, %get3A_1606] {strides = array<i32>} : memref<16x192xf32, #tpu.memory_space<vmem>>, vector<16xf32>,
      %get3A_1608 = arith.constant 15 : i32
      %get3A_1609 = arith.index_cast %get3A_1608 : i32 to index
      %get3A_1610 = arith.constant 160 : index
      %get3A_1611 = tpu.vector_load %arg15[%get3A_1609, %get3A_1610] {strides = array<i32>} : memref<16x192xf32, #tpu.memory_space<vmem>>, vector<16xf32>,
      %gt3A_1612 = arith.cmpf ogt, %get3A_1603, %select_n3A_1597 : vector<16xf32>
      %eq3A_1613 = arith.cmpf oeq, %get3A_1603, %select_n3A_1597 : vector<16xf32>
      %lt3A_1614 = arith.cmpf olt, %get3A_1607, %select_n3A_1598 : vector<16xf32>
      %and3A_1615 = arith.andi %eq3A_1613, %lt3A_1614 : vector<16xi1>
      %or3A_1616 = arith.ori %gt3A_1612, %and3A_1615 : vector<16xi1>
      %select_n3A_1617 = arith.select %or3A_1616, %get3A_1603, %select_n3A_1597 : vector<16xi1>, vector<16xf32>
      %select_n3A_1618 = arith.select %or3A_1616, %get3A_1607, %select_n3A_1598 : vector<16xi1>, vector<16xf32>
      %select_n3A_1619 = arith.select %or3A_1616, %get3A_1611, %select_n3A_1599 : vector<16xi1>, vector<16xf32>
      %swap3A_1620 = arith.constant 32 : index
      %swap3A_1621 = tpu.vector_load %arg16[%swap3A_1620] {strides = array<i32>} : memref<64xf32, #tpu.memory_space<vmem>>, vector<16xf32>,
      tpu.vector_store %arg16[%swap3A_1620], %select_n3A_1618 {strides = array<i32>} : memref<64xf32, #tpu.memory_space<vmem>>, vector<16xf32>,
      %get3A_1622 = arith.constant 32 : index
      %get3A_1623 = tpu.vector_load %arg12[%get3A_1622] {strides = array<i32>} : memref<64xf32, #tpu.memory_space<vmem>>, vector<16xf32>,
      %le3A_1624 = arith.constant 5.000000e-01 : f32
      %le3A_1625 = vector.broadcast %le3A_1624 : f32 to vector<16xf32>
      %le3A_1626 = arith.cmpf ole, %select_n3A_1617, %le3A_1625 : vector<16xf32>
      %gt3A_1627 = arith.constant 5.000000e-01 : f32
      %gt3A_1628 = vector.broadcast %gt3A_1627 : f32 to vector<16xf32>
      %gt3A_1629 = arith.cmpf ogt, %get3A_1623, %gt3A_1628 : vector<16xf32>
      %and3A_1630 = arith.andi %le3A_1626, %gt3A_1629 : vector<16xi1>
      %jit3A_1631 = arith.constant 0.000000e+00 : f32
      %broadcast_in_dim3A_1632 = vector.broadcast %jit3A_1631 : f32 to vector<16xf32>
      %select_n3A_1633 = arith.select %and3A_1630, %select_n3A_1619, %broadcast_in_dim3A_1632 : vector<16xi1>, vector<16xf32>
      %reduce_sum3A_1634 = arith.constant true
      %reduce_sum3A_1635 = vector.broadcast %reduce_sum3A_1634 : i1 to vector<16xi1>
      %reduce_sum3A_1636 = tpu.scan <sum>, %select_n3A_1633 masked %reduce_sum3A_1635 : vector<16xf32>, vector<16xi1> -> vector<16xf32>
      %reduce_sum3A_1637 = vector.extract %reduce_sum3A_1636[15] : f32 from vector<16xf32>
      %jit3A_1638 = arith.constant 1.000000e+00 : f32
      %jit3A_1639 = arith.constant 0.000000e+00 : f32
      %broadcast_in_dim3A_1640 = vector.broadcast %jit3A_1638 : f32 to vector<16xf32>
      %broadcast_in_dim3A_1641 = vector.broadcast %jit3A_1639 : f32 to vector<16xf32>
      %select_n3A_1642 = arith.select %and3A_1630, %broadcast_in_dim3A_1640, %broadcast_in_dim3A_1641 : vector<16xi1>, vector<16xf32>
      %reduce_sum3A_1643 = arith.constant true
      %reduce_sum3A_1644 = vector.broadcast %reduce_sum3A_1643 : i1 to vector<16xi1>
      %reduce_sum3A_1645 = tpu.scan <sum>, %select_n3A_1642 masked %reduce_sum3A_1644 : vector<16xf32>, vector<16xi1> -> vector<16xf32>
      %reduce_sum3A_1646 = vector.extract %reduce_sum3A_1645[15] : f32 from vector<16xf32>
      %eq3A_1647 = arith.constant 0 : i32
      %eq3A_1648 = vector.broadcast %eq3A_1647 : i32 to vector<16xi32>
      %eq3A_1649 = arith.cmpi eq, %iota3A, %eq3A_1648 : vector<16xi32>
      %jit3A_1650 = arith.constant 0.000000e+00 : f32
      %broadcast_in_dim3A_1651 = vector.broadcast %reduce_sum3A_1637 : f32 to vector<16xf32>
      %broadcast_in_dim3A_1652 = vector.broadcast %jit3A_1650 : f32 to vector<16xf32>
      %select_n3A_1653 = arith.select %eq3A_1649, %broadcast_in_dim3A_1651, %broadcast_in_dim3A_1652 : vector<16xi1>, vector<16xf32>
      %add3A_1654 = arith.addf %add3A_1307, %select_n3A_1653 : vector<16xf32>
      %eq3A_1655 = arith.constant 1 : i32
      %eq3A_1656 = vector.broadcast %eq3A_1655 : i32 to vector<16xi32>
      %eq3A_1657 = arith.cmpi eq, %iota3A, %eq3A_1656 : vector<16xi32>
      %jit3A_1658 = arith.constant 0.000000e+00 : f32
      %broadcast_in_dim3A_1659 = vector.broadcast %reduce_sum3A_1646 : f32 to vector<16xf32>
      %broadcast_in_dim3A_1660 = vector.broadcast %jit3A_1658 : f32 to vector<16xf32>
      %select_n3A_1661 = arith.select %eq3A_1657, %broadcast_in_dim3A_1659, %broadcast_in_dim3A_1660 : vector<16xi1>, vector<16xf32>
      %add3A_1662 = arith.addf %add3A_1654, %select_n3A_1661 : vector<16xf32>
      %get3A_1663 = arith.constant 0 : i32
      %get3A_1664 = arith.index_cast %get3A_1663 : i32 to index
      %get3A_1665 = arith.constant 48 : index
      %get3A_1666 = tpu.vector_load %arg15[%get3A_1664, %get3A_1665] {strides = array<i32>} : memref<16x192xf32, #tpu.memory_space<vmem>>, vector<16xf32>,
      %get3A_1667 = arith.constant 0 : i32
      %get3A_1668 = arith.index_cast %get3A_1667 : i32 to index
      %get3A_1669 = arith.constant 112 : index
      %get3A_1670 = tpu.vector_load %arg15[%get3A_1668, %get3A_1669] {strides = array<i32>} : memref<16x192xf32, #tpu.memory_space<vmem>>, vector<16xf32>,
      %get3A_1671 = arith.constant 0 : i32
      %get3A_1672 = arith.index_cast %get3A_1671 : i32 to index
      %get3A_1673 = arith.constant 176 : index
      %get3A_1674 = tpu.vector_load %arg15[%get3A_1672, %get3A_1673] {strides = array<i32>} : memref<16x192xf32, #tpu.memory_space<vmem>>, vector<16xf32>,
      %get3A_1675 = arith.constant 1 : i32
      %get3A_1676 = arith.index_cast %get3A_1675 : i32 to index
      %get3A_1677 = arith.constant 48 : index
      %get3A_1678 = tpu.vector_load %arg15[%get3A_1676, %get3A_1677] {strides = array<i32>} : memref<16x192xf32, #tpu.memory_space<vmem>>, vector<16xf32>,
      %get3A_1679 = arith.constant 1 : i32
      %get3A_1680 = arith.index_cast %get3A_1679 : i32 to index
      %get3A_1681 = arith.constant 112 : index
      %get3A_1682 = tpu.vector_load %arg15[%get3A_1680, %get3A_1681] {strides = array<i32>} : memref<16x192xf32, #tpu.memory_space<vmem>>, vector<16xf32>,
      %get3A_1683 = arith.constant 1 : i32
      %get3A_1684 = arith.index_cast %get3A_1683 : i32 to index
      %get3A_1685 = arith.constant 176 : index
      %get3A_1686 = tpu.vector_load %arg15[%get3A_1684, %get3A_1685] {strides = array<i32>} : memref<16x192xf32, #tpu.memory_space<vmem>>, vector<16xf32>,
      %gt3A_1687 = arith.cmpf ogt, %get3A_1678, %get3A_1666 : vector<16xf32>
      %eq3A_1688 = arith.cmpf oeq, %get3A_1678, %get3A_1666 : vector<16xf32>
      %lt3A_1689 = arith.cmpf olt, %get3A_1682, %get3A_1670 : vector<16xf32>
      %and3A_1690 = arith.andi %eq3A_1688, %lt3A_1689 : vector<16xi1>
      %or3A_1691 = arith.ori %gt3A_1687, %and3A_1690 : vector<16xi1>
      %select_n3A_1692 = arith.select %or3A_1691, %get3A_1678, %get3A_1666 : vector<16xi1>, vector<16xf32>
      %select_n3A_1693 = arith.select %or3A_1691, %get3A_1682, %get3A_1670 : vector<16xi1>, vector<16xf32>
      %select_n3A_1694 = arith.select %or3A_1691, %get3A_1686, %get3A_1674 : vector<16xi1>, vector<16xf32>
      %get3A_1695 = arith.constant 2 : i32
      %get3A_1696 = arith.index_cast %get3A_1695 : i32 to index
      %get3A_1697 = arith.constant 48 : index
      %get3A_1698 = tpu.vector_load %arg15[%get3A_1696, %get3A_1697] {strides = array<i32>} : memref<16x192xf32, #tpu.memory_space<vmem>>, vector<16xf32>,
      %get3A_1699 = arith.constant 2 : i32
      %get3A_1700 = arith.index_cast %get3A_1699 : i32 to index
      %get3A_1701 = arith.constant 112 : index
      %get3A_1702 = tpu.vector_load %arg15[%get3A_1700, %get3A_1701] {strides = array<i32>} : memref<16x192xf32, #tpu.memory_space<vmem>>, vector<16xf32>,
      %get3A_1703 = arith.constant 2 : i32
      %get3A_1704 = arith.index_cast %get3A_1703 : i32 to index
      %get3A_1705 = arith.constant 176 : index
      %get3A_1706 = tpu.vector_load %arg15[%get3A_1704, %get3A_1705] {strides = array<i32>} : memref<16x192xf32, #tpu.memory_space<vmem>>, vector<16xf32>,
      %gt3A_1707 = arith.cmpf ogt, %get3A_1698, %select_n3A_1692 : vector<16xf32>
      %eq3A_1708 = arith.cmpf oeq, %get3A_1698, %select_n3A_1692 : vector<16xf32>
      %lt3A_1709 = arith.cmpf olt, %get3A_1702, %select_n3A_1693 : vector<16xf32>
      %and3A_1710 = arith.andi %eq3A_1708, %lt3A_1709 : vector<16xi1>
      %or3A_1711 = arith.ori %gt3A_1707, %and3A_1710 : vector<16xi1>
      %select_n3A_1712 = arith.select %or3A_1711, %get3A_1698, %select_n3A_1692 : vector<16xi1>, vector<16xf32>
      %select_n3A_1713 = arith.select %or3A_1711, %get3A_1702, %select_n3A_1693 : vector<16xi1>, vector<16xf32>
      %select_n3A_1714 = arith.select %or3A_1711, %get3A_1706, %select_n3A_1694 : vector<16xi1>, vector<16xf32>
      %get3A_1715 = arith.constant 3 : i32
      %get3A_1716 = arith.index_cast %get3A_1715 : i32 to index
      %get3A_1717 = arith.constant 48 : index
      %get3A_1718 = tpu.vector_load %arg15[%get3A_1716, %get3A_1717] {strides = array<i32>} : memref<16x192xf32, #tpu.memory_space<vmem>>, vector<16xf32>,
      %get3A_1719 = arith.constant 3 : i32
      %get3A_1720 = arith.index_cast %get3A_1719 : i32 to index
      %get3A_1721 = arith.constant 112 : index
      %get3A_1722 = tpu.vector_load %arg15[%get3A_1720, %get3A_1721] {strides = array<i32>} : memref<16x192xf32, #tpu.memory_space<vmem>>, vector<16xf32>,
      %get3A_1723 = arith.constant 3 : i32
      %get3A_1724 = arith.index_cast %get3A_1723 : i32 to index
      %get3A_1725 = arith.constant 176 : index
      %get3A_1726 = tpu.vector_load %arg15[%get3A_1724, %get3A_1725] {strides = array<i32>} : memref<16x192xf32, #tpu.memory_space<vmem>>, vector<16xf32>,
      %gt3A_1727 = arith.cmpf ogt, %get3A_1718, %select_n3A_1712 : vector<16xf32>
      %eq3A_1728 = arith.cmpf oeq, %get3A_1718, %select_n3A_1712 : vector<16xf32>
      %lt3A_1729 = arith.cmpf olt, %get3A_1722, %select_n3A_1713 : vector<16xf32>
      %and3A_1730 = arith.andi %eq3A_1728, %lt3A_1729 : vector<16xi1>
      %or3A_1731 = arith.ori %gt3A_1727, %and3A_1730 : vector<16xi1>
      %select_n3A_1732 = arith.select %or3A_1731, %get3A_1718, %select_n3A_1712 : vector<16xi1>, vector<16xf32>
      %select_n3A_1733 = arith.select %or3A_1731, %get3A_1722, %select_n3A_1713 : vector<16xi1>, vector<16xf32>
      %select_n3A_1734 = arith.select %or3A_1731, %get3A_1726, %select_n3A_1714 : vector<16xi1>, vector<16xf32>
      %get3A_1735 = arith.constant 4 : i32
      %get3A_1736 = arith.index_cast %get3A_1735 : i32 to index
      %get3A_1737 = arith.constant 48 : index
      %get3A_1738 = tpu.vector_load %arg15[%get3A_1736, %get3A_1737] {strides = array<i32>} : memref<16x192xf32, #tpu.memory_space<vmem>>, vector<16xf32>,
      %get3A_1739 = arith.constant 4 : i32
      %get3A_1740 = arith.index_cast %get3A_1739 : i32 to index
      %get3A_1741 = arith.constant 112 : index
      %get3A_1742 = tpu.vector_load %arg15[%get3A_1740, %get3A_1741] {strides = array<i32>} : memref<16x192xf32, #tpu.memory_space<vmem>>, vector<16xf32>,
      %get3A_1743 = arith.constant 4 : i32
      %get3A_1744 = arith.index_cast %get3A_1743 : i32 to index
      %get3A_1745 = arith.constant 176 : index
      %get3A_1746 = tpu.vector_load %arg15[%get3A_1744, %get3A_1745] {strides = array<i32>} : memref<16x192xf32, #tpu.memory_space<vmem>>, vector<16xf32>,
      %gt3A_1747 = arith.cmpf ogt, %get3A_1738, %select_n3A_1732 : vector<16xf32>
      %eq3A_1748 = arith.cmpf oeq, %get3A_1738, %select_n3A_1732 : vector<16xf32>
      %lt3A_1749 = arith.cmpf olt, %get3A_1742, %select_n3A_1733 : vector<16xf32>
      %and3A_1750 = arith.andi %eq3A_1748, %lt3A_1749 : vector<16xi1>
      %or3A_1751 = arith.ori %gt3A_1747, %and3A_1750 : vector<16xi1>
      %select_n3A_1752 = arith.select %or3A_1751, %get3A_1738, %select_n3A_1732 : vector<16xi1>, vector<16xf32>
      %select_n3A_1753 = arith.select %or3A_1751, %get3A_1742, %select_n3A_1733 : vector<16xi1>, vector<16xf32>
      %select_n3A_1754 = arith.select %or3A_1751, %get3A_1746, %select_n3A_1734 : vector<16xi1>, vector<16xf32>
      %get3A_1755 = arith.constant 5 : i32
      %get3A_1756 = arith.index_cast %get3A_1755 : i32 to index
      %get3A_1757 = arith.constant 48 : index
      %get3A_1758 = tpu.vector_load %arg15[%get3A_1756, %get3A_1757] {strides = array<i32>} : memref<16x192xf32, #tpu.memory_space<vmem>>, vector<16xf32>,
      %get3A_1759 = arith.constant 5 : i32
      %get3A_1760 = arith.index_cast %get3A_1759 : i32 to index
      %get3A_1761 = arith.constant 112 : index
      %get3A_1762 = tpu.vector_load %arg15[%get3A_1760, %get3A_1761] {strides = array<i32>} : memref<16x192xf32, #tpu.memory_space<vmem>>, vector<16xf32>,
      %get3A_1763 = arith.constant 5 : i32
      %get3A_1764 = arith.index_cast %get3A_1763 : i32 to index
      %get3A_1765 = arith.constant 176 : index
      %get3A_1766 = tpu.vector_load %arg15[%get3A_1764, %get3A_1765] {strides = array<i32>} : memref<16x192xf32, #tpu.memory_space<vmem>>, vector<16xf32>,
      %gt3A_1767 = arith.cmpf ogt, %get3A_1758, %select_n3A_1752 : vector<16xf32>
      %eq3A_1768 = arith.cmpf oeq, %get3A_1758, %select_n3A_1752 : vector<16xf32>
      %lt3A_1769 = arith.cmpf olt, %get3A_1762, %select_n3A_1753 : vector<16xf32>
      %and3A_1770 = arith.andi %eq3A_1768, %lt3A_1769 : vector<16xi1>
      %or3A_1771 = arith.ori %gt3A_1767, %and3A_1770 : vector<16xi1>
      %select_n3A_1772 = arith.select %or3A_1771, %get3A_1758, %select_n3A_1752 : vector<16xi1>, vector<16xf32>
      %select_n3A_1773 = arith.select %or3A_1771, %get3A_1762, %select_n3A_1753 : vector<16xi1>, vector<16xf32>
      %select_n3A_1774 = arith.select %or3A_1771, %get3A_1766, %select_n3A_1754 : vector<16xi1>, vector<16xf32>
      %get3A_1775 = arith.constant 6 : i32
      %get3A_1776 = arith.index_cast %get3A_1775 : i32 to index
      %get3A_1777 = arith.constant 48 : index
      %get3A_1778 = tpu.vector_load %arg15[%get3A_1776, %get3A_1777] {strides = array<i32>} : memref<16x192xf32, #tpu.memory_space<vmem>>, vector<16xf32>,
      %get3A_1779 = arith.constant 6 : i32
      %get3A_1780 = arith.index_cast %get3A_1779 : i32 to index
      %get3A_1781 = arith.constant 112 : index
      %get3A_1782 = tpu.vector_load %arg15[%get3A_1780, %get3A_1781] {strides = array<i32>} : memref<16x192xf32, #tpu.memory_space<vmem>>, vector<16xf32>,
      %get3A_1783 = arith.constant 6 : i32
      %get3A_1784 = arith.index_cast %get3A_1783 : i32 to index
      %get3A_1785 = arith.constant 176 : index
      %get3A_1786 = tpu.vector_load %arg15[%get3A_1784, %get3A_1785] {strides = array<i32>} : memref<16x192xf32, #tpu.memory_space<vmem>>, vector<16xf32>,
      %gt3A_1787 = arith.cmpf ogt, %get3A_1778, %select_n3A_1772 : vector<16xf32>
      %eq3A_1788 = arith.cmpf oeq, %get3A_1778, %select_n3A_1772 : vector<16xf32>
      %lt3A_1789 = arith.cmpf olt, %get3A_1782, %select_n3A_1773 : vector<16xf32>
      %and3A_1790 = arith.andi %eq3A_1788, %lt3A_1789 : vector<16xi1>
      %or3A_1791 = arith.ori %gt3A_1787, %and3A_1790 : vector<16xi1>
      %select_n3A_1792 = arith.select %or3A_1791, %get3A_1778, %select_n3A_1772 : vector<16xi1>, vector<16xf32>
      %select_n3A_1793 = arith.select %or3A_1791, %get3A_1782, %select_n3A_1773 : vector<16xi1>, vector<16xf32>
      %select_n3A_1794 = arith.select %or3A_1791, %get3A_1786, %select_n3A_1774 : vector<16xi1>, vector<16xf32>
      %get3A_1795 = arith.constant 7 : i32
      %get3A_1796 = arith.index_cast %get3A_1795 : i32 to index
      %get3A_1797 = arith.constant 48 : index
      %get3A_1798 = tpu.vector_load %arg15[%get3A_1796, %get3A_1797] {strides = array<i32>} : memref<16x192xf32, #tpu.memory_space<vmem>>, vector<16xf32>,
      %get3A_1799 = arith.constant 7 : i32
      %get3A_1800 = arith.index_cast %get3A_1799 : i32 to index
      %get3A_1801 = arith.constant 112 : index
      %get3A_1802 = tpu.vector_load %arg15[%get3A_1800, %get3A_1801] {strides = array<i32>} : memref<16x192xf32, #tpu.memory_space<vmem>>, vector<16xf32>,
      %get3A_1803 = arith.constant 7 : i32
      %get3A_1804 = arith.index_cast %get3A_1803 : i32 to index
      %get3A_1805 = arith.constant 176 : index
      %get3A_1806 = tpu.vector_load %arg15[%get3A_1804, %get3A_1805] {strides = array<i32>} : memref<16x192xf32, #tpu.memory_space<vmem>>, vector<16xf32>,
      %gt3A_1807 = arith.cmpf ogt, %get3A_1798, %select_n3A_1792 : vector<16xf32>
      %eq3A_1808 = arith.cmpf oeq, %get3A_1798, %select_n3A_1792 : vector<16xf32>
      %lt3A_1809 = arith.cmpf olt, %get3A_1802, %select_n3A_1793 : vector<16xf32>
      %and3A_1810 = arith.andi %eq3A_1808, %lt3A_1809 : vector<16xi1>
      %or3A_1811 = arith.ori %gt3A_1807, %and3A_1810 : vector<16xi1>
      %select_n3A_1812 = arith.select %or3A_1811, %get3A_1798, %select_n3A_1792 : vector<16xi1>, vector<16xf32>
      %select_n3A_1813 = arith.select %or3A_1811, %get3A_1802, %select_n3A_1793 : vector<16xi1>, vector<16xf32>
      %select_n3A_1814 = arith.select %or3A_1811, %get3A_1806, %select_n3A_1794 : vector<16xi1>, vector<16xf32>
      %get3A_1815 = arith.constant 8 : i32
      %get3A_1816 = arith.index_cast %get3A_1815 : i32 to index
      %get3A_1817 = arith.constant 48 : index
      %get3A_1818 = tpu.vector_load %arg15[%get3A_1816, %get3A_1817] {strides = array<i32>} : memref<16x192xf32, #tpu.memory_space<vmem>>, vector<16xf32>,
      %get3A_1819 = arith.constant 8 : i32
      %get3A_1820 = arith.index_cast %get3A_1819 : i32 to index
      %get3A_1821 = arith.constant 112 : index
      %get3A_1822 = tpu.vector_load %arg15[%get3A_1820, %get3A_1821] {strides = array<i32>} : memref<16x192xf32, #tpu.memory_space<vmem>>, vector<16xf32>,
      %get3A_1823 = arith.constant 8 : i32
      %get3A_1824 = arith.index_cast %get3A_1823 : i32 to index
      %get3A_1825 = arith.constant 176 : index
      %get3A_1826 = tpu.vector_load %arg15[%get3A_1824, %get3A_1825] {strides = array<i32>} : memref<16x192xf32, #tpu.memory_space<vmem>>, vector<16xf32>,
      %gt3A_1827 = arith.cmpf ogt, %get3A_1818, %select_n3A_1812 : vector<16xf32>
      %eq3A_1828 = arith.cmpf oeq, %get3A_1818, %select_n3A_1812 : vector<16xf32>
      %lt3A_1829 = arith.cmpf olt, %get3A_1822, %select_n3A_1813 : vector<16xf32>
      %and3A_1830 = arith.andi %eq3A_1828, %lt3A_1829 : vector<16xi1>
      %or3A_1831 = arith.ori %gt3A_1827, %and3A_1830 : vector<16xi1>
      %select_n3A_1832 = arith.select %or3A_1831, %get3A_1818, %select_n3A_1812 : vector<16xi1>, vector<16xf32>
      %select_n3A_1833 = arith.select %or3A_1831, %get3A_1822, %select_n3A_1813 : vector<16xi1>, vector<16xf32>
      %select_n3A_1834 = arith.select %or3A_1831, %get3A_1826, %select_n3A_1814 : vector<16xi1>, vector<16xf32>
      %get3A_1835 = arith.constant 9 : i32
      %get3A_1836 = arith.index_cast %get3A_1835 : i32 to index
      %get3A_1837 = arith.constant 48 : index
      %get3A_1838 = tpu.vector_load %arg15[%get3A_1836, %get3A_1837] {strides = array<i32>} : memref<16x192xf32, #tpu.memory_space<vmem>>, vector<16xf32>,
      %get3A_1839 = arith.constant 9 : i32
      %get3A_1840 = arith.index_cast %get3A_1839 : i32 to index
      %get3A_1841 = arith.constant 112 : index
      %get3A_1842 = tpu.vector_load %arg15[%get3A_1840, %get3A_1841] {strides = array<i32>} : memref<16x192xf32, #tpu.memory_space<vmem>>, vector<16xf32>,
      %get3A_1843 = arith.constant 9 : i32
      %get3A_1844 = arith.index_cast %get3A_1843 : i32 to index
      %get3A_1845 = arith.constant 176 : index
      %get3A_1846 = tpu.vector_load %arg15[%get3A_1844, %get3A_1845] {strides = array<i32>} : memref<16x192xf32, #tpu.memory_space<vmem>>, vector<16xf32>,
      %gt3A_1847 = arith.cmpf ogt, %get3A_1838, %select_n3A_1832 : vector<16xf32>
      %eq3A_1848 = arith.cmpf oeq, %get3A_1838, %select_n3A_1832 : vector<16xf32>
      %lt3A_1849 = arith.cmpf olt, %get3A_1842, %select_n3A_1833 : vector<16xf32>
      %and3A_1850 = arith.andi %eq3A_1848, %lt3A_1849 : vector<16xi1>
      %or3A_1851 = arith.ori %gt3A_1847, %and3A_1850 : vector<16xi1>
      %select_n3A_1852 = arith.select %or3A_1851, %get3A_1838, %select_n3A_1832 : vector<16xi1>, vector<16xf32>
      %select_n3A_1853 = arith.select %or3A_1851, %get3A_1842, %select_n3A_1833 : vector<16xi1>, vector<16xf32>
      %select_n3A_1854 = arith.select %or3A_1851, %get3A_1846, %select_n3A_1834 : vector<16xi1>, vector<16xf32>
      %get3A_1855 = arith.constant 10 : i32
      %get3A_1856 = arith.index_cast %get3A_1855 : i32 to index
      %get3A_1857 = arith.constant 48 : index
      %get3A_1858 = tpu.vector_load %arg15[%get3A_1856, %get3A_1857] {strides = array<i32>} : memref<16x192xf32, #tpu.memory_space<vmem>>, vector<16xf32>,
      %get3A_1859 = arith.constant 10 : i32
      %get3A_1860 = arith.index_cast %get3A_1859 : i32 to index
      %get3A_1861 = arith.constant 112 : index
      %get3A_1862 = tpu.vector_load %arg15[%get3A_1860, %get3A_1861] {strides = array<i32>} : memref<16x192xf32, #tpu.memory_space<vmem>>, vector<16xf32>,
      %get3A_1863 = arith.constant 10 : i32
      %get3A_1864 = arith.index_cast %get3A_1863 : i32 to index
      %get3A_1865 = arith.constant 176 : index
      %get3A_1866 = tpu.vector_load %arg15[%get3A_1864, %get3A_1865] {strides = array<i32>} : memref<16x192xf32, #tpu.memory_space<vmem>>, vector<16xf32>,
      %gt3A_1867 = arith.cmpf ogt, %get3A_1858, %select_n3A_1852 : vector<16xf32>
      %eq3A_1868 = arith.cmpf oeq, %get3A_1858, %select_n3A_1852 : vector<16xf32>
      %lt3A_1869 = arith.cmpf olt, %get3A_1862, %select_n3A_1853 : vector<16xf32>
      %and3A_1870 = arith.andi %eq3A_1868, %lt3A_1869 : vector<16xi1>
      %or3A_1871 = arith.ori %gt3A_1867, %and3A_1870 : vector<16xi1>
      %select_n3A_1872 = arith.select %or3A_1871, %get3A_1858, %select_n3A_1852 : vector<16xi1>, vector<16xf32>
      %select_n3A_1873 = arith.select %or3A_1871, %get3A_1862, %select_n3A_1853 : vector<16xi1>, vector<16xf32>
      %select_n3A_1874 = arith.select %or3A_1871, %get3A_1866, %select_n3A_1854 : vector<16xi1>, vector<16xf32>
      %get3A_1875 = arith.constant 11 : i32
      %get3A_1876 = arith.index_cast %get3A_1875 : i32 to index
      %get3A_1877 = arith.constant 48 : index
      %get3A_1878 = tpu.vector_load %arg15[%get3A_1876, %get3A_1877] {strides = array<i32>} : memref<16x192xf32, #tpu.memory_space<vmem>>, vector<16xf32>,
      %get3A_1879 = arith.constant 11 : i32
      %get3A_1880 = arith.index_cast %get3A_1879 : i32 to index
      %get3A_1881 = arith.constant 112 : index
      %get3A_1882 = tpu.vector_load %arg15[%get3A_1880, %get3A_1881] {strides = array<i32>} : memref<16x192xf32, #tpu.memory_space<vmem>>, vector<16xf32>,
      %get3A_1883 = arith.constant 11 : i32
      %get3A_1884 = arith.index_cast %get3A_1883 : i32 to index
      %get3A_1885 = arith.constant 176 : index
      %get3A_1886 = tpu.vector_load %arg15[%get3A_1884, %get3A_1885] {strides = array<i32>} : memref<16x192xf32, #tpu.memory_space<vmem>>, vector<16xf32>,
      %gt3A_1887 = arith.cmpf ogt, %get3A_1878, %select_n3A_1872 : vector<16xf32>
      %eq3A_1888 = arith.cmpf oeq, %get3A_1878, %select_n3A_1872 : vector<16xf32>
      %lt3A_1889 = arith.cmpf olt, %get3A_1882, %select_n3A_1873 : vector<16xf32>
      %and3A_1890 = arith.andi %eq3A_1888, %lt3A_1889 : vector<16xi1>
      %or3A_1891 = arith.ori %gt3A_1887, %and3A_1890 : vector<16xi1>
      %select_n3A_1892 = arith.select %or3A_1891, %get3A_1878, %select_n3A_1872 : vector<16xi1>, vector<16xf32>
      %select_n3A_1893 = arith.select %or3A_1891, %get3A_1882, %select_n3A_1873 : vector<16xi1>, vector<16xf32>
      %select_n3A_1894 = arith.select %or3A_1891, %get3A_1886, %select_n3A_1874 : vector<16xi1>, vector<16xf32>
      %get3A_1895 = arith.constant 12 : i32
      %get3A_1896 = arith.index_cast %get3A_1895 : i32 to index
      %get3A_1897 = arith.constant 48 : index
      %get3A_1898 = tpu.vector_load %arg15[%get3A_1896, %get3A_1897] {strides = array<i32>} : memref<16x192xf32, #tpu.memory_space<vmem>>, vector<16xf32>,
      %get3A_1899 = arith.constant 12 : i32
      %get3A_1900 = arith.index_cast %get3A_1899 : i32 to index
      %get3A_1901 = arith.constant 112 : index
      %get3A_1902 = tpu.vector_load %arg15[%get3A_1900, %get3A_1901] {strides = array<i32>} : memref<16x192xf32, #tpu.memory_space<vmem>>, vector<16xf32>,
      %get3A_1903 = arith.constant 12 : i32
      %get3A_1904 = arith.index_cast %get3A_1903 : i32 to index
      %get3A_1905 = arith.constant 176 : index
      %get3A_1906 = tpu.vector_load %arg15[%get3A_1904, %get3A_1905] {strides = array<i32>} : memref<16x192xf32, #tpu.memory_space<vmem>>, vector<16xf32>,
      %gt3A_1907 = arith.cmpf ogt, %get3A_1898, %select_n3A_1892 : vector<16xf32>
      %eq3A_1908 = arith.cmpf oeq, %get3A_1898, %select_n3A_1892 : vector<16xf32>
      %lt3A_1909 = arith.cmpf olt, %get3A_1902, %select_n3A_1893 : vector<16xf32>
      %and3A_1910 = arith.andi %eq3A_1908, %lt3A_1909 : vector<16xi1>
      %or3A_1911 = arith.ori %gt3A_1907, %and3A_1910 : vector<16xi1>
      %select_n3A_1912 = arith.select %or3A_1911, %get3A_1898, %select_n3A_1892 : vector<16xi1>, vector<16xf32>
      %select_n3A_1913 = arith.select %or3A_1911, %get3A_1902, %select_n3A_1893 : vector<16xi1>, vector<16xf32>
      %select_n3A_1914 = arith.select %or3A_1911, %get3A_1906, %select_n3A_1894 : vector<16xi1>, vector<16xf32>
      %get3A_1915 = arith.constant 13 : i32
      %get3A_1916 = arith.index_cast %get3A_1915 : i32 to index
      %get3A_1917 = arith.constant 48 : index
      %get3A_1918 = tpu.vector_load %arg15[%get3A_1916, %get3A_1917] {strides = array<i32>} : memref<16x192xf32, #tpu.memory_space<vmem>>, vector<16xf32>,
      %get3A_1919 = arith.constant 13 : i32
      %get3A_1920 = arith.index_cast %get3A_1919 : i32 to index
      %get3A_1921 = arith.constant 112 : index
      %get3A_1922 = tpu.vector_load %arg15[%get3A_1920, %get3A_1921] {strides = array<i32>} : memref<16x192xf32, #tpu.memory_space<vmem>>, vector<16xf32>,
      %get3A_1923 = arith.constant 13 : i32
      %get3A_1924 = arith.index_cast %get3A_1923 : i32 to index
      %get3A_1925 = arith.constant 176 : index
      %get3A_1926 = tpu.vector_load %arg15[%get3A_1924, %get3A_1925] {strides = array<i32>} : memref<16x192xf32, #tpu.memory_space<vmem>>, vector<16xf32>,
      %gt3A_1927 = arith.cmpf ogt, %get3A_1918, %select_n3A_1912 : vector<16xf32>
      %eq3A_1928 = arith.cmpf oeq, %get3A_1918, %select_n3A_1912 : vector<16xf32>
      %lt3A_1929 = arith.cmpf olt, %get3A_1922, %select_n3A_1913 : vector<16xf32>
      %and3A_1930 = arith.andi %eq3A_1928, %lt3A_1929 : vector<16xi1>
      %or3A_1931 = arith.ori %gt3A_1927, %and3A_1930 : vector<16xi1>
      %select_n3A_1932 = arith.select %or3A_1931, %get3A_1918, %select_n3A_1912 : vector<16xi1>, vector<16xf32>
      %select_n3A_1933 = arith.select %or3A_1931, %get3A_1922, %select_n3A_1913 : vector<16xi1>, vector<16xf32>
      %select_n3A_1934 = arith.select %or3A_1931, %get3A_1926, %select_n3A_1914 : vector<16xi1>, vector<16xf32>
      %get3A_1935 = arith.constant 14 : i32
      %get3A_1936 = arith.index_cast %get3A_1935 : i32 to index
      %get3A_1937 = arith.constant 48 : index
      %get3A_1938 = tpu.vector_load %arg15[%get3A_1936, %get3A_1937] {strides = array<i32>} : memref<16x192xf32, #tpu.memory_space<vmem>>, vector<16xf32>,
      %get3A_1939 = arith.constant 14 : i32
      %get3A_1940 = arith.index_cast %get3A_1939 : i32 to index
      %get3A_1941 = arith.constant 112 : index
      %get3A_1942 = tpu.vector_load %arg15[%get3A_1940, %get3A_1941] {strides = array<i32>} : memref<16x192xf32, #tpu.memory_space<vmem>>, vector<16xf32>,
      %get3A_1943 = arith.constant 14 : i32
      %get3A_1944 = arith.index_cast %get3A_1943 : i32 to index
      %get3A_1945 = arith.constant 176 : index
      %get3A_1946 = tpu.vector_load %arg15[%get3A_1944, %get3A_1945] {strides = array<i32>} : memref<16x192xf32, #tpu.memory_space<vmem>>, vector<16xf32>,
      %gt3A_1947 = arith.cmpf ogt, %get3A_1938, %select_n3A_1932 : vector<16xf32>
      %eq3A_1948 = arith.cmpf oeq, %get3A_1938, %select_n3A_1932 : vector<16xf32>
      %lt3A_1949 = arith.cmpf olt, %get3A_1942, %select_n3A_1933 : vector<16xf32>
      %and3A_1950 = arith.andi %eq3A_1948, %lt3A_1949 : vector<16xi1>
      %or3A_1951 = arith.ori %gt3A_1947, %and3A_1950 : vector<16xi1>
      %select_n3A_1952 = arith.select %or3A_1951, %get3A_1938, %select_n3A_1932 : vector<16xi1>, vector<16xf32>
      %select_n3A_1953 = arith.select %or3A_1951, %get3A_1942, %select_n3A_1933 : vector<16xi1>, vector<16xf32>
      %select_n3A_1954 = arith.select %or3A_1951, %get3A_1946, %select_n3A_1934 : vector<16xi1>, vector<16xf32>
      %get3A_1955 = arith.constant 15 : i32
      %get3A_1956 = arith.index_cast %get3A_1955 : i32 to index
      %get3A_1957 = arith.constant 48 : index
      %get3A_1958 = tpu.vector_load %arg15[%get3A_1956, %get3A_1957] {strides = array<i32>} : memref<16x192xf32, #tpu.memory_space<vmem>>, vector<16xf32>,
      %get3A_1959 = arith.constant 15 : i32
      %get3A_1960 = arith.index_cast %get3A_1959 : i32 to index
      %get3A_1961 = arith.constant 112 : index
      %get3A_1962 = tpu.vector_load %arg15[%get3A_1960, %get3A_1961] {strides = array<i32>} : memref<16x192xf32, #tpu.memory_space<vmem>>, vector<16xf32>,
      %get3A_1963 = arith.constant 15 : i32
      %get3A_1964 = arith.index_cast %get3A_1963 : i32 to index
      %get3A_1965 = arith.constant 176 : index
      %get3A_1966 = tpu.vector_load %arg15[%get3A_1964, %get3A_1965] {strides = array<i32>} : memref<16x192xf32, #tpu.memory_space<vmem>>, vector<16xf32>,
      %gt3A_1967 = arith.cmpf ogt, %get3A_1958, %select_n3A_1952 : vector<16xf32>
      %eq3A_1968 = arith.cmpf oeq, %get3A_1958, %select_n3A_1952 : vector<16xf32>
      %lt3A_1969 = arith.cmpf olt, %get3A_1962, %select_n3A_1953 : vector<16xf32>
      %and3A_1970 = arith.andi %eq3A_1968, %lt3A_1969 : vector<16xi1>
      %or3A_1971 = arith.ori %gt3A_1967, %and3A_1970 : vector<16xi1>
      %select_n3A_1972 = arith.select %or3A_1971, %get3A_1958, %select_n3A_1952 : vector<16xi1>, vector<16xf32>
      %select_n3A_1973 = arith.select %or3A_1971, %get3A_1962, %select_n3A_1953 : vector<16xi1>, vector<16xf32>
      %select_n3A_1974 = arith.select %or3A_1971, %get3A_1966, %select_n3A_1954 : vector<16xi1>, vector<16xf32>
      %swap3A_1975 = arith.constant 48 : index
      %swap3A_1976 = tpu.vector_load %arg16[%swap3A_1975] {strides = array<i32>} : memref<64xf32, #tpu.memory_space<vmem>>, vector<16xf32>,
      tpu.vector_store %arg16[%swap3A_1975], %select_n3A_1973 {strides = array<i32>} : memref<64xf32, #tpu.memory_space<vmem>>, vector<16xf32>,
      %get3A_1977 = arith.constant 48 : index
      %get3A_1978 = tpu.vector_load %arg12[%get3A_1977] {strides = array<i32>} : memref<64xf32, #tpu.memory_space<vmem>>, vector<16xf32>,
      %le3A_1979 = arith.constant 5.000000e-01 : f32
      %le3A_1980 = vector.broadcast %le3A_1979 : f32 to vector<16xf32>
      %le3A_1981 = arith.cmpf ole, %select_n3A_1972, %le3A_1980 : vector<16xf32>
      %gt3A_1982 = arith.constant 5.000000e-01 : f32
      %gt3A_1983 = vector.broadcast %gt3A_1982 : f32 to vector<16xf32>
      %gt3A_1984 = arith.cmpf ogt, %get3A_1978, %gt3A_1983 : vector<16xf32>
      %and3A_1985 = arith.andi %le3A_1981, %gt3A_1984 : vector<16xi1>
      %jit3A_1986 = arith.constant 0.000000e+00 : f32
      %broadcast_in_dim3A_1987 = vector.broadcast %jit3A_1986 : f32 to vector<16xf32>
      %select_n3A_1988 = arith.select %and3A_1985, %select_n3A_1974, %broadcast_in_dim3A_1987 : vector<16xi1>, vector<16xf32>
      %reduce_sum3A_1989 = arith.constant true
      %reduce_sum3A_1990 = vector.broadcast %reduce_sum3A_1989 : i1 to vector<16xi1>
      %reduce_sum3A_1991 = tpu.scan <sum>, %select_n3A_1988 masked %reduce_sum3A_1990 : vector<16xf32>, vector<16xi1> -> vector<16xf32>
      %reduce_sum3A_1992 = vector.extract %reduce_sum3A_1991[15] : f32 from vector<16xf32>
      %jit3A_1993 = arith.constant 1.000000e+00 : f32
      %jit3A_1994 = arith.constant 0.000000e+00 : f32
      %broadcast_in_dim3A_1995 = vector.broadcast %jit3A_1993 : f32 to vector<16xf32>
      %broadcast_in_dim3A_1996 = vector.broadcast %jit3A_1994 : f32 to vector<16xf32>
      %select_n3A_1997 = arith.select %and3A_1985, %broadcast_in_dim3A_1995, %broadcast_in_dim3A_1996 : vector<16xi1>, vector<16xf32>
      %reduce_sum3A_1998 = arith.constant true
      %reduce_sum3A_1999 = vector.broadcast %reduce_sum3A_1998 : i1 to vector<16xi1>
      %reduce_sum3A_2000 = tpu.scan <sum>, %select_n3A_1997 masked %reduce_sum3A_1999 : vector<16xf32>, vector<16xi1> -> vector<16xf32>
      %reduce_sum3A_2001 = vector.extract %reduce_sum3A_2000[15] : f32 from vector<16xf32>
      %eq3A_2002 = arith.constant 0 : i32
      %eq3A_2003 = vector.broadcast %eq3A_2002 : i32 to vector<16xi32>
      %eq3A_2004 = arith.cmpi eq, %iota3A, %eq3A_2003 : vector<16xi32>
      %jit3A_2005 = arith.constant 0.000000e+00 : f32
      %broadcast_in_dim3A_2006 = vector.broadcast %reduce_sum3A_1992 : f32 to vector<16xf32>
      %broadcast_in_dim3A_2007 = vector.broadcast %jit3A_2005 : f32 to vector<16xf32>
      %select_n3A_2008 = arith.select %eq3A_2004, %broadcast_in_dim3A_2006, %broadcast_in_dim3A_2007 : vector<16xi1>, vector<16xf32>
      %add3A_2009 = arith.addf %add3A_1662, %select_n3A_2008 : vector<16xf32>
      %eq3A_2010 = arith.constant 1 : i32
      %eq3A_2011 = vector.broadcast %eq3A_2010 : i32 to vector<16xi32>
      %eq3A_2012 = arith.cmpi eq, %iota3A, %eq3A_2011 : vector<16xi32>
      %jit3A_2013 = arith.constant 0.000000e+00 : f32
      %broadcast_in_dim3A_2014 = vector.broadcast %reduce_sum3A_2001 : f32 to vector<16xf32>
      %broadcast_in_dim3A_2015 = vector.broadcast %jit3A_2013 : f32 to vector<16xf32>
      %select_n3A_2016 = arith.select %eq3A_2012, %broadcast_in_dim3A_2014, %broadcast_in_dim3A_2015 : vector<16xi1>, vector<16xf32>
      %add3A_2017 = arith.addf %add3A_2009, %select_n3A_2016 : vector<16xf32>
      %swap3A_2018 = arith.constant 0 : index
      %swap3A_2019 = tpu.vector_load %arg18[%swap3A_2018] {strides = array<i32>} : memref<16xf32, #tpu.memory_space<vmem>>, vector<16xf32>,
      tpu.vector_store %arg18[%swap3A_2018], %add3A_2017 {strides = array<i32>} : memref<16xf32, #tpu.memory_space<vmem>>, vector<16xf32>,
      "tpu.region"() ({
        %run_scoped3A = tpu.sem_alloc : memref<!tpu.dma_semaphore, #tpu.memory_space<semaphore_mem>>
        tpu.enqueue_dma source(%arg16 : memref<64xf32, #tpu.memory_space<vmem>>) target(%arg20 : memref<64xf32, #tpu.memory_space<vmem_shared>>) target_semaphore(%run_scoped3A : memref<!tpu.dma_semaphore, #tpu.memory_space<semaphore_mem>>)
        tpu.wait_dma2 semaphore(%run_scoped3A : memref<!tpu.dma_semaphore, #tpu.memory_space<semaphore_mem>>) src(%arg16 : memref<64xf32, #tpu.memory_space<vmem>>) dst(%arg20 : memref<64xf32, #tpu.memory_space<vmem_shared>>)
        tpu.yield
      }) : () -> ()
    } else {
    }
    %barrier3A_490 = arith.constant 0 : index
    tpu.barrier barrier_id(%barrier3A_490)
    "tpu.region"() ({
      %run_scoped3A = tpu.sem_alloc : memref<!tpu.dma_semaphore, #tpu.memory_space<semaphore_mem>>
      tpu.enqueue_dma source(%arg20 : memref<64xf32, #tpu.memory_space<vmem_shared>>) target(%arg16 : memref<64xf32, #tpu.memory_space<vmem>>) target_semaphore(%run_scoped3A : memref<!tpu.dma_semaphore, #tpu.memory_space<semaphore_mem>>)
      tpu.wait_dma2 semaphore(%run_scoped3A : memref<!tpu.dma_semaphore, #tpu.memory_space<semaphore_mem>>) src(%arg20 : memref<64xf32, #tpu.memory_space<vmem_shared>>) dst(%arg16 : memref<64xf32, #tpu.memory_space<vmem>>)
      tpu.yield
    }) : () -> ()
    %broadcast_in_dim3A_491 = arith.constant 1.000000e+00 : f32
    %broadcast_in_dim3A_492 = vector.broadcast %broadcast_in_dim3A_491 : f32 to vector<16xf32>
    %get3A_493 = arith.constant 0 : index
    %get3A_494 = tpu.vector_load %arg16[%get3A_493] {strides = array<i32>} : memref<64xf32, #tpu.memory_space<vmem>>, vector<16xf32>,
    %convert_element_type3A_495 = arith.fptosi %get3A_494 : vector<16xf32> to vector<16xi32>
    %get3A_496 = arith.constant 0 : index
    %get3A_497 = tpu.vector_load %arg12[%get3A_496] {strides = array<i32>} : memref<64xf32, #tpu.memory_space<vmem>>, vector<16xf32>,
    %ge3A = vector.broadcast %mul3A_462 : i32 to vector<16xi32>
    %ge3A_498 = arith.cmpi sge, %convert_element_type3A_495, %ge3A : vector<16xi32>
    %add3A_499 = arith.constant 320 : i32
    %add3A_500 = arith.addi %mul3A_462, %add3A_499 : i32
    %lt3A = vector.broadcast %add3A_500 : i32 to vector<16xi32>
    %lt3A_501 = arith.cmpi slt, %convert_element_type3A_495, %lt3A : vector<16xi32>
    %and3A = arith.andi %ge3A_498, %lt3A_501 : vector<16xi1>
    %gt3A = arith.constant 5.000000e-01 : f32
    %gt3A_502 = vector.broadcast %gt3A : f32 to vector<16xf32>
    %gt3A_503 = arith.cmpf ogt, %get3A_497, %gt3A_502 : vector<16xf32>
    %and3A_504 = arith.andi %and3A, %gt3A_503 : vector<16xi1>
    %sub3A_505 = vector.broadcast %mul3A_462 : i32 to vector<16xi32>
    %sub3A_506 = arith.subi %convert_element_type3A_495, %sub3A_505 : vector<16xi32>
    %jit3A_507 = arith.constant 0 : i32
    %jit3A_508 = arith.constant 319 : i32
    %max3A = vector.broadcast %jit3A_507 : i32 to vector<16xi32>
    %max3A_509 = arith.maxsi %max3A, %sub3A_506 : vector<16xi32>
    %min3A = vector.broadcast %jit3A_508 : i32 to vector<16xi32>
    %min3A_510 = arith.minsi %min3A, %max3A_509 : vector<16xi32>
    %add3A_511 = arith.constant 0 : i32
    %add3A_512 = vector.broadcast %add3A_511 : i32 to vector<16xi32>
    %add3A_513 = arith.addi %min3A_510, %add3A_512 : vector<16xi32>
    tpu.vector_store_idx %arg13[%add3A_513], %broadcast_in_dim3A_492 masked %and3A_504 : memref<320xf32, #tpu.memory_space<vmem>>[vector<16xi32>], vector<16xf32>, vector<16xi1>
    %get3A_514 = arith.constant 16 : index
    %get3A_515 = tpu.vector_load %arg16[%get3A_514] {strides = array<i32>} : memref<64xf32, #tpu.memory_space<vmem>>, vector<16xf32>,
    %convert_element_type3A_516 = arith.fptosi %get3A_515 : vector<16xf32> to vector<16xi32>
    %get3A_517 = arith.constant 16 : index
    %get3A_518 = tpu.vector_load %arg12[%get3A_517] {strides = array<i32>} : memref<64xf32, #tpu.memory_space<vmem>>, vector<16xf32>,
    %ge3A_519 = vector.broadcast %mul3A_462 : i32 to vector<16xi32>
    %ge3A_520 = arith.cmpi sge, %convert_element_type3A_516, %ge3A_519 : vector<16xi32>
    %add3A_521 = arith.constant 320 : i32
    %add3A_522 = arith.addi %mul3A_462, %add3A_521 : i32
    %lt3A_523 = vector.broadcast %add3A_522 : i32 to vector<16xi32>
    %lt3A_524 = arith.cmpi slt, %convert_element_type3A_516, %lt3A_523 : vector<16xi32>
    %and3A_525 = arith.andi %ge3A_520, %lt3A_524 : vector<16xi1>
    %gt3A_526 = arith.constant 5.000000e-01 : f32
    %gt3A_527 = vector.broadcast %gt3A_526 : f32 to vector<16xf32>
    %gt3A_528 = arith.cmpf ogt, %get3A_518, %gt3A_527 : vector<16xf32>
    %and3A_529 = arith.andi %and3A_525, %gt3A_528 : vector<16xi1>
    %sub3A_530 = vector.broadcast %mul3A_462 : i32 to vector<16xi32>
    %sub3A_531 = arith.subi %convert_element_type3A_516, %sub3A_530 : vector<16xi32>
    %jit3A_532 = arith.constant 0 : i32
    %jit3A_533 = arith.constant 319 : i32
    %max3A_534 = vector.broadcast %jit3A_532 : i32 to vector<16xi32>
    %max3A_535 = arith.maxsi %max3A_534, %sub3A_531 : vector<16xi32>
    %min3A_536 = vector.broadcast %jit3A_533 : i32 to vector<16xi32>
    %min3A_537 = arith.minsi %min3A_536, %max3A_535 : vector<16xi32>
    %add3A_538 = arith.constant 0 : i32
    %add3A_539 = vector.broadcast %add3A_538 : i32 to vector<16xi32>
    %add3A_540 = arith.addi %min3A_537, %add3A_539 : vector<16xi32>
    tpu.vector_store_idx %arg13[%add3A_540], %broadcast_in_dim3A_492 masked %and3A_529 : memref<320xf32, #tpu.memory_space<vmem>>[vector<16xi32>], vector<16xf32>, vector<16xi1>
    %get3A_541 = arith.constant 32 : index
    %get3A_542 = tpu.vector_load %arg16[%get3A_541] {strides = array<i32>} : memref<64xf32, #tpu.memory_space<vmem>>, vector<16xf32>,
    %convert_element_type3A_543 = arith.fptosi %get3A_542 : vector<16xf32> to vector<16xi32>
    %get3A_544 = arith.constant 32 : index
    %get3A_545 = tpu.vector_load %arg12[%get3A_544] {strides = array<i32>} : memref<64xf32, #tpu.memory_space<vmem>>, vector<16xf32>,
    %ge3A_546 = vector.broadcast %mul3A_462 : i32 to vector<16xi32>
    %ge3A_547 = arith.cmpi sge, %convert_element_type3A_543, %ge3A_546 : vector<16xi32>
    %add3A_548 = arith.constant 320 : i32
    %add3A_549 = arith.addi %mul3A_462, %add3A_548 : i32
    %lt3A_550 = vector.broadcast %add3A_549 : i32 to vector<16xi32>
    %lt3A_551 = arith.cmpi slt, %convert_element_type3A_543, %lt3A_550 : vector<16xi32>
    %and3A_552 = arith.andi %ge3A_547, %lt3A_551 : vector<16xi1>
    %gt3A_553 = arith.constant 5.000000e-01 : f32
    %gt3A_554 = vector.broadcast %gt3A_553 : f32 to vector<16xf32>
    %gt3A_555 = arith.cmpf ogt, %get3A_545, %gt3A_554 : vector<16xf32>
    %and3A_556 = arith.andi %and3A_552, %gt3A_555 : vector<16xi1>
    %sub3A_557 = vector.broadcast %mul3A_462 : i32 to vector<16xi32>
    %sub3A_558 = arith.subi %convert_element_type3A_543, %sub3A_557 : vector<16xi32>
    %jit3A_559 = arith.constant 0 : i32
    %jit3A_560 = arith.constant 319 : i32
    %max3A_561 = vector.broadcast %jit3A_559 : i32 to vector<16xi32>
    %max3A_562 = arith.maxsi %max3A_561, %sub3A_558 : vector<16xi32>
    %min3A_563 = vector.broadcast %jit3A_560 : i32 to vector<16xi32>
    %min3A_564 = arith.minsi %min3A_563, %max3A_562 : vector<16xi32>
    %add3A_565 = arith.constant 0 : i32
    %add3A_566 = vector.broadcast %add3A_565 : i32 to vector<16xi32>
    %add3A_567 = arith.addi %min3A_564, %add3A_566 : vector<16xi32>
    tpu.vector_store_idx %arg13[%add3A_567], %broadcast_in_dim3A_492 masked %and3A_556 : memref<320xf32, #tpu.memory_space<vmem>>[vector<16xi32>], vector<16xf32>, vector<16xi1>
    %get3A_568 = arith.constant 48 : index
    %get3A_569 = tpu.vector_load %arg16[%get3A_568] {strides = array<i32>} : memref<64xf32, #tpu.memory_space<vmem>>, vector<16xf32>,
    %convert_element_type3A_570 = arith.fptosi %get3A_569 : vector<16xf32> to vector<16xi32>
    %get3A_571 = arith.constant 48 : index
    %get3A_572 = tpu.vector_load %arg12[%get3A_571] {strides = array<i32>} : memref<64xf32, #tpu.memory_space<vmem>>, vector<16xf32>,
    %ge3A_573 = vector.broadcast %mul3A_462 : i32 to vector<16xi32>
    %ge3A_574 = arith.cmpi sge, %convert_element_type3A_570, %ge3A_573 : vector<16xi32>
    %add3A_575 = arith.constant 320 : i32
    %add3A_576 = arith.addi %mul3A_462, %add3A_575 : i32
    %lt3A_577 = vector.broadcast %add3A_576 : i32 to vector<16xi32>
    %lt3A_578 = arith.cmpi slt, %convert_element_type3A_570, %lt3A_577 : vector<16xi32>
    %and3A_579 = arith.andi %ge3A_574, %lt3A_578 : vector<16xi1>
    %gt3A_580 = arith.constant 5.000000e-01 : f32
    %gt3A_581 = vector.broadcast %gt3A_580 : f32 to vector<16xf32>
    %gt3A_582 = arith.cmpf ogt, %get3A_572, %gt3A_581 : vector<16xf32>
    %and3A_583 = arith.andi %and3A_579, %gt3A_582 : vector<16xi1>
    %sub3A_584 = vector.broadcast %mul3A_462 : i32 to vector<16xi32>
    %sub3A_585 = arith.subi %convert_element_type3A_570, %sub3A_584 : vector<16xi32>
    %jit3A_586 = arith.constant 0 : i32
    %jit3A_587 = arith.constant 319 : i32
    %max3A_588 = vector.broadcast %jit3A_586 : i32 to vector<16xi32>
    %max3A_589 = arith.maxsi %max3A_588, %sub3A_585 : vector<16xi32>
    %min3A_590 = vector.broadcast %jit3A_587 : i32 to vector<16xi32>
    %min3A_591 = arith.minsi %min3A_590, %max3A_589 : vector<16xi32>
    %add3A_592 = arith.constant 0 : i32
    %add3A_593 = vector.broadcast %add3A_592 : i32 to vector<16xi32>
    %add3A_594 = arith.addi %min3A_591, %add3A_593 : vector<16xi32>
    tpu.vector_store_idx %arg13[%add3A_594], %broadcast_in_dim3A_492 masked %and3A_583 : memref<320xf32, #tpu.memory_space<vmem>>[vector<16xi32>], vector<16xf32>, vector<16xi1>
    %get3A_595 = arith.constant 0 : index
    %get3A_596 = tpu.vector_load %arg18[%get3A_595] {strides = array<i32>} : memref<16xf32, #tpu.memory_space<vmem>>, vector<16xf32>,
    %add3A_597 = arith.addf %add3A_486, %get3A_596 : vector<16xf32>
    %swap3A_598 = arith.constant 0 : index
    %swap3A_599 = tpu.vector_load %arg17[%swap3A_598] {strides = array<i32>} : memref<16xf32, #tpu.memory_space<vmem>>, vector<16xf32>,
    tpu.vector_store %arg17[%swap3A_598], %add3A_597 {strides = array<i32>} : memref<16xf32, #tpu.memory_space<vmem>>, vector<16xf32>,
    "tpu.region"() ({
      %run_scoped3A = tpu.sem_alloc : memref<!tpu.dma_semaphore, #tpu.memory_space<semaphore_mem>>
      %dma_start3A = arith.constant 0 : i32
      %dma_start3A_600 = tpu.memref_slice %arg6[%arg0, %arg1, %dma_start3A] : memref<2x16x16xf32, #tpu.memory_space<hbm>> -> memref<1x1x16xf32, #tpu.memory_space<hbm>>
      %dma_start3A_601 = tpu.memref_squeeze %dma_start3A_600 : memref<1x1x16xf32, #tpu.memory_space<hbm>> -> memref<16xf32, #tpu.memory_space<hbm>>
      %dma_start3A_602 = arith.constant 0 : i32
      %dma_start3A_603 = tpu.memref_slice %arg6[%arg0, %arg1, %dma_start3A_602] : memref<2x16x16xf32, #tpu.memory_space<hbm>> -> memref<1x1x16xf32, #tpu.memory_space<hbm>>
      %dma_start3A_604 = tpu.memref_squeeze %dma_start3A_603 : memref<1x1x16xf32, #tpu.memory_space<hbm>> -> memref<16xf32, #tpu.memory_space<hbm>>
      tpu.enqueue_dma source(%arg17 : memref<16xf32, #tpu.memory_space<vmem>>) target(%dma_start3A_604 : memref<16xf32, #tpu.memory_space<hbm>>) target_semaphore(%run_scoped3A : memref<!tpu.dma_semaphore, #tpu.memory_space<semaphore_mem>>)
      %dma_wait3A = arith.constant 0 : i32
      %dma_wait3A_605 = tpu.memref_slice %arg6[%arg0, %arg1, %dma_wait3A] : memref<2x16x16xf32, #tpu.memory_space<hbm>> -> memref<1x1x16xf32, #tpu.memory_space<hbm>>
      %dma_wait3A_606 = tpu.memref_squeeze %dma_wait3A_605 : memref<1x1x16xf32, #tpu.memory_space<hbm>> -> memref<16xf32, #tpu.memory_space<hbm>>
      %dma_wait3A_607 = arith.constant 0 : i32
      %dma_wait3A_608 = tpu.memref_slice %arg6[%arg0, %arg1, %dma_wait3A_607] : memref<2x16x16xf32, #tpu.memory_space<hbm>> -> memref<1x1x16xf32, #tpu.memory_space<hbm>>
      %dma_wait3A_609 = tpu.memref_squeeze %dma_wait3A_608 : memref<1x1x16xf32, #tpu.memory_space<hbm>> -> memref<16xf32, #tpu.memory_space<hbm>>
      tpu.wait_dma2 semaphore(%run_scoped3A : memref<!tpu.dma_semaphore, #tpu.memory_space<semaphore_mem>>) src(%arg17 : memref<16xf32, #tpu.memory_space<vmem>>) dst(%dma_wait3A_609 : memref<16xf32, #tpu.memory_space<hbm>>)
      tpu.yield
    }) : () -> ()
    "tpu.region"() ({
      %run_scoped3A = tpu.sem_alloc : memref<!tpu.dma_semaphore, #tpu.memory_space<semaphore_mem>>
      %dma_start3A = arith.constant 0 : i32
      %dma_start3A_600 = tpu.memref_slice %arg7[%arg0, %arg1, %dma_start3A] : memref<2x16x320xf32, #tpu.memory_space<hbm>> -> memref<1x1x320xf32, #tpu.memory_space<hbm>>
      %dma_start3A_601 = tpu.memref_squeeze %dma_start3A_600 : memref<1x1x320xf32, #tpu.memory_space<hbm>> -> memref<320xf32, #tpu.memory_space<hbm>>
      %dma_start3A_602 = arith.constant 0 : i32
      %dma_start3A_603 = tpu.memref_slice %arg7[%arg0, %arg1, %dma_start3A_602] : memref<2x16x320xf32, #tpu.memory_space<hbm>> -> memref<1x1x320xf32, #tpu.memory_space<hbm>>
      %dma_start3A_604 = tpu.memref_squeeze %dma_start3A_603 : memref<1x1x320xf32, #tpu.memory_space<hbm>> -> memref<320xf32, #tpu.memory_space<hbm>>
      tpu.enqueue_dma source(%arg13 : memref<320xf32, #tpu.memory_space<vmem>>) target(%dma_start3A_604 : memref<320xf32, #tpu.memory_space<hbm>>) target_semaphore(%run_scoped3A : memref<!tpu.dma_semaphore, #tpu.memory_space<semaphore_mem>>)
      %dma_wait3A = arith.constant 0 : i32
      %dma_wait3A_605 = tpu.memref_slice %arg7[%arg0, %arg1, %dma_wait3A] : memref<2x16x320xf32, #tpu.memory_space<hbm>> -> memref<1x1x320xf32, #tpu.memory_space<hbm>>
      %dma_wait3A_606 = tpu.memref_squeeze %dma_wait3A_605 : memref<1x1x320xf32, #tpu.memory_space<hbm>> -> memref<320xf32, #tpu.memory_space<hbm>>
      %dma_wait3A_607 = arith.constant 0 : i32
      %dma_wait3A_608 = tpu.memref_slice %arg7[%arg0, %arg1, %dma_wait3A_607] : memref<2x16x320xf32, #tpu.memory_space<hbm>> -> memref<1x1x320xf32, #tpu.memory_space<hbm>>
      %dma_wait3A_609 = tpu.memref_squeeze %dma_wait3A_608 : memref<1x1x320xf32, #tpu.memory_space<hbm>> -> memref<320xf32, #tpu.memory_space<hbm>>
      tpu.wait_dma2 semaphore(%run_scoped3A : memref<!tpu.dma_semaphore, #tpu.memory_space<semaphore_mem>>) src(%arg13 : memref<320xf32, #tpu.memory_space<vmem>>) dst(%dma_wait3A_609 : memref<320xf32, #tpu.memory_space<hbm>>)
      tpu.yield
    }) : () -> ()
    return
  }
}

module attributes {stable_mosaic.version = 14 : i64} {
  func.func @_combine_body(%arg0: memref<2x16x16xf32, #tpu.memory_space<vmem>>, %arg1: memref<2x5120xf32, #tpu.memory_space<vmem>>, %arg2: memref<2x2x5120xf32, #tpu.memory_space<vmem>>, %arg3: memref<1x1xf32, #tpu.memory_space<smem>>, %arg4: memref<1x1xf32, #tpu.memory_space<smem>>, %arg5: memref<1x1xf32, #tpu.memory_space<smem>>, %arg6: memref<1x1xf32, #tpu.memory_space<smem>>, %arg7: memref<1x1xf32, #tpu.memory_space<smem>>) attributes {dimension_semantics = [], scalar_prefetch = 0 : i64, scratch_operands = 0 : i64, tpu.core_type = #tpu.core_type<tc>} {
    %get3A = arith.constant 0 : index
    %get3A_0 = arith.constant 0 : index
    %get3A_1 = vector.load %arg1[%get3A, %get3A_0] : memref<2x5120xf32, #tpu.memory_space<vmem>>, vector<1x5120xf32>
    %gt3A = arith.constant 5.000000e-01 : f32
    %gt3A_2 = vector.broadcast %gt3A : f32 to vector<1x5120xf32>
    %gt3A_3 = arith.cmpf ogt, %get3A_1, %gt3A_2 : vector<1x5120xf32>
    %get3A_4 = arith.constant 0 : index
    %get3A_5 = arith.constant 1 : index
    %get3A_6 = arith.constant 0 : index
    %get3A_7 = vector.load %arg2[%get3A_4, %get3A_5, %get3A_6] : memref<2x2x5120xf32, #tpu.memory_space<vmem>>, vector<1x1x5120xf32>
    %get3A_8 = vector.shape_cast %get3A_7 : vector<1x1x5120xf32> to vector<1x5120xf32>
    %get3A_9 = arith.constant 0 : index
    %get3A_10 = arith.constant 0 : index
    %get3A_11 = arith.constant 0 : index
    %get3A_12 = vector.load %arg2[%get3A_9, %get3A_10, %get3A_11] : memref<2x2x5120xf32, #tpu.memory_space<vmem>>, vector<1x1x5120xf32>
    %get3A_13 = vector.shape_cast %get3A_12 : vector<1x1x5120xf32> to vector<1x5120xf32>
    %select_n3A = arith.select %gt3A_3, %get3A_8, %get3A_13 : vector<1x5120xi1>, vector<1x5120xf32>
    %sub3A = arith.constant 1.000000e+00 : f32
    %sub3A_14 = vector.broadcast %sub3A : f32 to vector<1x5120xf32>
    %sub3A_15 = arith.subf %sub3A_14, %select_n3A : vector<1x5120xf32>
    %mul3A = arith.mulf %sub3A_15, %sub3A_15 : vector<1x5120xf32>
    %neg3A = arith.constant 0.000000e+00 : f32
    %neg3A_16 = vector.broadcast %neg3A : f32 to vector<1x5120xf32>
    %neg3A_17 = arith.subf %neg3A_16, %mul3A : vector<1x5120xf32>
    %log3A = math.log %select_n3A : vector<1x5120xf32>
    %mul3A_18 = arith.mulf %neg3A_17, %log3A : vector<1x5120xf32>
    %reduce_sum3A = vector.shape_cast %mul3A_18 : vector<1x5120xf32> to vector<1x1x5120xf32>
    %reduce_sum3A_19 = arith.constant dense<0.000000e+00> : vector<1xf32>
    %reduce_sum3A_20 = vector.multi_reduction <add>, %reduce_sum3A, %reduce_sum3A_19 [1, 2] : vector<1x1x5120xf32> to vector<1xf32>
    %reduce_sum3A_21 = vector.shape_cast %reduce_sum3A_20 : vector<1xf32> to vector<1x1x1xf32>
    %reduce_sum3A_22 = vector.extract %reduce_sum3A_21[0, 0, 0] : f32 from vector<1x1x1xf32>
    %add3A = arith.constant 0.000000e+00 : f32
    %add3A_23 = arith.addf %add3A, %reduce_sum3A_22 : f32
    %get3A_24 = arith.constant 1 : index
    %get3A_25 = arith.constant 0 : index
    %get3A_26 = vector.load %arg1[%get3A_24, %get3A_25] : memref<2x5120xf32, #tpu.memory_space<vmem>>, vector<1x5120xf32>
    %gt3A_27 = arith.constant 5.000000e-01 : f32
    %gt3A_28 = vector.broadcast %gt3A_27 : f32 to vector<1x5120xf32>
    %gt3A_29 = arith.cmpf ogt, %get3A_26, %gt3A_28 : vector<1x5120xf32>
    %get3A_30 = arith.constant 1 : index
    %get3A_31 = arith.constant 1 : index
    %get3A_32 = arith.constant 0 : index
    %get3A_33 = vector.load %arg2[%get3A_30, %get3A_31, %get3A_32] : memref<2x2x5120xf32, #tpu.memory_space<vmem>>, vector<1x1x5120xf32>
    %get3A_34 = vector.shape_cast %get3A_33 : vector<1x1x5120xf32> to vector<1x5120xf32>
    %get3A_35 = arith.constant 1 : index
    %get3A_36 = arith.constant 0 : index
    %get3A_37 = arith.constant 0 : index
    %get3A_38 = vector.load %arg2[%get3A_35, %get3A_36, %get3A_37] : memref<2x2x5120xf32, #tpu.memory_space<vmem>>, vector<1x1x5120xf32>
    %get3A_39 = vector.shape_cast %get3A_38 : vector<1x1x5120xf32> to vector<1x5120xf32>
    %select_n3A_40 = arith.select %gt3A_29, %get3A_34, %get3A_39 : vector<1x5120xi1>, vector<1x5120xf32>
    %sub3A_41 = arith.constant 1.000000e+00 : f32
    %sub3A_42 = vector.broadcast %sub3A_41 : f32 to vector<1x5120xf32>
    %sub3A_43 = arith.subf %sub3A_42, %select_n3A_40 : vector<1x5120xf32>
    %mul3A_44 = arith.mulf %sub3A_43, %sub3A_43 : vector<1x5120xf32>
    %neg3A_45 = arith.constant 0.000000e+00 : f32
    %neg3A_46 = vector.broadcast %neg3A_45 : f32 to vector<1x5120xf32>
    %neg3A_47 = arith.subf %neg3A_46, %mul3A_44 : vector<1x5120xf32>
    %log3A_48 = math.log %select_n3A_40 : vector<1x5120xf32>
    %mul3A_49 = arith.mulf %neg3A_47, %log3A_48 : vector<1x5120xf32>
    %reduce_sum3A_50 = vector.shape_cast %mul3A_49 : vector<1x5120xf32> to vector<1x1x5120xf32>
    %reduce_sum3A_51 = arith.constant dense<0.000000e+00> : vector<1xf32>
    %reduce_sum3A_52 = vector.multi_reduction <add>, %reduce_sum3A_50, %reduce_sum3A_51 [1, 2] : vector<1x1x5120xf32> to vector<1xf32>
    %reduce_sum3A_53 = vector.shape_cast %reduce_sum3A_52 : vector<1xf32> to vector<1x1x1xf32>
    %reduce_sum3A_54 = vector.extract %reduce_sum3A_53[0, 0, 0] : f32 from vector<1x1x1xf32>
    %add3A_55 = arith.addf %add3A_23, %reduce_sum3A_54 : f32
    %get3A_56 = arith.constant 0 : index
    %get3A_57 = arith.constant 0 : index
    %get3A_58 = arith.constant 0 : index
    %get3A_59 = vector.load %arg0[%get3A_56, %get3A_57, %get3A_58] : memref<2x16x16xf32, #tpu.memory_space<vmem>>, vector<1x16x16xf32>
    %get3A_60 = vector.shape_cast %get3A_59 : vector<1x16x16xf32> to vector<16x16xf32>
    %get3A_61 = arith.constant 1 : index
    %get3A_62 = arith.constant 0 : index
    %get3A_63 = arith.constant 0 : index
    %get3A_64 = vector.load %arg0[%get3A_61, %get3A_62, %get3A_63] : memref<2x16x16xf32, #tpu.memory_space<vmem>>, vector<1x16x16xf32>
    %get3A_65 = vector.shape_cast %get3A_64 : vector<1x16x16xf32> to vector<16x16xf32>
    %reduce_sum3A_66 = arith.constant dense<0.000000e+00> : vector<16xf32>
    %reduce_sum3A_67 = vector.multi_reduction <add>, %get3A_60, %reduce_sum3A_66 [0] : vector<16x16xf32> to vector<16xf32>
    %broadcast_in_dim3A = vector.shape_cast %reduce_sum3A_67 : vector<16xf32> to vector<1x16xf32>
    %reduce_sum3A_68 = arith.constant dense<0.000000e+00> : vector<16xf32>
    %reduce_sum3A_69 = vector.multi_reduction <add>, %get3A_65, %reduce_sum3A_68 [0] : vector<16x16xf32> to vector<16xf32>
    %broadcast_in_dim3A_70 = vector.shape_cast %reduce_sum3A_69 : vector<16xf32> to vector<1x16xf32>
    %slice3A = vector.extract_strided_slice %broadcast_in_dim3A {offsets = [0, 0], sizes = [1, 1], strides = [1, 1]} : vector<1x16xf32> to vector<1x1xf32>
    %slice3A_71 = vector.extract_strided_slice %broadcast_in_dim3A_70 {offsets = [0, 0], sizes = [1, 1], strides = [1, 1]} : vector<1x16xf32> to vector<1x1xf32>
    %concatenate3A = tpu.concatenate %slice3A, %slice3A_71 in 0 : vector<1x1xf32>, vector<1x1xf32> -> vector<2x1xf32>
    %slice3A_72 = vector.extract_strided_slice %broadcast_in_dim3A {offsets = [0, 1], sizes = [1, 1], strides = [1, 1]} : vector<1x16xf32> to vector<1x1xf32>
    %slice3A_73 = vector.extract_strided_slice %broadcast_in_dim3A_70 {offsets = [0, 1], sizes = [1, 1], strides = [1, 1]} : vector<1x16xf32> to vector<1x1xf32>
    %concatenate3A_74 = tpu.concatenate %slice3A_72, %slice3A_73 in 0 : vector<1x1xf32>, vector<1x1xf32> -> vector<2x1xf32>
    %mul3A_75 = arith.constant 4.000000e+00 : f32
    %mul3A_76 = vector.broadcast %mul3A_75 : f32 to vector<2x1xf32>
    %mul3A_77 = arith.mulf %concatenate3A_74, %mul3A_76 : vector<2x1xf32>
    %div3A = arith.divf %concatenate3A, %mul3A_77 : vector<2x1xf32>
    %reduce_sum3A_78 = vector.shape_cast %div3A : vector<2x1xf32> to vector<1x2x1xf32>
    %reduce_sum3A_79 = arith.constant dense<0.000000e+00> : vector<1xf32>
    %reduce_sum3A_80 = vector.multi_reduction <add>, %reduce_sum3A_78, %reduce_sum3A_79 [1, 2] : vector<1x2x1xf32> to vector<1xf32>
    %reduce_sum3A_81 = vector.shape_cast %reduce_sum3A_80 : vector<1xf32> to vector<1x1x1xf32>
    %reduce_sum3A_82 = vector.extract %reduce_sum3A_81[0, 0, 0] : f32 from vector<1x1x1xf32>
    %get3A_83 = arith.constant 0 : index
    %get3A_84 = arith.constant 0 : index
    %get3A_85 = memref.load %arg3[%get3A_83, %get3A_84] : memref<1x1xf32, #tpu.memory_space<smem>>
    %add3A_86 = arith.addf %add3A_55, %get3A_85 : f32
    %mul3A_87 = arith.constant 1.250000e-03 : f32
    %mul3A_88 = arith.mulf %add3A_86, %mul3A_87 : f32
    %get3A_89 = arith.constant 0 : index
    %get3A_90 = arith.constant 0 : index
    %get3A_91 = memref.load %arg4[%get3A_89, %get3A_90] : memref<1x1xf32, #tpu.memory_space<smem>>
    %add3A_92 = arith.addf %reduce_sum3A_82, %get3A_91 : f32
    %mul3A_93 = arith.constant 1.250000e-01 : f32
    %mul3A_94 = arith.mulf %add3A_92, %mul3A_93 : f32
    %swap3A = arith.constant 0 : index
    %swap3A_95 = arith.constant 0 : index
    %swap3A_96 = memref.load %arg6[%swap3A, %swap3A_95] : memref<1x1xf32, #tpu.memory_space<smem>>
    memref.store %mul3A_88, %arg6[%swap3A, %swap3A_95] : memref<1x1xf32, #tpu.memory_space<smem>>
    %swap3A_97 = arith.constant 0 : index
    %swap3A_98 = arith.constant 0 : index
    %swap3A_99 = memref.load %arg7[%swap3A_97, %swap3A_98] : memref<1x1xf32, #tpu.memory_space<smem>>
    memref.store %mul3A_94, %arg7[%swap3A_97, %swap3A_98] : memref<1x1xf32, #tpu.memory_space<smem>>
    %add3A_100 = arith.addf %mul3A_88, %mul3A_94 : f32
    %swap3A_101 = arith.constant 0 : index
    %swap3A_102 = arith.constant 0 : index
    %swap3A_103 = memref.load %arg5[%swap3A_101, %swap3A_102] : memref<1x1xf32, #tpu.memory_space<smem>>
    memref.store %add3A_100, %arg5[%swap3A_101, %swap3A_102] : memref<1x1xf32, #tpu.memory_space<smem>>
    return
  }
}

module attributes {stable_mosaic.version = 14 : i64} {
  func.func @_tc_match_body(%arg0: memref<4x5120xf32, #tpu.memory_space<vmem>>, %arg1: memref<6x4x5120xf32, #tpu.memory_space<vmem>>, %arg2: memref<6x2x5120xf32, #tpu.memory_space<vmem>>, %arg3: memref<6x64x4xf32, #tpu.memory_space<vmem>>, %arg4: memref<6x64x1xf32, #tpu.memory_space<vmem>>, %arg5: memref<1x1xf32, #tpu.memory_space<smem>>, %arg6: memref<1x1xf32, #tpu.memory_space<smem>>) attributes {dimension_semantics = [], scalar_prefetch = 0 : i64, scratch_operands = 0 : i64, tpu.core_type = #tpu.core_type<tc>} {
    %get3A = arith.constant 0 : index
    %get3A_0 = arith.constant 0 : index
    %get3A_1 = vector.load %arg0[%get3A, %get3A_0] : memref<4x5120xf32, #tpu.memory_space<vmem>>, vector<1x5120xf32>
    %get3A_2 = arith.constant 1 : index
    %get3A_3 = arith.constant 0 : index
    %get3A_4 = vector.load %arg0[%get3A_2, %get3A_3] : memref<4x5120xf32, #tpu.memory_space<vmem>>, vector<1x5120xf32>
    %get3A_5 = arith.constant 2 : index
    %get3A_6 = arith.constant 0 : index
    %get3A_7 = vector.load %arg0[%get3A_5, %get3A_6] : memref<4x5120xf32, #tpu.memory_space<vmem>>, vector<1x5120xf32>
    %get3A_8 = arith.constant 3 : index
    %get3A_9 = arith.constant 0 : index
    %get3A_10 = vector.load %arg0[%get3A_8, %get3A_9] : memref<4x5120xf32, #tpu.memory_space<vmem>>, vector<1x5120xf32>
    %sub3A = arith.subf %get3A_7, %get3A_1 : vector<1x5120xf32>
    %sub3A_11 = arith.subf %get3A_10, %get3A_4 : vector<1x5120xf32>
    %mul3A = arith.mulf %sub3A, %sub3A_11 : vector<1x5120xf32>
    %iota3A = tpu.iota {dimensions = array<i32: 1>} : vector<64x5120xi32>
    %get3A_12 = arith.constant 0 : index
    %get3A_13 = arith.constant 0 : index
    %get3A_14 = arith.constant 0 : index
    %get3A_15 = vector.load %arg3[%get3A_12, %get3A_13, %get3A_14] : memref<6x64x4xf32, #tpu.memory_space<vmem>>, vector<1x64x4xf32>
    %get3A_16 = vector.shape_cast %get3A_15 : vector<1x64x4xf32> to vector<64x4xf32>
    %slice3A = vector.extract_strided_slice %get3A_16 {offsets = [0, 0], sizes = [64, 1], strides = [1, 1]} : vector<64x4xf32> to vector<64x1xf32>
    %slice3A_17 = vector.extract_strided_slice %get3A_16 {offsets = [0, 1], sizes = [64, 1], strides = [1, 1]} : vector<64x4xf32> to vector<64x1xf32>
    %slice3A_18 = vector.extract_strided_slice %get3A_16 {offsets = [0, 2], sizes = [64, 1], strides = [1, 1]} : vector<64x4xf32> to vector<64x1xf32>
    %mul3A_19 = arith.constant 5.000000e-01 : f32
    %mul3A_20 = vector.broadcast %mul3A_19 : f32 to vector<64x1xf32>
    %mul3A_21 = arith.mulf %slice3A_18, %mul3A_20 : vector<64x1xf32>
    %slice3A_22 = vector.extract_strided_slice %get3A_16 {offsets = [0, 3], sizes = [64, 1], strides = [1, 1]} : vector<64x4xf32> to vector<64x1xf32>
    %mul3A_23 = arith.constant 5.000000e-01 : f32
    %mul3A_24 = vector.broadcast %mul3A_23 : f32 to vector<64x1xf32>
    %mul3A_25 = arith.mulf %slice3A_22, %mul3A_24 : vector<64x1xf32>
    %sub3A_26 = arith.subf %slice3A, %mul3A_21 : vector<64x1xf32>
    %sub3A_27 = arith.subf %slice3A_17, %mul3A_25 : vector<64x1xf32>
    %add3A = arith.addf %slice3A, %mul3A_21 : vector<64x1xf32>
    %add3A_28 = arith.addf %slice3A_17, %mul3A_25 : vector<64x1xf32>
    %sub3A_29 = arith.subf %add3A, %sub3A_26 : vector<64x1xf32>
    %sub3A_30 = arith.subf %add3A_28, %sub3A_27 : vector<64x1xf32>
    %mul3A_31 = arith.mulf %sub3A_29, %sub3A_30 : vector<64x1xf32>
    %min3A = vector.broadcast %get3A_7 : vector<1x5120xf32> to vector<64x5120xf32>
    %min3A_32 = vector.broadcast %add3A : vector<64x1xf32> to vector<64x5120xf32>
    %min3A_33 = arith.minimumf %min3A, %min3A_32 : vector<64x5120xf32>
    %max3A = vector.broadcast %get3A_1 : vector<1x5120xf32> to vector<64x5120xf32>
    %max3A_34 = vector.broadcast %sub3A_26 : vector<64x1xf32> to vector<64x5120xf32>
    %max3A_35 = arith.maximumf %max3A, %max3A_34 : vector<64x5120xf32>
    %sub3A_36 = arith.subf %min3A_33, %max3A_35 : vector<64x5120xf32>
    %max3A_37 = arith.constant 0.000000e+00 : f32
    %max3A_38 = vector.broadcast %max3A_37 : f32 to vector<64x5120xf32>
    %max3A_39 = arith.maximumf %sub3A_36, %max3A_38 : vector<64x5120xf32>
    %min3A_40 = vector.broadcast %get3A_10 : vector<1x5120xf32> to vector<64x5120xf32>
    %min3A_41 = vector.broadcast %add3A_28 : vector<64x1xf32> to vector<64x5120xf32>
    %min3A_42 = arith.minimumf %min3A_40, %min3A_41 : vector<64x5120xf32>
    %max3A_43 = vector.broadcast %get3A_4 : vector<1x5120xf32> to vector<64x5120xf32>
    %max3A_44 = vector.broadcast %sub3A_27 : vector<64x1xf32> to vector<64x5120xf32>
    %max3A_45 = arith.maximumf %max3A_43, %max3A_44 : vector<64x5120xf32>
    %sub3A_46 = arith.subf %min3A_42, %max3A_45 : vector<64x5120xf32>
    %max3A_47 = arith.constant 0.000000e+00 : f32
    %max3A_48 = vector.broadcast %max3A_47 : f32 to vector<64x5120xf32>
    %max3A_49 = arith.maximumf %sub3A_46, %max3A_48 : vector<64x5120xf32>
    %mul3A_50 = arith.mulf %max3A_39, %max3A_49 : vector<64x5120xf32>
    %add3A_51 = vector.broadcast %mul3A : vector<1x5120xf32> to vector<64x5120xf32>
    %add3A_52 = vector.broadcast %mul3A_31 : vector<64x1xf32> to vector<64x5120xf32>
    %add3A_53 = arith.addf %add3A_51, %add3A_52 : vector<64x5120xf32>
    %sub3A_54 = arith.subf %add3A_53, %mul3A_50 : vector<64x5120xf32>
    %div3A = arith.divf %mul3A_50, %sub3A_54 : vector<64x5120xf32>
    %reduce_max3A = arith.constant dense<0xFF800000> : vector<64xf32>
    %reduce_max3A_55 = vector.multi_reduction <maximumf>, %div3A, %reduce_max3A [1] : vector<64x5120xf32> to vector<64xf32>
    %broadcast_in_dim3A = vector.shape_cast %reduce_max3A_55 : vector<64xf32> to vector<64x1xf32>
    %eq3A = vector.broadcast %broadcast_in_dim3A : vector<64x1xf32> to vector<64x5120xf32>
    %eq3A_56 = arith.cmpf oeq, %div3A, %eq3A : vector<64x5120xf32>
    %jit3A = arith.constant 5120 : i32
    %broadcast_in_dim3A_57 = vector.broadcast %jit3A : i32 to vector<64x5120xi32>
    %select_n3A = arith.select %eq3A_56, %iota3A, %broadcast_in_dim3A_57 : vector<64x5120xi1>, vector<64x5120xi32>
    %reduce_min3A = arith.constant dense<2147483647> : vector<64xi32>
    %reduce_min3A_58 = vector.multi_reduction <minsi>, %select_n3A, %reduce_min3A [1] : vector<64x5120xi32> to vector<64xi32>
    %broadcast_in_dim3A_59 = vector.shape_cast %reduce_min3A_58 : vector<64xi32> to vector<64x1xi32>
    %eq3A_60 = vector.broadcast %broadcast_in_dim3A_59 : vector<64x1xi32> to vector<64x5120xi32>
    %eq3A_61 = arith.cmpi eq, %iota3A, %eq3A_60 : vector<64x5120xi32>
    %get3A_62 = arith.constant 0 : index
    %get3A_63 = arith.constant 0 : index
    %get3A_64 = arith.constant 0 : index
    %get3A_65 = vector.load %arg4[%get3A_62, %get3A_63, %get3A_64] : memref<6x64x1xf32, #tpu.memory_space<vmem>>, vector<1x64x1xf32>
    %get3A_66 = vector.shape_cast %get3A_65 : vector<1x64x1xf32> to vector<64x1xf32>
    %gt3A = arith.constant 5.000000e-01 : f32
    %gt3A_67 = vector.broadcast %gt3A : f32 to vector<64x1xf32>
    %gt3A_68 = arith.cmpf ogt, %get3A_66, %gt3A_67 : vector<64x1xf32>
    %gt3A_69 = arith.constant 5.000000e-01 : f32
    %gt3A_70 = vector.broadcast %gt3A_69 : f32 to vector<64x5120xf32>
    %gt3A_71 = arith.cmpf ogt, %div3A, %gt3A_70 : vector<64x5120xf32>
    %or3A = arith.ori %gt3A_71, %eq3A_61 : vector<64x5120xi1>
    %and3A = vector.broadcast %gt3A_68 : vector<64x1xi1> to vector<64x5120xi1>
    %and3A_72 = arith.andi %or3A, %and3A : vector<64x5120xi1>
    %convert_element_type3A = arith.extui %and3A_72 : vector<64x5120xi1> to vector<64x5120xi32>
    %convert_element_type3A_73 = arith.sitofp %convert_element_type3A : vector<64x5120xi32> to vector<64x5120xf32>
    %get3A_74 = arith.constant 0 : index
    %get3A_75 = arith.constant 0 : index
    %get3A_76 = arith.constant 0 : index
    %get3A_77 = vector.load %arg1[%get3A_74, %get3A_75, %get3A_76] : memref<6x4x5120xf32, #tpu.memory_space<vmem>>, vector<1x4x5120xf32>
    %get3A_78 = vector.shape_cast %get3A_77 : vector<1x4x5120xf32> to vector<4x5120xf32>
    %slice3A_79 = vector.extract_strided_slice %get3A_78 {offsets = [0, 0], sizes = [1, 5120], strides = [1, 1]} : vector<4x5120xf32> to vector<1x5120xf32>
    %sub3A_80 = vector.broadcast %slice3A_79 : vector<1x5120xf32> to vector<64x5120xf32>
    %sub3A_81 = vector.broadcast %sub3A_26 : vector<64x1xf32> to vector<64x5120xf32>
    %sub3A_82 = arith.subf %sub3A_80, %sub3A_81 : vector<64x5120xf32>
    %abs3A = math.absf %sub3A_82 : vector<64x5120xf32>
    %slice3A_83 = vector.extract_strided_slice %get3A_78 {offsets = [1, 0], sizes = [1, 5120], strides = [1, 1]} : vector<4x5120xf32> to vector<1x5120xf32>
    %sub3A_84 = vector.broadcast %slice3A_83 : vector<1x5120xf32> to vector<64x5120xf32>
    %sub3A_85 = vector.broadcast %sub3A_27 : vector<64x1xf32> to vector<64x5120xf32>
    %sub3A_86 = arith.subf %sub3A_84, %sub3A_85 : vector<64x5120xf32>
    %abs3A_87 = math.absf %sub3A_86 : vector<64x5120xf32>
    %add3A_88 = arith.addf %abs3A, %abs3A_87 : vector<64x5120xf32>
    %slice3A_89 = vector.extract_strided_slice %get3A_78 {offsets = [2, 0], sizes = [1, 5120], strides = [1, 1]} : vector<4x5120xf32> to vector<1x5120xf32>
    %sub3A_90 = vector.broadcast %slice3A_89 : vector<1x5120xf32> to vector<64x5120xf32>
    %sub3A_91 = vector.broadcast %add3A : vector<64x1xf32> to vector<64x5120xf32>
    %sub3A_92 = arith.subf %sub3A_90, %sub3A_91 : vector<64x5120xf32>
    %abs3A_93 = math.absf %sub3A_92 : vector<64x5120xf32>
    %add3A_94 = arith.addf %add3A_88, %abs3A_93 : vector<64x5120xf32>
    %slice3A_95 = vector.extract_strided_slice %get3A_78 {offsets = [3, 0], sizes = [1, 5120], strides = [1, 1]} : vector<4x5120xf32> to vector<1x5120xf32>
    %sub3A_96 = vector.broadcast %slice3A_95 : vector<1x5120xf32> to vector<64x5120xf32>
    %sub3A_97 = vector.broadcast %add3A_28 : vector<64x1xf32> to vector<64x5120xf32>
    %sub3A_98 = arith.subf %sub3A_96, %sub3A_97 : vector<64x5120xf32>
    %abs3A_99 = math.absf %sub3A_98 : vector<64x5120xf32>
    %add3A_100 = arith.addf %add3A_94, %abs3A_99 : vector<64x5120xf32>
    %mul3A_101 = arith.mulf %convert_element_type3A_73, %add3A_100 : vector<64x5120xf32>
    %reduce_sum3A = vector.shape_cast %mul3A_101 : vector<64x5120xf32> to vector<1x64x5120xf32>
    %reduce_sum3A_102 = arith.constant dense<0.000000e+00> : vector<1xf32>
    %reduce_sum3A_103 = vector.multi_reduction <add>, %reduce_sum3A, %reduce_sum3A_102 [1, 2] : vector<1x64x5120xf32> to vector<1xf32>
    %reduce_sum3A_104 = vector.shape_cast %reduce_sum3A_103 : vector<1xf32> to vector<1x1x1xf32>
    %reduce_sum3A_105 = vector.extract %reduce_sum3A_104[0, 0, 0] : f32 from vector<1x1x1xf32>
    %reduce_sum3A_106 = vector.shape_cast %convert_element_type3A_73 : vector<64x5120xf32> to vector<1x64x5120xf32>
    %reduce_sum3A_107 = arith.constant dense<0.000000e+00> : vector<1xf32>
    %reduce_sum3A_108 = vector.multi_reduction <add>, %reduce_sum3A_106, %reduce_sum3A_107 [1, 2] : vector<1x64x5120xf32> to vector<1xf32>
    %reduce_sum3A_109 = vector.shape_cast %reduce_sum3A_108 : vector<1xf32> to vector<1x1x1xf32>
    %reduce_sum3A_110 = vector.extract %reduce_sum3A_109[0, 0, 0] : f32 from vector<1x1x1xf32>
    %mul3A_111 = arith.constant 4.000000e+00 : f32
    %mul3A_112 = arith.mulf %reduce_sum3A_110, %mul3A_111 : f32
    %div3A_113 = arith.divf %reduce_sum3A_105, %mul3A_112 : f32
    %add3A_114 = arith.constant 0.000000e+00 : f32
    %add3A_115 = arith.addf %add3A_114, %div3A_113 : f32
    %reduce_or3A = arith.constant 1.000000e+00 : f32
    %reduce_or3A_116 = arith.constant 0.000000e+00 : f32
    %reduce_or3A_117 = vector.broadcast %reduce_or3A : f32 to vector<64x5120xf32>
    %reduce_or3A_118 = vector.broadcast %reduce_or3A_116 : f32 to vector<64x5120xf32>
    %reduce_or3A_119 = arith.select %and3A_72, %reduce_or3A_117, %reduce_or3A_118 : vector<64x5120xi1>, vector<64x5120xf32>
    %reduce_or3A_120 = arith.constant dense<0xFF800000> : vector<5120xf32>
    %reduce_or3A_121 = vector.multi_reduction <maximumf>, %reduce_or3A_119, %reduce_or3A_120 [0] : vector<64x5120xf32> to vector<5120xf32>
    %reduce_or3A_122 = arith.constant 0.000000e+00 : f32
    %reduce_or3A_123 = vector.broadcast %reduce_or3A_122 : f32 to vector<5120xf32>
    %reduce_or3A_124 = arith.cmpf ogt, %reduce_or3A_121, %reduce_or3A_123 : vector<5120xf32>
    %broadcast_in_dim3A_125 = vector.shape_cast %reduce_or3A_124 : vector<5120xi1> to vector<1x5120xi1>
    %get3A_126 = arith.constant 0 : index
    %get3A_127 = arith.constant 1 : index
    %get3A_128 = arith.constant 0 : index
    %get3A_129 = vector.load %arg2[%get3A_126, %get3A_127, %get3A_128] : memref<6x2x5120xf32, #tpu.memory_space<vmem>>, vector<1x1x5120xf32>
    %get3A_130 = vector.shape_cast %get3A_129 : vector<1x1x5120xf32> to vector<1x5120xf32>
    %get3A_131 = arith.constant 0 : index
    %get3A_132 = arith.constant 0 : index
    %get3A_133 = arith.constant 0 : index
    %get3A_134 = vector.load %arg2[%get3A_131, %get3A_132, %get3A_133] : memref<6x2x5120xf32, #tpu.memory_space<vmem>>, vector<1x1x5120xf32>
    %get3A_135 = vector.shape_cast %get3A_134 : vector<1x1x5120xf32> to vector<1x5120xf32>
    %select_n3A_136 = arith.select %broadcast_in_dim3A_125, %get3A_130, %get3A_135 : vector<1x5120xi1>, vector<1x5120xf32>
    %sub3A_137 = arith.constant 1.000000e+00 : f32
    %sub3A_138 = vector.broadcast %sub3A_137 : f32 to vector<1x5120xf32>
    %sub3A_139 = arith.subf %sub3A_138, %select_n3A_136 : vector<1x5120xf32>
    %mul3A_140 = arith.mulf %sub3A_139, %sub3A_139 : vector<1x5120xf32>
    %neg3A = arith.constant 0.000000e+00 : f32
    %neg3A_141 = vector.broadcast %neg3A : f32 to vector<1x5120xf32>
    %neg3A_142 = arith.subf %neg3A_141, %mul3A_140 : vector<1x5120xf32>
    %log3A = math.log %select_n3A_136 : vector<1x5120xf32>
    %mul3A_143 = arith.mulf %neg3A_142, %log3A : vector<1x5120xf32>
    %reduce_sum3A_144 = vector.shape_cast %mul3A_143 : vector<1x5120xf32> to vector<1x1x5120xf32>
    %reduce_sum3A_145 = arith.constant dense<0.000000e+00> : vector<1xf32>
    %reduce_sum3A_146 = vector.multi_reduction <add>, %reduce_sum3A_144, %reduce_sum3A_145 [1, 2] : vector<1x1x5120xf32> to vector<1xf32>
    %reduce_sum3A_147 = vector.shape_cast %reduce_sum3A_146 : vector<1xf32> to vector<1x1x1xf32>
    %reduce_sum3A_148 = vector.extract %reduce_sum3A_147[0, 0, 0] : f32 from vector<1x1x1xf32>
    %add3A_149 = arith.constant 0.000000e+00 : f32
    %add3A_150 = arith.addf %add3A_149, %reduce_sum3A_148 : f32
    %get3A_151 = arith.constant 1 : index
    %get3A_152 = arith.constant 0 : index
    %get3A_153 = arith.constant 0 : index
    %get3A_154 = vector.load %arg3[%get3A_151, %get3A_152, %get3A_153] : memref<6x64x4xf32, #tpu.memory_space<vmem>>, vector<1x64x4xf32>
    %get3A_155 = vector.shape_cast %get3A_154 : vector<1x64x4xf32> to vector<64x4xf32>
    %slice3A_156 = vector.extract_strided_slice %get3A_155 {offsets = [0, 0], sizes = [64, 1], strides = [1, 1]} : vector<64x4xf32> to vector<64x1xf32>
    %slice3A_157 = vector.extract_strided_slice %get3A_155 {offsets = [0, 1], sizes = [64, 1], strides = [1, 1]} : vector<64x4xf32> to vector<64x1xf32>
    %slice3A_158 = vector.extract_strided_slice %get3A_155 {offsets = [0, 2], sizes = [64, 1], strides = [1, 1]} : vector<64x4xf32> to vector<64x1xf32>
    %mul3A_159 = arith.constant 5.000000e-01 : f32
    %mul3A_160 = vector.broadcast %mul3A_159 : f32 to vector<64x1xf32>
    %mul3A_161 = arith.mulf %slice3A_158, %mul3A_160 : vector<64x1xf32>
    %slice3A_162 = vector.extract_strided_slice %get3A_155 {offsets = [0, 3], sizes = [64, 1], strides = [1, 1]} : vector<64x4xf32> to vector<64x1xf32>
    %mul3A_163 = arith.constant 5.000000e-01 : f32
    %mul3A_164 = vector.broadcast %mul3A_163 : f32 to vector<64x1xf32>
    %mul3A_165 = arith.mulf %slice3A_162, %mul3A_164 : vector<64x1xf32>
    %sub3A_166 = arith.subf %slice3A_156, %mul3A_161 : vector<64x1xf32>
    %sub3A_167 = arith.subf %slice3A_157, %mul3A_165 : vector<64x1xf32>
    %add3A_168 = arith.addf %slice3A_156, %mul3A_161 : vector<64x1xf32>
    %add3A_169 = arith.addf %slice3A_157, %mul3A_165 : vector<64x1xf32>
    %sub3A_170 = arith.subf %add3A_168, %sub3A_166 : vector<64x1xf32>
    %sub3A_171 = arith.subf %add3A_169, %sub3A_167 : vector<64x1xf32>
    %mul3A_172 = arith.mulf %sub3A_170, %sub3A_171 : vector<64x1xf32>
    %min3A_173 = vector.broadcast %get3A_7 : vector<1x5120xf32> to vector<64x5120xf32>
    %min3A_174 = vector.broadcast %add3A_168 : vector<64x1xf32> to vector<64x5120xf32>
    %min3A_175 = arith.minimumf %min3A_173, %min3A_174 : vector<64x5120xf32>
    %max3A_176 = vector.broadcast %get3A_1 : vector<1x5120xf32> to vector<64x5120xf32>
    %max3A_177 = vector.broadcast %sub3A_166 : vector<64x1xf32> to vector<64x5120xf32>
    %max3A_178 = arith.maximumf %max3A_176, %max3A_177 : vector<64x5120xf32>
    %sub3A_179 = arith.subf %min3A_175, %max3A_178 : vector<64x5120xf32>
    %max3A_180 = arith.constant 0.000000e+00 : f32
    %max3A_181 = vector.broadcast %max3A_180 : f32 to vector<64x5120xf32>
    %max3A_182 = arith.maximumf %sub3A_179, %max3A_181 : vector<64x5120xf32>
    %min3A_183 = vector.broadcast %get3A_10 : vector<1x5120xf32> to vector<64x5120xf32>
    %min3A_184 = vector.broadcast %add3A_169 : vector<64x1xf32> to vector<64x5120xf32>
    %min3A_185 = arith.minimumf %min3A_183, %min3A_184 : vector<64x5120xf32>
    %max3A_186 = vector.broadcast %get3A_4 : vector<1x5120xf32> to vector<64x5120xf32>
    %max3A_187 = vector.broadcast %sub3A_167 : vector<64x1xf32> to vector<64x5120xf32>
    %max3A_188 = arith.maximumf %max3A_186, %max3A_187 : vector<64x5120xf32>
    %sub3A_189 = arith.subf %min3A_185, %max3A_188 : vector<64x5120xf32>
    %max3A_190 = arith.constant 0.000000e+00 : f32
    %max3A_191 = vector.broadcast %max3A_190 : f32 to vector<64x5120xf32>
    %max3A_192 = arith.maximumf %sub3A_189, %max3A_191 : vector<64x5120xf32>
    %mul3A_193 = arith.mulf %max3A_182, %max3A_192 : vector<64x5120xf32>
    %add3A_194 = vector.broadcast %mul3A : vector<1x5120xf32> to vector<64x5120xf32>
    %add3A_195 = vector.broadcast %mul3A_172 : vector<64x1xf32> to vector<64x5120xf32>
    %add3A_196 = arith.addf %add3A_194, %add3A_195 : vector<64x5120xf32>
    %sub3A_197 = arith.subf %add3A_196, %mul3A_193 : vector<64x5120xf32>
    %div3A_198 = arith.divf %mul3A_193, %sub3A_197 : vector<64x5120xf32>
    %reduce_max3A_199 = arith.constant dense<0xFF800000> : vector<64xf32>
    %reduce_max3A_200 = vector.multi_reduction <maximumf>, %div3A_198, %reduce_max3A_199 [1] : vector<64x5120xf32> to vector<64xf32>
    %broadcast_in_dim3A_201 = vector.shape_cast %reduce_max3A_200 : vector<64xf32> to vector<64x1xf32>
    %eq3A_202 = vector.broadcast %broadcast_in_dim3A_201 : vector<64x1xf32> to vector<64x5120xf32>
    %eq3A_203 = arith.cmpf oeq, %div3A_198, %eq3A_202 : vector<64x5120xf32>
    %jit3A_204 = arith.constant 5120 : i32
    %broadcast_in_dim3A_205 = vector.broadcast %jit3A_204 : i32 to vector<64x5120xi32>
    %select_n3A_206 = arith.select %eq3A_203, %iota3A, %broadcast_in_dim3A_205 : vector<64x5120xi1>, vector<64x5120xi32>
    %reduce_min3A_207 = arith.constant dense<2147483647> : vector<64xi32>
    %reduce_min3A_208 = vector.multi_reduction <minsi>, %select_n3A_206, %reduce_min3A_207 [1] : vector<64x5120xi32> to vector<64xi32>
    %broadcast_in_dim3A_209 = vector.shape_cast %reduce_min3A_208 : vector<64xi32> to vector<64x1xi32>
    %eq3A_210 = vector.broadcast %broadcast_in_dim3A_209 : vector<64x1xi32> to vector<64x5120xi32>
    %eq3A_211 = arith.cmpi eq, %iota3A, %eq3A_210 : vector<64x5120xi32>
    %get3A_212 = arith.constant 1 : index
    %get3A_213 = arith.constant 0 : index
    %get3A_214 = arith.constant 0 : index
    %get3A_215 = vector.load %arg4[%get3A_212, %get3A_213, %get3A_214] : memref<6x64x1xf32, #tpu.memory_space<vmem>>, vector<1x64x1xf32>
    %get3A_216 = vector.shape_cast %get3A_215 : vector<1x64x1xf32> to vector<64x1xf32>
    %gt3A_217 = arith.constant 5.000000e-01 : f32
    %gt3A_218 = vector.broadcast %gt3A_217 : f32 to vector<64x1xf32>
    %gt3A_219 = arith.cmpf ogt, %get3A_216, %gt3A_218 : vector<64x1xf32>
    %gt3A_220 = arith.constant 5.000000e-01 : f32
    %gt3A_221 = vector.broadcast %gt3A_220 : f32 to vector<64x5120xf32>
    %gt3A_222 = arith.cmpf ogt, %div3A_198, %gt3A_221 : vector<64x5120xf32>
    %or3A_223 = arith.ori %gt3A_222, %eq3A_211 : vector<64x5120xi1>
    %and3A_224 = vector.broadcast %gt3A_219 : vector<64x1xi1> to vector<64x5120xi1>
    %and3A_225 = arith.andi %or3A_223, %and3A_224 : vector<64x5120xi1>
    %convert_element_type3A_226 = arith.extui %and3A_225 : vector<64x5120xi1> to vector<64x5120xi32>
    %convert_element_type3A_227 = arith.sitofp %convert_element_type3A_226 : vector<64x5120xi32> to vector<64x5120xf32>
    %get3A_228 = arith.constant 1 : index
    %get3A_229 = arith.constant 0 : index
    %get3A_230 = arith.constant 0 : index
    %get3A_231 = vector.load %arg1[%get3A_228, %get3A_229, %get3A_230] : memref<6x4x5120xf32, #tpu.memory_space<vmem>>, vector<1x4x5120xf32>
    %get3A_232 = vector.shape_cast %get3A_231 : vector<1x4x5120xf32> to vector<4x5120xf32>
    %slice3A_233 = vector.extract_strided_slice %get3A_232 {offsets = [0, 0], sizes = [1, 5120], strides = [1, 1]} : vector<4x5120xf32> to vector<1x5120xf32>
    %sub3A_234 = vector.broadcast %slice3A_233 : vector<1x5120xf32> to vector<64x5120xf32>
    %sub3A_235 = vector.broadcast %sub3A_166 : vector<64x1xf32> to vector<64x5120xf32>
    %sub3A_236 = arith.subf %sub3A_234, %sub3A_235 : vector<64x5120xf32>
    %abs3A_237 = math.absf %sub3A_236 : vector<64x5120xf32>
    %slice3A_238 = vector.extract_strided_slice %get3A_232 {offsets = [1, 0], sizes = [1, 5120], strides = [1, 1]} : vector<4x5120xf32> to vector<1x5120xf32>
    %sub3A_239 = vector.broadcast %slice3A_238 : vector<1x5120xf32> to vector<64x5120xf32>
    %sub3A_240 = vector.broadcast %sub3A_167 : vector<64x1xf32> to vector<64x5120xf32>
    %sub3A_241 = arith.subf %sub3A_239, %sub3A_240 : vector<64x5120xf32>
    %abs3A_242 = math.absf %sub3A_241 : vector<64x5120xf32>
    %add3A_243 = arith.addf %abs3A_237, %abs3A_242 : vector<64x5120xf32>
    %slice3A_244 = vector.extract_strided_slice %get3A_232 {offsets = [2, 0], sizes = [1, 5120], strides = [1, 1]} : vector<4x5120xf32> to vector<1x5120xf32>
    %sub3A_245 = vector.broadcast %slice3A_244 : vector<1x5120xf32> to vector<64x5120xf32>
    %sub3A_246 = vector.broadcast %add3A_168 : vector<64x1xf32> to vector<64x5120xf32>
    %sub3A_247 = arith.subf %sub3A_245, %sub3A_246 : vector<64x5120xf32>
    %abs3A_248 = math.absf %sub3A_247 : vector<64x5120xf32>
    %add3A_249 = arith.addf %add3A_243, %abs3A_248 : vector<64x5120xf32>
    %slice3A_250 = vector.extract_strided_slice %get3A_232 {offsets = [3, 0], sizes = [1, 5120], strides = [1, 1]} : vector<4x5120xf32> to vector<1x5120xf32>
    %sub3A_251 = vector.broadcast %slice3A_250 : vector<1x5120xf32> to vector<64x5120xf32>
    %sub3A_252 = vector.broadcast %add3A_169 : vector<64x1xf32> to vector<64x5120xf32>
    %sub3A_253 = arith.subf %sub3A_251, %sub3A_252 : vector<64x5120xf32>
    %abs3A_254 = math.absf %sub3A_253 : vector<64x5120xf32>
    %add3A_255 = arith.addf %add3A_249, %abs3A_254 : vector<64x5120xf32>
    %mul3A_256 = arith.mulf %convert_element_type3A_227, %add3A_255 : vector<64x5120xf32>
    %reduce_sum3A_257 = vector.shape_cast %mul3A_256 : vector<64x5120xf32> to vector<1x64x5120xf32>
    %reduce_sum3A_258 = arith.constant dense<0.000000e+00> : vector<1xf32>
    %reduce_sum3A_259 = vector.multi_reduction <add>, %reduce_sum3A_257, %reduce_sum3A_258 [1, 2] : vector<1x64x5120xf32> to vector<1xf32>
    %reduce_sum3A_260 = vector.shape_cast %reduce_sum3A_259 : vector<1xf32> to vector<1x1x1xf32>
    %reduce_sum3A_261 = vector.extract %reduce_sum3A_260[0, 0, 0] : f32 from vector<1x1x1xf32>
    %reduce_sum3A_262 = vector.shape_cast %convert_element_type3A_227 : vector<64x5120xf32> to vector<1x64x5120xf32>
    %reduce_sum3A_263 = arith.constant dense<0.000000e+00> : vector<1xf32>
    %reduce_sum3A_264 = vector.multi_reduction <add>, %reduce_sum3A_262, %reduce_sum3A_263 [1, 2] : vector<1x64x5120xf32> to vector<1xf32>
    %reduce_sum3A_265 = vector.shape_cast %reduce_sum3A_264 : vector<1xf32> to vector<1x1x1xf32>
    %reduce_sum3A_266 = vector.extract %reduce_sum3A_265[0, 0, 0] : f32 from vector<1x1x1xf32>
    %mul3A_267 = arith.constant 4.000000e+00 : f32
    %mul3A_268 = arith.mulf %reduce_sum3A_266, %mul3A_267 : f32
    %div3A_269 = arith.divf %reduce_sum3A_261, %mul3A_268 : f32
    %add3A_270 = arith.addf %add3A_115, %div3A_269 : f32
    %reduce_or3A_271 = arith.constant 1.000000e+00 : f32
    %reduce_or3A_272 = arith.constant 0.000000e+00 : f32
    %reduce_or3A_273 = vector.broadcast %reduce_or3A_271 : f32 to vector<64x5120xf32>
    %reduce_or3A_274 = vector.broadcast %reduce_or3A_272 : f32 to vector<64x5120xf32>
    %reduce_or3A_275 = arith.select %and3A_225, %reduce_or3A_273, %reduce_or3A_274 : vector<64x5120xi1>, vector<64x5120xf32>
    %reduce_or3A_276 = arith.constant dense<0xFF800000> : vector<5120xf32>
    %reduce_or3A_277 = vector.multi_reduction <maximumf>, %reduce_or3A_275, %reduce_or3A_276 [0] : vector<64x5120xf32> to vector<5120xf32>
    %reduce_or3A_278 = arith.constant 0.000000e+00 : f32
    %reduce_or3A_279 = vector.broadcast %reduce_or3A_278 : f32 to vector<5120xf32>
    %reduce_or3A_280 = arith.cmpf ogt, %reduce_or3A_277, %reduce_or3A_279 : vector<5120xf32>
    %broadcast_in_dim3A_281 = vector.shape_cast %reduce_or3A_280 : vector<5120xi1> to vector<1x5120xi1>
    %get3A_282 = arith.constant 1 : index
    %get3A_283 = arith.constant 1 : index
    %get3A_284 = arith.constant 0 : index
    %get3A_285 = vector.load %arg2[%get3A_282, %get3A_283, %get3A_284] : memref<6x2x5120xf32, #tpu.memory_space<vmem>>, vector<1x1x5120xf32>
    %get3A_286 = vector.shape_cast %get3A_285 : vector<1x1x5120xf32> to vector<1x5120xf32>
    %get3A_287 = arith.constant 1 : index
    %get3A_288 = arith.constant 0 : index
    %get3A_289 = arith.constant 0 : index
    %get3A_290 = vector.load %arg2[%get3A_287, %get3A_288, %get3A_289] : memref<6x2x5120xf32, #tpu.memory_space<vmem>>, vector<1x1x5120xf32>
    %get3A_291 = vector.shape_cast %get3A_290 : vector<1x1x5120xf32> to vector<1x5120xf32>
    %select_n3A_292 = arith.select %broadcast_in_dim3A_281, %get3A_286, %get3A_291 : vector<1x5120xi1>, vector<1x5120xf32>
    %sub3A_293 = arith.constant 1.000000e+00 : f32
    %sub3A_294 = vector.broadcast %sub3A_293 : f32 to vector<1x5120xf32>
    %sub3A_295 = arith.subf %sub3A_294, %select_n3A_292 : vector<1x5120xf32>
    %mul3A_296 = arith.mulf %sub3A_295, %sub3A_295 : vector<1x5120xf32>
    %neg3A_297 = arith.constant 0.000000e+00 : f32
    %neg3A_298 = vector.broadcast %neg3A_297 : f32 to vector<1x5120xf32>
    %neg3A_299 = arith.subf %neg3A_298, %mul3A_296 : vector<1x5120xf32>
    %log3A_300 = math.log %select_n3A_292 : vector<1x5120xf32>
    %mul3A_301 = arith.mulf %neg3A_299, %log3A_300 : vector<1x5120xf32>
    %reduce_sum3A_302 = vector.shape_cast %mul3A_301 : vector<1x5120xf32> to vector<1x1x5120xf32>
    %reduce_sum3A_303 = arith.constant dense<0.000000e+00> : vector<1xf32>
    %reduce_sum3A_304 = vector.multi_reduction <add>, %reduce_sum3A_302, %reduce_sum3A_303 [1, 2] : vector<1x1x5120xf32> to vector<1xf32>
    %reduce_sum3A_305 = vector.shape_cast %reduce_sum3A_304 : vector<1xf32> to vector<1x1x1xf32>
    %reduce_sum3A_306 = vector.extract %reduce_sum3A_305[0, 0, 0] : f32 from vector<1x1x1xf32>
    %add3A_307 = arith.addf %add3A_150, %reduce_sum3A_306 : f32
    %get3A_308 = arith.constant 2 : index
    %get3A_309 = arith.constant 0 : index
    %get3A_310 = arith.constant 0 : index
    %get3A_311 = vector.load %arg3[%get3A_308, %get3A_309, %get3A_310] : memref<6x64x4xf32, #tpu.memory_space<vmem>>, vector<1x64x4xf32>
    %get3A_312 = vector.shape_cast %get3A_311 : vector<1x64x4xf32> to vector<64x4xf32>
    %slice3A_313 = vector.extract_strided_slice %get3A_312 {offsets = [0, 0], sizes = [64, 1], strides = [1, 1]} : vector<64x4xf32> to vector<64x1xf32>
    %slice3A_314 = vector.extract_strided_slice %get3A_312 {offsets = [0, 1], sizes = [64, 1], strides = [1, 1]} : vector<64x4xf32> to vector<64x1xf32>
    %slice3A_315 = vector.extract_strided_slice %get3A_312 {offsets = [0, 2], sizes = [64, 1], strides = [1, 1]} : vector<64x4xf32> to vector<64x1xf32>
    %mul3A_316 = arith.constant 5.000000e-01 : f32
    %mul3A_317 = vector.broadcast %mul3A_316 : f32 to vector<64x1xf32>
    %mul3A_318 = arith.mulf %slice3A_315, %mul3A_317 : vector<64x1xf32>
    %slice3A_319 = vector.extract_strided_slice %get3A_312 {offsets = [0, 3], sizes = [64, 1], strides = [1, 1]} : vector<64x4xf32> to vector<64x1xf32>
    %mul3A_320 = arith.constant 5.000000e-01 : f32
    %mul3A_321 = vector.broadcast %mul3A_320 : f32 to vector<64x1xf32>
    %mul3A_322 = arith.mulf %slice3A_319, %mul3A_321 : vector<64x1xf32>
    %sub3A_323 = arith.subf %slice3A_313, %mul3A_318 : vector<64x1xf32>
    %sub3A_324 = arith.subf %slice3A_314, %mul3A_322 : vector<64x1xf32>
    %add3A_325 = arith.addf %slice3A_313, %mul3A_318 : vector<64x1xf32>
    %add3A_326 = arith.addf %slice3A_314, %mul3A_322 : vector<64x1xf32>
    %sub3A_327 = arith.subf %add3A_325, %sub3A_323 : vector<64x1xf32>
    %sub3A_328 = arith.subf %add3A_326, %sub3A_324 : vector<64x1xf32>
    %mul3A_329 = arith.mulf %sub3A_327, %sub3A_328 : vector<64x1xf32>
    %min3A_330 = vector.broadcast %get3A_7 : vector<1x5120xf32> to vector<64x5120xf32>
    %min3A_331 = vector.broadcast %add3A_325 : vector<64x1xf32> to vector<64x5120xf32>
    %min3A_332 = arith.minimumf %min3A_330, %min3A_331 : vector<64x5120xf32>
    %max3A_333 = vector.broadcast %get3A_1 : vector<1x5120xf32> to vector<64x5120xf32>
    %max3A_334 = vector.broadcast %sub3A_323 : vector<64x1xf32> to vector<64x5120xf32>
    %max3A_335 = arith.maximumf %max3A_333, %max3A_334 : vector<64x5120xf32>
    %sub3A_336 = arith.subf %min3A_332, %max3A_335 : vector<64x5120xf32>
    %max3A_337 = arith.constant 0.000000e+00 : f32
    %max3A_338 = vector.broadcast %max3A_337 : f32 to vector<64x5120xf32>
    %max3A_339 = arith.maximumf %sub3A_336, %max3A_338 : vector<64x5120xf32>
    %min3A_340 = vector.broadcast %get3A_10 : vector<1x5120xf32> to vector<64x5120xf32>
    %min3A_341 = vector.broadcast %add3A_326 : vector<64x1xf32> to vector<64x5120xf32>
    %min3A_342 = arith.minimumf %min3A_340, %min3A_341 : vector<64x5120xf32>
    %max3A_343 = vector.broadcast %get3A_4 : vector<1x5120xf32> to vector<64x5120xf32>
    %max3A_344 = vector.broadcast %sub3A_324 : vector<64x1xf32> to vector<64x5120xf32>
    %max3A_345 = arith.maximumf %max3A_343, %max3A_344 : vector<64x5120xf32>
    %sub3A_346 = arith.subf %min3A_342, %max3A_345 : vector<64x5120xf32>
    %max3A_347 = arith.constant 0.000000e+00 : f32
    %max3A_348 = vector.broadcast %max3A_347 : f32 to vector<64x5120xf32>
    %max3A_349 = arith.maximumf %sub3A_346, %max3A_348 : vector<64x5120xf32>
    %mul3A_350 = arith.mulf %max3A_339, %max3A_349 : vector<64x5120xf32>
    %add3A_351 = vector.broadcast %mul3A : vector<1x5120xf32> to vector<64x5120xf32>
    %add3A_352 = vector.broadcast %mul3A_329 : vector<64x1xf32> to vector<64x5120xf32>
    %add3A_353 = arith.addf %add3A_351, %add3A_352 : vector<64x5120xf32>
    %sub3A_354 = arith.subf %add3A_353, %mul3A_350 : vector<64x5120xf32>
    %div3A_355 = arith.divf %mul3A_350, %sub3A_354 : vector<64x5120xf32>
    %reduce_max3A_356 = arith.constant dense<0xFF800000> : vector<64xf32>
    %reduce_max3A_357 = vector.multi_reduction <maximumf>, %div3A_355, %reduce_max3A_356 [1] : vector<64x5120xf32> to vector<64xf32>
    %broadcast_in_dim3A_358 = vector.shape_cast %reduce_max3A_357 : vector<64xf32> to vector<64x1xf32>
    %eq3A_359 = vector.broadcast %broadcast_in_dim3A_358 : vector<64x1xf32> to vector<64x5120xf32>
    %eq3A_360 = arith.cmpf oeq, %div3A_355, %eq3A_359 : vector<64x5120xf32>
    %jit3A_361 = arith.constant 5120 : i32
    %broadcast_in_dim3A_362 = vector.broadcast %jit3A_361 : i32 to vector<64x5120xi32>
    %select_n3A_363 = arith.select %eq3A_360, %iota3A, %broadcast_in_dim3A_362 : vector<64x5120xi1>, vector<64x5120xi32>
    %reduce_min3A_364 = arith.constant dense<2147483647> : vector<64xi32>
    %reduce_min3A_365 = vector.multi_reduction <minsi>, %select_n3A_363, %reduce_min3A_364 [1] : vector<64x5120xi32> to vector<64xi32>
    %broadcast_in_dim3A_366 = vector.shape_cast %reduce_min3A_365 : vector<64xi32> to vector<64x1xi32>
    %eq3A_367 = vector.broadcast %broadcast_in_dim3A_366 : vector<64x1xi32> to vector<64x5120xi32>
    %eq3A_368 = arith.cmpi eq, %iota3A, %eq3A_367 : vector<64x5120xi32>
    %get3A_369 = arith.constant 2 : index
    %get3A_370 = arith.constant 0 : index
    %get3A_371 = arith.constant 0 : index
    %get3A_372 = vector.load %arg4[%get3A_369, %get3A_370, %get3A_371] : memref<6x64x1xf32, #tpu.memory_space<vmem>>, vector<1x64x1xf32>
    %get3A_373 = vector.shape_cast %get3A_372 : vector<1x64x1xf32> to vector<64x1xf32>
    %gt3A_374 = arith.constant 5.000000e-01 : f32
    %gt3A_375 = vector.broadcast %gt3A_374 : f32 to vector<64x1xf32>
    %gt3A_376 = arith.cmpf ogt, %get3A_373, %gt3A_375 : vector<64x1xf32>
    %gt3A_377 = arith.constant 5.000000e-01 : f32
    %gt3A_378 = vector.broadcast %gt3A_377 : f32 to vector<64x5120xf32>
    %gt3A_379 = arith.cmpf ogt, %div3A_355, %gt3A_378 : vector<64x5120xf32>
    %or3A_380 = arith.ori %gt3A_379, %eq3A_368 : vector<64x5120xi1>
    %and3A_381 = vector.broadcast %gt3A_376 : vector<64x1xi1> to vector<64x5120xi1>
    %and3A_382 = arith.andi %or3A_380, %and3A_381 : vector<64x5120xi1>
    %convert_element_type3A_383 = arith.extui %and3A_382 : vector<64x5120xi1> to vector<64x5120xi32>
    %convert_element_type3A_384 = arith.sitofp %convert_element_type3A_383 : vector<64x5120xi32> to vector<64x5120xf32>
    %get3A_385 = arith.constant 2 : index
    %get3A_386 = arith.constant 0 : index
    %get3A_387 = arith.constant 0 : index
    %get3A_388 = vector.load %arg1[%get3A_385, %get3A_386, %get3A_387] : memref<6x4x5120xf32, #tpu.memory_space<vmem>>, vector<1x4x5120xf32>
    %get3A_389 = vector.shape_cast %get3A_388 : vector<1x4x5120xf32> to vector<4x5120xf32>
    %slice3A_390 = vector.extract_strided_slice %get3A_389 {offsets = [0, 0], sizes = [1, 5120], strides = [1, 1]} : vector<4x5120xf32> to vector<1x5120xf32>
    %sub3A_391 = vector.broadcast %slice3A_390 : vector<1x5120xf32> to vector<64x5120xf32>
    %sub3A_392 = vector.broadcast %sub3A_323 : vector<64x1xf32> to vector<64x5120xf32>
    %sub3A_393 = arith.subf %sub3A_391, %sub3A_392 : vector<64x5120xf32>
    %abs3A_394 = math.absf %sub3A_393 : vector<64x5120xf32>
    %slice3A_395 = vector.extract_strided_slice %get3A_389 {offsets = [1, 0], sizes = [1, 5120], strides = [1, 1]} : vector<4x5120xf32> to vector<1x5120xf32>
    %sub3A_396 = vector.broadcast %slice3A_395 : vector<1x5120xf32> to vector<64x5120xf32>
    %sub3A_397 = vector.broadcast %sub3A_324 : vector<64x1xf32> to vector<64x5120xf32>
    %sub3A_398 = arith.subf %sub3A_396, %sub3A_397 : vector<64x5120xf32>
    %abs3A_399 = math.absf %sub3A_398 : vector<64x5120xf32>
    %add3A_400 = arith.addf %abs3A_394, %abs3A_399 : vector<64x5120xf32>
    %slice3A_401 = vector.extract_strided_slice %get3A_389 {offsets = [2, 0], sizes = [1, 5120], strides = [1, 1]} : vector<4x5120xf32> to vector<1x5120xf32>
    %sub3A_402 = vector.broadcast %slice3A_401 : vector<1x5120xf32> to vector<64x5120xf32>
    %sub3A_403 = vector.broadcast %add3A_325 : vector<64x1xf32> to vector<64x5120xf32>
    %sub3A_404 = arith.subf %sub3A_402, %sub3A_403 : vector<64x5120xf32>
    %abs3A_405 = math.absf %sub3A_404 : vector<64x5120xf32>
    %add3A_406 = arith.addf %add3A_400, %abs3A_405 : vector<64x5120xf32>
    %slice3A_407 = vector.extract_strided_slice %get3A_389 {offsets = [3, 0], sizes = [1, 5120], strides = [1, 1]} : vector<4x5120xf32> to vector<1x5120xf32>
    %sub3A_408 = vector.broadcast %slice3A_407 : vector<1x5120xf32> to vector<64x5120xf32>
    %sub3A_409 = vector.broadcast %add3A_326 : vector<64x1xf32> to vector<64x5120xf32>
    %sub3A_410 = arith.subf %sub3A_408, %sub3A_409 : vector<64x5120xf32>
    %abs3A_411 = math.absf %sub3A_410 : vector<64x5120xf32>
    %add3A_412 = arith.addf %add3A_406, %abs3A_411 : vector<64x5120xf32>
    %mul3A_413 = arith.mulf %convert_element_type3A_384, %add3A_412 : vector<64x5120xf32>
    %reduce_sum3A_414 = vector.shape_cast %mul3A_413 : vector<64x5120xf32> to vector<1x64x5120xf32>
    %reduce_sum3A_415 = arith.constant dense<0.000000e+00> : vector<1xf32>
    %reduce_sum3A_416 = vector.multi_reduction <add>, %reduce_sum3A_414, %reduce_sum3A_415 [1, 2] : vector<1x64x5120xf32> to vector<1xf32>
    %reduce_sum3A_417 = vector.shape_cast %reduce_sum3A_416 : vector<1xf32> to vector<1x1x1xf32>
    %reduce_sum3A_418 = vector.extract %reduce_sum3A_417[0, 0, 0] : f32 from vector<1x1x1xf32>
    %reduce_sum3A_419 = vector.shape_cast %convert_element_type3A_384 : vector<64x5120xf32> to vector<1x64x5120xf32>
    %reduce_sum3A_420 = arith.constant dense<0.000000e+00> : vector<1xf32>
    %reduce_sum3A_421 = vector.multi_reduction <add>, %reduce_sum3A_419, %reduce_sum3A_420 [1, 2] : vector<1x64x5120xf32> to vector<1xf32>
    %reduce_sum3A_422 = vector.shape_cast %reduce_sum3A_421 : vector<1xf32> to vector<1x1x1xf32>
    %reduce_sum3A_423 = vector.extract %reduce_sum3A_422[0, 0, 0] : f32 from vector<1x1x1xf32>
    %mul3A_424 = arith.constant 4.000000e+00 : f32
    %mul3A_425 = arith.mulf %reduce_sum3A_423, %mul3A_424 : f32
    %div3A_426 = arith.divf %reduce_sum3A_418, %mul3A_425 : f32
    %add3A_427 = arith.addf %add3A_270, %div3A_426 : f32
    %reduce_or3A_428 = arith.constant 1.000000e+00 : f32
    %reduce_or3A_429 = arith.constant 0.000000e+00 : f32
    %reduce_or3A_430 = vector.broadcast %reduce_or3A_428 : f32 to vector<64x5120xf32>
    %reduce_or3A_431 = vector.broadcast %reduce_or3A_429 : f32 to vector<64x5120xf32>
    %reduce_or3A_432 = arith.select %and3A_382, %reduce_or3A_430, %reduce_or3A_431 : vector<64x5120xi1>, vector<64x5120xf32>
    %reduce_or3A_433 = arith.constant dense<0xFF800000> : vector<5120xf32>
    %reduce_or3A_434 = vector.multi_reduction <maximumf>, %reduce_or3A_432, %reduce_or3A_433 [0] : vector<64x5120xf32> to vector<5120xf32>
    %reduce_or3A_435 = arith.constant 0.000000e+00 : f32
    %reduce_or3A_436 = vector.broadcast %reduce_or3A_435 : f32 to vector<5120xf32>
    %reduce_or3A_437 = arith.cmpf ogt, %reduce_or3A_434, %reduce_or3A_436 : vector<5120xf32>
    %broadcast_in_dim3A_438 = vector.shape_cast %reduce_or3A_437 : vector<5120xi1> to vector<1x5120xi1>
    %get3A_439 = arith.constant 2 : index
    %get3A_440 = arith.constant 1 : index
    %get3A_441 = arith.constant 0 : index
    %get3A_442 = vector.load %arg2[%get3A_439, %get3A_440, %get3A_441] : memref<6x2x5120xf32, #tpu.memory_space<vmem>>, vector<1x1x5120xf32>
    %get3A_443 = vector.shape_cast %get3A_442 : vector<1x1x5120xf32> to vector<1x5120xf32>
    %get3A_444 = arith.constant 2 : index
    %get3A_445 = arith.constant 0 : index
    %get3A_446 = arith.constant 0 : index
    %get3A_447 = vector.load %arg2[%get3A_444, %get3A_445, %get3A_446] : memref<6x2x5120xf32, #tpu.memory_space<vmem>>, vector<1x1x5120xf32>
    %get3A_448 = vector.shape_cast %get3A_447 : vector<1x1x5120xf32> to vector<1x5120xf32>
    %select_n3A_449 = arith.select %broadcast_in_dim3A_438, %get3A_443, %get3A_448 : vector<1x5120xi1>, vector<1x5120xf32>
    %sub3A_450 = arith.constant 1.000000e+00 : f32
    %sub3A_451 = vector.broadcast %sub3A_450 : f32 to vector<1x5120xf32>
    %sub3A_452 = arith.subf %sub3A_451, %select_n3A_449 : vector<1x5120xf32>
    %mul3A_453 = arith.mulf %sub3A_452, %sub3A_452 : vector<1x5120xf32>
    %neg3A_454 = arith.constant 0.000000e+00 : f32
    %neg3A_455 = vector.broadcast %neg3A_454 : f32 to vector<1x5120xf32>
    %neg3A_456 = arith.subf %neg3A_455, %mul3A_453 : vector<1x5120xf32>
    %log3A_457 = math.log %select_n3A_449 : vector<1x5120xf32>
    %mul3A_458 = arith.mulf %neg3A_456, %log3A_457 : vector<1x5120xf32>
    %reduce_sum3A_459 = vector.shape_cast %mul3A_458 : vector<1x5120xf32> to vector<1x1x5120xf32>
    %reduce_sum3A_460 = arith.constant dense<0.000000e+00> : vector<1xf32>
    %reduce_sum3A_461 = vector.multi_reduction <add>, %reduce_sum3A_459, %reduce_sum3A_460 [1, 2] : vector<1x1x5120xf32> to vector<1xf32>
    %reduce_sum3A_462 = vector.shape_cast %reduce_sum3A_461 : vector<1xf32> to vector<1x1x1xf32>
    %reduce_sum3A_463 = vector.extract %reduce_sum3A_462[0, 0, 0] : f32 from vector<1x1x1xf32>
    %add3A_464 = arith.addf %add3A_307, %reduce_sum3A_463 : f32
    %get3A_465 = arith.constant 3 : index
    %get3A_466 = arith.constant 0 : index
    %get3A_467 = arith.constant 0 : index
    %get3A_468 = vector.load %arg3[%get3A_465, %get3A_466, %get3A_467] : memref<6x64x4xf32, #tpu.memory_space<vmem>>, vector<1x64x4xf32>
    %get3A_469 = vector.shape_cast %get3A_468 : vector<1x64x4xf32> to vector<64x4xf32>
    %slice3A_470 = vector.extract_strided_slice %get3A_469 {offsets = [0, 0], sizes = [64, 1], strides = [1, 1]} : vector<64x4xf32> to vector<64x1xf32>
    %slice3A_471 = vector.extract_strided_slice %get3A_469 {offsets = [0, 1], sizes = [64, 1], strides = [1, 1]} : vector<64x4xf32> to vector<64x1xf32>
    %slice3A_472 = vector.extract_strided_slice %get3A_469 {offsets = [0, 2], sizes = [64, 1], strides = [1, 1]} : vector<64x4xf32> to vector<64x1xf32>
    %mul3A_473 = arith.constant 5.000000e-01 : f32
    %mul3A_474 = vector.broadcast %mul3A_473 : f32 to vector<64x1xf32>
    %mul3A_475 = arith.mulf %slice3A_472, %mul3A_474 : vector<64x1xf32>
    %slice3A_476 = vector.extract_strided_slice %get3A_469 {offsets = [0, 3], sizes = [64, 1], strides = [1, 1]} : vector<64x4xf32> to vector<64x1xf32>
    %mul3A_477 = arith.constant 5.000000e-01 : f32
    %mul3A_478 = vector.broadcast %mul3A_477 : f32 to vector<64x1xf32>
    %mul3A_479 = arith.mulf %slice3A_476, %mul3A_478 : vector<64x1xf32>
    %sub3A_480 = arith.subf %slice3A_470, %mul3A_475 : vector<64x1xf32>
    %sub3A_481 = arith.subf %slice3A_471, %mul3A_479 : vector<64x1xf32>
    %add3A_482 = arith.addf %slice3A_470, %mul3A_475 : vector<64x1xf32>
    %add3A_483 = arith.addf %slice3A_471, %mul3A_479 : vector<64x1xf32>
    %sub3A_484 = arith.subf %add3A_482, %sub3A_480 : vector<64x1xf32>
    %sub3A_485 = arith.subf %add3A_483, %sub3A_481 : vector<64x1xf32>
    %mul3A_486 = arith.mulf %sub3A_484, %sub3A_485 : vector<64x1xf32>
    %min3A_487 = vector.broadcast %get3A_7 : vector<1x5120xf32> to vector<64x5120xf32>
    %min3A_488 = vector.broadcast %add3A_482 : vector<64x1xf32> to vector<64x5120xf32>
    %min3A_489 = arith.minimumf %min3A_487, %min3A_488 : vector<64x5120xf32>
    %max3A_490 = vector.broadcast %get3A_1 : vector<1x5120xf32> to vector<64x5120xf32>
    %max3A_491 = vector.broadcast %sub3A_480 : vector<64x1xf32> to vector<64x5120xf32>
    %max3A_492 = arith.maximumf %max3A_490, %max3A_491 : vector<64x5120xf32>
    %sub3A_493 = arith.subf %min3A_489, %max3A_492 : vector<64x5120xf32>
    %max3A_494 = arith.constant 0.000000e+00 : f32
    %max3A_495 = vector.broadcast %max3A_494 : f32 to vector<64x5120xf32>
    %max3A_496 = arith.maximumf %sub3A_493, %max3A_495 : vector<64x5120xf32>
    %min3A_497 = vector.broadcast %get3A_10 : vector<1x5120xf32> to vector<64x5120xf32>
    %min3A_498 = vector.broadcast %add3A_483 : vector<64x1xf32> to vector<64x5120xf32>
    %min3A_499 = arith.minimumf %min3A_497, %min3A_498 : vector<64x5120xf32>
    %max3A_500 = vector.broadcast %get3A_4 : vector<1x5120xf32> to vector<64x5120xf32>
    %max3A_501 = vector.broadcast %sub3A_481 : vector<64x1xf32> to vector<64x5120xf32>
    %max3A_502 = arith.maximumf %max3A_500, %max3A_501 : vector<64x5120xf32>
    %sub3A_503 = arith.subf %min3A_499, %max3A_502 : vector<64x5120xf32>
    %max3A_504 = arith.constant 0.000000e+00 : f32
    %max3A_505 = vector.broadcast %max3A_504 : f32 to vector<64x5120xf32>
    %max3A_506 = arith.maximumf %sub3A_503, %max3A_505 : vector<64x5120xf32>
    %mul3A_507 = arith.mulf %max3A_496, %max3A_506 : vector<64x5120xf32>
    %add3A_508 = vector.broadcast %mul3A : vector<1x5120xf32> to vector<64x5120xf32>
    %add3A_509 = vector.broadcast %mul3A_486 : vector<64x1xf32> to vector<64x5120xf32>
    %add3A_510 = arith.addf %add3A_508, %add3A_509 : vector<64x5120xf32>
    %sub3A_511 = arith.subf %add3A_510, %mul3A_507 : vector<64x5120xf32>
    %div3A_512 = arith.divf %mul3A_507, %sub3A_511 : vector<64x5120xf32>
    %reduce_max3A_513 = arith.constant dense<0xFF800000> : vector<64xf32>
    %reduce_max3A_514 = vector.multi_reduction <maximumf>, %div3A_512, %reduce_max3A_513 [1] : vector<64x5120xf32> to vector<64xf32>
    %broadcast_in_dim3A_515 = vector.shape_cast %reduce_max3A_514 : vector<64xf32> to vector<64x1xf32>
    %eq3A_516 = vector.broadcast %broadcast_in_dim3A_515 : vector<64x1xf32> to vector<64x5120xf32>
    %eq3A_517 = arith.cmpf oeq, %div3A_512, %eq3A_516 : vector<64x5120xf32>
    %jit3A_518 = arith.constant 5120 : i32
    %broadcast_in_dim3A_519 = vector.broadcast %jit3A_518 : i32 to vector<64x5120xi32>
    %select_n3A_520 = arith.select %eq3A_517, %iota3A, %broadcast_in_dim3A_519 : vector<64x5120xi1>, vector<64x5120xi32>
    %reduce_min3A_521 = arith.constant dense<2147483647> : vector<64xi32>
    %reduce_min3A_522 = vector.multi_reduction <minsi>, %select_n3A_520, %reduce_min3A_521 [1] : vector<64x5120xi32> to vector<64xi32>
    %broadcast_in_dim3A_523 = vector.shape_cast %reduce_min3A_522 : vector<64xi32> to vector<64x1xi32>
    %eq3A_524 = vector.broadcast %broadcast_in_dim3A_523 : vector<64x1xi32> to vector<64x5120xi32>
    %eq3A_525 = arith.cmpi eq, %iota3A, %eq3A_524 : vector<64x5120xi32>
    %get3A_526 = arith.constant 3 : index
    %get3A_527 = arith.constant 0 : index
    %get3A_528 = arith.constant 0 : index
    %get3A_529 = vector.load %arg4[%get3A_526, %get3A_527, %get3A_528] : memref<6x64x1xf32, #tpu.memory_space<vmem>>, vector<1x64x1xf32>
    %get3A_530 = vector.shape_cast %get3A_529 : vector<1x64x1xf32> to vector<64x1xf32>
    %gt3A_531 = arith.constant 5.000000e-01 : f32
    %gt3A_532 = vector.broadcast %gt3A_531 : f32 to vector<64x1xf32>
    %gt3A_533 = arith.cmpf ogt, %get3A_530, %gt3A_532 : vector<64x1xf32>
    %gt3A_534 = arith.constant 5.000000e-01 : f32
    %gt3A_535 = vector.broadcast %gt3A_534 : f32 to vector<64x5120xf32>
    %gt3A_536 = arith.cmpf ogt, %div3A_512, %gt3A_535 : vector<64x5120xf32>
    %or3A_537 = arith.ori %gt3A_536, %eq3A_525 : vector<64x5120xi1>
    %and3A_538 = vector.broadcast %gt3A_533 : vector<64x1xi1> to vector<64x5120xi1>
    %and3A_539 = arith.andi %or3A_537, %and3A_538 : vector<64x5120xi1>
    %convert_element_type3A_540 = arith.extui %and3A_539 : vector<64x5120xi1> to vector<64x5120xi32>
    %convert_element_type3A_541 = arith.sitofp %convert_element_type3A_540 : vector<64x5120xi32> to vector<64x5120xf32>
    %get3A_542 = arith.constant 3 : index
    %get3A_543 = arith.constant 0 : index
    %get3A_544 = arith.constant 0 : index
    %get3A_545 = vector.load %arg1[%get3A_542, %get3A_543, %get3A_544] : memref<6x4x5120xf32, #tpu.memory_space<vmem>>, vector<1x4x5120xf32>
    %get3A_546 = vector.shape_cast %get3A_545 : vector<1x4x5120xf32> to vector<4x5120xf32>
    %slice3A_547 = vector.extract_strided_slice %get3A_546 {offsets = [0, 0], sizes = [1, 5120], strides = [1, 1]} : vector<4x5120xf32> to vector<1x5120xf32>
    %sub3A_548 = vector.broadcast %slice3A_547 : vector<1x5120xf32> to vector<64x5120xf32>
    %sub3A_549 = vector.broadcast %sub3A_480 : vector<64x1xf32> to vector<64x5120xf32>
    %sub3A_550 = arith.subf %sub3A_548, %sub3A_549 : vector<64x5120xf32>
    %abs3A_551 = math.absf %sub3A_550 : vector<64x5120xf32>
    %slice3A_552 = vector.extract_strided_slice %get3A_546 {offsets = [1, 0], sizes = [1, 5120], strides = [1, 1]} : vector<4x5120xf32> to vector<1x5120xf32>
    %sub3A_553 = vector.broadcast %slice3A_552 : vector<1x5120xf32> to vector<64x5120xf32>
    %sub3A_554 = vector.broadcast %sub3A_481 : vector<64x1xf32> to vector<64x5120xf32>
    %sub3A_555 = arith.subf %sub3A_553, %sub3A_554 : vector<64x5120xf32>
    %abs3A_556 = math.absf %sub3A_555 : vector<64x5120xf32>
    %add3A_557 = arith.addf %abs3A_551, %abs3A_556 : vector<64x5120xf32>
    %slice3A_558 = vector.extract_strided_slice %get3A_546 {offsets = [2, 0], sizes = [1, 5120], strides = [1, 1]} : vector<4x5120xf32> to vector<1x5120xf32>
    %sub3A_559 = vector.broadcast %slice3A_558 : vector<1x5120xf32> to vector<64x5120xf32>
    %sub3A_560 = vector.broadcast %add3A_482 : vector<64x1xf32> to vector<64x5120xf32>
    %sub3A_561 = arith.subf %sub3A_559, %sub3A_560 : vector<64x5120xf32>
    %abs3A_562 = math.absf %sub3A_561 : vector<64x5120xf32>
    %add3A_563 = arith.addf %add3A_557, %abs3A_562 : vector<64x5120xf32>
    %slice3A_564 = vector.extract_strided_slice %get3A_546 {offsets = [3, 0], sizes = [1, 5120], strides = [1, 1]} : vector<4x5120xf32> to vector<1x5120xf32>
    %sub3A_565 = vector.broadcast %slice3A_564 : vector<1x5120xf32> to vector<64x5120xf32>
    %sub3A_566 = vector.broadcast %add3A_483 : vector<64x1xf32> to vector<64x5120xf32>
    %sub3A_567 = arith.subf %sub3A_565, %sub3A_566 : vector<64x5120xf32>
    %abs3A_568 = math.absf %sub3A_567 : vector<64x5120xf32>
    %add3A_569 = arith.addf %add3A_563, %abs3A_568 : vector<64x5120xf32>
    %mul3A_570 = arith.mulf %convert_element_type3A_541, %add3A_569 : vector<64x5120xf32>
    %reduce_sum3A_571 = vector.shape_cast %mul3A_570 : vector<64x5120xf32> to vector<1x64x5120xf32>
    %reduce_sum3A_572 = arith.constant dense<0.000000e+00> : vector<1xf32>
    %reduce_sum3A_573 = vector.multi_reduction <add>, %reduce_sum3A_571, %reduce_sum3A_572 [1, 2] : vector<1x64x5120xf32> to vector<1xf32>
    %reduce_sum3A_574 = vector.shape_cast %reduce_sum3A_573 : vector<1xf32> to vector<1x1x1xf32>
    %reduce_sum3A_575 = vector.extract %reduce_sum3A_574[0, 0, 0] : f32 from vector<1x1x1xf32>
    %reduce_sum3A_576 = vector.shape_cast %convert_element_type3A_541 : vector<64x5120xf32> to vector<1x64x5120xf32>
    %reduce_sum3A_577 = arith.constant dense<0.000000e+00> : vector<1xf32>
    %reduce_sum3A_578 = vector.multi_reduction <add>, %reduce_sum3A_576, %reduce_sum3A_577 [1, 2] : vector<1x64x5120xf32> to vector<1xf32>
    %reduce_sum3A_579 = vector.shape_cast %reduce_sum3A_578 : vector<1xf32> to vector<1x1x1xf32>
    %reduce_sum3A_580 = vector.extract %reduce_sum3A_579[0, 0, 0] : f32 from vector<1x1x1xf32>
    %mul3A_581 = arith.constant 4.000000e+00 : f32
    %mul3A_582 = arith.mulf %reduce_sum3A_580, %mul3A_581 : f32
    %div3A_583 = arith.divf %reduce_sum3A_575, %mul3A_582 : f32
    %add3A_584 = arith.addf %add3A_427, %div3A_583 : f32
    %reduce_or3A_585 = arith.constant 1.000000e+00 : f32
    %reduce_or3A_586 = arith.constant 0.000000e+00 : f32
    %reduce_or3A_587 = vector.broadcast %reduce_or3A_585 : f32 to vector<64x5120xf32>
    %reduce_or3A_588 = vector.broadcast %reduce_or3A_586 : f32 to vector<64x5120xf32>
    %reduce_or3A_589 = arith.select %and3A_539, %reduce_or3A_587, %reduce_or3A_588 : vector<64x5120xi1>, vector<64x5120xf32>
    %reduce_or3A_590 = arith.constant dense<0xFF800000> : vector<5120xf32>
    %reduce_or3A_591 = vector.multi_reduction <maximumf>, %reduce_or3A_589, %reduce_or3A_590 [0] : vector<64x5120xf32> to vector<5120xf32>
    %reduce_or3A_592 = arith.constant 0.000000e+00 : f32
    %reduce_or3A_593 = vector.broadcast %reduce_or3A_592 : f32 to vector<5120xf32>
    %reduce_or3A_594 = arith.cmpf ogt, %reduce_or3A_591, %reduce_or3A_593 : vector<5120xf32>
    %broadcast_in_dim3A_595 = vector.shape_cast %reduce_or3A_594 : vector<5120xi1> to vector<1x5120xi1>
    %get3A_596 = arith.constant 3 : index
    %get3A_597 = arith.constant 1 : index
    %get3A_598 = arith.constant 0 : index
    %get3A_599 = vector.load %arg2[%get3A_596, %get3A_597, %get3A_598] : memref<6x2x5120xf32, #tpu.memory_space<vmem>>, vector<1x1x5120xf32>
    %get3A_600 = vector.shape_cast %get3A_599 : vector<1x1x5120xf32> to vector<1x5120xf32>
    %get3A_601 = arith.constant 3 : index
    %get3A_602 = arith.constant 0 : index
    %get3A_603 = arith.constant 0 : index
    %get3A_604 = vector.load %arg2[%get3A_601, %get3A_602, %get3A_603] : memref<6x2x5120xf32, #tpu.memory_space<vmem>>, vector<1x1x5120xf32>
    %get3A_605 = vector.shape_cast %get3A_604 : vector<1x1x5120xf32> to vector<1x5120xf32>
    %select_n3A_606 = arith.select %broadcast_in_dim3A_595, %get3A_600, %get3A_605 : vector<1x5120xi1>, vector<1x5120xf32>
    %sub3A_607 = arith.constant 1.000000e+00 : f32
    %sub3A_608 = vector.broadcast %sub3A_607 : f32 to vector<1x5120xf32>
    %sub3A_609 = arith.subf %sub3A_608, %select_n3A_606 : vector<1x5120xf32>
    %mul3A_610 = arith.mulf %sub3A_609, %sub3A_609 : vector<1x5120xf32>
    %neg3A_611 = arith.constant 0.000000e+00 : f32
    %neg3A_612 = vector.broadcast %neg3A_611 : f32 to vector<1x5120xf32>
    %neg3A_613 = arith.subf %neg3A_612, %mul3A_610 : vector<1x5120xf32>
    %log3A_614 = math.log %select_n3A_606 : vector<1x5120xf32>
    %mul3A_615 = arith.mulf %neg3A_613, %log3A_614 : vector<1x5120xf32>
    %reduce_sum3A_616 = vector.shape_cast %mul3A_615 : vector<1x5120xf32> to vector<1x1x5120xf32>
    %reduce_sum3A_617 = arith.constant dense<0.000000e+00> : vector<1xf32>
    %reduce_sum3A_618 = vector.multi_reduction <add>, %reduce_sum3A_616, %reduce_sum3A_617 [1, 2] : vector<1x1x5120xf32> to vector<1xf32>
    %reduce_sum3A_619 = vector.shape_cast %reduce_sum3A_618 : vector<1xf32> to vector<1x1x1xf32>
    %reduce_sum3A_620 = vector.extract %reduce_sum3A_619[0, 0, 0] : f32 from vector<1x1x1xf32>
    %add3A_621 = arith.addf %add3A_464, %reduce_sum3A_620 : f32
    %get3A_622 = arith.constant 4 : index
    %get3A_623 = arith.constant 0 : index
    %get3A_624 = arith.constant 0 : index
    %get3A_625 = vector.load %arg3[%get3A_622, %get3A_623, %get3A_624] : memref<6x64x4xf32, #tpu.memory_space<vmem>>, vector<1x64x4xf32>
    %get3A_626 = vector.shape_cast %get3A_625 : vector<1x64x4xf32> to vector<64x4xf32>
    %slice3A_627 = vector.extract_strided_slice %get3A_626 {offsets = [0, 0], sizes = [64, 1], strides = [1, 1]} : vector<64x4xf32> to vector<64x1xf32>
    %slice3A_628 = vector.extract_strided_slice %get3A_626 {offsets = [0, 1], sizes = [64, 1], strides = [1, 1]} : vector<64x4xf32> to vector<64x1xf32>
    %slice3A_629 = vector.extract_strided_slice %get3A_626 {offsets = [0, 2], sizes = [64, 1], strides = [1, 1]} : vector<64x4xf32> to vector<64x1xf32>
    %mul3A_630 = arith.constant 5.000000e-01 : f32
    %mul3A_631 = vector.broadcast %mul3A_630 : f32 to vector<64x1xf32>
    %mul3A_632 = arith.mulf %slice3A_629, %mul3A_631 : vector<64x1xf32>
    %slice3A_633 = vector.extract_strided_slice %get3A_626 {offsets = [0, 3], sizes = [64, 1], strides = [1, 1]} : vector<64x4xf32> to vector<64x1xf32>
    %mul3A_634 = arith.constant 5.000000e-01 : f32
    %mul3A_635 = vector.broadcast %mul3A_634 : f32 to vector<64x1xf32>
    %mul3A_636 = arith.mulf %slice3A_633, %mul3A_635 : vector<64x1xf32>
    %sub3A_637 = arith.subf %slice3A_627, %mul3A_632 : vector<64x1xf32>
    %sub3A_638 = arith.subf %slice3A_628, %mul3A_636 : vector<64x1xf32>
    %add3A_639 = arith.addf %slice3A_627, %mul3A_632 : vector<64x1xf32>
    %add3A_640 = arith.addf %slice3A_628, %mul3A_636 : vector<64x1xf32>
    %sub3A_641 = arith.subf %add3A_639, %sub3A_637 : vector<64x1xf32>
    %sub3A_642 = arith.subf %add3A_640, %sub3A_638 : vector<64x1xf32>
    %mul3A_643 = arith.mulf %sub3A_641, %sub3A_642 : vector<64x1xf32>
    %min3A_644 = vector.broadcast %get3A_7 : vector<1x5120xf32> to vector<64x5120xf32>
    %min3A_645 = vector.broadcast %add3A_639 : vector<64x1xf32> to vector<64x5120xf32>
    %min3A_646 = arith.minimumf %min3A_644, %min3A_645 : vector<64x5120xf32>
    %max3A_647 = vector.broadcast %get3A_1 : vector<1x5120xf32> to vector<64x5120xf32>
    %max3A_648 = vector.broadcast %sub3A_637 : vector<64x1xf32> to vector<64x5120xf32>
    %max3A_649 = arith.maximumf %max3A_647, %max3A_648 : vector<64x5120xf32>
    %sub3A_650 = arith.subf %min3A_646, %max3A_649 : vector<64x5120xf32>
    %max3A_651 = arith.constant 0.000000e+00 : f32
    %max3A_652 = vector.broadcast %max3A_651 : f32 to vector<64x5120xf32>
    %max3A_653 = arith.maximumf %sub3A_650, %max3A_652 : vector<64x5120xf32>
    %min3A_654 = vector.broadcast %get3A_10 : vector<1x5120xf32> to vector<64x5120xf32>
    %min3A_655 = vector.broadcast %add3A_640 : vector<64x1xf32> to vector<64x5120xf32>
    %min3A_656 = arith.minimumf %min3A_654, %min3A_655 : vector<64x5120xf32>
    %max3A_657 = vector.broadcast %get3A_4 : vector<1x5120xf32> to vector<64x5120xf32>
    %max3A_658 = vector.broadcast %sub3A_638 : vector<64x1xf32> to vector<64x5120xf32>
    %max3A_659 = arith.maximumf %max3A_657, %max3A_658 : vector<64x5120xf32>
    %sub3A_660 = arith.subf %min3A_656, %max3A_659 : vector<64x5120xf32>
    %max3A_661 = arith.constant 0.000000e+00 : f32
    %max3A_662 = vector.broadcast %max3A_661 : f32 to vector<64x5120xf32>
    %max3A_663 = arith.maximumf %sub3A_660, %max3A_662 : vector<64x5120xf32>
    %mul3A_664 = arith.mulf %max3A_653, %max3A_663 : vector<64x5120xf32>
    %add3A_665 = vector.broadcast %mul3A : vector<1x5120xf32> to vector<64x5120xf32>
    %add3A_666 = vector.broadcast %mul3A_643 : vector<64x1xf32> to vector<64x5120xf32>
    %add3A_667 = arith.addf %add3A_665, %add3A_666 : vector<64x5120xf32>
    %sub3A_668 = arith.subf %add3A_667, %mul3A_664 : vector<64x5120xf32>
    %div3A_669 = arith.divf %mul3A_664, %sub3A_668 : vector<64x5120xf32>
    %reduce_max3A_670 = arith.constant dense<0xFF800000> : vector<64xf32>
    %reduce_max3A_671 = vector.multi_reduction <maximumf>, %div3A_669, %reduce_max3A_670 [1] : vector<64x5120xf32> to vector<64xf32>
    %broadcast_in_dim3A_672 = vector.shape_cast %reduce_max3A_671 : vector<64xf32> to vector<64x1xf32>
    %eq3A_673 = vector.broadcast %broadcast_in_dim3A_672 : vector<64x1xf32> to vector<64x5120xf32>
    %eq3A_674 = arith.cmpf oeq, %div3A_669, %eq3A_673 : vector<64x5120xf32>
    %jit3A_675 = arith.constant 5120 : i32
    %broadcast_in_dim3A_676 = vector.broadcast %jit3A_675 : i32 to vector<64x5120xi32>
    %select_n3A_677 = arith.select %eq3A_674, %iota3A, %broadcast_in_dim3A_676 : vector<64x5120xi1>, vector<64x5120xi32>
    %reduce_min3A_678 = arith.constant dense<2147483647> : vector<64xi32>
    %reduce_min3A_679 = vector.multi_reduction <minsi>, %select_n3A_677, %reduce_min3A_678 [1] : vector<64x5120xi32> to vector<64xi32>
    %broadcast_in_dim3A_680 = vector.shape_cast %reduce_min3A_679 : vector<64xi32> to vector<64x1xi32>
    %eq3A_681 = vector.broadcast %broadcast_in_dim3A_680 : vector<64x1xi32> to vector<64x5120xi32>
    %eq3A_682 = arith.cmpi eq, %iota3A, %eq3A_681 : vector<64x5120xi32>
    %get3A_683 = arith.constant 4 : index
    %get3A_684 = arith.constant 0 : index
    %get3A_685 = arith.constant 0 : index
    %get3A_686 = vector.load %arg4[%get3A_683, %get3A_684, %get3A_685] : memref<6x64x1xf32, #tpu.memory_space<vmem>>, vector<1x64x1xf32>
    %get3A_687 = vector.shape_cast %get3A_686 : vector<1x64x1xf32> to vector<64x1xf32>
    %gt3A_688 = arith.constant 5.000000e-01 : f32
    %gt3A_689 = vector.broadcast %gt3A_688 : f32 to vector<64x1xf32>
    %gt3A_690 = arith.cmpf ogt, %get3A_687, %gt3A_689 : vector<64x1xf32>
    %gt3A_691 = arith.constant 5.000000e-01 : f32
    %gt3A_692 = vector.broadcast %gt3A_691 : f32 to vector<64x5120xf32>
    %gt3A_693 = arith.cmpf ogt, %div3A_669, %gt3A_692 : vector<64x5120xf32>
    %or3A_694 = arith.ori %gt3A_693, %eq3A_682 : vector<64x5120xi1>
    %and3A_695 = vector.broadcast %gt3A_690 : vector<64x1xi1> to vector<64x5120xi1>
    %and3A_696 = arith.andi %or3A_694, %and3A_695 : vector<64x5120xi1>
    %convert_element_type3A_697 = arith.extui %and3A_696 : vector<64x5120xi1> to vector<64x5120xi32>
    %convert_element_type3A_698 = arith.sitofp %convert_element_type3A_697 : vector<64x5120xi32> to vector<64x5120xf32>
    %get3A_699 = arith.constant 4 : index
    %get3A_700 = arith.constant 0 : index
    %get3A_701 = arith.constant 0 : index
    %get3A_702 = vector.load %arg1[%get3A_699, %get3A_700, %get3A_701] : memref<6x4x5120xf32, #tpu.memory_space<vmem>>, vector<1x4x5120xf32>
    %get3A_703 = vector.shape_cast %get3A_702 : vector<1x4x5120xf32> to vector<4x5120xf32>
    %slice3A_704 = vector.extract_strided_slice %get3A_703 {offsets = [0, 0], sizes = [1, 5120], strides = [1, 1]} : vector<4x5120xf32> to vector<1x5120xf32>
    %sub3A_705 = vector.broadcast %slice3A_704 : vector<1x5120xf32> to vector<64x5120xf32>
    %sub3A_706 = vector.broadcast %sub3A_637 : vector<64x1xf32> to vector<64x5120xf32>
    %sub3A_707 = arith.subf %sub3A_705, %sub3A_706 : vector<64x5120xf32>
    %abs3A_708 = math.absf %sub3A_707 : vector<64x5120xf32>
    %slice3A_709 = vector.extract_strided_slice %get3A_703 {offsets = [1, 0], sizes = [1, 5120], strides = [1, 1]} : vector<4x5120xf32> to vector<1x5120xf32>
    %sub3A_710 = vector.broadcast %slice3A_709 : vector<1x5120xf32> to vector<64x5120xf32>
    %sub3A_711 = vector.broadcast %sub3A_638 : vector<64x1xf32> to vector<64x5120xf32>
    %sub3A_712 = arith.subf %sub3A_710, %sub3A_711 : vector<64x5120xf32>
    %abs3A_713 = math.absf %sub3A_712 : vector<64x5120xf32>
    %add3A_714 = arith.addf %abs3A_708, %abs3A_713 : vector<64x5120xf32>
    %slice3A_715 = vector.extract_strided_slice %get3A_703 {offsets = [2, 0], sizes = [1, 5120], strides = [1, 1]} : vector<4x5120xf32> to vector<1x5120xf32>
    %sub3A_716 = vector.broadcast %slice3A_715 : vector<1x5120xf32> to vector<64x5120xf32>
    %sub3A_717 = vector.broadcast %add3A_639 : vector<64x1xf32> to vector<64x5120xf32>
    %sub3A_718 = arith.subf %sub3A_716, %sub3A_717 : vector<64x5120xf32>
    %abs3A_719 = math.absf %sub3A_718 : vector<64x5120xf32>
    %add3A_720 = arith.addf %add3A_714, %abs3A_719 : vector<64x5120xf32>
    %slice3A_721 = vector.extract_strided_slice %get3A_703 {offsets = [3, 0], sizes = [1, 5120], strides = [1, 1]} : vector<4x5120xf32> to vector<1x5120xf32>
    %sub3A_722 = vector.broadcast %slice3A_721 : vector<1x5120xf32> to vector<64x5120xf32>
    %sub3A_723 = vector.broadcast %add3A_640 : vector<64x1xf32> to vector<64x5120xf32>
    %sub3A_724 = arith.subf %sub3A_722, %sub3A_723 : vector<64x5120xf32>
    %abs3A_725 = math.absf %sub3A_724 : vector<64x5120xf32>
    %add3A_726 = arith.addf %add3A_720, %abs3A_725 : vector<64x5120xf32>
    %mul3A_727 = arith.mulf %convert_element_type3A_698, %add3A_726 : vector<64x5120xf32>
    %reduce_sum3A_728 = vector.shape_cast %mul3A_727 : vector<64x5120xf32> to vector<1x64x5120xf32>
    %reduce_sum3A_729 = arith.constant dense<0.000000e+00> : vector<1xf32>
    %reduce_sum3A_730 = vector.multi_reduction <add>, %reduce_sum3A_728, %reduce_sum3A_729 [1, 2] : vector<1x64x5120xf32> to vector<1xf32>
    %reduce_sum3A_731 = vector.shape_cast %reduce_sum3A_730 : vector<1xf32> to vector<1x1x1xf32>
    %reduce_sum3A_732 = vector.extract %reduce_sum3A_731[0, 0, 0] : f32 from vector<1x1x1xf32>
    %reduce_sum3A_733 = vector.shape_cast %convert_element_type3A_698 : vector<64x5120xf32> to vector<1x64x5120xf32>
    %reduce_sum3A_734 = arith.constant dense<0.000000e+00> : vector<1xf32>
    %reduce_sum3A_735 = vector.multi_reduction <add>, %reduce_sum3A_733, %reduce_sum3A_734 [1, 2] : vector<1x64x5120xf32> to vector<1xf32>
    %reduce_sum3A_736 = vector.shape_cast %reduce_sum3A_735 : vector<1xf32> to vector<1x1x1xf32>
    %reduce_sum3A_737 = vector.extract %reduce_sum3A_736[0, 0, 0] : f32 from vector<1x1x1xf32>
    %mul3A_738 = arith.constant 4.000000e+00 : f32
    %mul3A_739 = arith.mulf %reduce_sum3A_737, %mul3A_738 : f32
    %div3A_740 = arith.divf %reduce_sum3A_732, %mul3A_739 : f32
    %add3A_741 = arith.addf %add3A_584, %div3A_740 : f32
    %reduce_or3A_742 = arith.constant 1.000000e+00 : f32
    %reduce_or3A_743 = arith.constant 0.000000e+00 : f32
    %reduce_or3A_744 = vector.broadcast %reduce_or3A_742 : f32 to vector<64x5120xf32>
    %reduce_or3A_745 = vector.broadcast %reduce_or3A_743 : f32 to vector<64x5120xf32>
    %reduce_or3A_746 = arith.select %and3A_696, %reduce_or3A_744, %reduce_or3A_745 : vector<64x5120xi1>, vector<64x5120xf32>
    %reduce_or3A_747 = arith.constant dense<0xFF800000> : vector<5120xf32>
    %reduce_or3A_748 = vector.multi_reduction <maximumf>, %reduce_or3A_746, %reduce_or3A_747 [0] : vector<64x5120xf32> to vector<5120xf32>
    %reduce_or3A_749 = arith.constant 0.000000e+00 : f32
    %reduce_or3A_750 = vector.broadcast %reduce_or3A_749 : f32 to vector<5120xf32>
    %reduce_or3A_751 = arith.cmpf ogt, %reduce_or3A_748, %reduce_or3A_750 : vector<5120xf32>
    %broadcast_in_dim3A_752 = vector.shape_cast %reduce_or3A_751 : vector<5120xi1> to vector<1x5120xi1>
    %get3A_753 = arith.constant 4 : index
    %get3A_754 = arith.constant 1 : index
    %get3A_755 = arith.constant 0 : index
    %get3A_756 = vector.load %arg2[%get3A_753, %get3A_754, %get3A_755] : memref<6x2x5120xf32, #tpu.memory_space<vmem>>, vector<1x1x5120xf32>
    %get3A_757 = vector.shape_cast %get3A_756 : vector<1x1x5120xf32> to vector<1x5120xf32>
    %get3A_758 = arith.constant 4 : index
    %get3A_759 = arith.constant 0 : index
    %get3A_760 = arith.constant 0 : index
    %get3A_761 = vector.load %arg2[%get3A_758, %get3A_759, %get3A_760] : memref<6x2x5120xf32, #tpu.memory_space<vmem>>, vector<1x1x5120xf32>
    %get3A_762 = vector.shape_cast %get3A_761 : vector<1x1x5120xf32> to vector<1x5120xf32>
    %select_n3A_763 = arith.select %broadcast_in_dim3A_752, %get3A_757, %get3A_762 : vector<1x5120xi1>, vector<1x5120xf32>
    %sub3A_764 = arith.constant 1.000000e+00 : f32
    %sub3A_765 = vector.broadcast %sub3A_764 : f32 to vector<1x5120xf32>
    %sub3A_766 = arith.subf %sub3A_765, %select_n3A_763 : vector<1x5120xf32>
    %mul3A_767 = arith.mulf %sub3A_766, %sub3A_766 : vector<1x5120xf32>
    %neg3A_768 = arith.constant 0.000000e+00 : f32
    %neg3A_769 = vector.broadcast %neg3A_768 : f32 to vector<1x5120xf32>
    %neg3A_770 = arith.subf %neg3A_769, %mul3A_767 : vector<1x5120xf32>
    %log3A_771 = math.log %select_n3A_763 : vector<1x5120xf32>
    %mul3A_772 = arith.mulf %neg3A_770, %log3A_771 : vector<1x5120xf32>
    %reduce_sum3A_773 = vector.shape_cast %mul3A_772 : vector<1x5120xf32> to vector<1x1x5120xf32>
    %reduce_sum3A_774 = arith.constant dense<0.000000e+00> : vector<1xf32>
    %reduce_sum3A_775 = vector.multi_reduction <add>, %reduce_sum3A_773, %reduce_sum3A_774 [1, 2] : vector<1x1x5120xf32> to vector<1xf32>
    %reduce_sum3A_776 = vector.shape_cast %reduce_sum3A_775 : vector<1xf32> to vector<1x1x1xf32>
    %reduce_sum3A_777 = vector.extract %reduce_sum3A_776[0, 0, 0] : f32 from vector<1x1x1xf32>
    %add3A_778 = arith.addf %add3A_621, %reduce_sum3A_777 : f32
    %get3A_779 = arith.constant 5 : index
    %get3A_780 = arith.constant 0 : index
    %get3A_781 = arith.constant 0 : index
    %get3A_782 = vector.load %arg3[%get3A_779, %get3A_780, %get3A_781] : memref<6x64x4xf32, #tpu.memory_space<vmem>>, vector<1x64x4xf32>
    %get3A_783 = vector.shape_cast %get3A_782 : vector<1x64x4xf32> to vector<64x4xf32>
    %slice3A_784 = vector.extract_strided_slice %get3A_783 {offsets = [0, 0], sizes = [64, 1], strides = [1, 1]} : vector<64x4xf32> to vector<64x1xf32>
    %slice3A_785 = vector.extract_strided_slice %get3A_783 {offsets = [0, 1], sizes = [64, 1], strides = [1, 1]} : vector<64x4xf32> to vector<64x1xf32>
    %slice3A_786 = vector.extract_strided_slice %get3A_783 {offsets = [0, 2], sizes = [64, 1], strides = [1, 1]} : vector<64x4xf32> to vector<64x1xf32>
    %mul3A_787 = arith.constant 5.000000e-01 : f32
    %mul3A_788 = vector.broadcast %mul3A_787 : f32 to vector<64x1xf32>
    %mul3A_789 = arith.mulf %slice3A_786, %mul3A_788 : vector<64x1xf32>
    %slice3A_790 = vector.extract_strided_slice %get3A_783 {offsets = [0, 3], sizes = [64, 1], strides = [1, 1]} : vector<64x4xf32> to vector<64x1xf32>
    %mul3A_791 = arith.constant 5.000000e-01 : f32
    %mul3A_792 = vector.broadcast %mul3A_791 : f32 to vector<64x1xf32>
    %mul3A_793 = arith.mulf %slice3A_790, %mul3A_792 : vector<64x1xf32>
    %sub3A_794 = arith.subf %slice3A_784, %mul3A_789 : vector<64x1xf32>
    %sub3A_795 = arith.subf %slice3A_785, %mul3A_793 : vector<64x1xf32>
    %add3A_796 = arith.addf %slice3A_784, %mul3A_789 : vector<64x1xf32>
    %add3A_797 = arith.addf %slice3A_785, %mul3A_793 : vector<64x1xf32>
    %sub3A_798 = arith.subf %add3A_796, %sub3A_794 : vector<64x1xf32>
    %sub3A_799 = arith.subf %add3A_797, %sub3A_795 : vector<64x1xf32>
    %mul3A_800 = arith.mulf %sub3A_798, %sub3A_799 : vector<64x1xf32>
    %min3A_801 = vector.broadcast %get3A_7 : vector<1x5120xf32> to vector<64x5120xf32>
    %min3A_802 = vector.broadcast %add3A_796 : vector<64x1xf32> to vector<64x5120xf32>
    %min3A_803 = arith.minimumf %min3A_801, %min3A_802 : vector<64x5120xf32>
    %max3A_804 = vector.broadcast %get3A_1 : vector<1x5120xf32> to vector<64x5120xf32>
    %max3A_805 = vector.broadcast %sub3A_794 : vector<64x1xf32> to vector<64x5120xf32>
    %max3A_806 = arith.maximumf %max3A_804, %max3A_805 : vector<64x5120xf32>
    %sub3A_807 = arith.subf %min3A_803, %max3A_806 : vector<64x5120xf32>
    %max3A_808 = arith.constant 0.000000e+00 : f32
    %max3A_809 = vector.broadcast %max3A_808 : f32 to vector<64x5120xf32>
    %max3A_810 = arith.maximumf %sub3A_807, %max3A_809 : vector<64x5120xf32>
    %min3A_811 = vector.broadcast %get3A_10 : vector<1x5120xf32> to vector<64x5120xf32>
    %min3A_812 = vector.broadcast %add3A_797 : vector<64x1xf32> to vector<64x5120xf32>
    %min3A_813 = arith.minimumf %min3A_811, %min3A_812 : vector<64x5120xf32>
    %max3A_814 = vector.broadcast %get3A_4 : vector<1x5120xf32> to vector<64x5120xf32>
    %max3A_815 = vector.broadcast %sub3A_795 : vector<64x1xf32> to vector<64x5120xf32>
    %max3A_816 = arith.maximumf %max3A_814, %max3A_815 : vector<64x5120xf32>
    %sub3A_817 = arith.subf %min3A_813, %max3A_816 : vector<64x5120xf32>
    %max3A_818 = arith.constant 0.000000e+00 : f32
    %max3A_819 = vector.broadcast %max3A_818 : f32 to vector<64x5120xf32>
    %max3A_820 = arith.maximumf %sub3A_817, %max3A_819 : vector<64x5120xf32>
    %mul3A_821 = arith.mulf %max3A_810, %max3A_820 : vector<64x5120xf32>
    %add3A_822 = vector.broadcast %mul3A : vector<1x5120xf32> to vector<64x5120xf32>
    %add3A_823 = vector.broadcast %mul3A_800 : vector<64x1xf32> to vector<64x5120xf32>
    %add3A_824 = arith.addf %add3A_822, %add3A_823 : vector<64x5120xf32>
    %sub3A_825 = arith.subf %add3A_824, %mul3A_821 : vector<64x5120xf32>
    %div3A_826 = arith.divf %mul3A_821, %sub3A_825 : vector<64x5120xf32>
    %reduce_max3A_827 = arith.constant dense<0xFF800000> : vector<64xf32>
    %reduce_max3A_828 = vector.multi_reduction <maximumf>, %div3A_826, %reduce_max3A_827 [1] : vector<64x5120xf32> to vector<64xf32>
    %broadcast_in_dim3A_829 = vector.shape_cast %reduce_max3A_828 : vector<64xf32> to vector<64x1xf32>
    %eq3A_830 = vector.broadcast %broadcast_in_dim3A_829 : vector<64x1xf32> to vector<64x5120xf32>
    %eq3A_831 = arith.cmpf oeq, %div3A_826, %eq3A_830 : vector<64x5120xf32>
    %jit3A_832 = arith.constant 5120 : i32
    %broadcast_in_dim3A_833 = vector.broadcast %jit3A_832 : i32 to vector<64x5120xi32>
    %select_n3A_834 = arith.select %eq3A_831, %iota3A, %broadcast_in_dim3A_833 : vector<64x5120xi1>, vector<64x5120xi32>
    %reduce_min3A_835 = arith.constant dense<2147483647> : vector<64xi32>
    %reduce_min3A_836 = vector.multi_reduction <minsi>, %select_n3A_834, %reduce_min3A_835 [1] : vector<64x5120xi32> to vector<64xi32>
    %broadcast_in_dim3A_837 = vector.shape_cast %reduce_min3A_836 : vector<64xi32> to vector<64x1xi32>
    %eq3A_838 = vector.broadcast %broadcast_in_dim3A_837 : vector<64x1xi32> to vector<64x5120xi32>
    %eq3A_839 = arith.cmpi eq, %iota3A, %eq3A_838 : vector<64x5120xi32>
    %get3A_840 = arith.constant 5 : index
    %get3A_841 = arith.constant 0 : index
    %get3A_842 = arith.constant 0 : index
    %get3A_843 = vector.load %arg4[%get3A_840, %get3A_841, %get3A_842] : memref<6x64x1xf32, #tpu.memory_space<vmem>>, vector<1x64x1xf32>
    %get3A_844 = vector.shape_cast %get3A_843 : vector<1x64x1xf32> to vector<64x1xf32>
    %gt3A_845 = arith.constant 5.000000e-01 : f32
    %gt3A_846 = vector.broadcast %gt3A_845 : f32 to vector<64x1xf32>
    %gt3A_847 = arith.cmpf ogt, %get3A_844, %gt3A_846 : vector<64x1xf32>
    %gt3A_848 = arith.constant 5.000000e-01 : f32
    %gt3A_849 = vector.broadcast %gt3A_848 : f32 to vector<64x5120xf32>
    %gt3A_850 = arith.cmpf ogt, %div3A_826, %gt3A_849 : vector<64x5120xf32>
    %or3A_851 = arith.ori %gt3A_850, %eq3A_839 : vector<64x5120xi1>
    %and3A_852 = vector.broadcast %gt3A_847 : vector<64x1xi1> to vector<64x5120xi1>
    %and3A_853 = arith.andi %or3A_851, %and3A_852 : vector<64x5120xi1>
    %convert_element_type3A_854 = arith.extui %and3A_853 : vector<64x5120xi1> to vector<64x5120xi32>
    %convert_element_type3A_855 = arith.sitofp %convert_element_type3A_854 : vector<64x5120xi32> to vector<64x5120xf32>
    %get3A_856 = arith.constant 5 : index
    %get3A_857 = arith.constant 0 : index
    %get3A_858 = arith.constant 0 : index
    %get3A_859 = vector.load %arg1[%get3A_856, %get3A_857, %get3A_858] : memref<6x4x5120xf32, #tpu.memory_space<vmem>>, vector<1x4x5120xf32>
    %get3A_860 = vector.shape_cast %get3A_859 : vector<1x4x5120xf32> to vector<4x5120xf32>
    %slice3A_861 = vector.extract_strided_slice %get3A_860 {offsets = [0, 0], sizes = [1, 5120], strides = [1, 1]} : vector<4x5120xf32> to vector<1x5120xf32>
    %sub3A_862 = vector.broadcast %slice3A_861 : vector<1x5120xf32> to vector<64x5120xf32>
    %sub3A_863 = vector.broadcast %sub3A_794 : vector<64x1xf32> to vector<64x5120xf32>
    %sub3A_864 = arith.subf %sub3A_862, %sub3A_863 : vector<64x5120xf32>
    %abs3A_865 = math.absf %sub3A_864 : vector<64x5120xf32>
    %slice3A_866 = vector.extract_strided_slice %get3A_860 {offsets = [1, 0], sizes = [1, 5120], strides = [1, 1]} : vector<4x5120xf32> to vector<1x5120xf32>
    %sub3A_867 = vector.broadcast %slice3A_866 : vector<1x5120xf32> to vector<64x5120xf32>
    %sub3A_868 = vector.broadcast %sub3A_795 : vector<64x1xf32> to vector<64x5120xf32>
    %sub3A_869 = arith.subf %sub3A_867, %sub3A_868 : vector<64x5120xf32>
    %abs3A_870 = math.absf %sub3A_869 : vector<64x5120xf32>
    %add3A_871 = arith.addf %abs3A_865, %abs3A_870 : vector<64x5120xf32>
    %slice3A_872 = vector.extract_strided_slice %get3A_860 {offsets = [2, 0], sizes = [1, 5120], strides = [1, 1]} : vector<4x5120xf32> to vector<1x5120xf32>
    %sub3A_873 = vector.broadcast %slice3A_872 : vector<1x5120xf32> to vector<64x5120xf32>
    %sub3A_874 = vector.broadcast %add3A_796 : vector<64x1xf32> to vector<64x5120xf32>
    %sub3A_875 = arith.subf %sub3A_873, %sub3A_874 : vector<64x5120xf32>
    %abs3A_876 = math.absf %sub3A_875 : vector<64x5120xf32>
    %add3A_877 = arith.addf %add3A_871, %abs3A_876 : vector<64x5120xf32>
    %slice3A_878 = vector.extract_strided_slice %get3A_860 {offsets = [3, 0], sizes = [1, 5120], strides = [1, 1]} : vector<4x5120xf32> to vector<1x5120xf32>
    %sub3A_879 = vector.broadcast %slice3A_878 : vector<1x5120xf32> to vector<64x5120xf32>
    %sub3A_880 = vector.broadcast %add3A_797 : vector<64x1xf32> to vector<64x5120xf32>
    %sub3A_881 = arith.subf %sub3A_879, %sub3A_880 : vector<64x5120xf32>
    %abs3A_882 = math.absf %sub3A_881 : vector<64x5120xf32>
    %add3A_883 = arith.addf %add3A_877, %abs3A_882 : vector<64x5120xf32>
    %mul3A_884 = arith.mulf %convert_element_type3A_855, %add3A_883 : vector<64x5120xf32>
    %reduce_sum3A_885 = vector.shape_cast %mul3A_884 : vector<64x5120xf32> to vector<1x64x5120xf32>
    %reduce_sum3A_886 = arith.constant dense<0.000000e+00> : vector<1xf32>
    %reduce_sum3A_887 = vector.multi_reduction <add>, %reduce_sum3A_885, %reduce_sum3A_886 [1, 2] : vector<1x64x5120xf32> to vector<1xf32>
    %reduce_sum3A_888 = vector.shape_cast %reduce_sum3A_887 : vector<1xf32> to vector<1x1x1xf32>
    %reduce_sum3A_889 = vector.extract %reduce_sum3A_888[0, 0, 0] : f32 from vector<1x1x1xf32>
    %reduce_sum3A_890 = vector.shape_cast %convert_element_type3A_855 : vector<64x5120xf32> to vector<1x64x5120xf32>
    %reduce_sum3A_891 = arith.constant dense<0.000000e+00> : vector<1xf32>
    %reduce_sum3A_892 = vector.multi_reduction <add>, %reduce_sum3A_890, %reduce_sum3A_891 [1, 2] : vector<1x64x5120xf32> to vector<1xf32>
    %reduce_sum3A_893 = vector.shape_cast %reduce_sum3A_892 : vector<1xf32> to vector<1x1x1xf32>
    %reduce_sum3A_894 = vector.extract %reduce_sum3A_893[0, 0, 0] : f32 from vector<1x1x1xf32>
    %mul3A_895 = arith.constant 4.000000e+00 : f32
    %mul3A_896 = arith.mulf %reduce_sum3A_894, %mul3A_895 : f32
    %div3A_897 = arith.divf %reduce_sum3A_889, %mul3A_896 : f32
    %add3A_898 = arith.addf %add3A_741, %div3A_897 : f32
    %reduce_or3A_899 = arith.constant 1.000000e+00 : f32
    %reduce_or3A_900 = arith.constant 0.000000e+00 : f32
    %reduce_or3A_901 = vector.broadcast %reduce_or3A_899 : f32 to vector<64x5120xf32>
    %reduce_or3A_902 = vector.broadcast %reduce_or3A_900 : f32 to vector<64x5120xf32>
    %reduce_or3A_903 = arith.select %and3A_853, %reduce_or3A_901, %reduce_or3A_902 : vector<64x5120xi1>, vector<64x5120xf32>
    %reduce_or3A_904 = arith.constant dense<0xFF800000> : vector<5120xf32>
    %reduce_or3A_905 = vector.multi_reduction <maximumf>, %reduce_or3A_903, %reduce_or3A_904 [0] : vector<64x5120xf32> to vector<5120xf32>
    %reduce_or3A_906 = arith.constant 0.000000e+00 : f32
    %reduce_or3A_907 = vector.broadcast %reduce_or3A_906 : f32 to vector<5120xf32>
    %reduce_or3A_908 = arith.cmpf ogt, %reduce_or3A_905, %reduce_or3A_907 : vector<5120xf32>
    %broadcast_in_dim3A_909 = vector.shape_cast %reduce_or3A_908 : vector<5120xi1> to vector<1x5120xi1>
    %get3A_910 = arith.constant 5 : index
    %get3A_911 = arith.constant 1 : index
    %get3A_912 = arith.constant 0 : index
    %get3A_913 = vector.load %arg2[%get3A_910, %get3A_911, %get3A_912] : memref<6x2x5120xf32, #tpu.memory_space<vmem>>, vector<1x1x5120xf32>
    %get3A_914 = vector.shape_cast %get3A_913 : vector<1x1x5120xf32> to vector<1x5120xf32>
    %get3A_915 = arith.constant 5 : index
    %get3A_916 = arith.constant 0 : index
    %get3A_917 = arith.constant 0 : index
    %get3A_918 = vector.load %arg2[%get3A_915, %get3A_916, %get3A_917] : memref<6x2x5120xf32, #tpu.memory_space<vmem>>, vector<1x1x5120xf32>
    %get3A_919 = vector.shape_cast %get3A_918 : vector<1x1x5120xf32> to vector<1x5120xf32>
    %select_n3A_920 = arith.select %broadcast_in_dim3A_909, %get3A_914, %get3A_919 : vector<1x5120xi1>, vector<1x5120xf32>
    %sub3A_921 = arith.constant 1.000000e+00 : f32
    %sub3A_922 = vector.broadcast %sub3A_921 : f32 to vector<1x5120xf32>
    %sub3A_923 = arith.subf %sub3A_922, %select_n3A_920 : vector<1x5120xf32>
    %mul3A_924 = arith.mulf %sub3A_923, %sub3A_923 : vector<1x5120xf32>
    %neg3A_925 = arith.constant 0.000000e+00 : f32
    %neg3A_926 = vector.broadcast %neg3A_925 : f32 to vector<1x5120xf32>
    %neg3A_927 = arith.subf %neg3A_926, %mul3A_924 : vector<1x5120xf32>
    %log3A_928 = math.log %select_n3A_920 : vector<1x5120xf32>
    %mul3A_929 = arith.mulf %neg3A_927, %log3A_928 : vector<1x5120xf32>
    %reduce_sum3A_930 = vector.shape_cast %mul3A_929 : vector<1x5120xf32> to vector<1x1x5120xf32>
    %reduce_sum3A_931 = arith.constant dense<0.000000e+00> : vector<1xf32>
    %reduce_sum3A_932 = vector.multi_reduction <add>, %reduce_sum3A_930, %reduce_sum3A_931 [1, 2] : vector<1x1x5120xf32> to vector<1xf32>
    %reduce_sum3A_933 = vector.shape_cast %reduce_sum3A_932 : vector<1xf32> to vector<1x1x1xf32>
    %reduce_sum3A_934 = vector.extract %reduce_sum3A_933[0, 0, 0] : f32 from vector<1x1x1xf32>
    %add3A_935 = arith.addf %add3A_778, %reduce_sum3A_934 : f32
    %swap3A = arith.constant 0 : index
    %swap3A_936 = arith.constant 0 : index
    %swap3A_937 = memref.load %arg5[%swap3A, %swap3A_936] : memref<1x1xf32, #tpu.memory_space<smem>>
    memref.store %add3A_935, %arg5[%swap3A, %swap3A_936] : memref<1x1xf32, #tpu.memory_space<smem>>
    %swap3A_938 = arith.constant 0 : index
    %swap3A_939 = arith.constant 0 : index
    %swap3A_940 = memref.load %arg6[%swap3A_938, %swap3A_939] : memref<1x1xf32, #tpu.memory_space<smem>>
    memref.store %add3A_898, %arg6[%swap3A_938, %swap3A_939] : memref<1x1xf32, #tpu.memory_space<smem>>
    return
  }
}

</mosaic_0001>

<sc_bundles>
// kernel: kernel.5.cloned.1.call-start
scs
__scs_entry_jumppad:
0x0: {  	(pc) =	sbr.rel $0x88, $3  }
0x1: {  	(tag) =	ssettag $0x0;
	lr =	simm.s32 $0x1  }
0x2: {  	[smem:$0x3F9C] =	sst lr;
	_ =	strace $0xD0000000  }
0x3: {  	_ = 	snop  }
0x4: {  	_ = 	snop  }
0x5: {  	_ = 	snop  }
0x6: {  	_ = 	snop  }
0x7: {  	_ = 	snop  }
__scs_overlays_trampoline_lowered:
0x8: {  	[smem:$0x3FAB] =	sst s0  }
0x9: {  	[smem:$0x3FAC] =	sst s1  }
0xa: {  	[smem:$0x3FAD] =	sst s2  }
0xb: {  	[smem:$0x3FAE] =	sst s3  }
0xc: {  	[smem:$0x3FAF] =	sst s4  }
0xd: {  	[smem:$0x3FB0] =	sst s5  }
0xe: {  	[smem:$0x3FB1] =	sst s6  }
0xf: {  	[smem:$0x3FB2] =	sst s7  }
0x10: {  	[smem:$0x3FB3] =	sst s8  }
0x11: {  	[smem:$0x3FB4] =	sst s9;
	s0 =	simm.s32 @!p0 $0x0  }
0x12: {  	s1 =	sld [smem:$0x3F9A];
	s0 =	simm.s32 @p0 $0x1  }
0x13: {  	[smem:$0x3FB5] =	sst s0;
	s0 =	simm.s32 @!p1 $0x0  }
0x14: {  	s2 =	sld [smem:$0x3F99];
	s0 =	simm.s32 @p1 $0x1  }
0x15: {  	[smem:$0x3FB6] =	sst s0;
	s0 =	simm.s32 @!p2 $0x0  }
0x16: {  	s3 =	sld [smem:$0x3FDB];
	s0 =	simm.s32 @p2 $0x1  }
0x17: {  	s4 =	simm.s32 $0x1BF5;
	[smem:$0x3FB8] =	sst s0  }
0x18: {  	s0 =	sld [smem:$0x3F9B];
	_ =	swait.ge [sflag:s4], $0x0  }
0x19: {  	s7 =	sld [smem:$0x3F9C]  }
0x1a: {  	s8 =	sadd.s32 $0xFFFFE003, lr  }
0x1b: {  	s9 =	sadd.s32 $0xFFFFFEF7, lr;
	s5 =	simm.s32 $0xFFFFFFFF;
	p2 =	slt.u32 s8, $0xFFFFF086  }
0x1c: {  	p1 =	slt.u32 s9, $0xF7A;
	s5 =	simm.s32 @!p2 $0x0  }
0x1d: {  	s5 =	simm.s32 @p1 $0x1;
	p0 =	seq.s32 s7, s2  }
0x1e: {  	s7 =	smul.u32 @!p0 $0xF7A, s2;
	p2 =	seq.s32 @!p0 s5, $0x0  }
0x1f: {  	s9 =	smul.u32 $0xF7A, s1;
	s8 =	simm.s32 @!p0 $0x1BF5;
	p2 =	por !p2, p0  }
0x20: {  	[sflag:s8] =	ssyncset.s32 @!p0 $0xFFFFF086;
	s6 =	sadd.s32 @!p0 s3, s7;
	s7 =	simm.s32 @!p0 $0x108  }
0x21: {  	s3 =	sadd.s32 s3, s9;
	s6 =	sadd.s32 @!p0 $0x88, s6;
	s7 =	simm.s32 @p2 $0x1082  }
0x22: {  	[simem:s7], [sflag:s8] =	dma.local @!p0 [hbm:s6], $0xF7A  }
0x23: {  	s9 =	sor.u32 $0xD0000000, s2;
	s6 =	simm.s32 $0x108;
	_ =	swait.ge @!p0 [sflag:s8], $0x0  }
0x24: {  	s3 =	sadd.s32 $0x88, s3;
	s6 =	simm.s32 @!p1 $0x1082;
	[sflag:s4] =	ssyncset.s32 $0xFFFFF086  }
0x25: {  	[simem:s6], [sflag:s4] =	dma.local [hbm:s3], $0xF7A  }
0x26: {  	[smem:$0x3F9C] =	sst s1;
	(tag) =	ssettag s2;
	_ =	strace s9  }
0x27: {  	s1 =	sld [smem:$0x3FAC]  }
0x28: {  	s2 =	sld [smem:$0x3FAD]  }
0x29: {  	s4 =	sld [smem:$0x3FAF]  }
0x2a: {  	p0 =	seq.s32 s5, $0x0;
	s5 =	sld [smem:$0x3FB0]  }
0x2b: {  	s6 =	sld [smem:$0x3FB1]  }
0x2c: {  	s7 =	sld [smem:$0x3FB2]  }
0x2d: {  	s3 =	simm.s32 $0x108;
	s8 =	sld [smem:$0x3FB3]  }
0x2e: {  	s3 =	simm.s32 @!p0 $0x1082;
	s9 =	sld [smem:$0x3FB4]  }
0x2f: {  	lr =	sadd.s32 s0, s3;
	s0 =	sld [smem:$0x3FAB]  }
0x30: {  	s3 =	sld [smem:$0x3FAE]  }
0x31: {  	[smem:$0x3FB7] =	sst s10  }
0x32: {  	s10 =	sld [smem:$0x3FB5];
	_ =	sdelay $0x3  }
0x33: {  	p0 =	seq.s32 s10, $0x1;
	s10 =	sld [smem:$0x3FB7];
	_ =	sdelay $0x3  }
0x34: {  	[smem:$0x3FB7] =	sst s10  }
0x35: {  	s10 =	sld [smem:$0x3FB6];
	_ =	sdelay $0x3  }
0x36: {  	p1 =	seq.s32 s10, $0x1;
	s10 =	sld [smem:$0x3FB7];
	_ =	sdelay $0x3  }
0x37: {  	[smem:$0x3FB7] =	sst s10  }
0x38: {  	s10 =	sld [smem:$0x3FB8]  }
0x39: {  	_ = 	snop;
	(pc) =	sbr.ind lr, $3  }
0x3a: {  	_ = 	snop  }
0x3b: {  	_ = 	snop  }
0x3c: {  	p2 =	seq.s32 s10, $0x1;
	s10 =	sld [smem:$0x3FB7]  }
0x3d: {  	_ =	shalt  }
0x3e: {  	_ =	shalt  }
0x3f: {  	_ =	shalt  }
0x40: {  	_ =	shalt  }
0x41: {  	_ =	shalt  }
0x42: {  	_ =	shalt  }
0x43: {  	_ =	shalt  }
0x44: {  	_ =	shalt  }
0x45: {  	_ =	shalt  }
0x46: {  	_ =	shalt  }
0x47: {  	_ =	shalt  }
0x48: {  	_ =	shalt  }
0x49: {  	_ =	shalt  }
0x4a: {  	_ =	shalt  }
0x4b: {  	_ =	shalt  }
0x4c: {  	_ =	shalt  }
0x4d: {  	_ =	shalt  }
0x4e: {  	_ =	shalt  }
0x4f: {  	_ =	shalt  }
0x50: {  	_ =	shalt  }
0x51: {  	_ =	shalt  }
0x52: {  	_ =	shalt  }
0x53: {  	_ =	shalt  }
0x54: {  	_ =	shalt  }
0x55: {  	_ =	shalt  }
0x56: {  	_ =	shalt  }
0x57: {  	_ =	shalt  }
0x58: {  	_ =	shalt  }
0x59: {  	_ =	shalt  }
0x5a: {  	_ =	shalt  }
0x5b: {  	_ =	shalt  }
0x5c: {  	_ =	shalt  }
0x5d: {  	_ =	shalt  }
0x5e: {  	_ =	shalt  }
0x5f: {  	_ =	shalt  }
0x60: {  	_ =	shalt  }
0x61: {  	_ =	shalt  }
0x62: {  	_ =	shalt  }
0x63: {  	_ =	shalt  }
0x64: {  	_ =	shalt  }
0x65: {  	_ =	shalt  }
0x66: {  	_ =	shalt  }
0x67: {  	_ =	shalt  }
0x68: {  	_ =	shalt  }
0x69: {  	_ =	shalt  }
0x6a: {  	_ =	shalt  }
0x6b: {  	_ =	shalt  }
0x6c: {  	_ =	shalt  }
0x6d: {  	_ =	shalt  }
0x6e: {  	_ =	shalt  }
0x6f: {  	_ =	shalt  }
0x70: {  	_ =	shalt  }
0x71: {  	_ =	shalt  }
0x72: {  	_ =	shalt  }
0x73: {  	_ =	shalt  }
0x74: {  	_ =	shalt  }
0x75: {  	_ =	shalt  }
0x76: {  	_ =	shalt  }
0x77: {  	_ =	shalt  }
0x78: {  	_ =	shalt  }
0x79: {  	_ =	shalt  }
0x7a: {  	_ =	shalt  }
0x7b: {  	_ =	shalt  }
0x7c: {  	_ =	shalt  }
0x7d: {  	_ =	shalt  }
0x7e: {  	_ =	shalt  }
0x7f: {  	_ =	shalt  }
0x80: {  	_ =	shalt  }
0x81: {  	_ =	shalt  }
0x82: {  	_ =	shalt  }
0x83: {  	_ =	shalt  }
0x84: {  	_ =	shalt  }
0x85: {  	_ =	shalt  }
0x86: {  	_ =	shalt  }
0x87: {  	_ =	shalt  }
.Lfunc_end0:
.L_simem_size_0:
called_computation_lowered:
.L_overlay_start_0:
0x88: {  	s2 =	sld [smem:$0x3FD9]  }
0x89: {  	s3 =	sld [smem:$0x3FFE];
	_ =	sdelay $0x1  }
0x8a: {  	s1 =	srdreg.scid  }
0x8b: {  	s0 =	sand.u32 $0x1, s1  }
0x8c: {  	s16 =	sshll.u32 s0, $0xA;
	s2 =	sadd.s32 s3, s2  }
0x8d: {  	s2 =	sadd.s32 s2, s16  }
0x8e: {  	[smem:$0x3FC3] =	sst s2  }
0x8f: {  	_ = 	snop  }
0x90: {  	(tm) =	ssettm $0x1  }
0x91: {  	s17 =	sld [smem:$0x3FFB];
	_ =	sdelay $0x3  }
0x92: {  	_ =	strace s17  }
0x93: {  	s2 =	sld [smem:$0x3FFC];
	_ =	sdelay $0x3  }
0x94: {  	_ =	strace s2  }
0x95: {  	s2 =	sld [smem:$0x3FFD];
	_ =	sdelay $0x3  }
0x96: {  	_ =	strace s2  }
0x97: {  	_ =	strace $0x8FFFFFFF  }
0x98: {  	s18 =	sld [smem:$0x3FDB];
	_ =	sdelay $0x1  }
0x99: {  	s19 =	simm.s32 $_scs_section_size  }
0x9a: {  	s4 =	simm.s32 $_size__tile_overlayer_lowered;
	s5 =	simm.s32 $_tile_overlayer_lowered  }
0x9b: {  	s22 =	simm.s32 $0x1BFF;
	s21 =	sshll.u32 s5, $0x1;
	s2 =	sadd.s32 s19, s18  }
0x9c: {  	s6 =	simm.s32 $0x0;
	s20 =	sshll.u32 s4, $0x1;
	s4 =	sadd.s32 s21, s2  }
0x9d: {  	[timem:s6], [sflag:s22] =	dma.local [hbm:s4], s20  }
0x9e: {  	_ =	swait.ge [sflag:s22], s20  }
0x9f: {  	s3 =	ssub.s32 $0x0, s20;
	[sflag:s22] =	ssyncset.done $0x0  }
0xa0: {  	[sflag:s22] =	ssyncadd.s32 s3;
	_ =	sdelay $0x1  }
0xa1: {  	s23 =	simm.s32 $0x1B8B  }
0xa2: {  	_ =	swait.ge [sflag:s23], $0x1  }
0xa3: {  	[sflag:s23] =	ssyncset.done $0x0  }
0xa4: {  	s25 =	simm.s32 $0x1B8E;
	s24 =	sld [smem:$0x3FFE];
	[sflag:s23] =	ssyncadd.s32 $0xFFFFFFFF  }
0xa5: {  	s26 =	simm.s32 $execute0_lowered;
	[smem:$0x3FD2] =	sst s25  }
0xa6: {  	s4 =	sshll.u32 s26, $0x1;
	_ =	strace $0x80000046;
	[dreg:$0x1] =	wrdreg $0xFFFFFFFF  }
0xa7: {  	s28 =	simm.s32 $_size_execute0_lowered;
	s2 =	sadd.s32 s2, s4;
	[dreg:$0x0] =	wrdreg $0x0  }
0xa8: {  	s4 =	sshll.u32 s28, $0x1;
	[dreg:$0x2] =	wrdreg s2  }
0xa9: {  	[dreg:$0x3] =	wrdreg s4  }
0xaa: {  	[dreg:$0x4] =	wrdreg $0xC0  }
0xab: {  	_ =	task [dreg:s6], $0x5FFFF  }
0xac: {  	[dreg:$0x1] =	wrdreg $0xFFFFFFFF  }
0xad: {  	[dreg:$0x0] =	wrdreg $0x60  }
0xae: {  	[dreg:$0x2] =	wrdreg s24  }
0xaf: {  	[dreg:$0x3] =	wrdreg $0x23000  }
0xb0: {  	[dreg:$0x4] =	wrdreg $0x23C00  }
0xb1: {  	[dreg:$0x5] =	wrdreg $0x9  }
0xb2: {  	_ =	task.clear_ibuf [dreg:s6], $0x6FFFF;
	_ =	strace $0x90000046  }
0xb3: {  	s29 =	simm.s32 $0x9;
	_ =	strace $0x80000048  }
0xb4: {  	_ =	swait.ge [sflag:s29], $0x1  }
0xb5: {  	[sflag:s29] =	ssyncadd.s32 $0xFFFFFFFF  }
0xb6: {  	_ =	strace $0x90000048  }
0xb7: {  	_ =	sfence  }
0xb8: {  	s30 =	sld [smem:$0x0];
	_ =	sdelay $0x2  }
0xb9: {  	s31 =	sshll.u32 s1, $0xD;
	s1 =	sshrl.u32 s1, $0x2  }
0xba: {  	s3 =	sand.u32 $0x4000, s31;
	s1 =	sadd.s32 s1, s30  }
0xbb: {  	s0 =	sor.u32 s3, s0;
	s1 =	sshll.u32 s1, $0x11  }
0xbc: {  	s0 =	sor.u32 s1, s0  }
0xbd: {  	s0 =	sadd.s32 $0x8F2B, s0  }
0xbe: {  	[sflag:s0] =	ssyncadd.remote.s32 $0x1  }
0xbf: {  	_ =	sfence.sel $0xFFFF  }
0xc0: {  	[dreg:$0x0] =	wrdreg $0xFFFFFFFF;
	(pc) =	sbr.abs _section_cstart, $3  }
0xc1: {  	[dreg:$0x1] =	wrdreg $0xFFFFFFFF  }
0xc2: {  	_ =	task.clear_ibuf [dreg:s6], $0x2FFFF;
	_ =	strace $0x9FFFFFFF  }
0xc3: {  	(tm) =	ssettm $0x7FFFFFFF  }
tec
execute0_lowered:
.L_overlay_start_1:
0x0: {  	(tag) =	ssettag $0x1  }
0x1: {  	s4 =	rddreg [dreg:$0x0]  }
0x2: {  	s19 =	stileid.u32;
	s1 =	rddreg [dreg:$0x1]  }
0x3: {  	s0 =	srdreg.scid;
	s2 =	rddreg [dreg:$0x2]  }
0x4: {  	s3 =	simm.s32 $0x0;
	s6 =	sand.u32 $0x1, s0;
	s0 =	rddreg [dreg:$0x3]  }
0x5: {  	s5 =	smul.u32 $0x600, s19;
	[smem:$0x7FF] =	sst s3;
	s28 =	sshrl.u32 s19, $0x3  }
0x6: {  	s9 =	sshll.u32 s19, $0x7;
	p0 =	sne.s32 s19, $0x0;
	s7 =	smul.u32 $0x6000, s6  }
0x7: {  	_ =	strace $0x80000047;
	s10 =	smul.u32 $0x1800, s6;
	s11 =	sshll.u32 s6, $0xB  }
0x8: {  	s12 =	sshll.u32 s28, $0xA;
	s13 =	smul.u32 $0xC00, s28;
	s9 =	sand.u32 $0x380, s9  }
0x9: {  	v23 =	vimm.s32 $0x80;
	vm1 =	vcmask $0x300;
	s29 =	sshll.u32 s6, $0x4;
	s6 =	ssub.s32 $0x2, s6;
	s8 =	sshrl.u32 s5, $0x3  }
0xa: {  	v23 =	vsel vm1, $0x0, v23;
	vm1 =	vcmask $0x704;
	s11 =	sor.u32 s11, s12;
	s10 =	sadd.s32 s10, s13;
	s13 =	smul.u32 $0x140, s19  }
0xb: {  	v19 =	vsel vm1, $0x40, v23;
	s12 =	sadd.s32 s29, s4;
	s30 =	sshrl.u32 s6, $0x1;
	s5 =	sadd.s32 s5, s7  }
0xc: {  	v0 =	vlaneseq.u32;
	[tilespmem:$0x1FFC0] =	vst v19;
	s26 =	sadd.s32 s8, s4;
	s11 =	sor.u32 s9, s11;
	s14 =	ssub.s32 s6, s30;
	v1 =	vmov s13  }
0xd: {  	s6 =	sadd.s32 $0x3A00, s12;
	s7 =	sadd.s32 $0x3C00, s12;
	s22 =	sadd.s32 $0x80, s13;
	v16 =	vor.u32 s13, v0;
	[tilespmem:$0x1FEE0] =	vst v1  }
0xe: {  	s8 =	sshll.u32 s28, $0xB;
	s12 =	simm.s32 $0x1;
	s23 =	sadd.s32 $0x90, s13;
	v52 =	vor.u32 s22, v0;
	[tilespmem:$0x1FFD0] =	vst v16  }
0xf: {  	s19 =	simm.s32 $0x400;
	s5 =	sshrl.u32 s5, $0x3;
	s24 =	sadd.s32 $0xA0, s13;
	v53 =	vor.u32 s23, v0;
	[tilespmem:$0x1FEF0] =	vst v52  }
0x10: {  	s11 =	sshrl.u32 s11, $0x3;
	s10 =	sor.u32 s9, s10;
	s25 =	sadd.s32 $0xF0, s13;
	v54 =	vor.u32 s24, v0;
	[tilespmem:$0x1FF00] =	vst v53  }
0x11: {  	s8 =	sadd.s32 s8, s1;
	s5 =	sadd.s32 s5, s4;
	s28 =	sadd.s32 $0x110, s13;
	v59 =	vor.u32 s25, v0;
	[tilespmem:$0x1FF10] =	vst v54  }
0x12: {  	s11 =	sadd.s32 s11, s4;
	s10 =	sshrl.u32 s10, $0x3;
	s29 =	sadd.s32 $0x120, s13;
	v61 =	vor.u32 s28, v0;
	[tilespmem:$0x1FF60] =	vst v59  }
0x13: {  	s31 =	sor.u32 $0x10, s13;
	s15 =	sor.u32 $0x20, s13;
	s20 =	sadd.s32 $0x60, s13;
	v62 =	vor.u32 s29, v0;
	[tilespmem:$0x1FF80] =	vst v61  }
0x14: {  	s16 =	sor.u32 $0x30, s13;
	s17 =	sadd.s32 $0x40, s13;
	s21 =	sadd.s32 $0x70, s13;
	v17 =	vor.u32 s20, v0;
	[tilespmem:$0x1FF90] =	vst v62  }
0x15: {  	s18 =	sadd.s32 $0x50, s13;
	s30 =	sadd.s32 $0x130, s13;
	v7 =	vor.u32 s15, v0;
	s15 =	sadd.s32 $0xB0, s13;
	v18 =	vor.u32 s21, v0;
	[tilespmem:$0x1FFE0] =	vst v17  }
0x16: {  	s8 =	sadd.s32 s9, s8;
	s10 =	sadd.s32 s10, s4;
	v8 =	vor.u32 s16, v0;
	s16 =	sadd.s32 $0xC0, s13;
	v55 =	vor.u32 s15, v0;
	[tilespmem:$0x1FFF0] =	vst v18  }
0x17: {  	s4 =	sadd.s32 $0x1600, s26;
	s5 =	sadd.s32 $0x2200, s5;
	v6 =	vor.u32 s31, v0;
	s31 =	sadd.s32 $0xD0, s13;
	v56 =	vor.u32 s16, v0;
	[tilespmem:$0x1FF20] =	vst v55  }
0x18: {  	v10 =	vor.u32 s18, v0;
	s18 =	sadd.s32 $0xE0, s13;
	s26 =	sadd.s32 $0x100, s13;
	s9 =	sadd.s32 $0x4400, s11;
	v57 =	vor.u32 s31, v0;
	[tilespmem:$0x1FF30] =	vst v56  }
.Ltmp0:
0x19: {  	s11 =	smax.u32 s14, $0x1;
	s14 =	simm.s32 $0x80;
	v58 =	vor.u32 s18, v0;
	[tilespmem:$0x1FF40] =	vst v57;
	(pc) =	sbr.rel .LBB2_1-.Ltmp0, $4  }
0x1a: {  	v9 =	vor.u32 s17, v0;
	s17 =	simm.s32 $0xE80;
	s20 =	simm.s32 $0x1180;
	s21 =	simm.s32 $0x2180;
	v60 =	vor.u32 s26, v0;
	[tilespmem:$0x1FF50] =	vst v58  }
0x1b: {  	s22 =	simm.s32 $0xF00;
	s23 =	simm.s32 $0x2200;
	s31 =	sadd.s32 $0x140, s13;
	v0 =	vor.u32 s30, v0;
	[tilespmem:$0x1FF70] =	vst v60  }
0x1c: {  	s24 =	simm.s32 $0x0;
	s10 =	sadd.s32 $0x3E00, s10;
	s13 =	simm.s32 $0x780;
	[tilespmem:$0x1FFA0] =	vst v0;
	v63 =	vmov s31  }
0x1d: {  	vm0 =	vmmov $0x1;
	s15 =	simm.s32 $0x100;
	s16 =	simm.s32 $0xD80;
	s18 =	simm.s32 $0x1080;
	[tilespmem:$0x1FFB0] =	vst v63  }
.LBB2_5:
0x1e: {  	[bflag:$0x0] =	sbarrier.arrive $0xFFFF  }
0x1f: {  	[tilespmem:s21], [sflag:$0x1] =	stream.linear.gather [spmem:s2], $0x80, $0x38;
	[tilespmem:$0x23C8] =	vst v63  }
0x20: {  	_ =	swait.ge [sflag:s12], $0x80  }
0x21: {  	[sflag:s12] =	ssyncset.done $0x0  }
0x22: {  	[sflag:s12] =	ssyncadd.s32 $0xFFFFFF80  }
0x23: {  	v0 =	vld [tilespmem:$0x2180];
	_ =	sdelay $0x1  }
0x24: {  	v2 =	vld [tilespmem:$0x1FEE0]  }
0x25: {  	v3 =	vld [tilespmem:$0x1FFB0]  }
0x26: {  	v1 =	vld [tilespmem:$0xE80]  }
0x27: {  	v0 =	vtrunc.f32 v0  }
0x28: {  	v0 =	vcvt.f32.s32 v0;
	_ =	sdelay $0x1  }
0x29: {  	vm2 =	vge.s32 v0, v2;
	vm3 =	vgt.s32 v3, v0;
	v0 =	vsub.s32 v0, v2  }
0x2a: {  	vm2 =	vmand vm2, vm3;
	vm3 =	vgt.f32 v1, $5.000000000e-01;
	vm4 =	vgt.s32 v0, $0x0  }
0x2b: {  	vm2 =	vmand vm3, vm2;
	v0 =	vnsel vm4, $0x0, v0  }
0x2c: {  	v0 =	vmin.u32 v0, $0x13F;
	_ =	sdelay $0x3  }
0x2d: {  	v4 =	vimm.f32 $1.000000000e+00  }
0x2e: {  	[tilespmem:v0+s22+$0x0] =	vst.idx.msk vm2, v4  }
0x2f: {  	v0 =	vld [tilespmem:$0x2190];
	_ =	sdelay $0x3  }
0x30: {  	v57 =	vld [tilespmem:$0xE90]  }
0x31: {  	v0 =	vtrunc.f32 v0  }
0x32: {  	v0 =	vcvt.f32.s32 v0;
	_ =	sdelay $0x1  }
0x33: {  	vm2 =	vge.s32 v0, v2;
	vm3 =	vgt.s32 v3, v0;
	v0 =	vsub.s32 v0, v2  }
0x34: {  	vm2 =	vmand vm2, vm3;
	vm3 =	vgt.f32 v57, $5.000000000e-01;
	vm13 =	vgt.s32 v0, $0x0  }
0x35: {  	vm2 =	vmand vm3, vm2;
	v0 =	vnsel vm13, $0x0, v0  }
0x36: {  	v0 =	vmin.u32 v0, $0x13F;
	_ =	sdelay $0x4  }
0x37: {  	[tilespmem:v0+s22+$0x0] =	vst.idx.msk vm2, v4  }
0x38: {  	v0 =	vld [tilespmem:$0x21A0];
	_ =	sdelay $0x3  }
0x39: {  	v58 =	vld [tilespmem:$0xEA0]  }
0x3a: {  	v0 =	vtrunc.f32 v0  }
0x3b: {  	v0 =	vcvt.f32.s32 v0;
	_ =	sdelay $0x1  }
0x3c: {  	vm2 =	vge.s32 v0, v2;
	vm3 =	vgt.s32 v3, v0;
	v0 =	vsub.s32 v0, v2  }
0x3d: {  	vm2 =	vmand vm2, vm3;
	vm3 =	vgt.f32 v58, $5.000000000e-01;
	vm14 =	vgt.s32 v0, $0x0  }
0x3e: {  	vm2 =	vmand vm3, vm2;
	v0 =	vnsel vm14, $0x0, v0  }
0x3f: {  	v0 =	vmin.u32 v0, $0x13F;
	_ =	sdelay $0x4  }
0x40: {  	[tilespmem:v0+s22+$0x0] =	vst.idx.msk vm2, v4  }
0x41: {  	v0 =	vld [tilespmem:$0x21B0];
	_ =	sdelay $0x3  }
0x42: {  	v59 =	vld [tilespmem:$0xEB0]  }
0x43: {  	v0 =	vtrunc.f32 v0  }
0x44: {  	v0 =	vcvt.f32.s32 v0;
	_ =	sdelay $0x1  }
0x45: {  	vm2 =	vge.s32 v0, v2;
	vm3 =	vgt.s32 v3, v0;
	v0 =	vsub.s32 v0, v2  }
0x46: {  	vm15 =	vgt.f32 v59, $5.000000000e-01;
	vm2 =	vmand vm2, vm3;
	vm3 =	vgt.s32 v0, $0x0  }
0x47: {  	vm2 =	vmand vm15, vm2;
	v0 =	vnsel vm3, $0x0, v0  }
0x48: {  	v0 =	vmin.u32 v0, $0x13F;
	_ =	sdelay $0x3  }
0x49: {  	v60 =	vbroadcast v27, $0xF  }
0x4a: {  	[tilespmem:v0+s22+$0x0] =	vst.idx.msk vm2, v4  }
0x4b: {  	v62 =	vbroadcast v26, $0xF;
	v61 =	vnsel vm0, $0x0, v60;
	v63 =	vld [tilespmem:$0x2280]  }
0x4c: {  	v0 =	vadd.f32 $0.0e+00, v61  }
0x4d: {  	v1 =	vnsel vm1, $0x0, v62  }
0x4e: {  	v0 =	vadd.f32 v1, v0;
	_ =	sdelay $0x1  }
0x4f: {  	v0 =	vadd.f32 v63, v0;
	_ =	sdelay $0x1  }
0x50: {  	[tilespmem:$0x2200] =	vst v0  }
0x51: {  	[hbm4b:s9+s3] =	stream.linear.scatter [tilespmem:s23], [sflag:$0x1], $0x80, $0x38;
	[tilespmem:$0x23C8] =	vst v63  }
0x52: {  	s24 =	sadd.s32 $0x1, s24;
	_ =	swait.ge [sflag:s12], $0x80  }
0x53: {  	p1 =	sne.s32 s24, s11;
	[sflag:s12] =	ssyncset.done $0x0  }
.Ltmp1:
0x54: {  	[sflag:s12] =	ssyncadd.s32 $0xFFFFFF80;
	(pc) =	sbr.rel @!p1 .LBB2_6-.Ltmp1, $4  }
0x55: {  	[hbm4b:s10+s14] =	stream.strided.scatter [tilespmem:s22], [sflag:$0x1], $0x180, s19, s14, $0x38;
	[tilespmem:$0x23C8] =	vst v63  }
0x56: {  	_ =	swait.ge [sflag:s12], $0x180  }
0x57: {  	[sflag:s12] =	ssyncset.done $0x0  }
0x58: {  	[sflag:s12] =	ssyncadd.s32 $0xFFFFFE80  }
.LBB2_1:
0x59: {  	[tilespmem:s3], [sflag:$0x1] =	stream.linear.gather [hbm4b:s4+s3], $0x600, $0x38;
	[tilespmem:$0x23C8] =	vst v63  }
0x5a: {  	_ =	swait.ge [sflag:s12], $0x600  }
0x5b: {  	[sflag:s12] =	ssyncset.done $0x0  }
0x5c: {  	[sflag:s12] =	ssyncadd.s32 $0xFFFFFA00  }
0x5d: {  	[tilespmem:s13], [sflag:$0x1] =	stream.linear.gather [hbm4b:s5+s3], $0x600, $0x38;
	[tilespmem:$0x23C8] =	vst v63  }
0x5e: {  	_ =	swait.ge [sflag:s12], $0x600  }
0x5f: {  	[sflag:s12] =	ssyncset.done $0x0  }
0x60: {  	[sflag:s12] =	ssyncadd.s32 $0xFFFFFA00  }
0x61: {  	[tilespmem:s16], [sflag:$0x1] =	stream.strided.gather [hbm4b:s6+s14], $0x100, s15, s14, $0x38;
	[tilespmem:$0x23C8] =	vst v63  }
0x62: {  	_ =	swait.ge [sflag:s12], $0x100  }
0x63: {  	[sflag:s12] =	ssyncset.done $0x0  }
0x64: {  	[sflag:s12] =	ssyncadd.s32 $0xFFFFFF00  }
0x65: {  	[tilespmem:s17], [sflag:$0x1] =	stream.linear.gather [hbm4b:s7+s3], $0x80, $0x38;
	[tilespmem:$0x23C8] =	vst v63  }
0x66: {  	_ =	swait.ge [sflag:s12], $0x80  }
0x67: {  	[sflag:s12] =	ssyncset.done $0x0  }
0x68: {  	[sflag:s12] =	ssyncadd.s32 $0xFFFFFF80  }
0x69: {  	v25 =	vld [tilespmem:$0x0]  }
0x6a: {  	v26 =	vld [tilespmem:$0x80]  }
0x6b: {  	v27 =	vld [tilespmem:$0x100]  }
0x6c: {  	v28 =	vld [tilespmem:$0x180]  }
0x6d: {  	v29 =	vld [tilespmem:$0x10]  }
0x6e: {  	v30 =	vld [tilespmem:$0x90]  }
0x6f: {  	v31 =	vld [tilespmem:$0x110]  }
0x70: {  	v32 =	vld [tilespmem:$0x190]  }
0x71: {  	v33 =	vld [tilespmem:$0x20]  }
0x72: {  	v34 =	vld [tilespmem:$0xA0]  }
0x73: {  	v35 =	vld [tilespmem:$0x120]  }
0x74: {  	v36 =	vld [tilespmem:$0x1A0]  }
0x75: {  	v37 =	vld [tilespmem:$0x30]  }
0x76: {  	v38 =	vld [tilespmem:$0xB0]  }
0x77: {  	v39 =	vld [tilespmem:$0x130]  }
0x78: {  	v40 =	vld [tilespmem:$0x1B0]  }
0x79: {  	v41 =	vld [tilespmem:$0x40]  }
0x7a: {  	v42 =	vld [tilespmem:$0xC0]  }
0x7b: {  	v43 =	vld [tilespmem:$0x140]  }
0x7c: {  	v44 =	vld [tilespmem:$0x1C0]  }
0x7d: {  	v45 =	vld [tilespmem:$0x50]  }
0x7e: {  	v46 =	vld [tilespmem:$0xD0]  }
0x7f: {  	v47 =	vld [tilespmem:$0x150]  }
0x80: {  	v48 =	vld [tilespmem:$0x1D0]  }
0x81: {  	v49 =	vld [tilespmem:$0x60]  }
0x82: {  	v50 =	vld [tilespmem:$0xE0]  }
0x83: {  	v51 =	vld [tilespmem:$0x160]  }
0x84: {  	v52 =	vld [tilespmem:$0x1E0]  }
0x85: {  	v53 =	vld [tilespmem:$0x70]  }
0x86: {  	v54 =	vld [tilespmem:$0xF0]  }
0x87: {  	v55 =	vld [tilespmem:$0x170]  }
0x88: {  	v56 =	vld [tilespmem:$0x1F0]  }
0x89: {  	v57 =	vld [tilespmem:$0x200]  }
0x8a: {  	v58 =	vld [tilespmem:$0x280]  }
0x8b: {  	v59 =	vld [tilespmem:$0x300]  }
0x8c: {  	v60 =	vld [tilespmem:$0x380]  }
0x8d: {  	v61 =	vld [tilespmem:$0x210]  }
0x8e: {  	v62 =	vld [tilespmem:$0x290]  }
0x8f: {  	v63 =	vld [tilespmem:$0x310]  }
0x90: {  	v22 =	vld [tilespmem:$0x390]  }
0x91: {  	v4 =	vld [tilespmem:$0x220]  }
0x92: {  	v24 =	vld [tilespmem:$0x2A0]  }
0x93: {  	v0 =	vld [tilespmem:$0x320]  }
0x94: {  	v1 =	vld [tilespmem:$0x3A0]  }
0x95: {  	v2 =	vld [tilespmem:$0x230]  }
0x96: {  	v3 =	vld [tilespmem:$0x2B0]  }
0x97: {  	v5 =	vld [tilespmem:$0x330]  }
0x98: {  	v11 =	vimm.f32 $0.0e+00;
	v25 =	vsub.f32 v27, v25;
	v27 =	vld [tilespmem:$0x3B0]  }
0x99: {  	[tilespmem:$0xF00] =	vst v11;
	v14 =	vsub.f32 v32, v30;
	v30 =	vld [tilespmem:$0x240]  }
0x9a: {  	[tilespmem:$0xF10] =	vst v11;
	v32 =	vld [tilespmem:$0x2C0]  }
0x9b: {  	[tilespmem:$0xF20] =	vst v11;
	v36 =	vsub.f32 v36, v34;
	v34 =	vld [tilespmem:$0x340]  }
0x9c: {  	[tilespmem:$0xF30] =	vst v11;
	v48 =	vsub.f32 v48, v46;
	v46 =	vld [tilespmem:$0x3D0]  }
0x9d: {  	[tilespmem:$0xF40] =	vst v11;
	v0 =	vsub.f32 v0, v4;
	v4 =	vld [tilespmem:$0x2E0]  }
0x9e: {  	[tilespmem:$0xF50] =	vst v11;
	v26 =	vsub.f32 v28, v26;
	v2 =	vsub.f32 v5, v2;
	v5 =	vld [tilespmem:$0x360]  }
0x9f: {  	[tilespmem:$0xF60] =	vst v11;
	v13 =	vsub.f32 v31, v29;
	v12 =	vsub.f32 v52, v50;
	v50 =	vld [tilespmem:$0x3E0]  }
0xa0: {  	[tilespmem:$0xF70] =	vst v11;
	v39 =	vsub.f32 v39, v37;
	v40 =	vsub.f32 v40, v38;
	v52 =	vld [tilespmem:$0x2F0]  }
0xa1: {  	[tilespmem:$0xF80] =	vst v11;
	v47 =	vsub.f32 v47, v45;
	v45 =	vsub.f32 v60, v58;
	v60 =	vld [tilespmem:$0x5B0]  }
0xa2: {  	[tilespmem:$0xF90] =	vst v11;
	v22 =	vsub.f32 v22, v62;
	v25 =	vmul.f32 v26, v25;
	v26 =	vsub.f32 v35, v33;
	v35 =	vld [tilespmem:$0x3C0]  }
0xa3: {  	[tilespmem:$0xFA0] =	vst v11;
	v1 =	vsub.f32 v1, v24;
	v28 =	vmul.f32 v14, v13;
	v13 =	vld [tilespmem:$0x2D0];
	v14 =	vmul.f32 v48, v47  }
0xa4: {  	v48 =	vsub.f32 v63, v61;
	[tilespmem:$0x600] =	vst v25;
	v25 =	vmul.f32 v36, v26;
	v26 =	vsub.f32 v43, v41;
	v36 =	vld [tilespmem:$0x250]  }
0xa5: {  	[tilespmem:$0xFB0] =	vst v11;
	v43 =	vsub.f32 v44, v42;
	v42 =	vsub.f32 v55, v53;
	v53 =	vld [tilespmem:$0x370]  }
0xa6: {  	[tilespmem:$0xFC0] =	vst v11;
	v44 =	vmul.f32 v40, v39;
	v55 =	vld [tilespmem:$0x510]  }
0xa7: {  	v0 =	vmul.f32 v1, v0;
	v22 =	vmul.f32 v22, v48;
	v1 =	vsub.f32 v50, v4;
	v4 =	vld [tilespmem:$0x490];
	[tilespmem:$0x620] =	vst v25  }
0xa8: {  	v25 =	vmul.f32 v43, v26;
	v26 =	vsub.f32 v51, v49;
	[tilespmem:$0x630] =	vst v44;
	v44 =	vld [tilespmem:$0x350]  }
0xa9: {  	v49 =	vld [tilespmem:$0x260];
	[tilespmem:$0x690] =	vst v22;
	v22 =	vsub.f32 v34, v30;
	v24 =	vsub.f32 v35, v32  }
0xaa: {  	v51 =	vld [tilespmem:$0x270];
	[tilespmem:$0x640] =	vst v25;
	v25 =	vmul.f32 v12, v26;
	v26 =	vsub.f32 v59, v57  }
0xab: {  	[tilespmem:$0xFD0] =	vst v11;
	v43 =	vsub.f32 v56, v54;
	v54 =	vld [tilespmem:$0x400];
	v22 =	vmul.f32 v24, v22  }
0xac: {  	v3 =	vsub.f32 v27, v3;
	v24 =	vld [tilespmem:$0x480];
	[tilespmem:$0x660] =	vst v25;
	v25 =	vmul.f32 v45, v26  }
0xad: {  	v27 =	vsub.f32 v46, v13;
	v26 =	vsub.f32 v44, v36;
	[tilespmem:$0x6C0] =	vst v22;
	v22 =	vld [tilespmem:$0x580]  }
0xae: {  	v5 =	vsub.f32 v5, v49;
	[tilespmem:$0x680] =	vst v25;
	v25 =	vld [tilespmem:$0x3F0]  }
0xaf: {  	[tilespmem:$0xFE0] =	vst v11;
	v26 =	vmul.f32 v27, v26;
	v27 =	vld [tilespmem:$0x500]  }
0xb0: {  	[tilespmem:$0xFF0] =	vst v11;
	v1 =	vmul.f32 v1, v5;
	v5 =	vld [tilespmem:$0x590]  }
0xb1: {  	[tilespmem:$0x6D0] =	vst v26;
	v26 =	vld [tilespmem:$0x410]  }
0xb2: {  	[tilespmem:$0x1000] =	vst v11;
	v56 =	vld [tilespmem:$0x420];
	v2 =	vmul.f32 v3, v2  }
0xb3: {  	[tilespmem:$0x1010] =	vst v11;
	v57 =	vld [tilespmem:$0x4A0]  }
0xb4: {  	v59 =	vld [tilespmem:$0x530];
	[tilespmem:$0x6B0] =	vst v2;
	v2 =	vsub.f32 v53, v51;
	v22 =	vsub.f32 v22, v24  }
0xb5: {  	[tilespmem:$0x6A0] =	vst v0;
	v24 =	vld [tilespmem:$0x520];
	v0 =	vsub.f32 v25, v52;
	v58 =	vsub.f32 v27, v54  }
0xb6: {  	[tilespmem:$0x1020] =	vst v11;
	v4 =	vsub.f32 v5, v4;
	v5 =	vld [tilespmem:$0x5A0];
	v3 =	vsub.f32 v55, v26  }
0xb7: {  	[tilespmem:$0x1030] =	vst v11;
	v0 =	vmul.f32 v0, v2;
	v2 =	vmul.f32 v22, v58;
	v22 =	vld [tilespmem:$0x430]  }
0xb8: {  	[tilespmem:$0x2280] =	vst v11;
	v3 =	vmul.f32 v4, v3;
	v4 =	vld [tilespmem:$0x4B0]  }
0xb9: {  	[tilespmem:$0x610] =	vst v28  }
0xba: {  	[tilespmem:$0x650] =	vst v14  }
0xbb: {  	v16 =	vld [tilespmem:$0x1FF40];
	v47 =	vmul.f32 v43, v42;
	[tilespmem:$0x6E0] =	vst v1  }
0xbc: {  	v17 =	vld [tilespmem:$0x1FF50];
	[tilespmem:$0x6F0] =	vst v0;
	v1 =	vsub.f32 v24, v56;
	v0 =	vsub.f32 v5, v57  }
0xbd: {  	v18 =	vld [tilespmem:$0x1FF60];
	[tilespmem:$0x670] =	vst v47;
	v61 =	vsub.f32 v59, v22;
	v62 =	vsub.f32 v60, v4  }
0xbe: {  	v20 =	vld [tilespmem:$0x1FF70];
	[tilespmem:$0x700] =	vst v2;
	v0 =	vmul.f32 v0, v1  }
0xbf: {  	v21 =	vld [tilespmem:$0x1FF80];
	[tilespmem:$0x710] =	vst v3;
	v63 =	vmul.f32 v62, v61  }
0xc0: {  	v23 =	vld [tilespmem:$0x1FF90];
	[tilespmem:$0x720] =	vst v0  }
0xc1: {  	s25 =	simm.s32 $0x0;
	v19 =	vld [tilespmem:$0x1FFA0];
	v32 =	vimm.f32 $0.0e+00;
	v25 =	vimm.f32 $0.0e+00;
	[tilespmem:$0x730] =	vst v63  }
.LBB2_2:
0xc2: {  	v5 =	vld [tilespmem:$0x0]  }
0xc3: {  	v22 =	vld [tilespmem:$0x80]  }
0xc4: {  	v24 =	vld [tilespmem:$0x100]  }
0xc5: {  	v31 =	vld [tilespmem:$0x180]  }
0xc6: {  	v40 =	vld [tilespmem:$0x600]  }
0xc7: {  	v41 =	vld [tilespmem:$0x90]  }
0xc8: {  	v42 =	vld [tilespmem:$0x190]  }
0xc9: {  	v0 =	vmov s25;
	v45 =	vld [tilespmem:$0x120]  }
0xca: {  	v33 =	vld [tilespmem:$0x880];
	v2 =	vor.u32 $0x80, v0  }
0xcb: {  	v34 =	vld [tilespmem:$0x900];
	v3 =	vor.u32 $0xC0, v0  }
0xcc: {  	v36 =	vld [tilespmem:$0x790]  }
0xcd: {  	v47 =	vld [tilespmem:$0x620];
	v1 =	vor.u32 $0x40, v0  }
0xce: {  	v37 =	vld [tilespmem:$0x810]  }
0xcf: {  	v2 =	vld.idx.msk [tilespmem:v2+s16+$0x0], $0xffff  }
0xd0: {  	v3 =	vld.idx.msk [tilespmem:v3+s16+$0x0], $0xffff  }
0xd1: {  	v4 =	vld.idx.msk [tilespmem:v0+s16+$0x0], $0xffff  }
0xd2: {  	v1 =	vld.idx.msk [tilespmem:v1+s16+$0x0], $0xffff  }
0xd3: {  	v50 =	vld [tilespmem:$0x910]  }
0xd4: {  	v53 =	vld [tilespmem:$0x7A0];
	v26 =	vmul.f32 $5.000000000e-01, v2  }
0xd5: {  	v56 =	vld [tilespmem:$0x30];
	v27 =	vmul.f32 $5.000000000e-01, v3  }
0xd6: {  	v39 =	vld [tilespmem:$0x130];
	v35 =	vmul.f32 v3, v2;
	v30 =	vsub.f32 v4, v26;
	v28 =	vadd.f32 v26, v4  }
0xd7: {  	v60 =	vld [tilespmem:$0x1C0];
	v29 =	vsub.f32 v1, v27;
	v27 =	vadd.f32 v27, v1  }
0xd8: {  	v1 =	vadd.f32 v40, v35;
	v40 =	vld [tilespmem:$0x1B0]  }
0xd9: {  	v4 =	vmin.f32 v24, v28;
	v24 =	vld [tilespmem:$0x10];
	v5 =	vmax.f32 v5, v30;
	v26 =	vmin.f32 v31, v27  }
0xda: {  	v22 =	vmax.f32 v22, v29;
	v2 =	vmin.f32 v42, v27;
	v48 =	vsub.f32 v33, v28;
	v42 =	vld [tilespmem:$0x630]  }
0xdb: {  	v4 =	vsub.f32 v4, v5;
	v5 =	vsub.f32 v26, v22;
	v22 =	vld [tilespmem:$0x110]  }
0xdc: {  	v49 =	vsub.f32 v34, v27;
	v52 =	vsub.f32 v37, v29;
	v37 =	vmax.f32 v56, v30;
	v56 =	vld [tilespmem:$0x8C0]  }
0xdd: {  	v31 =	vmax.f32 v41, v29;
	v34 =	vsub.f32 v50, v27;
	v33 =	vsub.f32 v53, v30;
	v26 =	vld [tilespmem:$0x800]  }
0xde: {  	v59 =	vmin.f32 v39, v28;
	v43 =	vmax.f32 v4, $0.0e+00;
	v4 =	vmax.f32 v5, $0.0e+00;
	v5 =	vld [tilespmem:$0x610]  }
0xdf: {  	v39 =	vmin.f32 v60, v27;
	v2 =	vsub.f32 v2, v31;
	v3 =	vmul.f32 v4, v43;
	v4 =	vld [tilespmem:$0x780]  }
0xe0: {  	v31 =	vmin.f32 v45, v28;
	v43 =	vld [tilespmem:$0x40];
	v24 =	vmax.f32 v24, v30;
	v22 =	vmin.f32 v22, v28  }
0xe1: {  	v51 =	vand.u32 $0x7FFFFFFF, v48;
	v1 =	vsub.f32 v1, v3;
	v44 =	vsub.f32 v22, v24;
	v22 =	vld [tilespmem:$0x20]  }
0xe2: {  	v34 =	vand.u32 $0x7FFFFFFF, v34;
	v33 =	vand.u32 $0x7FFFFFFF, v33;
	v2 =	vmax.f32 v2, $0.0e+00;
	v24 =	vld [tilespmem:$0xA0]  }
0xe3: {  	v61 =	vmin.f32 v40, v27;
	(erf) = vrcp.f32 v1;
	v46 =	vadd.f32 v5, v35;
	v5 =	vld [tilespmem:$0x1A0]  }
0xe4: {  	v55 =	vld [tilespmem:$0x8A0];
	v26 =	vsub.f32 v26, v29;
	v1 =	vmax.f32 v44, $0.0e+00;
	v4 =	vsub.f32 v4, v30  }
0xe5: {  	v57 =	vld [tilespmem:$0xB0];
	v48 =	vadd.f32 v42, v35;
	v42 =	vsub.f32 v56, v28;
	v1 =	vmul.f32 v2, v1  }
0xe6: {  	v26 =	vand.u32 $0x7FFFFFFF, v26;
	v44 =	vld [tilespmem:$0xC0];
	v43 =	vmax.f32 v43, v30;
	v4 =	vand.u32 $0x7FFFFFFF, v4  }
0xe7: {  	v63 =	vld [tilespmem:$0x830];
	v2 =	vsub.f32 v46, v1;
	v22 =	vmax.f32 v22, v30;
	v24 =	vmax.f32 v24, v29  }
0xe8: {  	v53 =	vld [tilespmem:$0x840];
	v4 =	vadd.f32 v26, v4;
	v5 =	vmin.f32 v5, v27;
	v22 =	vsub.f32 v31, v22  }
0xe9: {  	v26 =	vld.idx.msk [tilespmem:v0+s17+$0x0], $0xffff;
	v31 =	vand.u32 $0x7FFFFFFF, v52;
	(erf) = vrcp.f32 v2;
	v5 =	vsub.f32 v5, v24  }
0xea: {  	v24 =	vld [tilespmem:$0x890];
	v2 =	vadd.f32 v47, v35;
	v0 =	vadd.f32 v51, v4;
	v4 =	vand.u32 $0x7FFFFFFF, v49  }
0xeb: {  	v49 =	vld [tilespmem:$0x640];
	v44 =	vmax.f32 v44, v29;
	v22 =	vmax.f32 v22, $0.0e+00;
	v5 =	vmax.f32 v5, $0.0e+00  }
0xec: {  	v39 =	vsub.f32 v39, v44;
	v0 =	vadd.f32 v4, v0;
	v38 =	vpop (erf);
	v5 =	vmul.f32 v5, v22  }
0xed: {  	v54 =	vld [tilespmem:$0x820];
	v22 =	vsub.f32 v36, v30;
	v36 =	vsub.f32 v55, v28;
	v3 =	vmul.f32 v38, v3  }
0xee: {  	v11 =	vld [tilespmem:$0x1FFD0];
	v38 =	vmax.f32 v57, v29;
	v57 =	vsub.f32 v63, v29;
	v63 =	vsub.f32 v53, v29  }
0xef: {  	v2 =	vsub.f32 v2, v5;
	v22 =	vand.u32 $0x7FFFFFFF, v22;
	v24 =	vsub.f32 v24, v28  }
0xf0: {  	v58 =	vld [tilespmem:$0x140];
	v39 =	vmax.f32 v39, $0.0e+00;
	v55 =	vadd.f32 v49, v35;
	v4 =	vadd.f32 v31, v22  }
0xf1: {  	vm2 =	vgt.f32 v3, $5.000000000e-01;
	vm3 =	vgt.f32 v3, $-1.000000000e+00;
	(erf) = vrcp.f32 v2  }
0xf2: {  	v24 =	vand.u32 $0x7FFFFFFF, v24;
	v31 =	vnsel vm2, $0x0, v26;
	v2 =	vsub.f32 v54, v29  }
0xf3: {  	v56 =	vld [tilespmem:$0xE0];
	v3 =	vnsel vm3, $0xBF800000, v3;
	v41 =	vnsel vm3, $0x0, v11;
	v4 =	vadd.f32 v24, v4;
	v22 =	vpop (erf)  }
0xf4: {  	v51 =	vld [tilespmem:$0x7C0];
	v24 =	vmul.f32 v31, v0;
	v2 =	vand.u32 $0x7FFFFFFF, v2;
	v1 =	vmul.f32 v22, v1  }
0xf5: {  	v25 =	vadd.f32 v31, v25;
	v22 =	vld [tilespmem:$0x920];
	v2 =	vadd.f32 v2, v33;
	v33 =	vmin.f32 v58, v28  }
0xf6: {  	v4 =	vadd.f32 v34, v4;
	v43 =	vsub.f32 v33, v43;
	vm2 =	vgt.f32 v1, $5.000000000e-01  }
0xf7: {  	v0 =	vnsel vm3, $0x0, v0;
	v24 =	vadd.f32 v24, v32;
	v32 =	vnsel vm2, $0x0, v26  }
0xf8: {  	vm2 =	vgt.f32 v1, v3;
	v52 =	vmax.f32 v43, $0.0e+00;
	v34 =	vmul.f32 v32, v4  }
0xf9: {  	v45 =	vld [tilespmem:$0x8B0];
	v1 =	vsel vm2, v1, v3;
	v39 =	vmul.f32 v39, v52;
	v3 =	vsub.f32 v51, v30  }
0xfa: {  	v43 =	vmax.f32 v56, v29;
	v22 =	vsub.f32 v22, v27;
	v24 =	vadd.f32 v34, v24  }
0xfb: {  	v62 =	vld [tilespmem:$0x7B0];
	v0 =	vsel vm2, v4, v0;
	v34 =	vadd.f32 v32, v25;
	v25 =	vpop (erf);
	v4 =	vsub.f32 v55, v39  }
0xfc: {  	v50 =	vld [tilespmem:$0x930];
	v5 =	vmul.f32 v25, v5;
	v25 =	vand.u32 $0x7FFFFFFF, v36;
	v36 =	vsub.f32 v59, v37  }
0xfd: {  	v60 =	vld [tilespmem:$0x150];
	v41 =	vsel vm2, v6, v41;
	v2 =	vadd.f32 v25, v2;
	v25 =	vsub.f32 v61, v38  }
0xfe: {  	v58 =	vld [tilespmem:$0x50];
	v3 =	vand.u32 $0x7FFFFFFF, v3;
	v22 =	vand.u32 $0x7FFFFFFF, v22;
	v61 =	vsub.f32 v45, v28  }
0xff: {  	v56 =	vld [tilespmem:$0x860];
	vm3 =	vgt.f32 v5, $5.000000000e-01;
	v36 =	vmax.f32 v36, $0.0e+00;
	v25 =	vmax.f32 v25, $0.0e+00  }
0x100: {  	v46 =	vld [tilespmem:$0x1E0];
	vm2 =	vgt.f32 v5, v1;
	v2 =	vadd.f32 v22, v2;
	v25 =	vmul.f32 v25, v36  }
0x101: {  	v55 =	vld [tilespmem:$0x60];
	v1 =	vsel vm2, v5, v1;
	v5 =	vsel vm2, v7, v41;
	v41 =	vand.u32 $0x7FFFFFFF, v63  }
0x102: {  	v44 =	vmin.f32 v60, v28;
	v59 =	vld [tilespmem:$0xD0];
	v3 =	vadd.f32 v41, v3;
	v22 =	vsub.f32 v48, v25  }
0x103: {  	v38 =	vmax.f32 v58, v30;
	v36 =	vsub.f32 v50, v27;
	v50 =	vand.u32 $0x7FFFFFFF, v42;
	v48 =	vld [tilespmem:$0x650]  }
0x104: {  	v47 =	vsub.f32 v56, v29;
	v3 =	vadd.f32 v50, v3;
	v50 =	vld [tilespmem:$0x170];
	(erf) = vrcp.f32 v22  }
0x105: {  	v37 =	vand.u32 $0x7FFFFFFF, v57;
	v38 =	vsub.f32 v44, v38;
	v22 =	vsub.f32 v62, v30;
	v62 =	vld [tilespmem:$0x940]  }
0x106: {  	v33 =	vnsel vm3, $0x0, v26;
	v63 =	vmin.f32 v46, v27;
	(erf) = vrcp.f32 v4;
	v4 =	vld [tilespmem:$0x1D0]  }
0x107: {  	v12 =	vmovc v7;
	v7 =	vld [tilespmem:$0x3F0];
	v38 =	vmax.f32 v38, $0.0e+00;
	v41 =	vmax.f32 v55, v30;
	v22 =	vand.u32 $0x7FFFFFFF, v22  }
0x108: {  	v58 =	vld [tilespmem:$0x160];
	v54 =	vmul.f32 v33, v2;
	v40 =	vmax.f32 v59, v29;
	v22 =	vadd.f32 v37, v22  }
0x109: {  	v0 =	vsel vm2, v2, v0;
	v37 =	vand.u32 $0x7FFFFFFF, v61;
	v53 =	vadd.f32 v48, v35;
	v48 =	vld [tilespmem:$0xF0]  }
0x10a: {  	v42 =	vmin.f32 v50, v28;
	v50 =	vld [tilespmem:$0x220];
	v22 =	vadd.f32 v37, v22;
	v37 =	vsub.f32 v62, v27  }
0x10b: {  	v36 =	vand.u32 $0x7FFFFFFF, v36;
	v24 =	vadd.f32 v54, v24;
	v62 =	vld [tilespmem:$0x70];
	v4 =	vmin.f32 v4, v27  }
0x10c: {  	v7 =	vmin.f32 v7, v27;
	v4 =	vsub.f32 v4, v40;
	v37 =	vand.u32 $0x7FFFFFFF, v37  }
0x10d: {  	v51 =	vld [tilespmem:$0x7D0];
	v61 =	vmin.f32 v58, v28;
	v22 =	vadd.f32 v36, v22;
	v3 =	vadd.f32 v37, v3;
	v49 =	vpop (erf)  }
0x10e: {  	v59 =	vld [tilespmem:$0x8D0];
	v45 =	vmax.f32 v48, v29;
	v4 =	vmax.f32 v4, $0.0e+00;
	v25 =	vmul.f32 v49, v25  }
0x10f: {  	v54 =	vld [tilespmem:$0x850];
	v50 =	vmax.f32 v50, v30;
	v52 =	vpop (erf);
	v4 =	vmul.f32 v4, v38;
	v49 =	vsub.f32 v63, v43  }
0x110: {  	v48 =	vld [tilespmem:$0x380];
	v40 =	vmax.f32 v62, v30;
	v39 =	vmul.f32 v52, v39;
	vm3 =	vgt.f32 v25, $5.000000000e-01  }
0x111: {  	v62 =	vld [tilespmem:$0x280];
	v38 =	vsub.f32 v53, v4;
	vm4 =	vgt.f32 v25, v1;
	v36 =	vnsel vm3, $0x0, v26  }
0x112: {  	v52 =	vld [tilespmem:$0x1F0];
	v53 =	vmax.f32 v49, $0.0e+00;
	vm3 =	vgt.f32 v39, $5.000000000e-01;
	v57 =	vmul.f32 v36, v22  }
0x113: {  	v63 =	vld [tilespmem:$0x300];
	v1 =	vsel vm4, v25, v1;
	v60 =	vsel vm4, v8, v5;
	v37 =	vnsel vm3, $0x0, v26  }
0x114: {  	v5 =	vld [tilespmem:$0x950];
	(erf) = vrcp.f32 v38;
	v25 =	vmul.f32 v37, v3;
	v24 =	vadd.f32 v57, v24  }
0x115: {  	v13 =	vmovc v8;
	v0 =	vsel vm4, v22, v0;
	v56 =	vmin.f32 v48, v27;
	v8 =	vld [tilespmem:$0x410];
	vm2 =	vgt.f32 v39, v1  }
0x116: {  	v22 =	vld [tilespmem:$0x660];
	v1 =	vsel vm2, v39, v1;
	v2 =	vsel vm2, v9, v60;
	v38 =	vadd.f32 v25, v24  }
0x117: {  	v14 =	vmovc v9;
	v9 =	vld [tilespmem:$0x490];
	v44 =	vmin.f32 v52, v27;
	v24 =	vsub.f32 v51, v30;
	v25 =	vsub.f32 v54, v29  }
0x118: {  	v39 =	vsub.f32 v61, v41;
	v0 =	vsel vm2, v3, v0;
	v60 =	vsub.f32 v44, v45;
	v54 =	vld [tilespmem:$0x7E0]  }
0x119: {  	v51 =	vsub.f32 v59, v28;
	v59 =	vld [tilespmem:$0x960];
	v24 =	vand.u32 $0x7FFFFFFF, v24;
	v25 =	vand.u32 $0x7FFFFFFF, v25  }
0x11a: {  	v5 =	vsub.f32 v5, v27;
	v24 =	vadd.f32 v25, v24;
	v25 =	vmax.f32 v39, $0.0e+00  }
0x11b: {  	v58 =	vld [tilespmem:$0x670];
	v44 =	vmax.f32 v62, v29;
	v22 =	vadd.f32 v22, v35;
	v25 =	vmul.f32 v53, v25  }
0x11c: {  	v8 =	vmax.f32 v8, v30;
	v43 =	vand.u32 $0x7FFFFFFF, v51;
	v5 =	vand.u32 $0x7FFFFFFF, v5  }
0x11d: {  	v61 =	vld [tilespmem:$0x200];
	v9 =	vmax.f32 v9, v29;
	v55 =	vpop (erf);
	v41 =	vsub.f32 v54, v30;
	v22 =	vsub.f32 v22, v25  }
0x11e: {  	v49 =	vld [tilespmem:$0xB00];
	v53 =	vsub.f32 v59, v27;
	v54 =	vmin.f32 v63, v28;
	v57 =	vmul.f32 v55, v4  }
0x11f: {  	v4 =	vadd.f32 v43, v24;
	v24 =	vld [tilespmem:$0x8E0];
	(erf) = vrcp.f32 v22;
	v22 =	vsub.f32 v42, v40  }
0x120: {  	v59 =	vsub.f32 v56, v44;
	v43 =	vadd.f32 v58, v35;
	v55 =	vld [tilespmem:$0x870];
	v52 =	vand.u32 $0x7FFFFFFF, v41  }
0x121: {  	v58 =	vld [tilespmem:$0x8F0];
	v41 =	vand.u32 $0x7FFFFFFF, v53;
	v40 =	vmax.f32 v60, $0.0e+00;
	v22 =	vmax.f32 v22, $0.0e+00  }
0x122: {  	v53 =	vld [tilespmem:$0x310];
	vm3 =	vgt.f32 v57, $5.000000000e-01;
	v42 =	vmax.f32 v61, v30;
	v22 =	vmul.f32 v40, v22  }
0x123: {  	vm2 =	vgt.f32 v57, v1;
	v61 =	vld [tilespmem:$0x210];
	v39 =	vnsel vm3, $0x0, v26;
	v42 =	vsub.f32 v54, v42  }
0x124: {  	v63 =	vld [tilespmem:$0x290];
	v1 =	vsel vm2, v57, v1;
	v40 =	vadd.f32 v5, v4;
	v5 =	vsub.f32 v43, v22  }
0x125: {  	v2 =	vsel vm2, v10, v2;
	v54 =	vld [tilespmem:$0x390];
	v4 =	vand.u32 $0x7FFFFFFF, v47;
	v60 =	vmax.f32 v42, $0.0e+00  }
0x126: {  	v3 =	vadd.f32 v4, v52;
	v4 =	vsub.f32 v24, v28;
	v24 =	vld [tilespmem:$0x7F0];
	(erf) = vrcp.f32 v5  }
0x127: {  	v48 =	vsub.f32 v58, v28;
	v52 =	vsub.f32 v55, v29;
	v56 =	vmin.f32 v53, v28;
	v5 =	vld [tilespmem:$0x680]  }
0x128: {  	v0 =	vsel vm2, v40, v0;
	v43 =	vmax.f32 v59, $0.0e+00;
	v46 =	vmax.f32 v61, v30  }
0x129: {  	v11 =	vld [tilespmem:$0x1FFE0];
	v59 =	vsub.f32 v49, v27;
	v4 =	vand.u32 $0x7FFFFFFF, v4;
	v62 =	vmul.f32 v43, v60;
	v57 =	vpop (erf)  }
0x12a: {  	v47 =	vmin.f32 v54, v27;
	v46 =	vsub.f32 v56, v46;
	v25 =	vmul.f32 v57, v25;
	v57 =	vld [tilespmem:$0xA80]  }
0x12b: {  	v55 =	vld [tilespmem:$0xA00];
	v43 =	vmax.f32 v63, v29;
	v3 =	vadd.f32 v4, v3;
	v24 =	vsub.f32 v24, v30  }
0x12c: {  	v44 =	vand.u32 $0x7FFFFFFF, v52;
	v4 =	vld [tilespmem:$0x970];
	v43 =	vsub.f32 v47, v43;
	v5 =	vadd.f32 v5, v35  }
0x12d: {  	v53 =	vld [tilespmem:$0x2B0];
	v42 =	vadd.f32 v41, v3;
	v24 =	vand.u32 $0x7FFFFFFF, v24;
	vm2 =	vgt.f32 v25, $5.000000000e-01  }
0x12e: {  	v56 =	vld [tilespmem:$0xA90];
	v41 =	vnsel vm2, $0x0, v26;
	vm2 =	vgt.f32 v25, v1;
	v5 =	vsub.f32 v5, v62  }
0x12f: {  	v24 =	vadd.f32 v44, v24;
	v1 =	vsel vm2, v25, v1;
	v45 =	vsub.f32 v57, v28;
	v57 =	vld [tilespmem:$0x230];
	v25 =	vpop (erf)  }
0x130: {  	(erf) = vrcp.f32 v5;
	v5 =	vld [tilespmem:$0x980];
	v22 =	vmul.f32 v25, v22;
	v25 =	vand.u32 $0x7FFFFFFF, v48  }
0x131: {  	v61 =	vand.u32 $0x7FFFFFFF, v59;
	v4 =	vsub.f32 v4, v27;
	v24 =	vadd.f32 v25, v24;
	v25 =	vld [tilespmem:$0x690]  }
0x132: {  	v52 =	vld [tilespmem:$0x2A0];
	v43 =	vmax.f32 v43, $0.0e+00;
	v55 =	vsub.f32 v55, v29;
	v53 =	vmax.f32 v53, v29  }
0x133: {  	v60 =	vld [tilespmem:$0xB10];
	v2 =	vsel vm2, v11, v2;
	v4 =	vand.u32 $0x7FFFFFFF, v4;
	v0 =	vsel vm2, v42, v0  }
0x134: {  	v11 =	vld [tilespmem:$0x1FFF0];
	vm2 =	vgt.f32 v22, $5.000000000e-01;
	v44 =	vadd.f32 v4, v24;
	v24 =	vmax.f32 v46, $0.0e+00  }
0x135: {  	v4 =	vld [tilespmem:$0x990];
	v47 =	vmax.f32 v57, v30;
	v5 =	vsub.f32 v5, v30;
	v24 =	vmul.f32 v43, v24  }
0x136: {  	v57 =	vld [tilespmem:$0xAB0];
	v43 =	vnsel vm2, $0x0, v26;
	vm2 =	vgt.f32 v22, v1;
	v25 =	vadd.f32 v25, v35  }
0x137: {  	v52 =	vmax.f32 v52, v29;
	v48 =	vsub.f32 v56, v28;
	v1 =	vsel vm2, v22, v1;
	v22 =	vld [tilespmem:$0x320]  }
0x138: {  	v58 =	vld [tilespmem:$0xA10];
	v46 =	vand.u32 $0x7FFFFFFF, v55;
	v5 =	vand.u32 $0x7FFFFFFF, v5;
	v25 =	vsub.f32 v25, v24  }
0x139: {  	v60 =	vsub.f32 v60, v27;
	v45 =	vand.u32 $0x7FFFFFFF, v45;
	v5 =	vadd.f32 v46, v5  }
0x13a: {  	v48 =	vand.u32 $0x7FFFFFFF, v48;
	v2 =	vsel vm2, v11, v2;
	(erf) = vrcp.f32 v25;
	v25 =	vld [tilespmem:$0x3A0]  }
0x13b: {  	v63 =	vld [tilespmem:$0x9A0];
	v0 =	vsel vm2, v44, v0;
	v51 =	vpop (erf);
	v4 =	vsub.f32 v4, v30;
	v5 =	vadd.f32 v45, v5  }
0x13c: {  	v11 =	vld [tilespmem:$0x1FEF0];
	v57 =	vsub.f32 v57, v28;
	v3 =	vmul.f32 v51, v62;
	v22 =	vmin.f32 v22, v28  }
0x13d: {  	v62 =	vld [tilespmem:$0x6A0];
	v4 =	vand.u32 $0x7FFFFFFF, v4;
	v46 =	vadd.f32 v61, v5;
	v5 =	vsub.f32 v58, v29  }
0x13e: {  	v51 =	vld [tilespmem:$0xAA0];
	v57 =	vand.u32 $0x7FFFFFFF, v57;
	vm2 =	vgt.f32 v3, $5.000000000e-01;
	vm3 =	vgt.f32 v3, v1  }
0x13f: {  	v22 =	vsub.f32 v22, v50;
	v58 =	vld [tilespmem:$0x330];
	v5 =	vand.u32 $0x7FFFFFFF, v5;
	v25 =	vmin.f32 v25, v27  }
0x140: {  	v59 =	vld [tilespmem:$0x3B0];
	v45 =	vnsel vm2, $0x0, v26;
	v4 =	vadd.f32 v5, v4;
	v25 =	vsub.f32 v25, v52  }
0x141: {  	v56 =	vld [tilespmem:$0x3C0];
	v1 =	vsel vm3, v3, v1;
	v2 =	vsel vm3, v11, v2;
	v3 =	vsub.f32 v63, v30  }
0x142: {  	v61 =	vld [tilespmem:$0x6B0];
	v5 =	vmax.f32 v22, $0.0e+00;
	v4 =	vadd.f32 v48, v4;
	v22 =	vmax.f32 v25, $0.0e+00  }
0x143: {  	v48 =	vand.u32 $0x7FFFFFFF, v60;
	v60 =	vld [tilespmem:$0x340];
	v5 =	vmul.f32 v22, v5;
	v22 =	vadd.f32 v62, v35  }
0x144: {  	v0 =	vsel vm3, v46, v0;
	v51 =	vsub.f32 v51, v28;
	v50 =	vmin.f32 v58, v28;
	v25 =	vld [tilespmem:$0xA20]  }
0x145: {  	v55 =	vld [tilespmem:$0x9B0];
	v52 =	vmin.f32 v59, v27;
	v50 =	vsub.f32 v50, v47;
	v22 =	vsub.f32 v22, v5  }
0x146: {  	v3 =	vand.u32 $0x7FFFFFFF, v3;
	v52 =	vsub.f32 v52, v53;
	v47 =	vadd.f32 v48, v4;
	v4 =	vld [tilespmem:$0x240];
	v54 =	vpop (erf)  }
0x147: {  	v63 =	vld [tilespmem:$0x2C0];
	v49 =	vadd.f32 v61, v35;
	v24 =	vmul.f32 v54, v24;
	(erf) = vrcp.f32 v22  }
0x148: {  	v11 =	vld [tilespmem:$0x1FF00];
	v62 =	vmax.f32 v52, $0.0e+00;
	v61 =	vmin.f32 v60, v28;
	v22 =	vmax.f32 v50, $0.0e+00  }
0x149: {  	v54 =	vld [tilespmem:$0xB20];
	vm2 =	vgt.f32 v24, $5.000000000e-01;
	v25 =	vsub.f32 v25, v29;
	v22 =	vmul.f32 v62, v22  }
0x14a: {  	v59 =	vld [tilespmem:$0xAC0];
	v60 =	vsub.f32 v55, v30;
	v48 =	vnsel vm2, $0x0, v26;
	vm2 =	vgt.f32 v24, v1  }
0x14b: {  	v53 =	vld [tilespmem:$0xA30];
	v4 =	vmax.f32 v4, v30;
	v25 =	vand.u32 $0x7FFFFFFF, v25;
	v49 =	vsub.f32 v49, v22  }
0x14c: {  	v55 =	vld [tilespmem:$0x2D0];
	v50 =	vmax.f32 v63, v29;
	v1 =	vsel vm2, v24, v1;
	v3 =	vadd.f32 v25, v3  }
0x14d: {  	v4 =	vsub.f32 v61, v4;
	v25 =	vand.u32 $0x7FFFFFFF, v51;
	(erf) = vrcp.f32 v49;
	v49 =	vld [tilespmem:$0x6C0]  }
0x14e: {  	v24 =	vld [tilespmem:$0xB30];
	v62 =	vmin.f32 v56, v27;
	v3 =	vadd.f32 v25, v3;
	v25 =	vsub.f32 v54, v27  }
0x14f: {  	v59 =	vsub.f32 v59, v28;
	v2 =	vsel vm2, v11, v2;
	v56 =	vld [tilespmem:$0xA40];
	v63 =	vsub.f32 v62, v50  }
0x150: {  	v61 =	vsub.f32 v53, v29;
	v53 =	vld [tilespmem:$0x250];
	v4 =	vmax.f32 v4, $0.0e+00;
	v25 =	vand.u32 $0x7FFFFFFF, v25;
	v58 =	vpop (erf)  }
0x151: {  	v51 =	vmax.f32 v63, $0.0e+00;
	v50 =	vadd.f32 v25, v3;
	v25 =	vld [tilespmem:$0xB40];
	v5 =	vmul.f32 v58, v5  }
0x152: {  	v4 =	vmul.f32 v51, v4;
	v3 =	vand.u32 $0x7FFFFFFF, v60;
	v60 =	vld [tilespmem:$0x3D0];
	v62 =	vadd.f32 v49, v35  }
0x153: {  	v0 =	vsel vm2, v47, v0;
	v52 =	vand.u32 $0x7FFFFFFF, v61;
	v58 =	vld [tilespmem:$0x350];
	vm2 =	vgt.f32 v5, $5.000000000e-01  }
0x154: {  	v11 =	vld [tilespmem:$0x1FF20];
	v51 =	vsub.f32 v62, v4;
	v49 =	vnsel vm2, $0x0, v26;
	vm2 =	vgt.f32 v5, v1  }
0x155: {  	v55 =	vmax.f32 v55, v29;
	v3 =	vadd.f32 v52, v3;
	v1 =	vsel vm2, v5, v1;
	v5 =	vld [tilespmem:$0x1FF10]  }
0x156: {  	v61 =	vld [tilespmem:$0x6D0];
	v24 =	vsub.f32 v24, v27;
	v53 =	vmax.f32 v53, v30;
	v52 =	vpop (erf);
	(erf) = vrcp.f32 v51  }
0x157: {  	v54 =	vld [tilespmem:$0x9C0];
	v3 =	vadd.f32 v57, v3;
	v25 =	vsub.f32 v25, v27;
	v22 =	vmul.f32 v52, v22  }
0x158: {  	v57 =	vld [tilespmem:$0x9D0];
	v0 =	vsel vm2, v50, v0;
	v51 =	vmin.f32 v58, v28;
	v58 =	vmin.f32 v60, v27  }
0x159: {  	v62 =	vld [tilespmem:$0x3E0];
	v53 =	vsub.f32 v51, v53;
	v55 =	vsub.f32 v58, v55;
	vm3 =	vgt.f32 v22, v1  }
0x15a: {  	v58 =	vld [tilespmem:$0x2E0];
	v1 =	vsel vm3, v22, v1;
	v2 =	vsel vm2, v5, v2;
	v5 =	vand.u32 $0x7FFFFFFF, v24  }
0x15b: {  	v53 =	vmax.f32 v53, $0.0e+00;
	v55 =	vmax.f32 v55, $0.0e+00;
	v24 =	vld [tilespmem:$0xA50];
	v52 =	vadd.f32 v5, v3  }
0x15c: {  	vm2 =	vgt.f32 v22, $5.000000000e-01;
	v22 =	vld [tilespmem:$0x360];
	v5 =	vsub.f32 v54, v30;
	v54 =	vsub.f32 v56, v29  }
0x15d: {  	v25 =	vand.u32 $0x7FFFFFFF, v25;
	v55 =	vmul.f32 v55, v53;
	v53 =	vadd.f32 v61, v35;
	v61 =	vld [tilespmem:$0x6E0]  }
0x15e: {  	v3 =	vld [tilespmem:$0xAD0];
	v2 =	vsel vm3, v11, v2;
	v5 =	vand.u32 $0x7FFFFFFF, v5;
	v54 =	vand.u32 $0x7FFFFFFF, v54  }
0x15f: {  	v11 =	vmov v6;
	v6 =	vld [tilespmem:$0x270];
	v53 =	vsub.f32 v53, v55;
	v63 =	vpop (erf);
	v5 =	vadd.f32 v54, v5  }
0x160: {  	v51 =	vnsel vm2, $0x0, v26;
	v4 =	vmul.f32 v63, v4;
	v63 =	vand.u32 $0x7FFFFFFF, v59;
	v59 =	vld [tilespmem:$0x2F0]  }
0x161: {  	v58 =	vmax.f32 v58, v29;
	(erf) = vrcp.f32 v53;
	v5 =	vadd.f32 v63, v5;
	v63 =	vld [tilespmem:$0x370]  }
0x162: {  	v60 =	vld [tilespmem:$0x260];
	v0 =	vsel vm3, v52, v0;
	v24 =	vsub.f32 v24, v29;
	v22 =	vmin.f32 v22, v28  }
0x163: {  	v61 =	vadd.f32 v61, v35;
	vm2 =	vgt.f32 v4, v1;
	v54 =	vadd.f32 v25, v5;
	v5 =	vld [tilespmem:$0x1FF30]  }
0x164: {  	v3 =	vsub.f32 v3, v28;
	vm3 =	vgt.f32 v4, $5.000000000e-01;
	v1 =	vsel vm2, v4, v1;
	v4 =	vld [tilespmem:$0x6F0]  }
0x165: {  	v6 =	vmax.f32 v6, v30;
	v24 =	vand.u32 $0x7FFFFFFF, v24;
	v53 =	vnsel vm3, $0x0, v26;
	v25 =	vld [tilespmem:$0x400]  }
0x166: {  	v3 =	vand.u32 $0x7FFFFFFF, v3;
	v59 =	vmax.f32 v59, v29;
	v63 =	vmin.f32 v63, v28  }
0x167: {  	v56 =	vld [tilespmem:$0xB50];
	v0 =	vsel vm2, v54, v0;
	v7 =	vsub.f32 v7, v59;
	v6 =	vsub.f32 v63, v6  }
0x168: {  	v59 =	vld [tilespmem:$0x710];
	v2 =	vsel vm2, v5, v2;
	v5 =	vsub.f32 v57, v30;
	v57 =	vmax.f32 v60, v30  }
0x169: {  	v15 =	vmovc v10;
	v60 =	vld [tilespmem:$0x480];
	v7 =	vmax.f32 v7, $0.0e+00;
	v22 =	vsub.f32 v22, v57;
	v57 =	vmin.f32 v62, v27  }
0x16a: {  	v10 =	vpop (erf);
	v4 =	vadd.f32 v4, v35;
	v25 =	vmax.f32 v25, v30;
	v62 =	vld [tilespmem:$0x500];
	v57 =	vsub.f32 v57, v58  }
0x16b: {  	v10 =	vmul.f32 v10, v55;
	v55 =	vld [tilespmem:$0x590];
	v6 =	vmax.f32 v6, $0.0e+00;
	v5 =	vand.u32 $0x7FFFFFFF, v5  }
0x16c: {  	v58 =	vld [tilespmem:$0x580];
	v6 =	vmul.f32 v7, v6;
	v22 =	vmax.f32 v22, $0.0e+00;
	v57 =	vmax.f32 v57, $0.0e+00  }
0x16d: {  	v5 =	vadd.f32 v24, v5;
	vm3 =	vgt.f32 v10, v1;
	v22 =	vmul.f32 v57, v22;
	v57 =	vld [tilespmem:$0x510]  }
0x16e: {  	v24 =	vld [tilespmem:$0x700];
	vm2 =	vgt.f32 v10, $5.000000000e-01;
	v4 =	vsub.f32 v4, v6;
	v1 =	vsel vm3, v10, v1  }
0x16f: {  	v3 =	vadd.f32 v3, v5;
	v5 =	vsub.f32 v56, v27;
	v7 =	vmin.f32 v62, v28;
	v62 =	vld [tilespmem:$0x4A0]  }
0x170: {  	v60 =	vmax.f32 v60, v29;
	v55 =	vmin.f32 v55, v27;
	v56 =	vsub.f32 v61, v22;
	v61 =	vld [tilespmem:$0x420]  }
0x171: {  	v58 =	vmin.f32 v58, v27;
	v7 =	vsub.f32 v7, v25;
	v9 =	vsub.f32 v55, v9;
	v55 =	vld [tilespmem:$0x430]  }
0x172: {  	v5 =	vand.u32 $0x7FFFFFFF, v5;
	v25 =	vsub.f32 v58, v60;
	v58 =	vld [tilespmem:$0x520];
	v57 =	vmin.f32 v57, v28  }
0x173: {  	v60 =	vld [tilespmem:$0x5A0];
	v24 =	vadd.f32 v24, v35;
	(erf) = vrcp.f32 v56;
	v8 =	vsub.f32 v57, v8  }
0x174: {  	v7 =	vmax.f32 v7, $0.0e+00;
	v56 =	vld [tilespmem:$0x4B0];
	v9 =	vmax.f32 v9, $0.0e+00;
	v25 =	vmax.f32 v25, $0.0e+00  }
0x175: {  	(erf) = vrcp.f32 v4;
	v57 =	vld [tilespmem:$0x530];
	v7 =	vmul.f32 v25, v7;
	v8 =	vmax.f32 v8, $0.0e+00  }
0x176: {  	v25 =	vadd.f32 v59, v35;
	v63 =	vmax.f32 v61, v30;
	v8 =	vmul.f32 v9, v8;
	v9 =	vld [tilespmem:$0x5B0]  }
0x177: {  	v55 =	vmax.f32 v55, v30;
	v58 =	vmin.f32 v58, v28;
	v4 =	vsub.f32 v24, v7;
	v24 =	vld [tilespmem:$0x720]  }
0x178: {  	v59 =	vmin.f32 v60, v27;
	v60 =	vmax.f32 v62, v29;
	v58 =	vsub.f32 v58, v63  }
0x179: {  	v10 =	vld [tilespmem:$0xB60];
	v59 =	vsub.f32 v59, v60;
	v56 =	vmax.f32 v56, v29;
	(erf) = vrcp.f32 v4  }
0x17a: {  	v60 =	vld [tilespmem:$0x730];
	v25 =	vsub.f32 v25, v8;
	v58 =	vmax.f32 v58, $0.0e+00;
	v57 =	vmin.f32 v57, v28  }
0x17b: {  	v62 =	vld [tilespmem:$0xA60];
	v59 =	vmax.f32 v59, $0.0e+00;
	v55 =	vsub.f32 v57, v55;
	v9 =	vmin.f32 v9, v27  }
0x17c: {  	v61 =	vld [tilespmem:$0x9E0];
	v4 =	vmul.f32 v59, v58;
	v24 =	vadd.f32 v24, v35;
	v9 =	vsub.f32 v9, v56  }
0x17d: {  	v63 =	vld [tilespmem:$0xAE0];
	(erf) = vrcp.f32 v25  }
0x17e: {  	v25 =	vmax.f32 v55, $0.0e+00;
	v24 =	vsub.f32 v24, v4;
	v9 =	vmax.f32 v9, $0.0e+00  }
0x17f: {  	v58 =	vadd.f32 v5, v3;
	v5 =	vpop (erf);
	v9 =	vmul.f32 v9, v25;
	v25 =	vadd.f32 v60, v35  }
0x180: {  	v5 =	vmul.f32 v5, v22;
	v22 =	vsub.f32 v62, v29;
	(erf) = vrcp.f32 v24  }
0x181: {  	v3 =	vld [tilespmem:$0x9F0];
	v24 =	vsub.f32 v61, v30;
	v59 =	vsub.f32 v25, v9  }
0x182: {  	v10 =	vsub.f32 v10, v27;
	v25 =	vsub.f32 v63, v28  }
0x183: {  	v22 =	vand.u32 $0x7FFFFFFF, v22;
	v24 =	vand.u32 $0x7FFFFFFF, v24;
	(erf) = vrcp.f32 v59  }
0x184: {  	v2 =	vsel vm3, v16, v2;
	v60 =	vpop (erf);
	v22 =	vadd.f32 v22, v24;
	v24 =	vand.u32 $0x7FFFFFFF, v25;
	v25 =	vld [tilespmem:$0xA70]  }
0x185: {  	v10 =	vand.u32 $0x7FFFFFFF, v10;
	v55 =	vld [tilespmem:$0xAF0];
	vm7 =	vgt.f32 v5, v1;
	v59 =	vmul.f32 v60, v6  }
0x186: {  	v0 =	vsel vm3, v58, v0;
	v1 =	vsel vm7, v5, v1;
	v3 =	vsub.f32 v3, v30;
	v6 =	vpop (erf)  }
0x187: {  	v60 =	vmul.f32 v6, v7;
	v6 =	vpop (erf);
	v7 =	vadd.f32 v24, v22;
	vm6 =	vgt.f32 v59, v1  }
0x188: {  	v35 =	vnsel vm2, $0x0, v26;
	v22 =	vld [tilespmem:$0xB80];
	v56 =	vmul.f32 v6, v8;
	v1 =	vsel vm6, v59, v1  }
0x189: {  	v62 =	vadd.f32 v10, v7;
	v7 =	vld [tilespmem:$0xC00];
	vm3 =	vgt.f32 v60, v1;
	v6 =	vpop (erf);
	v10 =	vsub.f32 v25, v29  }
0x18a: {  	v8 =	vld [tilespmem:$0xB70];
	v1 =	vsel vm3, v60, v1;
	v57 =	vmul.f32 v6, v4;
	v4 =	vsub.f32 v55, v28  }
0x18b: {  	v3 =	vand.u32 $0x7FFFFFFF, v3;
	v6 =	vld [tilespmem:$0xC80];
	vm14 =	vgt.f32 v56, v1;
	v10 =	vand.u32 $0x7FFFFFFF, v10  }
0x18c: {  	v1 =	vsel vm14, v56, v1;
	v4 =	vand.u32 $0x7FFFFFFF, v4;
	v3 =	vadd.f32 v10, v3;
	v24 =	vpop (erf)  }
0x18d: {  	vm5 =	vgt.f32 v57, v1;
	v10 =	vsub.f32 v22, v30;
	v55 =	vmul.f32 v24, v9  }
0x18e: {  	v7 =	vsub.f32 v7, v29;
	v22 =	vld [tilespmem:$0xB90];
	v1 =	vsel vm5, v57, v1;
	v3 =	vadd.f32 v4, v3  }
0x18f: {  	v9 =	vld [tilespmem:$0xD00];
	v4 =	vsub.f32 v8, v27;
	v10 =	vand.u32 $0x7FFFFFFF, v10;
	vm2 =	vgt.f32 v55, v1  }
0x190: {  	v8 =	vld [tilespmem:$0xC10];
	v7 =	vand.u32 $0x7FFFFFFF, v7;
	v6 =	vsub.f32 v6, v28;
	v1 =	vsel vm2, v55, v1  }
0x191: {  	v7 =	vadd.f32 v7, v10;
	(xrf0) =	vmax.scan.msk.f32 $0xffff, v1  }
0x192: {  	v10 =	vld [tilespmem:$0xC90];
	v4 =	vand.u32 $0x7FFFFFFF, v4;
	v61 =	vand.u32 $0x7FFFFFFF, v6  }
0x193: {  	v2 =	vsel vm7, v17, v2;
	v63 =	vadd.f32 v4, v3;
	v3 =	vadd.f32 v61, v7  }
0x194: {  	v2 =	vsel vm6, v18, v2;
	v6 =	vsub.f32 v22, v30;
	v7 =	vld [tilespmem:$0xBA0];
	v4 =	vsub.f32 v9, v27  }
0x195: {  	v2 =	vsel vm3, v20, v2;
	v8 =	vsub.f32 v8, v29;
	v9 =	vld [tilespmem:$0xC20]  }
0x196: {  	v2 =	vsel vm14, v21, v2;
	v61 =	vand.u32 $0x7FFFFFFF, v6;
	v4 =	vand.u32 $0x7FFFFFFF, v4  }
0x197: {  	v6 =	vsub.f32 v10, v28;
	v25 =	vadd.f32 v4, v3;
	v4 =	vand.u32 $0x7FFFFFFF, v8;
	v8 =	vld [tilespmem:$0xCA0];
	v10, _, _ =	vpop (xrf0)  }
0x198: {  	v2 =	vsel vm5, v23, v2;
	v22 =	vld [tilespmem:$0xD10];
	v3 =	vadd.f32 v4, v61;
	v61 =	vbroadcast v10, $0xF  }
0x199: {  	v2 =	vsel vm2, v19, v2;
	v7 =	vsub.f32 v7, v30;
	v4 =	vand.u32 $0x7FFFFFFF, v6;
	v6 =	vld [tilespmem:$0xD20]  }
0x19a: {  	v9 =	vsub.f32 v9, v29;
	vm15 =	veq.f32 v1, v61;
	v1 =	vxor.u32 $0x80000000, v2  }
0x19b: {  	v7 =	vand.u32 $0x7FFFFFFF, v7;
	v1 =	vnsel vm15, $0x80001410, v1  }
0x19c: {  	v10 =	vadd.f32 v33, v34;
	v9 =	vand.u32 $0x7FFFFFFF, v9;
	v8 =	vsub.f32 v8, v28;
	(xrf0) =	vmin.scan.msk.u32 $0xffff, v1  }
0x19d: {  	v24 =	vmul.f32 v39, v40;
	v22 =	vsub.f32 v22, v27;
	v7 =	vadd.f32 v9, v7  }
0x19e: {  	v10 =	vadd.f32 v36, v10;
	v6 =	vsub.f32 v6, v27;
	v8 =	vand.u32 $0x7FFFFFFF, v8  }
0x19f: {  	v0 =	vsel vm7, v62, v0;
	v3 =	vadd.f32 v4, v3;
	v4 =	vld [tilespmem:$0xF00];
	v7 =	vadd.f32 v8, v7  }
0x1a0: {  	v24 =	vadd.f32 v24, v38;
	v9 =	vld [tilespmem:$0xF10];
	v10 =	vadd.f32 v37, v10;
	v6 =	vand.u32 $0x7FFFFFFF, v6  }
0x1a1: {  	v22 =	vand.u32 $0x7FFFFFFF, v22;
	v34 =	vld [tilespmem:$0xF50];
	v6 =	vadd.f32 v6, v7;
	v7 =	vmul.f32 v41, v42  }
0x1a2: {  	v0 =	vsel vm6, v63, v0;
	v3 =	vadd.f32 v22, v3;
	v8 =	vld [tilespmem:$0xF30];
	v10 =	vadd.f32 v39, v10;
	v42, _, _ =	vpop (xrf0)  }
0x1a3: {  	v22 =	vld [tilespmem:$0xF40];
	v7 =	vadd.f32 v7, v24;
	v24 =	vmul.f32 v43, v44;
	(v2sf) =	vpush v42, $0xF  }
0x1a4: {  	v0 =	vsel vm3, v25, v0;
	vm3 =	vgt.f32 v5, $5.000000000e-01;
	v10 =	vadd.f32 v41, v10;
	v44 =	vld [tilespmem:$0xBB0]  }
0x1a5: {  	v9 =	vmax.f32 v9, v32;
	v32 =	vld [tilespmem:$0xC30];
	v7 =	vadd.f32 v24, v7;
	v24 =	vmul.f32 v45, v46  }
0x1a6: {  	v5 =	vnsel vm3, $0x0, v26;
	v0 =	vsel vm14, v3, v0;
	v10 =	vadd.f32 v43, v10  }
0x1a7: {  	v8 =	vmax.f32 v8, v36;
	v36 =	vld [tilespmem:$0xCB0];
	v7 =	vadd.f32 v24, v7;
	v24 =	vmul.f32 v48, v47  }
0x1a8: {  	v1 =	vld [tilespmem:$0xF20];
	v4 =	vmax.f32 v4, v31;
	v34 =	vmax.f32 v34, v39;
	v10 =	vadd.f32 v45, v10  }
0x1a9: {  	v30 =	vsub.f32 v44, v30;
	v44 =	vld [tilespmem:$0xD30];
	v7 =	vadd.f32 v24, v7;
	v24 =	vmul.f32 v49, v50  }
0x1aa: {  	v22 =	vmax.f32 v22, v37;
	[tilespmem:$0xF10] =	vst v9;
	v9 =	vmul.f32 v53, v54;
	v29 =	vsub.f32 v32, v29  }
0x1ab: {  	v38 =	vld [tilespmem:$0xF60];
	v47 =	vmul.f32 v51, v52;
	v10 =	vadd.f32 v48, v10;
	v7 =	vadd.f32 v24, v7  }
0x1ac: {  	[tilespmem:$0xF00] =	vst v4;
	v29 =	vand.u32 $0x7FFFFFFF, v29;
	v4 =	vsub.f32 v36, v28;
	v30 =	vand.u32 $0x7FFFFFFF, v30  }
0x1ad: {  	v1 =	vmax.f32 v1, v33;
	v46 =	vld [tilespmem:$0xF90];
	v29 =	vadd.f32 v29, v30;
	v7 =	vadd.f32 v47, v7  }
0x1ae: {  	v10 =	vadd.f32 v49, v10;
	v4 =	vand.u32 $0x7FFFFFFF, v4;
	v52 =	vsub.f32 v44, v27  }
0x1af: {  	[tilespmem:$0xF30] =	vst v8;
	v8 =	vmul.f32 v35, v58;
	v4 =	vadd.f32 v4, v29;
	v7 =	vadd.f32 v9, v7  }
0x1b0: {  	v40 =	vld [tilespmem:$0xF70];
	v37 =	vmax.f32 v38, v41;
	[tilespmem:$0xF20] =	vst v1;
	v10 =	vadd.f32 v51, v10;
	v1 =	vand.u32 $0x7FFFFFFF, v52  }
0x1b1: {  	v24 =	vld [tilespmem:$0xFA0];
	v1 =	vadd.f32 v1, v4;
	v7 =	vadd.f32 v8, v7;
	v8 =	vmul.f32 v5, v62  }
0x1b2: {  	v0 =	vsel vm5, v6, v0;
	v46 =	vmax.f32 v46, v48;
	v10 =	vadd.f32 v53, v10;
	s26 =	spop (v2sf)  }
0x1b3: {  	v0 =	vsel vm2, v1, v0;
	vm2 =	vgt.f32 v59, $5.000000000e-01;
	v7 =	vadd.f32 v8, v7;
	v8 =	vld [tilespmem:$0xFE0];
	s26 =	sxor.u32 $0x80000000, s26  }
0x1b4: {  	v42 =	vld [tilespmem:$0xF80];
	v54 =	vadd.f32 v35, v10;
	v27 =	vnsel vm2, $0x0, v26;
	vm2 =	veq.s32 v2, s26  }
0x1b5: {  	[tilespmem:$0xF50] =	vst v34;
	v48 =	vld [tilespmem:$0xFB0];
	v10 =	vmul.f32 v27, v63;
	v0 =	vnsel vm2, $0x0, v0;
	vm2 =	vgt.f32 v60, $5.000000000e-01  }
0x1b6: {  	[tilespmem:$0xF40] =	vst v22;
	v43 =	vmax.f32 v40, v43;
	v50 =	vld [tilespmem:$0xFC0];
	v9 =	vmax.f32 v24, v49;
	v59 =	vnsel vm2, $0x0, v26  }
0x1b7: {  	v4 =	vld [tilespmem:$0xFD0];
	[tilespmem:$0xFA0] =	vst v9;
	v7 =	vadd.f32 v10, v7;
	vm2 =	vgt.f32 v56, $5.000000000e-01;
	v9 =	vmul.f32 v59, v25  }
0x1b8: {  	[tilespmem:$0xF60] =	vst v37;
	v58 =	vld [tilespmem:$0xFF0];
	v2 =	vadd.f32 v5, v54;
	v5 =	vmax.f32 v8, v5;
	v8 =	vnsel vm2, $0x0, v26  }
0x1b9: {  	[tilespmem:$0xF70] =	vst v43;
	v45 =	vmax.f32 v42, v45;
	v10 =	vld [tilespmem:$0x1010];
	v3 =	vmul.f32 v8, v3;
	v7 =	vadd.f32 v9, v7  }
0x1ba: {  	[tilespmem:$0xF80] =	vst v45;
	v22 =	vmax.f32 v48, v51;
	v60 =	vld [tilespmem:$0x1000];
	(xrf0) =	vmax.scan.msk.f32 $0xffff, v0;
	v2 =	vadd.f32 v27, v2  }
0x1bb: {  	v24 =	vmax.f32 v50, v53;
	[tilespmem:$0xFB0] =	vst v22;
	v3 =	vadd.f32 v3, v7;
	v7 =	vld [tilespmem:$0x1FFC0]  }
0x1bc: {  	[tilespmem:$0xFC0] =	vst v24;
	v4 =	vmax.f32 v4, v35;
	v2 =	vadd.f32 v59, v2  }
0x1bd: {  	[tilespmem:$0xFD0] =	vst v4;
	v4 =	vmax.f32 v58, v27;
	vm2 =	vgt.f32 v57, $5.000000000e-01;
	v9 =	vld [tilespmem:$0x1020]  }
0x1be: {  	v24 =	vld [tilespmem:$0x1030];
	[tilespmem:$0xFF0] =	vst v4;
	v22 =	vnsel vm2, $0x0, v26;
	v2 =	vadd.f32 v8, v2  }
0x1bf: {  	[tilespmem:$0xFE0] =	vst v5;
	vm2 =	vgt.f32 v55, $5.000000000e-01;
	v5 =	vmul.f32 v22, v6;
	v4 =	vmax.f32 v10, v8  }
0x1c0: {  	p1 =	sne.s32 s25, $0x3F;
	[tilespmem:$0xF90] =	vst v46;
	v0 =	vmax.f32 v60, v59;
	v6, _, _ =	vpop (xrf0);
	v2 =	vadd.f32 v22, v2;
	v7 =	vor.u32 s25, v7  }
.Ltmp2:
0x1c1: {  	s26 =	scvt.s32.f32 s26;
	[tilespmem:$0x1010] =	vst v4;
	v62 =	vadd.f32 v5, v3;
	v63 =	vbroadcast v6, $0xF;
	v6 =	vlaneseq.u32;
	(pc) =	sbr.rel @p1 .LBB2_2-.Ltmp2, $4  }
0x1c2: {  	[tilespmem:$0x1000] =	vst v0;
	v5 =	vnsel vm2, $0x0, v26;
	v4 =	vmax.f32 v9, v22;
	vm2 =	veq.s32 v6, $0x1  }
0x1c3: {  	v1 =	vmul.f32 v5, v1;
	[tilespmem:$0x1020] =	vst v4;
	v4 =	vmax.f32 v24, v5;
	v3 =	vsel vm2, s26, v63  }
0x1c4: {  	v10 =	vmovc v15;
	v8 =	vmov v13;
	v25 =	vadd.f32 v5, v2;
	[tilespmem:$0x1030] =	vst v4;
	v3 =	vsel vm0, v61, v3  }
0x1c5: {  	v9 =	vmovc v14;
	v6 =	vmov v11;
	v32 =	vadd.f32 v1, v62;
	s25 =	sadd.s32 $0x1, s25;
	[tilespmem:v7+s18+$0x0] =	vst.idx.msk $0x7, v3;
	v7 =	vmov v12  }
0x1c6: {  	_ = 	snop  }
0x1c7: {  	(xrf2) =	vadd.scan.msk.f32 $0xffff, v32  }
0x1c8: {  	(xrf2) =	vadd.scan.msk.f32 $0xffff, v25;
	_ =	sdelay $0x8  }
0x1c9: {  	v27, _, _ =	vpop (xrf2)  }
0x1ca: {  	[spmem:s8] =	stream.strided.scatter [tilespmem:s18], [sflag:$0x1], $0x100, s19, s14, $0x38;
	v26, _, _ =	vpop (xrf2);
	[tilespmem:$0x23C8] =	vst v63  }
.Ltmp3:
0x1cb: {  	_ =	swait.ge [sflag:s12], $0x100;
	(pc) =	sbr.rel @p0 .LBB2_5-.Ltmp3, $3  }
0x1cc: {  	[sflag:s12] =	ssyncset.done $0x0  }
0x1cd: {  	[sflag:s12] =	ssyncadd.s32 $0xFFFFFF00  }
0x1ce: {  	[bflag:$0x0] =	sbarrier.arrive $0xFFFF;
	_ =	sdelay $0x1  }
0x1cf: {  	[tilespmem:s20], [sflag:$0x1] =	stream.linear.gather [spmem:s1], $0x1000, $0x38;
	[tilespmem:$0x23C8] =	vst v63  }
0x1d0: {  	_ =	swait.ge [sflag:s12], $0x1000  }
0x1d1: {  	[sflag:s12] =	ssyncset.done $0x0  }
0x1d2: {  	[sflag:s12] =	ssyncadd.s32 $0xFFFFF000  }
0x1d3: {  	v0 =	vld [tilespmem:$0x1180]  }
0x1d4: {  	v1 =	vld [tilespmem:$0x11C0]  }
0x1d5: {  	v2 =	vld [tilespmem:$0x1580]  }
0x1d6: {  	v3 =	vld [tilespmem:$0x1200]  }
0x1d7: {  	v4 =	vld [tilespmem:$0x1240]  }
0x1d8: {  	v5 =	vld [tilespmem:$0x1600]  }
0x1d9: {  	v6 =	vld [tilespmem:$0x1280]  }
0x1da: {  	v7 =	vld [tilespmem:$0x12C0]  }
0x1db: {  	v8 =	vld [tilespmem:$0x1680]  }
0x1dc: {  	v9 =	vld [tilespmem:$0x1300]  }
0x1dd: {  	v10 =	vld [tilespmem:$0x1340]  }
0x1de: {  	v22 =	vld [tilespmem:$0x1700]  }
0x1df: {  	v24 =	vld [tilespmem:$0x1380]  }
0x1e0: {  	v25 =	vld [tilespmem:$0x13C0]  }
0x1e1: {  	v42 =	vld [tilespmem:$0x1780]  }
0x1e2: {  	v28 =	vld [tilespmem:$0x1400]  }
0x1e3: {  	v29 =	vld [tilespmem:$0x1440]  }
0x1e4: {  	v43 =	vld [tilespmem:$0x1800]  }
0x1e5: {  	v32 =	vld [tilespmem:$0x1480]  }
0x1e6: {  	v39 =	vld [tilespmem:$0x14C0]  }
0x1e7: {  	v44 =	vld [tilespmem:$0x1880]  }
0x1e8: {  	v45 =	vld [tilespmem:$0x1500]  }
0x1e9: {  	v46 =	vld [tilespmem:$0x1540];
	vm2 =	veq.f32 v3, v0;
	vm3 =	vlt.f32 v4, v1  }
0x1ea: {  	v47 =	vld [tilespmem:$0x1900];
	vm4 =	vgt.f32 v3, v0;
	vm2 =	vmand vm2, vm3  }
0x1eb: {  	v48 =	vld [tilespmem:$0x1980];
	vm2 =	vmor vm4, vm2  }
0x1ec: {  	v49 =	vld [tilespmem:$0x19C0];
	v0 =	vsel vm2, v3, v0;
	v1 =	vsel vm2, v4, v1  }
0x1ed: {  	v62 =	vld [tilespmem:$0x1D80];
	vm3 =	veq.f32 v6, v0;
	vm14 =	vlt.f32 v7, v1  }
0x1ee: {  	v50 =	vld [tilespmem:$0x1A40];
	vm5 =	vgt.f32 v6, v0;
	vm3 =	vmand vm3, vm14  }
0x1ef: {  	v51 =	vld [tilespmem:$0x1E00];
	vm3 =	vmor vm5, vm3  }
0x1f0: {  	v52 =	vld [tilespmem:$0x1E80];
	v0 =	vsel vm3, v6, v0;
	v1 =	vsel vm3, v7, v1  }
0x1f1: {  	v53 =	vld [tilespmem:$0x1B00];
	vm15 =	veq.f32 v9, v0;
	vm9 =	vlt.f32 v10, v1  }
0x1f2: {  	v38 =	vld [tilespmem:$0x1B80];
	vm6 =	vgt.f32 v9, v0;
	vm4 =	vmand vm15, vm9  }
0x1f3: {  	v40 =	vld [tilespmem:$0x1BC0];
	vm4 =	vmor vm6, vm4  }
0x1f4: {  	v41 =	vld [tilespmem:$0x1F80];
	v0 =	vsel vm4, v9, v0;
	v1 =	vsel vm4, v10, v1  }
0x1f5: {  	v37 =	vld [tilespmem:$0x1C00];
	vm10 =	veq.f32 v24, v0;
	vm11 =	vlt.f32 v25, v1  }
0x1f6: {  	v36 =	vld [tilespmem:$0x1C40];
	vm7 =	vgt.f32 v24, v0;
	vm5 =	vmand vm10, vm11  }
0x1f7: {  	v34 =	vld [tilespmem:$0x2000];
	vm5 =	vmor vm7, vm5  }
0x1f8: {  	v35 =	vld [tilespmem:$0x1C80];
	v0 =	vsel vm5, v24, v0;
	v1 =	vsel vm5, v25, v1  }
0x1f9: {  	v30 =	vld [tilespmem:$0x1CC0];
	vm12 =	veq.f32 v28, v0;
	vm13 =	vlt.f32 v29, v1  }
0x1fa: {  	v33 =	vld [tilespmem:$0x2080];
	vm8 =	vgt.f32 v28, v0;
	vm6 =	vmand vm12, vm13  }
0x1fb: {  	v31 =	vld [tilespmem:$0x1D00];
	vm6 =	vmor vm8, vm6  }
0x1fc: {  	v63 =	vld [tilespmem:$0x11D0];
	v0 =	vsel vm6, v28, v0;
	v1 =	vsel vm6, v29, v1  }
0x1fd: {  	v16 =	vld [tilespmem:$0x1290];
	vm14 =	veq.f32 v32, v0;
	vm15 =	vlt.f32 v39, v1  }
0x1fe: {  	v17 =	vld [tilespmem:$0x12D0];
	vm9 =	vgt.f32 v32, v0;
	vm7 =	vmand vm14, vm15  }
0x1ff: {  	v18 =	vld [tilespmem:$0x1350];
	vm7 =	vmor vm9, vm7  }
0x200: {  	v19 =	vld [tilespmem:$0x1390];
	v0 =	vsel vm7, v32, v0;
	v1 =	vsel vm7, v39, v1  }
0x201: {  	v54 =	vld [tilespmem:$0x1450];
	vm12 =	veq.f32 v45, v0;
	vm13 =	vlt.f32 v46, v1  }
0x202: {  	v55 =	vld [tilespmem:$0x1490];
	vm10 =	vgt.f32 v45, v0;
	vm8 =	vmand vm12, vm13  }
0x203: {  	v56 =	vld [tilespmem:$0x14D0];
	vm8 =	vmor vm10, vm8  }
0x204: {  	v4 =	vld [tilespmem:$0x1A00];
	v0 =	vsel vm8, v45, v0;
	v1 =	vsel vm8, v46, v1  }
0x205: {  	v57 =	vld [tilespmem:$0x1550];
	vm14 =	veq.f32 v48, v0;
	vm15 =	vlt.f32 v49, v1  }
0x206: {  	v2 =	vsel vm2, v5, v2;
	v5 =	vld [tilespmem:$0x1210];
	vm2 =	vgt.f32 v48, v0;
	vm9 =	vmand vm14, vm15  }
0x207: {  	v6 =	vld [tilespmem:$0x1A80];
	v2 =	vsel vm3, v8, v2;
	vm2 =	vmor vm2, vm9  }
0x208: {  	v7 =	vld [tilespmem:$0x1AC0];
	v2 =	vsel vm4, v22, v2;
	v0 =	vsel vm2, v48, v0;
	v1 =	vsel vm2, v49, v1  }
0x209: {  	v8 =	vld [tilespmem:$0x1250];
	v2 =	vsel vm5, v42, v2;
	vm3 =	veq.f32 v4, v0;
	vm10 =	vlt.f32 v50, v1  }
0x20a: {  	v24 =	vld [tilespmem:$0x1190];
	v2 =	vsel vm6, v43, v2;
	vm11 =	vgt.f32 v4, v0;
	vm3 =	vmand vm3, vm10  }
0x20b: {  	v58 =	vld [tilespmem:$0x19D0];
	v2 =	vsel vm7, v44, v2;
	vm3 =	vmor vm11, vm3  }
0x20c: {  	v59 =	vld [tilespmem:$0x1D90];
	v2 =	vsel vm8, v47, v2;
	v0 =	vsel vm3, v4, v0;
	v1 =	vsel vm3, v50, v1  }
0x20d: {  	v60 =	vld [tilespmem:$0x1A50];
	v2 =	vsel vm2, v62, v2;
	vm2 =	veq.f32 v6, v0;
	vm12 =	vlt.f32 v7, v1  }
0x20e: {  	v9 =	vld [tilespmem:$0x1B40];
	v2 =	vsel vm3, v51, v2;
	vm3 =	vgt.f32 v6, v0;
	vm2 =	vmand vm2, vm12  }
0x20f: {  	v61 =	vld [tilespmem:$0x1E10];
	vm13 =	vlt.f32 v8, v63;
	vm3 =	vmor vm3, vm2;
	vm2 =	veq.f32 v5, v24  }
0x210: {  	v20 =	vld [tilespmem:$0x1520];
	vm14 =	vgt.f32 v5, v24;
	v0 =	vsel vm3, v6, v0;
	vm2 =	vmand vm2, vm13  }
0x211: {  	v21 =	vld [tilespmem:$0x1560];
	v1 =	vsel vm3, v7, v1;
	vm4 =	vgt.f32 v53, v0;
	vm2 =	vmor vm14, vm2  }
0x212: {  	v4 =	vld [tilespmem:$0x1310];
	vm15 =	veq.f32 v53, v0;
	v5 =	vsel vm2, v5, v24;
	v8 =	vsel vm2, v8, v63  }
0x213: {  	v10 =	vld [tilespmem:$0x1F00];
	vm12 =	vlt.f32 v9, v1;
	vm13 =	veq.f32 v16, v5;
	vm14 =	vlt.f32 v17, v8  }
0x214: {  	v23 =	vld [tilespmem:$0x1820];
	vm5 =	vmand vm15, vm12;
	vm15 =	vgt.f32 v16, v5;
	vm7 =	vmand vm13, vm14  }
0x215: {  	v25 =	vld [tilespmem:$0x1590];
	v2 =	vsel vm3, v52, v2;
	vm4 =	vmor vm4, vm5;
	vm3 =	vmor vm15, vm7  }
0x216: {  	v6 =	vld [tilespmem:$0x13D0];
	v0 =	vsel vm4, v53, v0;
	v5 =	vsel vm3, v16, v5;
	v8 =	vsel vm3, v17, v8  }
0x217: {  	v28 =	vld [tilespmem:$0x1D40];
	v1 =	vsel vm4, v9, v1;
	vm9 =	veq.f32 v4, v5;
	vm10 =	vlt.f32 v18, v8  }
0x218: {  	v29 =	vld [tilespmem:$0x2100];
	v2 =	vsel vm4, v10, v2;
	vm11 =	vgt.f32 v4, v5;
	vm5 =	vmand vm9, vm10  }
0x219: {  	v43 =	vld [tilespmem:$0x1690];
	vm6 =	vgt.f32 v38, v0;
	vm12 =	veq.f32 v38, v0;
	vm4 =	vmor vm11, vm5  }
0x21a: {  	v24 =	vld [tilespmem:$0x1410];
	vm13 =	vlt.f32 v40, v1;
	v4 =	vsel vm4, v4, v5;
	v3 =	vsel vm4, v18, v8  }
0x21b: {  	v32 =	vld [tilespmem:$0xE80];
	vm5 =	vmand vm12, vm13;
	vm14 =	veq.f32 v19, v4;
	vm15 =	vlt.f32 v6, v3  }
0x21c: {  	v39 =	vld [tilespmem:$0x1610];
	vm6 =	vmor vm6, vm5;
	vm12 =	vgt.f32 v19, v4;
	vm7 =	vmand vm14, vm15  }
0x21d: {  	v44 =	vld [tilespmem:$0x1710];
	v0 =	vsel vm6, v38, v0;
	v1 =	vsel vm6, v40, v1;
	vm5 =	vmor vm12, vm7  }
0x21e: {  	v47 =	vld [tilespmem:$0x1810];
	v2 =	vsel vm6, v41, v2;
	v4 =	vsel vm5, v19, v4;
	v3 =	vsel vm5, v6, v3  }
0x21f: {  	v46 =	vld [tilespmem:$0xE90];
	vm6 =	veq.f32 v37, v0;
	vm13 =	veq.f32 v24, v4;
	vm14 =	vlt.f32 v54, v3  }
0x220: {  	v62 =	vld [tilespmem:$0x1A90];
	vm15 =	vlt.f32 v36, v1;
	vm12 =	vgt.f32 v24, v4;
	vm7 =	vmand vm13, vm14  }
0x221: {  	v48 =	vld [tilespmem:$0x18A0];
	v25 =	vsel vm2, v39, v25;
	vm9 =	vmand vm6, vm15;
	vm6 =	vmor vm12, vm7  }
0x222: {  	v10 =	vld [tilespmem:$0x1510];
	vm13 =	vgt.f32 v37, v0;
	v4 =	vsel vm6, v24, v4;
	v3 =	vsel vm6, v54, v3  }
0x223: {  	v49 =	vld [tilespmem:$0x19A0];
	vm9 =	vmor vm13, vm9;
	vm14 =	veq.f32 v55, v4;
	vm15 =	vlt.f32 v56, v3  }
0x224: {  	v50 =	vld [tilespmem:$0x1A60];
	v0 =	vsel vm9, v37, v0;
	vm12 =	vgt.f32 v55, v4;
	vm7 =	vmand vm14, vm15  }
0x225: {  	v7 =	vld [tilespmem:$0x1790];
	v1 =	vsel vm9, v36, v1;
	vm11 =	veq.f32 v35, v0;
	vm7 =	vmor vm12, vm7  }
0x226: {  	v8 =	vld [tilespmem:$0x1990];
	vm13 =	vlt.f32 v30, v1;
	v4 =	vsel vm7, v55, v4;
	v3 =	vsel vm7, v56, v3  }
0x227: {  	v52 =	vld [tilespmem:$0x1BD0];
	vm10 =	vmand vm11, vm13;
	vm11 =	veq.f32 v10, v4;
	vm12 =	vlt.f32 v57, v3  }
0x228: {  	v9 =	vld [tilespmem:$0x1890];
	v25 =	vsel vm3, v43, v25;
	vm14 =	vgt.f32 v10, v4;
	vm11 =	vmand vm11, vm12  }
0x229: {  	v5 =	vld [tilespmem:$0x1910];
	v25 =	vsel vm4, v44, v25;
	vm15 =	vmor vm14, vm11  }
0x22a: {  	v6 =	vld [tilespmem:$0x1A10];
	v2 =	vsel vm9, v34, v2;
	v4 =	vsel vm15, v10, v4;
	v3 =	vsel vm15, v57, v3  }
0x22b: {  	v54 =	vld [tilespmem:$0x11A0];
	vm8 =	vgt.f32 v35, v0;
	vm2 =	veq.f32 v8, v4;
	vm3 =	vlt.f32 v58, v3  }
0x22c: {  	vm8 =	vmor vm8, vm10;
	v55 =	vld [tilespmem:$0x11E0];
	vm11 =	vgt.f32 v8, v4;
	vm2 =	vmand vm2, vm3  }
0x22d: {  	v30 =	vsel vm8, v30, v1;
	v56 =	vsel vm5, v7, v25;
	v7 =	vld [tilespmem:$0x1220];
	vm2 =	vmor vm11, vm2  }
0x22e: {  	v1 =	vsel vm6, v47, v56;
	v4 =	vsel vm2, v8, v4;
	v3 =	vsel vm2, v58, v3;
	v8 =	vld [tilespmem:$0x1260]  }
0x22f: {  	v24 =	vld [tilespmem:$0x1AD0];
	v1 =	vsel vm7, v9, v1;
	vm3 =	veq.f32 v6, v4;
	vm12 =	vlt.f32 v60, v3  }
0x230: {  	v63 =	vld [tilespmem:$0x1E90];
	v1 =	vsel vm15, v5, v1;
	vm13 =	vgt.f32 v6, v4;
	vm3 =	vmand vm3, vm12  }
0x231: {  	v34 =	vsel vm8, v33, v2;
	v57 =	vld [tilespmem:$0x12A0];
	v1 =	vsel vm2, v59, v1;
	vm2 =	vmor vm13, vm3  }
0x232: {  	vm9 =	vgt.f32 v7, v54;
	vm3 =	veq.f32 v7, v54;
	v4 =	vsel vm2, v6, v4;
	v6 =	vld [tilespmem:$0x12E0]  }
0x233: {  	v16 =	vld [tilespmem:$0x1B10];
	v3 =	vsel vm2, v60, v3;
	v1 =	vsel vm2, v61, v1;
	vm14 =	vlt.f32 v8, v55  }
0x234: {  	v17 =	vld [tilespmem:$0x1B50];
	vm2 =	veq.f32 v62, v4;
	vm15 =	vlt.f32 v24, v3;
	vm3 =	vmand vm3, vm14  }
0x235: {  	v18 =	vld [tilespmem:$0x1F10];
	vm10 =	vgt.f32 v62, v4;
	vm5 =	vmand vm2, vm15;
	vm2 =	vmor vm9, vm3  }
0x236: {  	v59 =	vld [tilespmem:$0x1320];
	vm4 =	vmor vm10, vm5;
	v7 =	vsel vm2, v7, v54;
	v8 =	vsel vm2, v8, v55  }
0x237: {  	v60 =	vld [tilespmem:$0x1360];
	v4 =	vsel vm4, v62, v4;
	vm3 =	veq.f32 v57, v7;
	vm11 =	vlt.f32 v6, v8  }
0x238: {  	v19 =	vld [tilespmem:$0x1B90];
	v3 =	vsel vm4, v24, v3;
	vm12 =	vgt.f32 v57, v7;
	vm3 =	vmand vm3, vm11  }
0x239: {  	v24 =	vld [tilespmem:$0x13A0];
	vm13 =	veq.f32 v16, v4;
	vm14 =	vlt.f32 v17, v3;
	vm3 =	vmor vm12, vm3  }
0x23a: {  	vm5 =	vgt.f32 v16, v4;
	vm6 =	vmand vm13, vm14;
	v2 =	vsel vm3, v57, v7;
	v7 =	vld [tilespmem:$0x13E0]  }
0x23b: {  	vm5 =	vmor vm5, vm6;
	v6 =	vsel vm3, v6, v8;
	v8 =	vld [tilespmem:$0x15A0]  }
0x23c: {  	v4 =	vsel vm5, v16, v4;
	v16 =	vld [tilespmem:$0x1620];
	vm15 =	veq.f32 v59, v2;
	vm12 =	vlt.f32 v60, v6  }
0x23d: {  	v53 =	vld [tilespmem:$0x1F90];
	v36 =	vsel vm8, v35, v0;
	vm13 =	vgt.f32 v59, v2;
	vm7 =	vmand vm15, vm12  }
0x23e: {  	v1 =	vsel vm4, v63, v1;
	v62 =	vld [tilespmem:$0x1420];
	v3 =	vsel vm5, v17, v3;
	vm4 =	vmor vm13, vm7  }
0x23f: {  	v63 =	vld [tilespmem:$0x1460];
	v1 =	vsel vm5, v18, v1;
	v2 =	vsel vm4, v59, v2;
	v6 =	vsel vm4, v60, v6  }
0x240: {  	v17 =	vld [tilespmem:$0x16A0];
	vm12 =	vgt.f32 v19, v4;
	vm14 =	veq.f32 v24, v2;
	vm15 =	vlt.f32 v7, v6  }
0x241: {  	v10 =	vld [tilespmem:$0x1C10];
	vm13 =	vgt.f32 v24, v2;
	v8 =	vsel vm2, v16, v8;
	vm5 =	vmand vm14, vm15  }
0x242: {  	v18 =	vld [tilespmem:$0x14A0];
	vm14 =	veq.f32 v19, v4;
	vm15 =	vlt.f32 v52, v3;
	vm5 =	vmor vm13, vm5  }
0x243: {  	vm6 =	vmand vm14, vm15;
	v2 =	vsel vm5, v24, v2;
	v6 =	vsel vm5, v7, v6;
	v7 =	vld [tilespmem:$0x14E0]  }
0x244: {  	v9 =	vld [tilespmem:$0x1C50];
	vm7 =	vmor vm12, vm6;
	vm12 =	veq.f32 v62, v2;
	vm13 =	vlt.f32 v63, v6  }
0x245: {  	v51 =	vld [tilespmem:$0x1E20];
	v8 =	vsel vm3, v17, v8;
	vm14 =	vgt.f32 v62, v2;
	vm6 =	vmand vm12, vm13  }
0x246: {  	v37 =	vld [tilespmem:$0x1D10];
	v4 =	vsel vm7, v19, v4;
	v3 =	vsel vm7, v52, v3;
	vm6 =	vmor vm14, vm6  }
0x247: {  	v25 =	vld [tilespmem:$0x1C90];
	v0 =	vsel vm7, v53, v1;
	v2 =	vsel vm6, v62, v2;
	v6 =	vsel vm6, v63, v6  }
0x248: {  	v5 =	vld [tilespmem:$0x2010];
	vm9 =	veq.f32 v10, v4;
	vm11 =	veq.f32 v18, v2;
	vm12 =	vlt.f32 v7, v6  }
0x249: {  	v58 =	vld [tilespmem:$0x1CD0];
	vm10 =	vlt.f32 v9, v3;
	vm15 =	vmand vm11, vm12;
	vm12 =	vgt.f32 v18, v2  }
0x24a: {  	v61 =	vld [tilespmem:$0x2090];
	vm8 =	vgt.f32 v10, v4;
	vm9 =	vmand vm9, vm10;
	vm7 =	vmor vm12, vm15  }
0x24b: {  	vm8 =	vmor vm8, vm9;
	v2 =	vsel vm7, v18, v2;
	v6 =	vsel vm7, v7, v6;
	v7 =	vld [tilespmem:$0x19E0]  }
0x24c: {  	v55 =	vld [tilespmem:$0x1B60];
	v4 =	vsel vm8, v10, v4;
	vm13 =	veq.f32 v20, v2;
	vm14 =	vlt.f32 v21, v6  }
0x24d: {  	v57 =	vld [tilespmem:$0x1230];
	v3 =	vsel vm8, v9, v3;
	vm15 =	vgt.f32 v20, v2;
	vm9 =	vmand vm13, vm14  }
0x24e: {  	v24 =	vld [tilespmem:$0x1720];
	v0 =	vsel vm8, v5, v0;
	vm12 =	veq.f32 v25, v4;
	vm8 =	vmor vm15, vm9  }
0x24f: {  	v10 =	vld [tilespmem:$0x1A20];
	vm13 =	vlt.f32 v58, v3;
	v2 =	vsel vm8, v20, v2;
	v6 =	vsel vm8, v21, v6  }
0x250: {  	v19 =	vld [tilespmem:$0x17A0];
	vm9 =	vmand vm12, vm13;
	vm11 =	veq.f32 v49, v2;
	vm12 =	vlt.f32 v7, v6  }
0x251: {  	v52 =	vld [tilespmem:$0x1AA0];
	vm10 =	vgt.f32 v25, v4;
	vm15 =	vgt.f32 v49, v2;
	vm14 =	vmand vm11, vm12  }
0x252: {  	v9 =	vld [tilespmem:$0x1920];
	vm10 =	vmor vm10, vm9;
	v20 =	vimm.f32 $0.0e+00;
	vm9 =	vmor vm15, vm14  }
0x253: {  	v53 =	vsel vm10, v25, v4;
	v4 =	vld [tilespmem:$0x1AE0];
	v1 =	vsel vm9, v49, v2;
	v54 =	vsel vm9, v7, v6  }
0x254: {  	v5 =	vld [tilespmem:$0x1DA0];
	v35 =	vsel vm10, v58, v3;
	vm2 =	veq.f32 v10, v1;
	vm3 =	vlt.f32 v50, v54  }
0x255: {  	v6 =	vld [tilespmem:$0x1EA0];
	v7 =	vsel vm4, v24, v8;
	vm12 =	vgt.f32 v10, v1;
	vm2 =	vmand vm2, vm3  }
0x256: {  	v40 =	vsel vm10, v61, v0;
	v8 =	vld [tilespmem:$0x1B20];
	v56 =	vsel vm5, v19, v7;
	vm3 =	vmor vm12, vm2  }
0x257: {  	v24 =	vld [tilespmem:$0x1270];
	v0 =	vsel vm6, v23, v56;
	v1 =	vsel vm3, v10, v1;
	v2 =	vsel vm3, v50, v54  }
0x258: {  	v7 =	vld [tilespmem:$0x11B0];
	vm6 =	vlt.f32 v28, v30;
	vm13 =	veq.f32 v52, v1;
	vm14 =	vlt.f32 v4, v2  }
0x259: {  	v0 =	vsel vm7, v48, v0;
	v10 =	vld [tilespmem:$0x11F0];
	vm15 =	vgt.f32 v52, v1;
	vm4 =	vmand vm13, vm14  }
0x25a: {  	vm2 =	veq.f32 v31, v36;
	v0 =	vsel vm8, v9, v0;
	v9 =	vld [tilespmem:$0x1BA0];
	vm4 =	vmor vm15, vm4  }
0x25b: {  	v0 =	vsel vm9, v5, v0;
	v5 =	vld [tilespmem:$0x12B0];
	v1 =	vsel vm4, v52, v1;
	v2 =	vsel vm4, v4, v2  }
0x25c: {  	v0 =	vsel vm3, v51, v0;
	v4 =	vld [tilespmem:$0x1BE0];
	vm3 =	veq.f32 v8, v1;
	vm8 =	vlt.f32 v55, v2  }
0x25d: {  	v0 =	vsel vm4, v6, v0;
	v6 =	vld [tilespmem:$0x12F0];
	vm9 =	vgt.f32 v8, v1;
	vm3 =	vmand vm3, vm8  }
0x25e: {  	v59 =	vld [tilespmem:$0x1370];
	vm10 =	vlt.f32 v24, v10;
	vm4 =	vmor vm9, vm3;
	vm3 =	veq.f32 v57, v7  }
0x25f: {  	v25 =	vld [tilespmem:$0x1F20];
	vm11 =	vgt.f32 v57, v7;
	v1 =	vsel vm4, v8, v1;
	vm3 =	vmand vm3, vm10  }
0x260: {  	v60 =	vld [tilespmem:$0x1C60];
	v2 =	vsel vm4, v55, v2;
	vm5 =	vgt.f32 v9, v1;
	vm3 =	vmor vm11, vm3  }
0x261: {  	v58 =	vld [tilespmem:$0x1330];
	vm12 =	veq.f32 v9, v1;
	v7 =	vsel vm3, v57, v7;
	v10 =	vsel vm3, v24, v10  }
0x262: {  	v8 =	vld [tilespmem:$0x1FA0];
	vm13 =	vlt.f32 v4, v2;
	vm14 =	veq.f32 v5, v7;
	vm15 =	vlt.f32 v6, v10  }
0x263: {  	v24 =	vld [tilespmem:$0x1C20];
	vm7 =	vmand vm12, vm13;
	vm12 =	vgt.f32 v5, v7;
	vm9 =	vmand vm14, vm15  }
0x264: {  	v0 =	vsel vm4, v25, v0;
	v25 =	vld [tilespmem:$0x13B0];
	vm5 =	vmor vm5, vm7;
	vm4 =	vmor vm12, vm9  }
0x265: {  	v1 =	vsel vm5, v9, v1;
	v5 =	vsel vm4, v5, v7;
	v6 =	vsel vm4, v6, v10;
	v7 =	vld [tilespmem:$0x13F0]  }
0x266: {  	v33 =	vld [tilespmem:$0x1D50];
	v2 =	vsel vm5, v4, v2;
	vm13 =	veq.f32 v58, v5;
	vm14 =	vlt.f32 v59, v6  }
0x267: {  	v4 =	vld [tilespmem:$0x2020];
	v0 =	vsel vm5, v8, v0;
	vm15 =	vgt.f32 v58, v5;
	vm7 =	vmand vm13, vm14  }
0x268: {  	v8 =	vld [tilespmem:$0x1430];
	vm8 =	vgt.f32 v24, v1;
	vm12 =	veq.f32 v24, v1;
	vm5 =	vmor vm15, vm7  }
0x269: {  	vm13 =	vlt.f32 v60, v2;
	v3 =	vsel vm5, v58, v5;
	v5 =	vsel vm5, v59, v6;
	v6 =	vld [tilespmem:$0x1470]  }
0x26a: {  	v9 =	vld [tilespmem:$0x1CA0];
	vm7 =	vmand vm12, vm13;
	vm14 =	veq.f32 v25, v3;
	vm15 =	vlt.f32 v7, v5  }
0x26b: {  	v10 =	vld [tilespmem:$0x1CE0];
	vm7 =	vmor vm8, vm7;
	vm12 =	vgt.f32 v25, v3;
	vm9 =	vmand vm14, vm15  }
0x26c: {  	v62 =	vld [tilespmem:$0x14B0];
	vm2 =	vmand vm2, vm6;
	v1 =	vsel vm7, v24, v1;
	vm6 =	vmor vm12, vm9  }
0x26d: {  	v2 =	vsel vm7, v60, v2;
	v3 =	vsel vm6, v25, v3;
	v5 =	vsel vm6, v7, v5;
	v7 =	vld [tilespmem:$0x14F0]  }
0x26e: {  	v17 =	vld [tilespmem:$0x16B0];
	v0 =	vsel vm7, v4, v0;
	vm13 =	veq.f32 v8, v3;
	vm14 =	vlt.f32 v6, v5  }
0x26f: {  	v63 =	vld [tilespmem:$0x1530];
	vm15 =	vgt.f32 v9, v1;
	vm12 =	vgt.f32 v8, v3;
	vm7 =	vmand vm13, vm14  }
0x270: {  	v4 =	vld [tilespmem:$0x20A0];
	vm13 =	veq.f32 v9, v1;
	vm14 =	vlt.f32 v10, v2;
	vm7 =	vmor vm12, vm7  }
0x271: {  	vm8 =	vmand vm13, vm14;
	v3 =	vsel vm7, v8, v3;
	v5 =	vsel vm7, v6, v5;
	v6 =	vld [tilespmem:$0x1570]  }
0x272: {  	v24 =	vld [tilespmem:$0x15B0];
	vm8 =	vmor vm15, vm8;
	vm15 =	veq.f32 v62, v3;
	vm12 =	vlt.f32 v7, v5  }
0x273: {  	vm14 =	vgt.f32 v31, v36;
	v8 =	vld [tilespmem:$0x1630];
	vm13 =	vgt.f32 v62, v3;
	vm9 =	vmand vm15, vm12  }
0x274: {  	v18 =	vld [tilespmem:$0x19B0];
	vm2 =	vmor vm14, vm2;
	v16 =	vsel vm8, v9, v1;
	vm9 =	vmor vm13, vm9  }
0x275: {  	v39 =	vsel vm8, v10, v2;
	v3 =	vsel vm9, v62, v3;
	v5 =	vsel vm9, v7, v5;
	v7 =	vld [tilespmem:$0x19F0]  }
0x276: {  	v19 =	vld [tilespmem:$0x1730];
	v25 =	vsel vm8, v4, v0;
	vm15 =	veq.f32 v63, v3;
	vm12 =	vlt.f32 v6, v5  }
0x277: {  	v4 =	vsel vm2, v31, v36;
	v9 =	vld [tilespmem:$0x17B0];
	vm13 =	vgt.f32 v63, v3;
	vm8 =	vmand vm15, vm12  }
0x278: {  	vm14 =	vle.f32 v4, $5.000000000e-01;
	v4 =	vld [tilespmem:$0x1A30];
	v8 =	vsel vm3, v8, v24;
	vm8 =	vmor vm13, vm8  }
0x279: {  	vm15 =	vgt.f32 v32, $5.000000000e-01;
	v3 =	vsel vm8, v63, v3;
	v5 =	vsel vm8, v6, v5;
	v6 =	vld [tilespmem:$0x1A70]  }
0x27a: {  	v10 =	vld [tilespmem:$0x1830];
	v1 =	vsel vm4, v17, v8;
	vm3 =	veq.f32 v18, v3;
	vm12 =	vlt.f32 v7, v5  }
0x27b: {  	v8 =	vld [tilespmem:$0x18B0];
	vm10 =	vmand vm15, vm14;
	vm13 =	vgt.f32 v18, v3;
	vm3 =	vmand vm3, vm12  }
0x27c: {  	v44 =	vld [tilespmem:$0x1AB0];
	vm14 =	veq.f32 v37, v53;
	v0 =	vsel vm5, v19, v1;
	vm4 =	vmor vm13, vm3  }
0x27d: {  	v0 =	vsel vm6, v9, v0;
	v2 =	vsel vm4, v18, v3;
	v45 =	vsel vm4, v7, v5;
	v5 =	vld [tilespmem:$0x1AF0]  }
0x27e: {  	v61 =	vld [tilespmem:$0x2110];
	v47 =	vsel vm10, $0x3F800000, v20;
	vm15 =	veq.f32 v4, v2;
	vm12 =	vlt.f32 v6, v45  }
0x27f: {  	v0 =	vsel vm7, v10, v0;
	v7 =	vld [tilespmem:$0x1930];
	vm13 =	vgt.f32 v4, v2;
	vm5 =	vmand vm15, vm12  }
0x280: {  	v9 =	vld [tilespmem:$0x1B30];
	vm3 =	vlt.f32 v33, v35;
	v0 =	vsel vm9, v8, v0;
	vm5 =	vmor vm13, vm5  }
0x281: {  	v8 =	vsel vm2, v29, v34;
	v2 =	vsel vm5, v4, v2;
	v3 =	vsel vm5, v6, v45;
	v4 =	vld [tilespmem:$0x1B70]  }
0x282: {  	v10 =	vld [tilespmem:$0x1DB0];
	vm3 =	vmand vm14, vm3;
	vm15 =	veq.f32 v44, v2;
	vm9 =	vlt.f32 v5, v3  }
0x283: {  	v29 =	vld [tilespmem:$0x1BB0];
	vm14 =	vgt.f32 v37, v53;
	vm11 =	vgt.f32 v44, v2;
	vm6 =	vmand vm15, vm9  }
0x284: {  	v8 =	vnsel vm10, $0x0, v8;
	v0 =	vsel vm8, v7, v0;
	v7 =	vld [tilespmem:$0x1E30];
	vm6 =	vmor vm11, vm6  }
0x285: {  	vm3 =	vmor vm14, vm3;
	v2 =	vsel vm6, v44, v2;
	v3 =	vsel vm6, v5, v3;
	v5 =	vld [tilespmem:$0x1BF0]  }
0x286: {  	v49 =	vld [tilespmem:$0x1EB0];
	v24 =	vsel vm3, v37, v53;
	vm12 =	veq.f32 v9, v2;
	vm13 =	vlt.f32 v4, v3  }
0x287: {  	v50 =	vld [tilespmem:$0x1C30];
	v48 =	vsel vm3, v61, v40;
	vm14 =	vgt.f32 v9, v2;
	vm7 =	vmand vm12, vm13  }
0x288: {  	v6 =	vld [tilespmem:$0x1D20];
	vm15 =	vle.f32 v24, $5.000000000e-01;
	v0 =	vsel vm4, v10, v0;
	vm7 =	vmor vm14, vm7  }
0x289: {  	vm12 =	vgt.f32 v46, $5.000000000e-01;
	v2 =	vsel vm7, v9, v2;
	v3 =	vsel vm7, v4, v3;
	v4 =	vld [tilespmem:$0x1C70]  }
0x28a: {  	v24 =	vld [tilespmem:$0x1D60];
	v0 =	vsel vm5, v7, v0;
	vm13 =	veq.f32 v29, v2;
	vm14 =	vlt.f32 v5, v3  }
0x28b: {  	vm8 =	vmand vm12, vm15;
	v9 =	vld [tilespmem:$0x1F30];
	vm15 =	vgt.f32 v29, v2;
	vm4 =	vmand vm13, vm14  }
0x28c: {  	v7 =	vld [tilespmem:$0x1CB0];
	v0 =	vsel vm6, v49, v0;
	v10 =	vnsel vm8, $0x0, v48;
	vm5 =	vmor vm15, vm4  }
0x28d: {  	v51 =	vsel vm8, $0x3F800000, v20;
	v2 =	vsel vm5, v29, v2;
	v3 =	vsel vm5, v5, v3;
	v5 =	vld [tilespmem:$0x1CF0]  }
0x28e: {  	v54 =	vld [tilespmem:$0x1D70];
	vm4 =	vgt.f32 v6, v16;
	vm12 =	veq.f32 v50, v2;
	vm13 =	vlt.f32 v4, v3  }
0x28f: {  	vm15 =	veq.f32 v6, v16;
	v29 =	vld [tilespmem:$0xEA0];
	vm14 =	vgt.f32 v50, v2;
	vm6 =	vmand vm12, vm13  }
0x290: {  	v0 =	vsel vm7, v9, v0;
	v9 =	vld [tilespmem:$0x1FB0];
	vm12 =	vlt.f32 v24, v39;
	vm6 =	vmor vm14, vm6  }
0x291: {  	v52 =	vld [tilespmem:$0x1D30];
	(xrf2) =	vadd.scan.msk.f32 $0xffff, v8;
	vm13 =	vmand vm15, vm12;
	v1 =	vsel vm6, v50, v2;
	v53 =	vsel vm6, v4, v3  }
0x292: {  	v4 =	vld [tilespmem:$0x2120];
	vm4 =	vmor vm4, vm13;
	vm14 =	veq.f32 v7, v1;
	vm15 =	vlt.f32 v5, v53  }
0x293: {  	v8 =	vld [tilespmem:$0x2030];
	(xrf2) =	vadd.scan.msk.f32 $0xffff, v47;
	v6 =	vsel vm4, v6, v16;
	vm12 =	vgt.f32 v7, v1;
	vm7 =	vmand vm14, vm15  }
0x294: {  	vm13 =	vle.f32 v6, $5.000000000e-01;
	vm14 =	vgt.f32 v29, $5.000000000e-01;
	v6 =	vld [tilespmem:$0x20B0];
	vm7 =	vmor vm12, vm7  }
0x295: {  	(xrf2) =	vadd.scan.msk.f32 $0xffff, v10;
	v0 =	vsel vm5, v9, v0;
	v1 =	vsel vm7, v7, v1;
	v2 =	vsel vm7, v5, v53;
	v5 =	vld [tilespmem:$0xEB0]  }
0x296: {  	vm8 =	vmand vm14, vm13;
	v7 =	vld [tilespmem:$0x2130];
	vm15 =	veq.f32 v52, v1;
	vm12 =	vlt.f32 v54, v2  }
0x297: {  	(xrf2) =	vadd.scan.msk.f32 $0xffff, v51;
	v4 =	vsel vm4, v4, v25;
	vm13 =	vgt.f32 v52, v1;
	vm5 =	vmand vm15, vm12  }
0x298: {  	v4 =	vnsel vm8, $0x0, v4;
	vm5 =	vmor vm13, vm5  }
0x299: {  	v0 =	vsel vm6, v8, v0;
	v55 =	vsel vm8, $0x3F800000, v20;
	(xrf2) =	vadd.scan.msk.f32 $0xffff, v4;
	v1 =	vsel vm5, v52, v1  }
0x29a: {  	v0 =	vsel vm7, v6, v0;
	vm14 =	vle.f32 v1, $5.000000000e-01;
	vm15 =	vgt.f32 v5, $5.000000000e-01  }
0x29b: {  	v4, _, _ =	vpop (xrf2);
	(xrf2) =	vadd.scan.msk.f32 $0xffff, v55;
	v0 =	vsel vm5, v7, v0;
	vm6 =	vmand vm15, vm14  }
0x29c: {  	v56 =	vbroadcast v4, $0xF;
	v0 =	vnsel vm6, $0x0, v0  }
0x29d: {  	v4, _, _ =	vpop (xrf2);
	(xrf2) =	vadd.scan.msk.f32 $0xffff, v0  }
0x29e: {  	v57 =	vsel vm6, $0x3F800000, v20;
	v4 =	vbroadcast v4, $0xF;
	v1 =	vnsel vm0, $0x0, v56  }
0x29f: {  	v5, _, _ =	vpop (xrf2);
	v1 =	vadd.f32 $0.0e+00, v1;
	(xrf2) =	vadd.scan.msk.f32 $0xffff, v57  }
0x2a0: {  	v58 =	vnsel vm1, $0x0, v4;
	v4 =	vbroadcast v5, $0xF  }
0x2a1: {  	v5, _, _ =	vpop (xrf2);
	v0 =	vadd.f32 v1, v58  }
0x2a2: {  	v59 =	vnsel vm0, $0x0, v4;
	v4 =	vbroadcast v5, $0xF  }
0x2a3: {  	v5, _, _ =	vpop (xrf2);
	v0 =	vadd.f32 v59, v0  }
0x2a4: {  	v60 =	vnsel vm1, $0x0, v4;
	v4 =	vbroadcast v5, $0xF  }
0x2a5: {  	v5, _, _ =	vpop (xrf2);
	v0 =	vadd.f32 v0, v60  }
0x2a6: {  	v61 =	vnsel vm0, $0x0, v4;
	v4 =	vbroadcast v5, $0xF  }
0x2a7: {  	v0 =	vadd.f32 v61, v0;
	v5, _, _ =	vpop (xrf2)  }
0x2a8: {  	v62 =	vnsel vm1, $0x0, v4;
	v4 =	vbroadcast v5, $0xF  }
0x2a9: {  	v0 =	vadd.f32 v0, v62;
	v63, _, _ =	vpop (xrf2)  }
0x2aa: {  	v2 =	vsel vm5, v54, v2;
	v1 =	vbroadcast v63, $0xF;
	v4 =	vnsel vm0, $0x0, v4  }
0x2ab: {  	[tilespmem:$0x21B0] =	vst v2;
	v5 =	vsel vm2, v28, v30;
	v0 =	vadd.f32 v4, v0  }
0x2ac: {  	[tilespmem:$0x2180] =	vst v5;
	v5 =	vsel vm3, v33, v35;
	v1 =	vnsel vm1, $0x0, v1  }
0x2ad: {  	[tilespmem:$0x2190] =	vst v5;
	v4 =	vsel vm4, v24, v39;
	v0 =	vadd.f32 v0, v1  }
0x2ae: {  	[tilespmem:$0x21A0] =	vst v4  }
.Ltmp4:
0x2af: {  	[tilespmem:$0x2280] =	vst v0;
	(pc) =	sbr.rel .LBB2_5-.Ltmp4, $4  }
0x2b0: {  	[spmem:s2] =	stream.linear.scatter [tilespmem:s21], [sflag:$0x1], $0x80, $0x38;
	[tilespmem:$0x23C8] =	vst v63  }
0x2b1: {  	_ =	swait.ge [sflag:s12], $0x80  }
0x2b2: {  	[sflag:s12] =	ssyncset.done $0x0  }
0x2b3: {  	v10 =	vmovc v15;
	v9 =	vmovc v14;
	v8 =	vmov v13;
	v6 =	vmov v11;
	v7 =	vmov v12;
	[sflag:s12] =	ssyncadd.s32 $0xFFFFFF80  }
.LBB2_6:
0x2b4: {  	_ =	sfence.sel $0x180000  }
0x2b5: {  	[bflag:$0x0] =	sbarrier.arrive $0xFFFF  }
0x2b6: {  	_ =	strace $0x90000047  }
0x2b7: {  	s0 =	sadd.s32 @!p0 $0x100000, s0;
	[bflag:$0x2] =	sbarrier.arrive $0xFFFF  }
0x2b8: {  	[sflag:s0] =	ssyncadd.tile.s32 @!p0 $0x1;
	_ =	shalt  }
.Lfunc_end2:
_tile_overlayer_lowered:
.L_overlay_start_2:
0x2b9: {  	(tag) =	ssettag $0x2  }
0x2ba: {  	s0 =	rddreg [dreg:$0x0];
	s2 =	stileid.u32  }
0x2bb: {  	s1 =	rddreg [dreg:$0x1];
	p0 =	sne.s32 s2, $0x0  }
0x2bc: {  	s3 =	rddreg [dreg:$0x2];
	[bflag:$0x3] =	sbarrier.arrive $0xFFFF;
	s2 =	simm.s32 @!p0 $0x1C01  }
0x2bd: {  	[timem:s3], [sflag:s2] =	dma.local @!p0 [hbm:s0], s1  }
0x2be: {  	s0 =	simm.s32 @!p0 $0x1  }
0x2bf: {  	_ =	swait.ge @!p0 [sflag:s0], s1  }
0x2c0: {  	s1 =	ssub.s32 @!p0 $0x0, s1;
	[sflag:s0] =	ssyncset.done @!p0 $0x0  }
0x2c1: {  	[sflag:s0] =	ssyncadd.s32 @!p0 s1  }
0x2c2: {  	[bflag:$0x3] =	sbarrier.arrive $0xFFFF  }
0x2c3: {  	_ =	shalt  }

</sc_bundles>
